<compile_context>
chip_gen: v7x
topology: tpu7x:2x2x1
jax: 0.10.2.dev20260603
libtpu: 0.0.44.dev20260713+nightly
codegen_flags: <defaults>
</compile_context>

<pallas_src>
import functools

import jax
import jax.numpy as jnp
from jax import lax
from jax.experimental import pallas as pl
from jax.experimental.pallas import tpu as pltpu
from jax.experimental.pallas import tpu_sc as plsc

_N = 10000
_NPAD = 10240
_E = 320000
_D = 128
_DOUT = 16

_NC = 2
_NS = 16
_NTILES = _NC * _NS
_EPT = 10240
_EPAD = _NTILES * _EPT
_CHUNK = 128
_NCH = _EPT // _CHUNK
_ROWS_PS = _NPAD // _NS

_BR = 1000
_NB = _N // _BR


def _sc_mesh():
    return plsc.VectorSubcoreMesh(core_axis_name="c", subcore_axis_name="s")




def _zero_init(buf, accum, s):

    @pl.loop(0, _CHUNK)
    def _(r):
        @pl.loop(0, _D // 16)
        def _(q):
            buf[r, pl.ds(q * 16, 16)] = jnp.zeros((16,), jnp.float32)

    @pl.loop(0, _ROWS_PS // _CHUNK)
    def _(i):
        pltpu.sync_copy(buf, accum.at[pl.ds(s * _ROWS_PS + i * _CHUNK, _CHUNK)])


def _drain(accum, out0, out1, c, s):

    @pl.when(c == 0)
    def _():
        pltpu.sync_copy(accum.at[pl.ds(s * _ROWS_PS, _ROWS_PS)],
                        out0.at[pl.ds(s * _ROWS_PS, _ROWS_PS)])

    @pl.when(c == 1)
    def _():
        pltpu.sync_copy(accum.at[pl.ds(s * _ROWS_PS, _ROWS_PS)],
                        out1.at[pl.ds(s * _ROWS_PS, _ROWS_PS)])


_PART = (jax.ShapeDtypeStruct((_NPAD, _D), jnp.float32),) * _NC


def _sc_degree(dst2d):

    @functools.partial(
        pl.kernel,
        mesh=_sc_mesh(),
        out_type=_PART,
        scratch_types=[
            pltpu.VMEM((_NCH, _CHUNK), jnp.int32),
            pltpu.VMEM((_CHUNK, _D), jnp.float32),
            pltpu.VMEM_SHARED((_NPAD, _D), jnp.float32),
            pltpu.SemaphoreType.DMA,
        ],
    )
    def k(dst_hbm, out0, out1, didx, ones_v, accum, sem):
        c = lax.axis_index("c")
        s = lax.axis_index("s")
        t = c * _NS + s
        _zero_init(ones_v, accum, s)

        @pl.loop(0, _CHUNK)
        def _(r):
            @pl.loop(0, _D // 16)
            def _(q):
                ones_v[r, pl.ds(q * 16, 16)] = jnp.ones((16,), jnp.float32)

        pltpu.sync_copy(dst_hbm.at[pl.ds(t * _NCH, _NCH)], didx)
        plsc.subcore_barrier()

        depth = 8

        @pl.loop(0, depth)
        def _(j):
            pltpu.async_copy(ones_v, accum.at[didx.at[j]], sem, add=True)

        @pl.loop(depth, _NCH)
        def _(j):
            pltpu.make_async_copy(ones_v, accum.at[didx.at[j]], sem).wait()
            pltpu.async_copy(ones_v, accum.at[didx.at[j]], sem, add=True)

        @pl.loop(0, depth)
        def _(j):
            pltpu.make_async_copy(ones_v, accum.at[didx.at[j]], sem).wait()

        plsc.subcore_barrier()
        _drain(accum, out0, out1, c, s)

    return k(dst2d)


_NBUF = 2
_NHALF = 2
_HCH = _NCH // _NHALF
_NGRP = _HCH // _NBUF


def _sc_aggregate(y, src2d, dst2d):

    @functools.partial(
        pl.kernel,
        mesh=_sc_mesh(),
        out_type=_PART,
        scratch_types=[
            pltpu.VMEM((_HCH, _CHUNK), jnp.int32),
            pltpu.VMEM((_HCH, _CHUNK), jnp.int32),
            pltpu.VMEM((_NBUF, _CHUNK, _D), jnp.float32),
            pltpu.VMEM_SHARED((_NPAD, _D), jnp.float32),
            pltpu.SemaphoreType.DMA((_NBUF,)),
            pltpu.SemaphoreType.DMA((_NBUF,)),
        ],
    )
    def k(y_hbm, src_hbm, dst_hbm, out0, out1, sidx, didx, rows, accum,
          gsem, ssem):
        c = lax.axis_index("c")
        s = lax.axis_index("s")
        t = c * _NS + s
        _zero_init(rows.at[0], accum, s)
        plsc.subcore_barrier()

        for h in range(_NHALF):
            pltpu.sync_copy(src_hbm.at[pl.ds(t * _NCH + h * _HCH, _HCH)], sidx)
            pltpu.sync_copy(dst_hbm.at[pl.ds(t * _NCH + h * _HCH, _HCH)], didx)

            @pl.loop(0, _NGRP)
            def _(g):
                base = g * _NBUF
                for b in range(_NBUF):
                    @pl.when(g > 0)
                    def _():
                        pltpu.make_async_copy(
                            rows.at[b], accum.at[didx.at[base + b]],
                            ssem.at[b]).wait()

                    pltpu.async_copy(y_hbm.at[sidx.at[base + b]], rows.at[b],
                                     gsem.at[b])
                for b in range(_NBUF):
                    pltpu.make_async_copy(y_hbm.at[sidx.at[base + b]],
                                          rows.at[b], gsem.at[b]).wait()
                    pltpu.async_copy(rows.at[b], accum.at[didx.at[base + b]],
                                     ssem.at[b], add=True)

            for b in range(_NBUF):
                pltpu.make_async_copy(rows.at[b], accum.at[didx.at[b]],
                                      ssem.at[b]).wait()

        plsc.subcore_barrier()
        _drain(accum, out0, out1, c, s)

    return k(y, src2d, dst2d)


def _dinv_block(p0, p1):
    return lax.rsqrt(p0[:, 0:1] + p1[:, 0:1] + 1.0)


def _row_spec(width=_D):
    return pl.BlockSpec((_BR, width), lambda i: (i, 0))


def _full(shape):
    return pl.BlockSpec(shape, lambda i: (0,) * len(shape))


def _tc_first(x, W1, degp):

    def body(x_ref, w_ref, p0_ref, p1_ref, y_ref, d_ref):
        dinv = _dinv_block(p0_ref, p1_ref)
        d_ref[...] = jnp.broadcast_to(dinv, (_BR, 16))
        y_ref[...] = dinv * jnp.dot(x_ref[...], w_ref[...],
                                    preferred_element_type=jnp.float32)

    return pl.pallas_call(
        body,
        grid=(_NB,),
        in_specs=[_row_spec(), _full((_D, _D)), _row_spec(), _row_spec()],
        out_specs=(_row_spec(), pl.BlockSpec((_BR, 16), lambda i: (i, 0))),
        out_shape=(jax.ShapeDtypeStruct((_N, _D), jnp.float32),
                   jax.ShapeDtypeStruct((_N, 16), jnp.float32)),
    )(x, W1, degp[0], degp[1])


def _tc_mid(aggp, y, dinv16, b, W, mask=None):

    def body(*refs):
        if mask is None:
            a0, a1, y_ref, d_ref, b_ref, w_ref, o_ref = refs
        else:
            a0, a1, y_ref, d_ref, b_ref, w_ref, m_ref, o_ref = refs
        dinv = d_ref[:, 0:1]
        h = jnp.tanh(dinv * (a0[...] + a1[...] + y_ref[...]) + b_ref[...])
        if mask is not None:
            h = h * m_ref[...]
        o_ref[...] = dinv * jnp.dot(h, w_ref[...],
                                    preferred_element_type=jnp.float32)

    dspec = pl.BlockSpec((_BR, 16), lambda i: (i, 0))
    in_specs = [_row_spec(), _row_spec(), _row_spec(), dspec, _full((1, _D)),
                _full((_D, _D))]
    args = [aggp[0], aggp[1], y, dinv16, b.reshape(1, _D), W]
    if mask is not None:
        in_specs.append(_row_spec())
        args.append(mask)
    return pl.pallas_call(
        body,
        grid=(_NB,),
        in_specs=in_specs,
        out_specs=_row_spec(),
        out_shape=jax.ShapeDtypeStruct((_N, _D), jnp.float32),
    )(*args)


def _tc_last(aggp, y, dinv16, b3, Wc, bc):

    def body(a0, a1, y_ref, d_ref, b_ref, wc_ref, bc_ref, h_ref, o_ref):
        dinv = d_ref[:, 0:1]
        h = jnp.tanh(dinv * (a0[...] + a1[...] + y_ref[...]) + b_ref[...])
        h_ref[...] = h
        o_ref[...] = jnp.dot(h, wc_ref[...],
                             preferred_element_type=jnp.float32) + bc_ref[...]

    dspec = pl.BlockSpec((_BR, 16), lambda i: (i, 0))
    return pl.pallas_call(
        body,
        grid=(_NB,),
        in_specs=[_row_spec(), _row_spec(), _row_spec(), dspec, _full((1, _D)),
                  _full((_D, _DOUT)), _full((1, _DOUT))],
        out_specs=(pl.BlockSpec((_BR, _D), lambda i: (i, 0)),
                   pl.BlockSpec((_BR, _DOUT), lambda i: (i, 0))),
        out_shape=(jax.ShapeDtypeStruct((_N, _D), jnp.float32),
                   jax.ShapeDtypeStruct((_N, _DOUT), jnp.float32)),
    )(aggp[0], aggp[1], y, dinv16, b3.reshape(1, _D), Wc, bc.reshape(1, _DOUT))


def kernel(x, edge_index, W1, b1, W2, b2, W3, b3, Wc, bc):
    f32 = jnp.float32
    npads = _EPAD - _E
    padidx = _N + (jnp.arange(npads, dtype=jnp.int32) % (_NPAD - _N))
    padsrc = jnp.arange(npads, dtype=jnp.int32) % _N
    src2d = jnp.concatenate([edge_index[0], padsrc]).reshape(-1, _CHUNK)
    dst2d = jnp.concatenate([edge_index[1], padidx]).reshape(-1, _CHUNK)
    keep = jax.random.bernoulli(jax.random.key(42), 0.8, (_N, _D))
    mask = keep.astype(f32) / 0.8

    degp = _sc_degree(dst2d)

    y1, dinv16 = _tc_first(x, W1, degp)
    agg1 = _sc_aggregate(y1, src2d, dst2d)
    y2 = _tc_mid(agg1, y1, dinv16, b1, W2, mask=mask)

    agg2 = _sc_aggregate(y2, src2d, dst2d)
    y3 = _tc_mid(agg2, y2, dinv16, b2, W3)

    agg3 = _sc_aggregate(y3, src2d, dst2d)
    h3, out = _tc_last(agg3, y3, dinv16, b3, Wc, bc)

    return out, h3

# --- scband reference (transcript-rebuilt; emitter-appended) ---
"""Pipeline reference for scband-gcn-72962904424611 (READ-ONLY COPY).

The authoritative reference and input builder live on the scoring server;
editing this copy changes nothing except your own understanding.
"""

import jax, jax.numpy as jnp
import numpy as np

N = 10000
E = 320000
D_IN = 128
D_HID = 128
D_EMB = 128
D_OUT = 16


def gcn_conv(x, src, dst, W, b, n):
    # PyG GCNConv: add self-loops, symmetric normalization, linear transform, scatter-add aggregation
    x = x @ W
    loop = jnp.arange(n, dtype=src.dtype)
    src2 = jnp.concatenate([src, loop])
    dst2 = jnp.concatenate([dst, loop])
    deg = jnp.zeros((n,), dtype=x.dtype).at[dst2].add(1.0)
    dinv = jnp.where(deg > 0, jax.lax.rsqrt(deg), 0.0)
    norm = dinv[src2] * dinv[dst2]
    msg = x[src2] * norm[:, None]
    out = jnp.zeros((n, x.shape[1]), dtype=x.dtype).at[dst2].add(msg)
    return out + b


def setup_inputs(seed: int = 0):
    key = jax.random.key(seed)
    ks = jax.random.split(key, 12)
    x = jax.random.normal(ks[0], (N, D_IN), dtype=jnp.float32)
    edge_index = jax.random.randint(ks[1], (2, E), 0, N, dtype=jnp.int32)
    def glorot(k, fan_in, fan_out):
        s = np.sqrt(6.0 / (fan_in + fan_out)).astype(np.float32)
        return jax.random.uniform(k, (fan_in, fan_out), dtype=jnp.float32, minval=-s, maxval=s)
    W1 = glorot(ks[2], D_IN, D_HID)
    b1 = jnp.zeros((D_HID,), dtype=jnp.float32)
    W2 = glorot(ks[3], D_HID, D_HID)
    b2 = jnp.zeros((D_HID,), dtype=jnp.float32)
    W3 = glorot(ks[4], D_HID, D_EMB)
    b3 = jnp.zeros((D_EMB,), dtype=jnp.float32)
    Wc = glorot(ks[5], D_EMB, D_OUT)
    bc = jnp.zeros((D_OUT,), dtype=jnp.float32)
    return {"x": x, "edge_index": edge_index, "W1": W1, "b1": b1, "W2": W2, "b2": b2, "W3": W3, "b3": b3, "Wc": Wc, "bc": bc}


def reference(x, edge_index, W1, b1, W2, b2, W3, b3, Wc, bc):
    src = edge_index[0]
    dst = edge_index[1]
    h = jnp.tanh(gcn_conv(x, src, dst, W1, b1, N))
    # dropout p=0.2, training=True, deterministic mask
    keep = jax.random.bernoulli(jax.random.key(42), 0.8, h.shape)
    h = jnp.where(keep, h / 0.8, 0.0)
    h = jnp.tanh(gcn_conv(h, src, dst, W2, b2, N))
    h = jnp.tanh(gcn_conv(h, src, dst, W3, b3, N))
    output = h @ Wc + bc
    return (output, h)

if __name__ == "__main__":
    import jax
    _d = setup_inputs()
    print(jax.jit(kernel)(*tuple(_d.values())))

</pallas_src>

<mosaic_0001>
#map = affine_map<(d0, d1) -> (0, 0)>
module attributes {stable_mosaic.version = 14 : i64} {
  func.func @k(%arg0: i32, %arg1: i32, %arg2: memref<10000x128xf32, #tpu.memory_space<hbm>>, %arg3: memref<2560x128xi32, #tpu.memory_space<hbm>>, %arg4: memref<2560x128xi32, #tpu.memory_space<hbm>>, %arg5: memref<10240x128xf32, #tpu.memory_space<hbm>>, %arg6: memref<10240x128xf32, #tpu.memory_space<hbm>>, %arg7: memref<40x128xi32, #tpu.memory_space<vmem>>, %arg8: memref<40x128xi32, #tpu.memory_space<vmem>>, %arg9: memref<2x128x128xf32, #tpu.memory_space<vmem>>, %arg10: memref<10240x128xf32, #tpu.memory_space<vmem_shared>>, %arg11: memref<2x!tpu.dma_semaphore, #tpu.memory_space<semaphore_mem>>, %arg12: memref<2x!tpu.dma_semaphore, #tpu.memory_space<semaphore_mem>>) attributes {dimension_semantics = [#tpu.dimension_semantics<core_parallel>, #tpu.dimension_semantics<subcore_parallel>], iteration_bounds = array<i64: 2, 16>, scalar_prefetch = 0 : i64, scratch_operands = 6 : i64, tpu.core_type = #tpu.core_type<sc_vector_subcore>, window_params = [{transform_indices = #map}, {transform_indices = #map}, {transform_indices = #map}, {transform_indices = #map}, {transform_indices = #map}]} {
    %mul3A = arith.constant 16 : i32
    %mul3A_0 = arith.muli %arg0, %mul3A : i32
    %add3A = arith.addi %mul3A_0, %arg1 : i32
    %scan3A = arith.constant 0 : i32
    %scan3A_1 = arith.constant 0 : i32
    %scan3A_2 = arith.constant 128 : i32
    %scan3A_3 = arith.addi %scan3A_1, %scan3A_2 : i32
    %scan3A_4 = arith.constant 1 : i32
    scf.for %scan3A_105 = %scan3A_1 to %scan3A_3 step %scan3A_4  : i32 {
      %mul3A_106 = arith.constant 1 : i32
      %mul3A_107 = arith.muli %scan3A_105, %mul3A_106 : i32
      %add3A_108 = arith.constant 0 : i32
      %add3A_109 = arith.addi %add3A_108, %mul3A_107 : i32
      %scan3A_110 = arith.constant 0 : i32
      %scan3A_111 = arith.constant 8 : i32
      %scan3A_112 = arith.addi %scan3A_110, %scan3A_111 : i32
      %scan3A_113 = arith.constant 1 : i32
      scf.for %scan3A_115 = %scan3A_110 to %scan3A_112 step %scan3A_113  : i32 {
        %mul3A_116 = arith.constant 1 : i32
        %mul3A_117 = arith.muli %scan3A_115, %mul3A_116 : i32
        %add3A_118 = arith.constant 0 : i32
        %add3A_119 = arith.addi %add3A_118, %mul3A_117 : i32
        %broadcast_in_dim3A = arith.constant 0.000000e+00 : f32
        %broadcast_in_dim3A_120 = vector.broadcast %broadcast_in_dim3A : f32 to vector<16xf32>
        %mul3A_121 = arith.constant 16 : i32
        %mul3A_122 = arith.muli %add3A_119, %mul3A_121 : i32
        %swap3A = arith.constant 0 : i32
        %swap3A_123 = arith.constant 0 : i32
        %swap3A_124 = tpu.memref_slice %arg9[%scan3A, %swap3A, %swap3A_123] : memref<2x128x128xf32, #tpu.memory_space<vmem>> -> memref<1x128x128xf32, #tpu.memory_space<vmem>>
        %swap3A_125 = tpu.memref_squeeze %swap3A_124 : memref<1x128x128xf32, #tpu.memory_space<vmem>> -> memref<128x128xf32, #tpu.memory_space<vmem>>
        %swap3A_126 = arith.index_cast %add3A_109 : i32 to index
        %swap3A_127 = arith.index_cast %mul3A_122 : i32 to index
        %swap3A_128 = tpu.vector_load %swap3A_125[%swap3A_126, %swap3A_127] {strides = array<i32>} : memref<128x128xf32, #tpu.memory_space<vmem>>, vector<1x16xf32>,
        %swap3A_129 = vector.shape_cast %swap3A_128 : vector<1x16xf32> to vector<16xf32>
        %swap3A_130 = vector.shape_cast %broadcast_in_dim3A_120 : vector<16xf32> to vector<1x16xf32>
        tpu.vector_store %swap3A_125[%swap3A_126, %swap3A_127], %swap3A_130 {strides = array<i32>} : memref<128x128xf32, #tpu.memory_space<vmem>>, vector<1x16xf32>,
      }
      %scan3A_114 = arith.constant 8 : i32
    }
    %scan3A_5 = arith.constant 128 : i32
    %scan3A_6 = arith.constant 0 : i32
    %scan3A_7 = arith.constant 0 : i32
    %scan3A_8 = arith.constant 5 : i32
    %scan3A_9 = arith.addi %scan3A_7, %scan3A_8 : i32
    %scan3A_10 = arith.constant 1 : i32
    scf.for %scan3A_105 = %scan3A_7 to %scan3A_9 step %scan3A_10  : i32 {
      %mul3A_106 = arith.constant 1 : i32
      %mul3A_107 = arith.muli %scan3A_105, %mul3A_106 : i32
      %add3A_108 = arith.constant 0 : i32
      %add3A_109 = arith.addi %add3A_108, %mul3A_107 : i32
      %mul3A_110 = arith.constant 640 : i32
      %mul3A_111 = arith.muli %arg1, %mul3A_110 : i32
      %mul3A_112 = arith.constant 128 : i32
      %mul3A_113 = arith.muli %add3A_109, %mul3A_112 : i32
      %add3A_114 = arith.addi %mul3A_111, %mul3A_113 : i32
      "tpu.region"() ({
        %run_scoped3A = tpu.sem_alloc : memref<!tpu.dma_semaphore, #tpu.memory_space<semaphore_mem>>
        %dma_start3A = arith.constant 0 : i32
        %dma_start3A_115 = arith.constant 0 : i32
        %dma_start3A_116 = tpu.memref_slice %arg9[%scan3A_6, %dma_start3A, %dma_start3A_115] : memref<2x128x128xf32, #tpu.memory_space<vmem>> -> memref<1x128x128xf32, #tpu.memory_space<vmem>>
        %dma_start3A_117 = tpu.memref_squeeze %dma_start3A_116 : memref<1x128x128xf32, #tpu.memory_space<vmem>> -> memref<128x128xf32, #tpu.memory_space<vmem>>
        %dma_start3A_118 = arith.constant 0 : i32
        %dma_start3A_119 = tpu.memref_slice %arg10[%add3A_114, %dma_start3A_118] : memref<10240x128xf32, #tpu.memory_space<vmem_shared>> -> memref<128x128xf32, #tpu.memory_space<vmem_shared>>
        %dma_start3A_120 = arith.constant 0 : i32
        %dma_start3A_121 = tpu.memref_slice %arg10[%add3A_114, %dma_start3A_120] : memref<10240x128xf32, #tpu.memory_space<vmem_shared>> -> memref<128x128xf32, #tpu.memory_space<vmem_shared>>
        %dma_start3A_122 = arith.constant 0 : i32
        %dma_start3A_123 = arith.constant 0 : i32
        %dma_start3A_124 = tpu.memref_slice %arg9[%scan3A_6, %dma_start3A_122, %dma_start3A_123] : memref<2x128x128xf32, #tpu.memory_space<vmem>> -> memref<1x128x128xf32, #tpu.memory_space<vmem>>
        %dma_start3A_125 = tpu.memref_squeeze %dma_start3A_124 : memref<1x128x128xf32, #tpu.memory_space<vmem>> -> memref<128x128xf32, #tpu.memory_space<vmem>>
        tpu.enqueue_dma source(%dma_start3A_125 : memref<128x128xf32, #tpu.memory_space<vmem>>) target(%dma_start3A_121 : memref<128x128xf32, #tpu.memory_space<vmem_shared>>) target_semaphore(%run_scoped3A : memref<!tpu.dma_semaphore, #tpu.memory_space<semaphore_mem>>)
        %dma_wait3A_126 = arith.constant 0 : i32
        %dma_wait3A_127 = arith.constant 0 : i32
        %dma_wait3A_128 = tpu.memref_slice %arg9[%scan3A_6, %dma_wait3A_126, %dma_wait3A_127] : memref<2x128x128xf32, #tpu.memory_space<vmem>> -> memref<1x128x128xf32, #tpu.memory_space<vmem>>
        %dma_wait3A_129 = tpu.memref_squeeze %dma_wait3A_128 : memref<1x128x128xf32, #tpu.memory_space<vmem>> -> memref<128x128xf32, #tpu.memory_space<vmem>>
        %dma_wait3A_130 = arith.constant 0 : i32
        %dma_wait3A_131 = tpu.memref_slice %arg10[%add3A_114, %dma_wait3A_130] : memref<10240x128xf32, #tpu.memory_space<vmem_shared>> -> memref<128x128xf32, #tpu.memory_space<vmem_shared>>
        %dma_wait3A_132 = arith.constant 0 : i32
        %dma_wait3A_133 = tpu.memref_slice %arg10[%add3A_114, %dma_wait3A_132] : memref<10240x128xf32, #tpu.memory_space<vmem_shared>> -> memref<128x128xf32, #tpu.memory_space<vmem_shared>>
        %dma_wait3A_134 = arith.constant 0 : i32
        %dma_wait3A_135 = arith.constant 0 : i32
        %dma_wait3A_136 = tpu.memref_slice %arg9[%scan3A_6, %dma_wait3A_134, %dma_wait3A_135] : memref<2x128x128xf32, #tpu.memory_space<vmem>> -> memref<1x128x128xf32, #tpu.memory_space<vmem>>
        %dma_wait3A_137 = tpu.memref_squeeze %dma_wait3A_136 : memref<1x128x128xf32, #tpu.memory_space<vmem>> -> memref<128x128xf32, #tpu.memory_space<vmem>>
        tpu.wait_dma2 semaphore(%run_scoped3A : memref<!tpu.dma_semaphore, #tpu.memory_space<semaphore_mem>>) src(%dma_wait3A_137 : memref<128x128xf32, #tpu.memory_space<vmem>>) dst(%dma_wait3A_133 : memref<128x128xf32, #tpu.memory_space<vmem_shared>>)
        tpu.yield
      }) : () -> ()
    }
    %scan3A_11 = arith.constant 5 : i32
    %barrier3A = arith.constant 0 : index
    tpu.barrier barrier_id(%barrier3A)
    %mul3A_12 = arith.constant 80 : i32
    %mul3A_13 = arith.muli %add3A, %mul3A_12 : i32
    %add3A_14 = arith.constant 0 : i32
    %add3A_15 = arith.addi %mul3A_13, %add3A_14 : i32
    "tpu.region"() ({
      %run_scoped3A = tpu.sem_alloc : memref<!tpu.dma_semaphore, #tpu.memory_space<semaphore_mem>>
      %dma_start3A = arith.constant 0 : i32
      %dma_start3A_105 = tpu.memref_slice %arg3[%add3A_15, %dma_start3A] : memref<2560x128xi32, #tpu.memory_space<hbm>> -> memref<40x128xi32, #tpu.memory_space<hbm>>
      %dma_start3A_106 = arith.constant 0 : i32
      %dma_start3A_107 = tpu.memref_slice %arg3[%add3A_15, %dma_start3A_106] : memref<2560x128xi32, #tpu.memory_space<hbm>> -> memref<40x128xi32, #tpu.memory_space<hbm>>
      tpu.enqueue_dma source(%dma_start3A_107 : memref<40x128xi32, #tpu.memory_space<hbm>>) target(%arg7 : memref<40x128xi32, #tpu.memory_space<vmem>>) target_semaphore(%run_scoped3A : memref<!tpu.dma_semaphore, #tpu.memory_space<semaphore_mem>>)
      %dma_wait3A_108 = arith.constant 0 : i32
      %dma_wait3A_109 = tpu.memref_slice %arg3[%add3A_15, %dma_wait3A_108] : memref<2560x128xi32, #tpu.memory_space<hbm>> -> memref<40x128xi32, #tpu.memory_space<hbm>>
      %dma_wait3A_110 = arith.constant 0 : i32
      %dma_wait3A_111 = tpu.memref_slice %arg3[%add3A_15, %dma_wait3A_110] : memref<2560x128xi32, #tpu.memory_space<hbm>> -> memref<40x128xi32, #tpu.memory_space<hbm>>
      tpu.wait_dma2 semaphore(%run_scoped3A : memref<!tpu.dma_semaphore, #tpu.memory_space<semaphore_mem>>) src(%dma_wait3A_111 : memref<40x128xi32, #tpu.memory_space<hbm>>) dst(%arg7 : memref<40x128xi32, #tpu.memory_space<vmem>>)
      tpu.yield
    }) : () -> ()
    %mul3A_16 = arith.constant 80 : i32
    %mul3A_17 = arith.muli %add3A, %mul3A_16 : i32
    %add3A_18 = arith.constant 0 : i32
    %add3A_19 = arith.addi %mul3A_17, %add3A_18 : i32
    "tpu.region"() ({
      %run_scoped3A = tpu.sem_alloc : memref<!tpu.dma_semaphore, #tpu.memory_space<semaphore_mem>>
      %dma_start3A = arith.constant 0 : i32
      %dma_start3A_105 = tpu.memref_slice %arg4[%add3A_19, %dma_start3A] : memref<2560x128xi32, #tpu.memory_space<hbm>> -> memref<40x128xi32, #tpu.memory_space<hbm>>
      %dma_start3A_106 = arith.constant 0 : i32
      %dma_start3A_107 = tpu.memref_slice %arg4[%add3A_19, %dma_start3A_106] : memref<2560x128xi32, #tpu.memory_space<hbm>> -> memref<40x128xi32, #tpu.memory_space<hbm>>
      tpu.enqueue_dma source(%dma_start3A_107 : memref<40x128xi32, #tpu.memory_space<hbm>>) target(%arg8 : memref<40x128xi32, #tpu.memory_space<vmem>>) target_semaphore(%run_scoped3A : memref<!tpu.dma_semaphore, #tpu.memory_space<semaphore_mem>>)
      %dma_wait3A_108 = arith.constant 0 : i32
      %dma_wait3A_109 = tpu.memref_slice %arg4[%add3A_19, %dma_wait3A_108] : memref<2560x128xi32, #tpu.memory_space<hbm>> -> memref<40x128xi32, #tpu.memory_space<hbm>>
      %dma_wait3A_110 = arith.constant 0 : i32
      %dma_wait3A_111 = tpu.memref_slice %arg4[%add3A_19, %dma_wait3A_110] : memref<2560x128xi32, #tpu.memory_space<hbm>> -> memref<40x128xi32, #tpu.memory_space<hbm>>
      tpu.wait_dma2 semaphore(%run_scoped3A : memref<!tpu.dma_semaphore, #tpu.memory_space<semaphore_mem>>) src(%dma_wait3A_111 : memref<40x128xi32, #tpu.memory_space<hbm>>) dst(%arg8 : memref<40x128xi32, #tpu.memory_space<vmem>>)
      tpu.yield
    }) : () -> ()
    %scan3A_20 = arith.constant 0 : i32
    %scan3A_21 = arith.constant 20 : i32
    %scan3A_22 = arith.addi %scan3A_20, %scan3A_21 : i32
    %scan3A_23 = arith.constant 1 : i32
    scf.for %scan3A_105 = %scan3A_20 to %scan3A_22 step %scan3A_23  : i32 {
      %mul3A_106 = arith.constant 1 : i32
      %mul3A_107 = arith.muli %scan3A_105, %mul3A_106 : i32
      %add3A_108 = arith.constant 0 : i32
      %add3A_109 = arith.addi %add3A_108, %mul3A_107 : i32
      %mul3A_110 = arith.constant 2 : i32
      %mul3A_111 = arith.muli %add3A_109, %mul3A_110 : i32
      %gt3A = arith.constant 0 : i32
      %gt3A_112 = arith.cmpi sgt, %add3A_109, %gt3A : i32
      %convert_element_type3A_113 = arith.extui %gt3A_112 : i1 to i32
      %cond3A_114 = arith.constant 0 : i32
      %cond3A_115 = arith.cmpi ne, %convert_element_type3A_113, %cond3A_114 : i32
      scf.if %cond3A_115 {
        %add3A_216 = arith.constant 0 : i32
        %add3A_217 = arith.addi %mul3A_111, %add3A_216 : i32
        %dma_wait3A_218 = arith.constant 0 : i32
        %dma_wait3A_219 = arith.constant 0 : i32
        %dma_wait3A_220 = arith.constant 0 : i32
        %dma_wait3A_221 = arith.constant 0 : i32
        %dma_wait3A_222 = tpu.memref_slice %arg9[%dma_wait3A_218, %dma_wait3A_220, %dma_wait3A_221] : memref<2x128x128xf32, #tpu.memory_space<vmem>> -> memref<1x128x128xf32, #tpu.memory_space<vmem>>
        %dma_wait3A_223 = tpu.memref_squeeze %dma_wait3A_222 : memref<1x128x128xf32, #tpu.memory_space<vmem>> -> memref<128x128xf32, #tpu.memory_space<vmem>>
        %dma_wait3A_224 = arith.constant 0 : i32
        %dma_wait3A_225 = tpu.memref_slice %arg8[%add3A_217, %dma_wait3A_224] : memref<40x128xi32, #tpu.memory_space<vmem>> -> memref<1x128xi32, #tpu.memory_space<vmem>>
        %dma_wait3A_226 = tpu.memref_squeeze %dma_wait3A_225 : memref<1x128xi32, #tpu.memory_space<vmem>> -> memref<128xi32, #tpu.memory_space<vmem>>
        %dma_wait3A_227 = arith.constant 0 : i32
        %dma_wait3A_228 = arith.constant 0 : i32
        %dma_wait3A_229 = tpu.memref_slice %arg10[%dma_wait3A_227, %dma_wait3A_228] : memref<10240x128xf32, #tpu.memory_space<vmem_shared>> -> memref<10240x128xf32, #tpu.memory_space<vmem_shared>>
        %dma_wait3A_230 = tpu.memref_slice %arg12[%dma_wait3A_219] : memref<2x!tpu.dma_semaphore, #tpu.memory_space<semaphore_mem>> -> memref<1x!tpu.dma_semaphore, #tpu.memory_space<semaphore_mem>>
        %dma_wait3A_231 = tpu.memref_squeeze %dma_wait3A_230 : memref<1x!tpu.dma_semaphore, #tpu.memory_space<semaphore_mem>> -> memref<!tpu.dma_semaphore, #tpu.memory_space<semaphore_mem>>
        tpu.wait_indirect_dma semaphore(%dma_wait3A_231 : memref<!tpu.dma_semaphore, #tpu.memory_space<semaphore_mem>>) src(%dma_wait3A_223 : memref<128x128xf32, #tpu.memory_space<vmem>>) dst(%dma_wait3A_229 : memref<10240x128xf32, #tpu.memory_space<vmem_shared>>)
      } else {
      }
      %add3A_116 = arith.constant 0 : i32
      %add3A_117 = arith.addi %mul3A_111, %add3A_116 : i32
      %dma_start3A = arith.constant 0 : i32
      %dma_start3A_118 = arith.constant 0 : i32
      %dma_start3A_119 = arith.constant 0 : i32
      %dma_start3A_120 = arith.constant 0 : i32
      %dma_start3A_121 = tpu.memref_slice %arg9[%dma_start3A, %dma_start3A_119, %dma_start3A_120] : memref<2x128x128xf32, #tpu.memory_space<vmem>> -> memref<1x128x128xf32, #tpu.memory_space<vmem>>
      %dma_start3A_122 = tpu.memref_squeeze %dma_start3A_121 : memref<1x128x128xf32, #tpu.memory_space<vmem>> -> memref<128x128xf32, #tpu.memory_space<vmem>>
      %dma_start3A_123 = arith.constant 0 : i32
      %dma_start3A_124 = tpu.memref_slice %arg7[%add3A_117, %dma_start3A_123] : memref<40x128xi32, #tpu.memory_space<vmem>> -> memref<1x128xi32, #tpu.memory_space<vmem>>
      %dma_start3A_125 = tpu.memref_squeeze %dma_start3A_124 : memref<1x128xi32, #tpu.memory_space<vmem>> -> memref<128xi32, #tpu.memory_space<vmem>>
      %dma_start3A_126 = arith.constant 0 : i32
      %dma_start3A_127 = arith.constant 0 : i32
      %dma_start3A_128 = tpu.memref_slice %arg2[%dma_start3A_126, %dma_start3A_127] : memref<10000x128xf32, #tpu.memory_space<hbm>> -> memref<10000x128xf32, #tpu.memory_space<hbm>>
      %dma_start3A_129 = tpu.memref_slice %arg11[%dma_start3A_118] : memref<2x!tpu.dma_semaphore, #tpu.memory_space<semaphore_mem>> -> memref<1x!tpu.dma_semaphore, #tpu.memory_space<semaphore_mem>>
      %dma_start3A_130 = tpu.memref_squeeze %dma_start3A_129 : memref<1x!tpu.dma_semaphore, #tpu.memory_space<semaphore_mem>> -> memref<!tpu.dma_semaphore, #tpu.memory_space<semaphore_mem>>
      tpu.enqueue_indirect_dma source(%dma_start3A_128 : memref<10000x128xf32, #tpu.memory_space<hbm>>) target(%dma_start3A_122 : memref<128x128xf32, #tpu.memory_space<vmem>>) offsets(%dma_start3A_125 : memref<128xi32, #tpu.memory_space<vmem>>) semaphore(%dma_start3A_130 : memref<!tpu.dma_semaphore, #tpu.memory_space<semaphore_mem>>)
      %gt3A_131 = arith.constant 0 : i32
      %gt3A_132 = arith.cmpi sgt, %add3A_109, %gt3A_131 : i32
      %convert_element_type3A_133 = arith.extui %gt3A_132 : i1 to i32
      %cond3A_134 = arith.constant 0 : i32
      %cond3A_135 = arith.cmpi ne, %convert_element_type3A_133, %cond3A_134 : i32
      scf.if %cond3A_135 {
        %add3A_216 = arith.constant 1 : i32
        %add3A_217 = arith.addi %mul3A_111, %add3A_216 : i32
        %dma_wait3A_218 = arith.constant 1 : i32
        %dma_wait3A_219 = arith.constant 1 : i32
        %dma_wait3A_220 = arith.constant 0 : i32
        %dma_wait3A_221 = arith.constant 0 : i32
        %dma_wait3A_222 = tpu.memref_slice %arg9[%dma_wait3A_218, %dma_wait3A_220, %dma_wait3A_221] : memref<2x128x128xf32, #tpu.memory_space<vmem>> -> memref<1x128x128xf32, #tpu.memory_space<vmem>>
        %dma_wait3A_223 = tpu.memref_squeeze %dma_wait3A_222 : memref<1x128x128xf32, #tpu.memory_space<vmem>> -> memref<128x128xf32, #tpu.memory_space<vmem>>
        %dma_wait3A_224 = arith.constant 0 : i32
        %dma_wait3A_225 = tpu.memref_slice %arg8[%add3A_217, %dma_wait3A_224] : memref<40x128xi32, #tpu.memory_space<vmem>> -> memref<1x128xi32, #tpu.memory_space<vmem>>
        %dma_wait3A_226 = tpu.memref_squeeze %dma_wait3A_225 : memref<1x128xi32, #tpu.memory_space<vmem>> -> memref<128xi32, #tpu.memory_space<vmem>>
        %dma_wait3A_227 = arith.constant 0 : i32
        %dma_wait3A_228 = arith.constant 0 : i32
        %dma_wait3A_229 = tpu.memref_slice %arg10[%dma_wait3A_227, %dma_wait3A_228] : memref<10240x128xf32, #tpu.memory_space<vmem_shared>> -> memref<10240x128xf32, #tpu.memory_space<vmem_shared>>
        %dma_wait3A_230 = tpu.memref_slice %arg12[%dma_wait3A_219] : memref<2x!tpu.dma_semaphore, #tpu.memory_space<semaphore_mem>> -> memref<1x!tpu.dma_semaphore, #tpu.memory_space<semaphore_mem>>
        %dma_wait3A_231 = tpu.memref_squeeze %dma_wait3A_230 : memref<1x!tpu.dma_semaphore, #tpu.memory_space<semaphore_mem>> -> memref<!tpu.dma_semaphore, #tpu.memory_space<semaphore_mem>>
        tpu.wait_indirect_dma semaphore(%dma_wait3A_231 : memref<!tpu.dma_semaphore, #tpu.memory_space<semaphore_mem>>) src(%dma_wait3A_223 : memref<128x128xf32, #tpu.memory_space<vmem>>) dst(%dma_wait3A_229 : memref<10240x128xf32, #tpu.memory_space<vmem_shared>>)
      } else {
      }
      %add3A_136 = arith.constant 1 : i32
      %add3A_137 = arith.addi %mul3A_111, %add3A_136 : i32
      %dma_start3A_138 = arith.constant 1 : i32
      %dma_start3A_139 = arith.constant 1 : i32
      %dma_start3A_140 = arith.constant 0 : i32
      %dma_start3A_141 = arith.constant 0 : i32
      %dma_start3A_142 = tpu.memref_slice %arg9[%dma_start3A_138, %dma_start3A_140, %dma_start3A_141] : memref<2x128x128xf32, #tpu.memory_space<vmem>> -> memref<1x128x128xf32, #tpu.memory_space<vmem>>
      %dma_start3A_143 = tpu.memref_squeeze %dma_start3A_142 : memref<1x128x128xf32, #tpu.memory_space<vmem>> -> memref<128x128xf32, #tpu.memory_space<vmem>>
      %dma_start3A_144 = arith.constant 0 : i32
      %dma_start3A_145 = tpu.memref_slice %arg7[%add3A_137, %dma_start3A_144] : memref<40x128xi32, #tpu.memory_space<vmem>> -> memref<1x128xi32, #tpu.memory_space<vmem>>
      %dma_start3A_146 = tpu.memref_squeeze %dma_start3A_145 : memref<1x128xi32, #tpu.memory_space<vmem>> -> memref<128xi32, #tpu.memory_space<vmem>>
      %dma_start3A_147 = arith.constant 0 : i32
      %dma_start3A_148 = arith.constant 0 : i32
      %dma_start3A_149 = tpu.memref_slice %arg2[%dma_start3A_147, %dma_start3A_148] : memref<10000x128xf32, #tpu.memory_space<hbm>> -> memref<10000x128xf32, #tpu.memory_space<hbm>>
      %dma_start3A_150 = tpu.memref_slice %arg11[%dma_start3A_139] : memref<2x!tpu.dma_semaphore, #tpu.memory_space<semaphore_mem>> -> memref<1x!tpu.dma_semaphore, #tpu.memory_space<semaphore_mem>>
      %dma_start3A_151 = tpu.memref_squeeze %dma_start3A_150 : memref<1x!tpu.dma_semaphore, #tpu.memory_space<semaphore_mem>> -> memref<!tpu.dma_semaphore, #tpu.memory_space<semaphore_mem>>
      tpu.enqueue_indirect_dma source(%dma_start3A_149 : memref<10000x128xf32, #tpu.memory_space<hbm>>) target(%dma_start3A_143 : memref<128x128xf32, #tpu.memory_space<vmem>>) offsets(%dma_start3A_146 : memref<128xi32, #tpu.memory_space<vmem>>) semaphore(%dma_start3A_151 : memref<!tpu.dma_semaphore, #tpu.memory_space<semaphore_mem>>)
      %add3A_152 = arith.constant 0 : i32
      %add3A_153 = arith.addi %mul3A_111, %add3A_152 : i32
      %dma_wait3A_154 = arith.constant 0 : i32
      %dma_wait3A_155 = arith.constant 0 : i32
      %dma_wait3A_156 = arith.constant 0 : i32
      %dma_wait3A_157 = arith.constant 0 : i32
      %dma_wait3A_158 = tpu.memref_slice %arg9[%dma_wait3A_154, %dma_wait3A_156, %dma_wait3A_157] : memref<2x128x128xf32, #tpu.memory_space<vmem>> -> memref<1x128x128xf32, #tpu.memory_space<vmem>>
      %dma_wait3A_159 = tpu.memref_squeeze %dma_wait3A_158 : memref<1x128x128xf32, #tpu.memory_space<vmem>> -> memref<128x128xf32, #tpu.memory_space<vmem>>
      %dma_wait3A_160 = arith.constant 0 : i32
      %dma_wait3A_161 = tpu.memref_slice %arg7[%add3A_153, %dma_wait3A_160] : memref<40x128xi32, #tpu.memory_space<vmem>> -> memref<1x128xi32, #tpu.memory_space<vmem>>
      %dma_wait3A_162 = tpu.memref_squeeze %dma_wait3A_161 : memref<1x128xi32, #tpu.memory_space<vmem>> -> memref<128xi32, #tpu.memory_space<vmem>>
      %dma_wait3A_163 = arith.constant 0 : i32
      %dma_wait3A_164 = arith.constant 0 : i32
      %dma_wait3A_165 = tpu.memref_slice %arg2[%dma_wait3A_163, %dma_wait3A_164] : memref<10000x128xf32, #tpu.memory_space<hbm>> -> memref<10000x128xf32, #tpu.memory_space<hbm>>
      %dma_wait3A_166 = tpu.memref_slice %arg11[%dma_wait3A_155] : memref<2x!tpu.dma_semaphore, #tpu.memory_space<semaphore_mem>> -> memref<1x!tpu.dma_semaphore, #tpu.memory_space<semaphore_mem>>
      %dma_wait3A_167 = tpu.memref_squeeze %dma_wait3A_166 : memref<1x!tpu.dma_semaphore, #tpu.memory_space<semaphore_mem>> -> memref<!tpu.dma_semaphore, #tpu.memory_space<semaphore_mem>>
      tpu.wait_indirect_dma semaphore(%dma_wait3A_167 : memref<!tpu.dma_semaphore, #tpu.memory_space<semaphore_mem>>) src(%dma_wait3A_165 : memref<10000x128xf32, #tpu.memory_space<hbm>>) dst(%dma_wait3A_159 : memref<128x128xf32, #tpu.memory_space<vmem>>)
      %add3A_168 = arith.constant 0 : i32
      %add3A_169 = arith.addi %mul3A_111, %add3A_168 : i32
      %dma_start3A_170 = arith.constant 0 : i32
      %dma_start3A_171 = arith.constant 0 : i32
      %dma_start3A_172 = arith.constant 0 : i32
      %dma_start3A_173 = arith.constant 0 : i32
      %dma_start3A_174 = tpu.memref_slice %arg9[%dma_start3A_170, %dma_start3A_172, %dma_start3A_173] : memref<2x128x128xf32, #tpu.memory_space<vmem>> -> memref<1x128x128xf32, #tpu.memory_space<vmem>>
      %dma_start3A_175 = tpu.memref_squeeze %dma_start3A_174 : memref<1x128x128xf32, #tpu.memory_space<vmem>> -> memref<128x128xf32, #tpu.memory_space<vmem>>
      %dma_start3A_176 = arith.constant 0 : i32
      %dma_start3A_177 = tpu.memref_slice %arg8[%add3A_169, %dma_start3A_176] : memref<40x128xi32, #tpu.memory_space<vmem>> -> memref<1x128xi32, #tpu.memory_space<vmem>>
      %dma_start3A_178 = tpu.memref_squeeze %dma_start3A_177 : memref<1x128xi32, #tpu.memory_space<vmem>> -> memref<128xi32, #tpu.memory_space<vmem>>
      %dma_start3A_179 = arith.constant 0 : i32
      %dma_start3A_180 = arith.constant 0 : i32
      %dma_start3A_181 = tpu.memref_slice %arg10[%dma_start3A_179, %dma_start3A_180] : memref<10240x128xf32, #tpu.memory_space<vmem_shared>> -> memref<10240x128xf32, #tpu.memory_space<vmem_shared>>
      %dma_start3A_182 = tpu.memref_slice %arg12[%dma_start3A_171] : memref<2x!tpu.dma_semaphore, #tpu.memory_space<semaphore_mem>> -> memref<1x!tpu.dma_semaphore, #tpu.memory_space<semaphore_mem>>
      %dma_start3A_183 = tpu.memref_squeeze %dma_start3A_182 : memref<1x!tpu.dma_semaphore, #tpu.memory_space<semaphore_mem>> -> memref<!tpu.dma_semaphore, #tpu.memory_space<semaphore_mem>>
      tpu.enqueue_indirect_dma source(%dma_start3A_175 : memref<128x128xf32, #tpu.memory_space<vmem>>) target(%dma_start3A_181 : memref<10240x128xf32, #tpu.memory_space<vmem_shared>>) offsets(%dma_start3A_178 : memref<128xi32, #tpu.memory_space<vmem>>) semaphore(%dma_start3A_183 : memref<!tpu.dma_semaphore, #tpu.memory_space<semaphore_mem>>) {add = true}
      %add3A_184 = arith.constant 1 : i32
      %add3A_185 = arith.addi %mul3A_111, %add3A_184 : i32
      %dma_wait3A_186 = arith.constant 1 : i32
      %dma_wait3A_187 = arith.constant 1 : i32
      %dma_wait3A_188 = arith.constant 0 : i32
      %dma_wait3A_189 = arith.constant 0 : i32
      %dma_wait3A_190 = tpu.memref_slice %arg9[%dma_wait3A_186, %dma_wait3A_188, %dma_wait3A_189] : memref<2x128x128xf32, #tpu.memory_space<vmem>> -> memref<1x128x128xf32, #tpu.memory_space<vmem>>
      %dma_wait3A_191 = tpu.memref_squeeze %dma_wait3A_190 : memref<1x128x128xf32, #tpu.memory_space<vmem>> -> memref<128x128xf32, #tpu.memory_space<vmem>>
      %dma_wait3A_192 = arith.constant 0 : i32
      %dma_wait3A_193 = tpu.memref_slice %arg7[%add3A_185, %dma_wait3A_192] : memref<40x128xi32, #tpu.memory_space<vmem>> -> memref<1x128xi32, #tpu.memory_space<vmem>>
      %dma_wait3A_194 = tpu.memref_squeeze %dma_wait3A_193 : memref<1x128xi32, #tpu.memory_space<vmem>> -> memref<128xi32, #tpu.memory_space<vmem>>
      %dma_wait3A_195 = arith.constant 0 : i32
      %dma_wait3A_196 = arith.constant 0 : i32
      %dma_wait3A_197 = tpu.memref_slice %arg2[%dma_wait3A_195, %dma_wait3A_196] : memref<10000x128xf32, #tpu.memory_space<hbm>> -> memref<10000x128xf32, #tpu.memory_space<hbm>>
      %dma_wait3A_198 = tpu.memref_slice %arg11[%dma_wait3A_187] : memref<2x!tpu.dma_semaphore, #tpu.memory_space<semaphore_mem>> -> memref<1x!tpu.dma_semaphore, #tpu.memory_space<semaphore_mem>>
      %dma_wait3A_199 = tpu.memref_squeeze %dma_wait3A_198 : memref<1x!tpu.dma_semaphore, #tpu.memory_space<semaphore_mem>> -> memref<!tpu.dma_semaphore, #tpu.memory_space<semaphore_mem>>
      tpu.wait_indirect_dma semaphore(%dma_wait3A_199 : memref<!tpu.dma_semaphore, #tpu.memory_space<semaphore_mem>>) src(%dma_wait3A_197 : memref<10000x128xf32, #tpu.memory_space<hbm>>) dst(%dma_wait3A_191 : memref<128x128xf32, #tpu.memory_space<vmem>>)
      %add3A_200 = arith.constant 1 : i32
      %add3A_201 = arith.addi %mul3A_111, %add3A_200 : i32
      %dma_start3A_202 = arith.constant 1 : i32
      %dma_start3A_203 = arith.constant 1 : i32
      %dma_start3A_204 = arith.constant 0 : i32
      %dma_start3A_205 = arith.constant 0 : i32
      %dma_start3A_206 = tpu.memref_slice %arg9[%dma_start3A_202, %dma_start3A_204, %dma_start3A_205] : memref<2x128x128xf32, #tpu.memory_space<vmem>> -> memref<1x128x128xf32, #tpu.memory_space<vmem>>
      %dma_start3A_207 = tpu.memref_squeeze %dma_start3A_206 : memref<1x128x128xf32, #tpu.memory_space<vmem>> -> memref<128x128xf32, #tpu.memory_space<vmem>>
      %dma_start3A_208 = arith.constant 0 : i32
      %dma_start3A_209 = tpu.memref_slice %arg8[%add3A_201, %dma_start3A_208] : memref<40x128xi32, #tpu.memory_space<vmem>> -> memref<1x128xi32, #tpu.memory_space<vmem>>
      %dma_start3A_210 = tpu.memref_squeeze %dma_start3A_209 : memref<1x128xi32, #tpu.memory_space<vmem>> -> memref<128xi32, #tpu.memory_space<vmem>>
      %dma_start3A_211 = arith.constant 0 : i32
      %dma_start3A_212 = arith.constant 0 : i32
      %dma_start3A_213 = tpu.memref_slice %arg10[%dma_start3A_211, %dma_start3A_212] : memref<10240x128xf32, #tpu.memory_space<vmem_shared>> -> memref<10240x128xf32, #tpu.memory_space<vmem_shared>>
      %dma_start3A_214 = tpu.memref_slice %arg12[%dma_start3A_203] : memref<2x!tpu.dma_semaphore, #tpu.memory_space<semaphore_mem>> -> memref<1x!tpu.dma_semaphore, #tpu.memory_space<semaphore_mem>>
      %dma_start3A_215 = tpu.memref_squeeze %dma_start3A_214 : memref<1x!tpu.dma_semaphore, #tpu.memory_space<semaphore_mem>> -> memref<!tpu.dma_semaphore, #tpu.memory_space<semaphore_mem>>
      tpu.enqueue_indirect_dma source(%dma_start3A_207 : memref<128x128xf32, #tpu.memory_space<vmem>>) target(%dma_start3A_213 : memref<10240x128xf32, #tpu.memory_space<vmem_shared>>) offsets(%dma_start3A_210 : memref<128xi32, #tpu.memory_space<vmem>>) semaphore(%dma_start3A_215 : memref<!tpu.dma_semaphore, #tpu.memory_space<semaphore_mem>>) {add = true}
    }
    %scan3A_24 = arith.constant 20 : i32
    %dma_wait3A = arith.constant 0 : i32
    %dma_wait3A_25 = arith.constant 0 : i32
    %dma_wait3A_26 = arith.constant 0 : i32
    %dma_wait3A_27 = arith.constant 0 : i32
    %dma_wait3A_28 = arith.constant 0 : i32
    %dma_wait3A_29 = tpu.memref_slice %arg9[%dma_wait3A, %dma_wait3A_27, %dma_wait3A_28] : memref<2x128x128xf32, #tpu.memory_space<vmem>> -> memref<1x128x128xf32, #tpu.memory_space<vmem>>
    %dma_wait3A_30 = tpu.memref_squeeze %dma_wait3A_29 : memref<1x128x128xf32, #tpu.memory_space<vmem>> -> memref<128x128xf32, #tpu.memory_space<vmem>>
    %dma_wait3A_31 = arith.constant 0 : i32
    %dma_wait3A_32 = tpu.memref_slice %arg8[%dma_wait3A_25, %dma_wait3A_31] : memref<40x128xi32, #tpu.memory_space<vmem>> -> memref<1x128xi32, #tpu.memory_space<vmem>>
    %dma_wait3A_33 = tpu.memref_squeeze %dma_wait3A_32 : memref<1x128xi32, #tpu.memory_space<vmem>> -> memref<128xi32, #tpu.memory_space<vmem>>
    %dma_wait3A_34 = arith.constant 0 : i32
    %dma_wait3A_35 = arith.constant 0 : i32
    %dma_wait3A_36 = tpu.memref_slice %arg10[%dma_wait3A_34, %dma_wait3A_35] : memref<10240x128xf32, #tpu.memory_space<vmem_shared>> -> memref<10240x128xf32, #tpu.memory_space<vmem_shared>>
    %dma_wait3A_37 = tpu.memref_slice %arg12[%dma_wait3A_26] : memref<2x!tpu.dma_semaphore, #tpu.memory_space<semaphore_mem>> -> memref<1x!tpu.dma_semaphore, #tpu.memory_space<semaphore_mem>>
    %dma_wait3A_38 = tpu.memref_squeeze %dma_wait3A_37 : memref<1x!tpu.dma_semaphore, #tpu.memory_space<semaphore_mem>> -> memref<!tpu.dma_semaphore, #tpu.memory_space<semaphore_mem>>
    tpu.wait_indirect_dma semaphore(%dma_wait3A_38 : memref<!tpu.dma_semaphore, #tpu.memory_space<semaphore_mem>>) src(%dma_wait3A_30 : memref<128x128xf32, #tpu.memory_space<vmem>>) dst(%dma_wait3A_36 : memref<10240x128xf32, #tpu.memory_space<vmem_shared>>)
    %dma_wait3A_39 = arith.constant 1 : i32
    %dma_wait3A_40 = arith.constant 1 : i32
    %dma_wait3A_41 = arith.constant 1 : i32
    %dma_wait3A_42 = arith.constant 0 : i32
    %dma_wait3A_43 = arith.constant 0 : i32
    %dma_wait3A_44 = tpu.memref_slice %arg9[%dma_wait3A_39, %dma_wait3A_42, %dma_wait3A_43] : memref<2x128x128xf32, #tpu.memory_space<vmem>> -> memref<1x128x128xf32, #tpu.memory_space<vmem>>
    %dma_wait3A_45 = tpu.memref_squeeze %dma_wait3A_44 : memref<1x128x128xf32, #tpu.memory_space<vmem>> -> memref<128x128xf32, #tpu.memory_space<vmem>>
    %dma_wait3A_46 = arith.constant 0 : i32
    %dma_wait3A_47 = tpu.memref_slice %arg8[%dma_wait3A_40, %dma_wait3A_46] : memref<40x128xi32, #tpu.memory_space<vmem>> -> memref<1x128xi32, #tpu.memory_space<vmem>>
    %dma_wait3A_48 = tpu.memref_squeeze %dma_wait3A_47 : memref<1x128xi32, #tpu.memory_space<vmem>> -> memref<128xi32, #tpu.memory_space<vmem>>
    %dma_wait3A_49 = arith.constant 0 : i32
    %dma_wait3A_50 = arith.constant 0 : i32
    %dma_wait3A_51 = tpu.memref_slice %arg10[%dma_wait3A_49, %dma_wait3A_50] : memref<10240x128xf32, #tpu.memory_space<vmem_shared>> -> memref<10240x128xf32, #tpu.memory_space<vmem_shared>>
    %dma_wait3A_52 = tpu.memref_slice %arg12[%dma_wait3A_41] : memref<2x!tpu.dma_semaphore, #tpu.memory_space<semaphore_mem>> -> memref<1x!tpu.dma_semaphore, #tpu.memory_space<semaphore_mem>>
    %dma_wait3A_53 = tpu.memref_squeeze %dma_wait3A_52 : memref<1x!tpu.dma_semaphore, #tpu.memory_space<semaphore_mem>> -> memref<!tpu.dma_semaphore, #tpu.memory_space<semaphore_mem>>
    tpu.wait_indirect_dma semaphore(%dma_wait3A_53 : memref<!tpu.dma_semaphore, #tpu.memory_space<semaphore_mem>>) src(%dma_wait3A_45 : memref<128x128xf32, #tpu.memory_space<vmem>>) dst(%dma_wait3A_51 : memref<10240x128xf32, #tpu.memory_space<vmem_shared>>)
    %mul3A_54 = arith.constant 80 : i32
    %mul3A_55 = arith.muli %add3A, %mul3A_54 : i32
    %add3A_56 = arith.constant 40 : i32
    %add3A_57 = arith.addi %mul3A_55, %add3A_56 : i32
    "tpu.region"() ({
      %run_scoped3A = tpu.sem_alloc : memref<!tpu.dma_semaphore, #tpu.memory_space<semaphore_mem>>
      %dma_start3A = arith.constant 0 : i32
      %dma_start3A_105 = tpu.memref_slice %arg3[%add3A_57, %dma_start3A] : memref<2560x128xi32, #tpu.memory_space<hbm>> -> memref<40x128xi32, #tpu.memory_space<hbm>>
      %dma_start3A_106 = arith.constant 0 : i32
      %dma_start3A_107 = tpu.memref_slice %arg3[%add3A_57, %dma_start3A_106] : memref<2560x128xi32, #tpu.memory_space<hbm>> -> memref<40x128xi32, #tpu.memory_space<hbm>>
      tpu.enqueue_dma source(%dma_start3A_107 : memref<40x128xi32, #tpu.memory_space<hbm>>) target(%arg7 : memref<40x128xi32, #tpu.memory_space<vmem>>) target_semaphore(%run_scoped3A : memref<!tpu.dma_semaphore, #tpu.memory_space<semaphore_mem>>)
      %dma_wait3A_108 = arith.constant 0 : i32
      %dma_wait3A_109 = tpu.memref_slice %arg3[%add3A_57, %dma_wait3A_108] : memref<2560x128xi32, #tpu.memory_space<hbm>> -> memref<40x128xi32, #tpu.memory_space<hbm>>
      %dma_wait3A_110 = arith.constant 0 : i32
      %dma_wait3A_111 = tpu.memref_slice %arg3[%add3A_57, %dma_wait3A_110] : memref<2560x128xi32, #tpu.memory_space<hbm>> -> memref<40x128xi32, #tpu.memory_space<hbm>>
      tpu.wait_dma2 semaphore(%run_scoped3A : memref<!tpu.dma_semaphore, #tpu.memory_space<semaphore_mem>>) src(%dma_wait3A_111 : memref<40x128xi32, #tpu.memory_space<hbm>>) dst(%arg7 : memref<40x128xi32, #tpu.memory_space<vmem>>)
      tpu.yield
    }) : () -> ()
    %mul3A_58 = arith.constant 80 : i32
    %mul3A_59 = arith.muli %add3A, %mul3A_58 : i32
    %add3A_60 = arith.constant 40 : i32
    %add3A_61 = arith.addi %mul3A_59, %add3A_60 : i32
    "tpu.region"() ({
      %run_scoped3A = tpu.sem_alloc : memref<!tpu.dma_semaphore, #tpu.memory_space<semaphore_mem>>
      %dma_start3A = arith.constant 0 : i32
      %dma_start3A_105 = tpu.memref_slice %arg4[%add3A_61, %dma_start3A] : memref<2560x128xi32, #tpu.memory_space<hbm>> -> memref<40x128xi32, #tpu.memory_space<hbm>>
      %dma_start3A_106 = arith.constant 0 : i32
      %dma_start3A_107 = tpu.memref_slice %arg4[%add3A_61, %dma_start3A_106] : memref<2560x128xi32, #tpu.memory_space<hbm>> -> memref<40x128xi32, #tpu.memory_space<hbm>>
      tpu.enqueue_dma source(%dma_start3A_107 : memref<40x128xi32, #tpu.memory_space<hbm>>) target(%arg8 : memref<40x128xi32, #tpu.memory_space<vmem>>) target_semaphore(%run_scoped3A : memref<!tpu.dma_semaphore, #tpu.memory_space<semaphore_mem>>)
      %dma_wait3A_108 = arith.constant 0 : i32
      %dma_wait3A_109 = tpu.memref_slice %arg4[%add3A_61, %dma_wait3A_108] : memref<2560x128xi32, #tpu.memory_space<hbm>> -> memref<40x128xi32, #tpu.memory_space<hbm>>
      %dma_wait3A_110 = arith.constant 0 : i32
      %dma_wait3A_111 = tpu.memref_slice %arg4[%add3A_61, %dma_wait3A_110] : memref<2560x128xi32, #tpu.memory_space<hbm>> -> memref<40x128xi32, #tpu.memory_space<hbm>>
      tpu.wait_dma2 semaphore(%run_scoped3A : memref<!tpu.dma_semaphore, #tpu.memory_space<semaphore_mem>>) src(%dma_wait3A_111 : memref<40x128xi32, #tpu.memory_space<hbm>>) dst(%arg8 : memref<40x128xi32, #tpu.memory_space<vmem>>)
      tpu.yield
    }) : () -> ()
    %scan3A_62 = arith.constant 0 : i32
    %scan3A_63 = arith.constant 20 : i32
    %scan3A_64 = arith.addi %scan3A_62, %scan3A_63 : i32
    %scan3A_65 = arith.constant 1 : i32
    scf.for %scan3A_105 = %scan3A_62 to %scan3A_64 step %scan3A_65  : i32 {
      %mul3A_106 = arith.constant 1 : i32
      %mul3A_107 = arith.muli %scan3A_105, %mul3A_106 : i32
      %add3A_108 = arith.constant 0 : i32
      %add3A_109 = arith.addi %add3A_108, %mul3A_107 : i32
      %mul3A_110 = arith.constant 2 : i32
      %mul3A_111 = arith.muli %add3A_109, %mul3A_110 : i32
      %gt3A = arith.constant 0 : i32
      %gt3A_112 = arith.cmpi sgt, %add3A_109, %gt3A : i32
      %convert_element_type3A_113 = arith.extui %gt3A_112 : i1 to i32
      %cond3A_114 = arith.constant 0 : i32
      %cond3A_115 = arith.cmpi ne, %convert_element_type3A_113, %cond3A_114 : i32
      scf.if %cond3A_115 {
        %add3A_216 = arith.constant 0 : i32
        %add3A_217 = arith.addi %mul3A_111, %add3A_216 : i32
        %dma_wait3A_218 = arith.constant 0 : i32
        %dma_wait3A_219 = arith.constant 0 : i32
        %dma_wait3A_220 = arith.constant 0 : i32
        %dma_wait3A_221 = arith.constant 0 : i32
        %dma_wait3A_222 = tpu.memref_slice %arg9[%dma_wait3A_218, %dma_wait3A_220, %dma_wait3A_221] : memref<2x128x128xf32, #tpu.memory_space<vmem>> -> memref<1x128x128xf32, #tpu.memory_space<vmem>>
        %dma_wait3A_223 = tpu.memref_squeeze %dma_wait3A_222 : memref<1x128x128xf32, #tpu.memory_space<vmem>> -> memref<128x128xf32, #tpu.memory_space<vmem>>
        %dma_wait3A_224 = arith.constant 0 : i32
        %dma_wait3A_225 = tpu.memref_slice %arg8[%add3A_217, %dma_wait3A_224] : memref<40x128xi32, #tpu.memory_space<vmem>> -> memref<1x128xi32, #tpu.memory_space<vmem>>
        %dma_wait3A_226 = tpu.memref_squeeze %dma_wait3A_225 : memref<1x128xi32, #tpu.memory_space<vmem>> -> memref<128xi32, #tpu.memory_space<vmem>>
        %dma_wait3A_227 = arith.constant 0 : i32
        %dma_wait3A_228 = arith.constant 0 : i32
        %dma_wait3A_229 = tpu.memref_slice %arg10[%dma_wait3A_227, %dma_wait3A_228] : memref<10240x128xf32, #tpu.memory_space<vmem_shared>> -> memref<10240x128xf32, #tpu.memory_space<vmem_shared>>
        %dma_wait3A_230 = tpu.memref_slice %arg12[%dma_wait3A_219] : memref<2x!tpu.dma_semaphore, #tpu.memory_space<semaphore_mem>> -> memref<1x!tpu.dma_semaphore, #tpu.memory_space<semaphore_mem>>
        %dma_wait3A_231 = tpu.memref_squeeze %dma_wait3A_230 : memref<1x!tpu.dma_semaphore, #tpu.memory_space<semaphore_mem>> -> memref<!tpu.dma_semaphore, #tpu.memory_space<semaphore_mem>>
        tpu.wait_indirect_dma semaphore(%dma_wait3A_231 : memref<!tpu.dma_semaphore, #tpu.memory_space<semaphore_mem>>) src(%dma_wait3A_223 : memref<128x128xf32, #tpu.memory_space<vmem>>) dst(%dma_wait3A_229 : memref<10240x128xf32, #tpu.memory_space<vmem_shared>>)
      } else {
      }
      %add3A_116 = arith.constant 0 : i32
      %add3A_117 = arith.addi %mul3A_111, %add3A_116 : i32
      %dma_start3A = arith.constant 0 : i32
      %dma_start3A_118 = arith.constant 0 : i32
      %dma_start3A_119 = arith.constant 0 : i32
      %dma_start3A_120 = arith.constant 0 : i32
      %dma_start3A_121 = tpu.memref_slice %arg9[%dma_start3A, %dma_start3A_119, %dma_start3A_120] : memref<2x128x128xf32, #tpu.memory_space<vmem>> -> memref<1x128x128xf32, #tpu.memory_space<vmem>>
      %dma_start3A_122 = tpu.memref_squeeze %dma_start3A_121 : memref<1x128x128xf32, #tpu.memory_space<vmem>> -> memref<128x128xf32, #tpu.memory_space<vmem>>
      %dma_start3A_123 = arith.constant 0 : i32
      %dma_start3A_124 = tpu.memref_slice %arg7[%add3A_117, %dma_start3A_123] : memref<40x128xi32, #tpu.memory_space<vmem>> -> memref<1x128xi32, #tpu.memory_space<vmem>>
      %dma_start3A_125 = tpu.memref_squeeze %dma_start3A_124 : memref<1x128xi32, #tpu.memory_space<vmem>> -> memref<128xi32, #tpu.memory_space<vmem>>
      %dma_start3A_126 = arith.constant 0 : i32
      %dma_start3A_127 = arith.constant 0 : i32
      %dma_start3A_128 = tpu.memref_slice %arg2[%dma_start3A_126, %dma_start3A_127] : memref<10000x128xf32, #tpu.memory_space<hbm>> -> memref<10000x128xf32, #tpu.memory_space<hbm>>
      %dma_start3A_129 = tpu.memref_slice %arg11[%dma_start3A_118] : memref<2x!tpu.dma_semaphore, #tpu.memory_space<semaphore_mem>> -> memref<1x!tpu.dma_semaphore, #tpu.memory_space<semaphore_mem>>
      %dma_start3A_130 = tpu.memref_squeeze %dma_start3A_129 : memref<1x!tpu.dma_semaphore, #tpu.memory_space<semaphore_mem>> -> memref<!tpu.dma_semaphore, #tpu.memory_space<semaphore_mem>>
      tpu.enqueue_indirect_dma source(%dma_start3A_128 : memref<10000x128xf32, #tpu.memory_space<hbm>>) target(%dma_start3A_122 : memref<128x128xf32, #tpu.memory_space<vmem>>) offsets(%dma_start3A_125 : memref<128xi32, #tpu.memory_space<vmem>>) semaphore(%dma_start3A_130 : memref<!tpu.dma_semaphore, #tpu.memory_space<semaphore_mem>>)
      %gt3A_131 = arith.constant 0 : i32
      %gt3A_132 = arith.cmpi sgt, %add3A_109, %gt3A_131 : i32
      %convert_element_type3A_133 = arith.extui %gt3A_132 : i1 to i32
      %cond3A_134 = arith.constant 0 : i32
      %cond3A_135 = arith.cmpi ne, %convert_element_type3A_133, %cond3A_134 : i32
      scf.if %cond3A_135 {
        %add3A_216 = arith.constant 1 : i32
        %add3A_217 = arith.addi %mul3A_111, %add3A_216 : i32
        %dma_wait3A_218 = arith.constant 1 : i32
        %dma_wait3A_219 = arith.constant 1 : i32
        %dma_wait3A_220 = arith.constant 0 : i32
        %dma_wait3A_221 = arith.constant 0 : i32
        %dma_wait3A_222 = tpu.memref_slice %arg9[%dma_wait3A_218, %dma_wait3A_220, %dma_wait3A_221] : memref<2x128x128xf32, #tpu.memory_space<vmem>> -> memref<1x128x128xf32, #tpu.memory_space<vmem>>
        %dma_wait3A_223 = tpu.memref_squeeze %dma_wait3A_222 : memref<1x128x128xf32, #tpu.memory_space<vmem>> -> memref<128x128xf32, #tpu.memory_space<vmem>>
        %dma_wait3A_224 = arith.constant 0 : i32
        %dma_wait3A_225 = tpu.memref_slice %arg8[%add3A_217, %dma_wait3A_224] : memref<40x128xi32, #tpu.memory_space<vmem>> -> memref<1x128xi32, #tpu.memory_space<vmem>>
        %dma_wait3A_226 = tpu.memref_squeeze %dma_wait3A_225 : memref<1x128xi32, #tpu.memory_space<vmem>> -> memref<128xi32, #tpu.memory_space<vmem>>
        %dma_wait3A_227 = arith.constant 0 : i32
        %dma_wait3A_228 = arith.constant 0 : i32
        %dma_wait3A_229 = tpu.memref_slice %arg10[%dma_wait3A_227, %dma_wait3A_228] : memref<10240x128xf32, #tpu.memory_space<vmem_shared>> -> memref<10240x128xf32, #tpu.memory_space<vmem_shared>>
        %dma_wait3A_230 = tpu.memref_slice %arg12[%dma_wait3A_219] : memref<2x!tpu.dma_semaphore, #tpu.memory_space<semaphore_mem>> -> memref<1x!tpu.dma_semaphore, #tpu.memory_space<semaphore_mem>>
        %dma_wait3A_231 = tpu.memref_squeeze %dma_wait3A_230 : memref<1x!tpu.dma_semaphore, #tpu.memory_space<semaphore_mem>> -> memref<!tpu.dma_semaphore, #tpu.memory_space<semaphore_mem>>
        tpu.wait_indirect_dma semaphore(%dma_wait3A_231 : memref<!tpu.dma_semaphore, #tpu.memory_space<semaphore_mem>>) src(%dma_wait3A_223 : memref<128x128xf32, #tpu.memory_space<vmem>>) dst(%dma_wait3A_229 : memref<10240x128xf32, #tpu.memory_space<vmem_shared>>)
      } else {
      }
      %add3A_136 = arith.constant 1 : i32
      %add3A_137 = arith.addi %mul3A_111, %add3A_136 : i32
      %dma_start3A_138 = arith.constant 1 : i32
      %dma_start3A_139 = arith.constant 1 : i32
      %dma_start3A_140 = arith.constant 0 : i32
      %dma_start3A_141 = arith.constant 0 : i32
      %dma_start3A_142 = tpu.memref_slice %arg9[%dma_start3A_138, %dma_start3A_140, %dma_start3A_141] : memref<2x128x128xf32, #tpu.memory_space<vmem>> -> memref<1x128x128xf32, #tpu.memory_space<vmem>>
      %dma_start3A_143 = tpu.memref_squeeze %dma_start3A_142 : memref<1x128x128xf32, #tpu.memory_space<vmem>> -> memref<128x128xf32, #tpu.memory_space<vmem>>
      %dma_start3A_144 = arith.constant 0 : i32
      %dma_start3A_145 = tpu.memref_slice %arg7[%add3A_137, %dma_start3A_144] : memref<40x128xi32, #tpu.memory_space<vmem>> -> memref<1x128xi32, #tpu.memory_space<vmem>>
      %dma_start3A_146 = tpu.memref_squeeze %dma_start3A_145 : memref<1x128xi32, #tpu.memory_space<vmem>> -> memref<128xi32, #tpu.memory_space<vmem>>
      %dma_start3A_147 = arith.constant 0 : i32
      %dma_start3A_148 = arith.constant 0 : i32
      %dma_start3A_149 = tpu.memref_slice %arg2[%dma_start3A_147, %dma_start3A_148] : memref<10000x128xf32, #tpu.memory_space<hbm>> -> memref<10000x128xf32, #tpu.memory_space<hbm>>
      %dma_start3A_150 = tpu.memref_slice %arg11[%dma_start3A_139] : memref<2x!tpu.dma_semaphore, #tpu.memory_space<semaphore_mem>> -> memref<1x!tpu.dma_semaphore, #tpu.memory_space<semaphore_mem>>
      %dma_start3A_151 = tpu.memref_squeeze %dma_start3A_150 : memref<1x!tpu.dma_semaphore, #tpu.memory_space<semaphore_mem>> -> memref<!tpu.dma_semaphore, #tpu.memory_space<semaphore_mem>>
      tpu.enqueue_indirect_dma source(%dma_start3A_149 : memref<10000x128xf32, #tpu.memory_space<hbm>>) target(%dma_start3A_143 : memref<128x128xf32, #tpu.memory_space<vmem>>) offsets(%dma_start3A_146 : memref<128xi32, #tpu.memory_space<vmem>>) semaphore(%dma_start3A_151 : memref<!tpu.dma_semaphore, #tpu.memory_space<semaphore_mem>>)
      %add3A_152 = arith.constant 0 : i32
      %add3A_153 = arith.addi %mul3A_111, %add3A_152 : i32
      %dma_wait3A_154 = arith.constant 0 : i32
      %dma_wait3A_155 = arith.constant 0 : i32
      %dma_wait3A_156 = arith.constant 0 : i32
      %dma_wait3A_157 = arith.constant 0 : i32
      %dma_wait3A_158 = tpu.memref_slice %arg9[%dma_wait3A_154, %dma_wait3A_156, %dma_wait3A_157] : memref<2x128x128xf32, #tpu.memory_space<vmem>> -> memref<1x128x128xf32, #tpu.memory_space<vmem>>
      %dma_wait3A_159 = tpu.memref_squeeze %dma_wait3A_158 : memref<1x128x128xf32, #tpu.memory_space<vmem>> -> memref<128x128xf32, #tpu.memory_space<vmem>>
      %dma_wait3A_160 = arith.constant 0 : i32
      %dma_wait3A_161 = tpu.memref_slice %arg7[%add3A_153, %dma_wait3A_160] : memref<40x128xi32, #tpu.memory_space<vmem>> -> memref<1x128xi32, #tpu.memory_space<vmem>>
      %dma_wait3A_162 = tpu.memref_squeeze %dma_wait3A_161 : memref<1x128xi32, #tpu.memory_space<vmem>> -> memref<128xi32, #tpu.memory_space<vmem>>
      %dma_wait3A_163 = arith.constant 0 : i32
      %dma_wait3A_164 = arith.constant 0 : i32
      %dma_wait3A_165 = tpu.memref_slice %arg2[%dma_wait3A_163, %dma_wait3A_164] : memref<10000x128xf32, #tpu.memory_space<hbm>> -> memref<10000x128xf32, #tpu.memory_space<hbm>>
      %dma_wait3A_166 = tpu.memref_slice %arg11[%dma_wait3A_155] : memref<2x!tpu.dma_semaphore, #tpu.memory_space<semaphore_mem>> -> memref<1x!tpu.dma_semaphore, #tpu.memory_space<semaphore_mem>>
      %dma_wait3A_167 = tpu.memref_squeeze %dma_wait3A_166 : memref<1x!tpu.dma_semaphore, #tpu.memory_space<semaphore_mem>> -> memref<!tpu.dma_semaphore, #tpu.memory_space<semaphore_mem>>
      tpu.wait_indirect_dma semaphore(%dma_wait3A_167 : memref<!tpu.dma_semaphore, #tpu.memory_space<semaphore_mem>>) src(%dma_wait3A_165 : memref<10000x128xf32, #tpu.memory_space<hbm>>) dst(%dma_wait3A_159 : memref<128x128xf32, #tpu.memory_space<vmem>>)
      %add3A_168 = arith.constant 0 : i32
      %add3A_169 = arith.addi %mul3A_111, %add3A_168 : i32
      %dma_start3A_170 = arith.constant 0 : i32
      %dma_start3A_171 = arith.constant 0 : i32
      %dma_start3A_172 = arith.constant 0 : i32
      %dma_start3A_173 = arith.constant 0 : i32
      %dma_start3A_174 = tpu.memref_slice %arg9[%dma_start3A_170, %dma_start3A_172, %dma_start3A_173] : memref<2x128x128xf32, #tpu.memory_space<vmem>> -> memref<1x128x128xf32, #tpu.memory_space<vmem>>
      %dma_start3A_175 = tpu.memref_squeeze %dma_start3A_174 : memref<1x128x128xf32, #tpu.memory_space<vmem>> -> memref<128x128xf32, #tpu.memory_space<vmem>>
      %dma_start3A_176 = arith.constant 0 : i32
      %dma_start3A_177 = tpu.memref_slice %arg8[%add3A_169, %dma_start3A_176] : memref<40x128xi32, #tpu.memory_space<vmem>> -> memref<1x128xi32, #tpu.memory_space<vmem>>
      %dma_start3A_178 = tpu.memref_squeeze %dma_start3A_177 : memref<1x128xi32, #tpu.memory_space<vmem>> -> memref<128xi32, #tpu.memory_space<vmem>>
      %dma_start3A_179 = arith.constant 0 : i32
      %dma_start3A_180 = arith.constant 0 : i32
      %dma_start3A_181 = tpu.memref_slice %arg10[%dma_start3A_179, %dma_start3A_180] : memref<10240x128xf32, #tpu.memory_space<vmem_shared>> -> memref<10240x128xf32, #tpu.memory_space<vmem_shared>>
      %dma_start3A_182 = tpu.memref_slice %arg12[%dma_start3A_171] : memref<2x!tpu.dma_semaphore, #tpu.memory_space<semaphore_mem>> -> memref<1x!tpu.dma_semaphore, #tpu.memory_space<semaphore_mem>>
      %dma_start3A_183 = tpu.memref_squeeze %dma_start3A_182 : memref<1x!tpu.dma_semaphore, #tpu.memory_space<semaphore_mem>> -> memref<!tpu.dma_semaphore, #tpu.memory_space<semaphore_mem>>
      tpu.enqueue_indirect_dma source(%dma_start3A_175 : memref<128x128xf32, #tpu.memory_space<vmem>>) target(%dma_start3A_181 : memref<10240x128xf32, #tpu.memory_space<vmem_shared>>) offsets(%dma_start3A_178 : memref<128xi32, #tpu.memory_space<vmem>>) semaphore(%dma_start3A_183 : memref<!tpu.dma_semaphore, #tpu.memory_space<semaphore_mem>>) {add = true}
      %add3A_184 = arith.constant 1 : i32
      %add3A_185 = arith.addi %mul3A_111, %add3A_184 : i32
      %dma_wait3A_186 = arith.constant 1 : i32
      %dma_wait3A_187 = arith.constant 1 : i32
      %dma_wait3A_188 = arith.constant 0 : i32
      %dma_wait3A_189 = arith.constant 0 : i32
      %dma_wait3A_190 = tpu.memref_slice %arg9[%dma_wait3A_186, %dma_wait3A_188, %dma_wait3A_189] : memref<2x128x128xf32, #tpu.memory_space<vmem>> -> memref<1x128x128xf32, #tpu.memory_space<vmem>>
      %dma_wait3A_191 = tpu.memref_squeeze %dma_wait3A_190 : memref<1x128x128xf32, #tpu.memory_space<vmem>> -> memref<128x128xf32, #tpu.memory_space<vmem>>
      %dma_wait3A_192 = arith.constant 0 : i32
      %dma_wait3A_193 = tpu.memref_slice %arg7[%add3A_185, %dma_wait3A_192] : memref<40x128xi32, #tpu.memory_space<vmem>> -> memref<1x128xi32, #tpu.memory_space<vmem>>
      %dma_wait3A_194 = tpu.memref_squeeze %dma_wait3A_193 : memref<1x128xi32, #tpu.memory_space<vmem>> -> memref<128xi32, #tpu.memory_space<vmem>>
      %dma_wait3A_195 = arith.constant 0 : i32
      %dma_wait3A_196 = arith.constant 0 : i32
      %dma_wait3A_197 = tpu.memref_slice %arg2[%dma_wait3A_195, %dma_wait3A_196] : memref<10000x128xf32, #tpu.memory_space<hbm>> -> memref<10000x128xf32, #tpu.memory_space<hbm>>
      %dma_wait3A_198 = tpu.memref_slice %arg11[%dma_wait3A_187] : memref<2x!tpu.dma_semaphore, #tpu.memory_space<semaphore_mem>> -> memref<1x!tpu.dma_semaphore, #tpu.memory_space<semaphore_mem>>
      %dma_wait3A_199 = tpu.memref_squeeze %dma_wait3A_198 : memref<1x!tpu.dma_semaphore, #tpu.memory_space<semaphore_mem>> -> memref<!tpu.dma_semaphore, #tpu.memory_space<semaphore_mem>>
      tpu.wait_indirect_dma semaphore(%dma_wait3A_199 : memref<!tpu.dma_semaphore, #tpu.memory_space<semaphore_mem>>) src(%dma_wait3A_197 : memref<10000x128xf32, #tpu.memory_space<hbm>>) dst(%dma_wait3A_191 : memref<128x128xf32, #tpu.memory_space<vmem>>)
      %add3A_200 = arith.constant 1 : i32
      %add3A_201 = arith.addi %mul3A_111, %add3A_200 : i32
      %dma_start3A_202 = arith.constant 1 : i32
      %dma_start3A_203 = arith.constant 1 : i32
      %dma_start3A_204 = arith.constant 0 : i32
      %dma_start3A_205 = arith.constant 0 : i32
      %dma_start3A_206 = tpu.memref_slice %arg9[%dma_start3A_202, %dma_start3A_204, %dma_start3A_205] : memref<2x128x128xf32, #tpu.memory_space<vmem>> -> memref<1x128x128xf32, #tpu.memory_space<vmem>>
      %dma_start3A_207 = tpu.memref_squeeze %dma_start3A_206 : memref<1x128x128xf32, #tpu.memory_space<vmem>> -> memref<128x128xf32, #tpu.memory_space<vmem>>
      %dma_start3A_208 = arith.constant 0 : i32
      %dma_start3A_209 = tpu.memref_slice %arg8[%add3A_201, %dma_start3A_208] : memref<40x128xi32, #tpu.memory_space<vmem>> -> memref<1x128xi32, #tpu.memory_space<vmem>>
      %dma_start3A_210 = tpu.memref_squeeze %dma_start3A_209 : memref<1x128xi32, #tpu.memory_space<vmem>> -> memref<128xi32, #tpu.memory_space<vmem>>
      %dma_start3A_211 = arith.constant 0 : i32
      %dma_start3A_212 = arith.constant 0 : i32
      %dma_start3A_213 = tpu.memref_slice %arg10[%dma_start3A_211, %dma_start3A_212] : memref<10240x128xf32, #tpu.memory_space<vmem_shared>> -> memref<10240x128xf32, #tpu.memory_space<vmem_shared>>
      %dma_start3A_214 = tpu.memref_slice %arg12[%dma_start3A_203] : memref<2x!tpu.dma_semaphore, #tpu.memory_space<semaphore_mem>> -> memref<1x!tpu.dma_semaphore, #tpu.memory_space<semaphore_mem>>
      %dma_start3A_215 = tpu.memref_squeeze %dma_start3A_214 : memref<1x!tpu.dma_semaphore, #tpu.memory_space<semaphore_mem>> -> memref<!tpu.dma_semaphore, #tpu.memory_space<semaphore_mem>>
      tpu.enqueue_indirect_dma source(%dma_start3A_207 : memref<128x128xf32, #tpu.memory_space<vmem>>) target(%dma_start3A_213 : memref<10240x128xf32, #tpu.memory_space<vmem_shared>>) offsets(%dma_start3A_210 : memref<128xi32, #tpu.memory_space<vmem>>) semaphore(%dma_start3A_215 : memref<!tpu.dma_semaphore, #tpu.memory_space<semaphore_mem>>) {add = true}
    }
    %scan3A_66 = arith.constant 20 : i32
    %dma_wait3A_67 = arith.constant 0 : i32
    %dma_wait3A_68 = arith.constant 0 : i32
    %dma_wait3A_69 = arith.constant 0 : i32
    %dma_wait3A_70 = arith.constant 0 : i32
    %dma_wait3A_71 = arith.constant 0 : i32
    %dma_wait3A_72 = tpu.memref_slice %arg9[%dma_wait3A_67, %dma_wait3A_70, %dma_wait3A_71] : memref<2x128x128xf32, #tpu.memory_space<vmem>> -> memref<1x128x128xf32, #tpu.memory_space<vmem>>
    %dma_wait3A_73 = tpu.memref_squeeze %dma_wait3A_72 : memref<1x128x128xf32, #tpu.memory_space<vmem>> -> memref<128x128xf32, #tpu.memory_space<vmem>>
    %dma_wait3A_74 = arith.constant 0 : i32
    %dma_wait3A_75 = tpu.memref_slice %arg8[%dma_wait3A_68, %dma_wait3A_74] : memref<40x128xi32, #tpu.memory_space<vmem>> -> memref<1x128xi32, #tpu.memory_space<vmem>>
    %dma_wait3A_76 = tpu.memref_squeeze %dma_wait3A_75 : memref<1x128xi32, #tpu.memory_space<vmem>> -> memref<128xi32, #tpu.memory_space<vmem>>
    %dma_wait3A_77 = arith.constant 0 : i32
    %dma_wait3A_78 = arith.constant 0 : i32
    %dma_wait3A_79 = tpu.memref_slice %arg10[%dma_wait3A_77, %dma_wait3A_78] : memref<10240x128xf32, #tpu.memory_space<vmem_shared>> -> memref<10240x128xf32, #tpu.memory_space<vmem_shared>>
    %dma_wait3A_80 = tpu.memref_slice %arg12[%dma_wait3A_69] : memref<2x!tpu.dma_semaphore, #tpu.memory_space<semaphore_mem>> -> memref<1x!tpu.dma_semaphore, #tpu.memory_space<semaphore_mem>>
    %dma_wait3A_81 = tpu.memref_squeeze %dma_wait3A_80 : memref<1x!tpu.dma_semaphore, #tpu.memory_space<semaphore_mem>> -> memref<!tpu.dma_semaphore, #tpu.memory_space<semaphore_mem>>
    tpu.wait_indirect_dma semaphore(%dma_wait3A_81 : memref<!tpu.dma_semaphore, #tpu.memory_space<semaphore_mem>>) src(%dma_wait3A_73 : memref<128x128xf32, #tpu.memory_space<vmem>>) dst(%dma_wait3A_79 : memref<10240x128xf32, #tpu.memory_space<vmem_shared>>)
    %dma_wait3A_82 = arith.constant 1 : i32
    %dma_wait3A_83 = arith.constant 1 : i32
    %dma_wait3A_84 = arith.constant 1 : i32
    %dma_wait3A_85 = arith.constant 0 : i32
    %dma_wait3A_86 = arith.constant 0 : i32
    %dma_wait3A_87 = tpu.memref_slice %arg9[%dma_wait3A_82, %dma_wait3A_85, %dma_wait3A_86] : memref<2x128x128xf32, #tpu.memory_space<vmem>> -> memref<1x128x128xf32, #tpu.memory_space<vmem>>
    %dma_wait3A_88 = tpu.memref_squeeze %dma_wait3A_87 : memref<1x128x128xf32, #tpu.memory_space<vmem>> -> memref<128x128xf32, #tpu.memory_space<vmem>>
    %dma_wait3A_89 = arith.constant 0 : i32
    %dma_wait3A_90 = tpu.memref_slice %arg8[%dma_wait3A_83, %dma_wait3A_89] : memref<40x128xi32, #tpu.memory_space<vmem>> -> memref<1x128xi32, #tpu.memory_space<vmem>>
    %dma_wait3A_91 = tpu.memref_squeeze %dma_wait3A_90 : memref<1x128xi32, #tpu.memory_space<vmem>> -> memref<128xi32, #tpu.memory_space<vmem>>
    %dma_wait3A_92 = arith.constant 0 : i32
    %dma_wait3A_93 = arith.constant 0 : i32
    %dma_wait3A_94 = tpu.memref_slice %arg10[%dma_wait3A_92, %dma_wait3A_93] : memref<10240x128xf32, #tpu.memory_space<vmem_shared>> -> memref<10240x128xf32, #tpu.memory_space<vmem_shared>>
    %dma_wait3A_95 = tpu.memref_slice %arg12[%dma_wait3A_84] : memref<2x!tpu.dma_semaphore, #tpu.memory_space<semaphore_mem>> -> memref<1x!tpu.dma_semaphore, #tpu.memory_space<semaphore_mem>>
    %dma_wait3A_96 = tpu.memref_squeeze %dma_wait3A_95 : memref<1x!tpu.dma_semaphore, #tpu.memory_space<semaphore_mem>> -> memref<!tpu.dma_semaphore, #tpu.memory_space<semaphore_mem>>
    tpu.wait_indirect_dma semaphore(%dma_wait3A_96 : memref<!tpu.dma_semaphore, #tpu.memory_space<semaphore_mem>>) src(%dma_wait3A_88 : memref<128x128xf32, #tpu.memory_space<vmem>>) dst(%dma_wait3A_94 : memref<10240x128xf32, #tpu.memory_space<vmem_shared>>)
    %barrier3A_97 = arith.constant 0 : index
    tpu.barrier barrier_id(%barrier3A_97)
    %eq3A = arith.constant 0 : i32
    %eq3A_98 = arith.cmpi eq, %arg0, %eq3A : i32
    %convert_element_type3A = arith.extui %eq3A_98 : i1 to i32
    %cond3A = arith.constant 0 : i32
    %cond3A_99 = arith.cmpi ne, %convert_element_type3A, %cond3A : i32
    scf.if %cond3A_99 {
      %mul3A_105 = arith.constant 640 : i32
      %mul3A_106 = arith.muli %arg1, %mul3A_105 : i32
      %mul3A_107 = arith.constant 640 : i32
      %mul3A_108 = arith.muli %arg1, %mul3A_107 : i32
      "tpu.region"() ({
        %run_scoped3A = tpu.sem_alloc : memref<!tpu.dma_semaphore, #tpu.memory_space<semaphore_mem>>
        %dma_start3A = arith.constant 0 : i32
        %dma_start3A_109 = tpu.memref_slice %arg5[%mul3A_108, %dma_start3A] : memref<10240x128xf32, #tpu.memory_space<hbm>> -> memref<640x128xf32, #tpu.memory_space<hbm>>
        %dma_start3A_110 = arith.constant 0 : i32
        %dma_start3A_111 = tpu.memref_slice %arg10[%mul3A_106, %dma_start3A_110] : memref<10240x128xf32, #tpu.memory_space<vmem_shared>> -> memref<640x128xf32, #tpu.memory_space<vmem_shared>>
        tpu.enqueue_dma source(%dma_start3A_111 : memref<640x128xf32, #tpu.memory_space<vmem_shared>>) target(%dma_start3A_109 : memref<640x128xf32, #tpu.memory_space<hbm>>) target_semaphore(%run_scoped3A : memref<!tpu.dma_semaphore, #tpu.memory_space<semaphore_mem>>)
        %dma_wait3A_112 = arith.constant 0 : i32
        %dma_wait3A_113 = tpu.memref_slice %arg5[%mul3A_108, %dma_wait3A_112] : memref<10240x128xf32, #tpu.memory_space<hbm>> -> memref<640x128xf32, #tpu.memory_space<hbm>>
        %dma_wait3A_114 = arith.constant 0 : i32
        %dma_wait3A_115 = tpu.memref_slice %arg10[%mul3A_106, %dma_wait3A_114] : memref<10240x128xf32, #tpu.memory_space<vmem_shared>> -> memref<640x128xf32, #tpu.memory_space<vmem_shared>>
        tpu.wait_dma2 semaphore(%run_scoped3A : memref<!tpu.dma_semaphore, #tpu.memory_space<semaphore_mem>>) src(%dma_wait3A_115 : memref<640x128xf32, #tpu.memory_space<vmem_shared>>) dst(%dma_wait3A_113 : memref<640x128xf32, #tpu.memory_space<hbm>>)
        tpu.yield
      }) : () -> ()
    } else {
    }
    %eq3A_100 = arith.constant 1 : i32
    %eq3A_101 = arith.cmpi eq, %arg0, %eq3A_100 : i32
    %convert_element_type3A_102 = arith.extui %eq3A_101 : i1 to i32
    %cond3A_103 = arith.constant 0 : i32
    %cond3A_104 = arith.cmpi ne, %convert_element_type3A_102, %cond3A_103 : i32
    scf.if %cond3A_104 {
      %mul3A_105 = arith.constant 640 : i32
      %mul3A_106 = arith.muli %arg1, %mul3A_105 : i32
      %mul3A_107 = arith.constant 640 : i32
      %mul3A_108 = arith.muli %arg1, %mul3A_107 : i32
      "tpu.region"() ({
        %run_scoped3A = tpu.sem_alloc : memref<!tpu.dma_semaphore, #tpu.memory_space<semaphore_mem>>
        %dma_start3A = arith.constant 0 : i32
        %dma_start3A_109 = tpu.memref_slice %arg6[%mul3A_108, %dma_start3A] : memref<10240x128xf32, #tpu.memory_space<hbm>> -> memref<640x128xf32, #tpu.memory_space<hbm>>
        %dma_start3A_110 = arith.constant 0 : i32
        %dma_start3A_111 = tpu.memref_slice %arg10[%mul3A_106, %dma_start3A_110] : memref<10240x128xf32, #tpu.memory_space<vmem_shared>> -> memref<640x128xf32, #tpu.memory_space<vmem_shared>>
        tpu.enqueue_dma source(%dma_start3A_111 : memref<640x128xf32, #tpu.memory_space<vmem_shared>>) target(%dma_start3A_109 : memref<640x128xf32, #tpu.memory_space<hbm>>) target_semaphore(%run_scoped3A : memref<!tpu.dma_semaphore, #tpu.memory_space<semaphore_mem>>)
        %dma_wait3A_112 = arith.constant 0 : i32
        %dma_wait3A_113 = tpu.memref_slice %arg6[%mul3A_108, %dma_wait3A_112] : memref<10240x128xf32, #tpu.memory_space<hbm>> -> memref<640x128xf32, #tpu.memory_space<hbm>>
        %dma_wait3A_114 = arith.constant 0 : i32
        %dma_wait3A_115 = tpu.memref_slice %arg10[%mul3A_106, %dma_wait3A_114] : memref<10240x128xf32, #tpu.memory_space<vmem_shared>> -> memref<640x128xf32, #tpu.memory_space<vmem_shared>>
        tpu.wait_dma2 semaphore(%run_scoped3A : memref<!tpu.dma_semaphore, #tpu.memory_space<semaphore_mem>>) src(%dma_wait3A_115 : memref<640x128xf32, #tpu.memory_space<vmem_shared>>) dst(%dma_wait3A_113 : memref<640x128xf32, #tpu.memory_space<hbm>>)
        tpu.yield
      }) : () -> ()
    } else {
    }
    return
  }
}

#map = affine_map<(d0, d1) -> (0, 0)>
module attributes {stable_mosaic.version = 14 : i64} {
  func.func @k(%arg0: i32, %arg1: i32, %arg2: memref<10000x128xf32, #tpu.memory_space<hbm>>, %arg3: memref<2560x128xi32, #tpu.memory_space<hbm>>, %arg4: memref<2560x128xi32, #tpu.memory_space<hbm>>, %arg5: memref<10240x128xf32, #tpu.memory_space<hbm>>, %arg6: memref<10240x128xf32, #tpu.memory_space<hbm>>, %arg7: memref<40x128xi32, #tpu.memory_space<vmem>>, %arg8: memref<40x128xi32, #tpu.memory_space<vmem>>, %arg9: memref<2x128x128xf32, #tpu.memory_space<vmem>>, %arg10: memref<10240x128xf32, #tpu.memory_space<vmem_shared>>, %arg11: memref<2x!tpu.dma_semaphore, #tpu.memory_space<semaphore_mem>>, %arg12: memref<2x!tpu.dma_semaphore, #tpu.memory_space<semaphore_mem>>) attributes {dimension_semantics = [#tpu.dimension_semantics<core_parallel>, #tpu.dimension_semantics<subcore_parallel>], iteration_bounds = array<i64: 2, 16>, scalar_prefetch = 0 : i64, scratch_operands = 6 : i64, tpu.core_type = #tpu.core_type<sc_vector_subcore>, window_params = [{transform_indices = #map}, {transform_indices = #map}, {transform_indices = #map}, {transform_indices = #map}, {transform_indices = #map}]} {
    %mul3A = arith.constant 16 : i32
    %mul3A_0 = arith.muli %arg0, %mul3A : i32
    %add3A = arith.addi %mul3A_0, %arg1 : i32
    %scan3A = arith.constant 0 : i32
    %scan3A_1 = arith.constant 0 : i32
    %scan3A_2 = arith.constant 128 : i32
    %scan3A_3 = arith.addi %scan3A_1, %scan3A_2 : i32
    %scan3A_4 = arith.constant 1 : i32
    scf.for %scan3A_105 = %scan3A_1 to %scan3A_3 step %scan3A_4  : i32 {
      %mul3A_106 = arith.constant 1 : i32
      %mul3A_107 = arith.muli %scan3A_105, %mul3A_106 : i32
      %add3A_108 = arith.constant 0 : i32
      %add3A_109 = arith.addi %add3A_108, %mul3A_107 : i32
      %scan3A_110 = arith.constant 0 : i32
      %scan3A_111 = arith.constant 8 : i32
      %scan3A_112 = arith.addi %scan3A_110, %scan3A_111 : i32
      %scan3A_113 = arith.constant 1 : i32
      scf.for %scan3A_115 = %scan3A_110 to %scan3A_112 step %scan3A_113  : i32 {
        %mul3A_116 = arith.constant 1 : i32
        %mul3A_117 = arith.muli %scan3A_115, %mul3A_116 : i32
        %add3A_118 = arith.constant 0 : i32
        %add3A_119 = arith.addi %add3A_118, %mul3A_117 : i32
        %broadcast_in_dim3A = arith.constant 0.000000e+00 : f32
        %broadcast_in_dim3A_120 = vector.broadcast %broadcast_in_dim3A : f32 to vector<16xf32>
        %mul3A_121 = arith.constant 16 : i32
        %mul3A_122 = arith.muli %add3A_119, %mul3A_121 : i32
        %swap3A = arith.constant 0 : i32
        %swap3A_123 = arith.constant 0 : i32
        %swap3A_124 = tpu.memref_slice %arg9[%scan3A, %swap3A, %swap3A_123] : memref<2x128x128xf32, #tpu.memory_space<vmem>> -> memref<1x128x128xf32, #tpu.memory_space<vmem>>
        %swap3A_125 = tpu.memref_squeeze %swap3A_124 : memref<1x128x128xf32, #tpu.memory_space<vmem>> -> memref<128x128xf32, #tpu.memory_space<vmem>>
        %swap3A_126 = arith.index_cast %add3A_109 : i32 to index
        %swap3A_127 = arith.index_cast %mul3A_122 : i32 to index
        %swap3A_128 = tpu.vector_load %swap3A_125[%swap3A_126, %swap3A_127] {strides = array<i32>} : memref<128x128xf32, #tpu.memory_space<vmem>>, vector<1x16xf32>,
        %swap3A_129 = vector.shape_cast %swap3A_128 : vector<1x16xf32> to vector<16xf32>
        %swap3A_130 = vector.shape_cast %broadcast_in_dim3A_120 : vector<16xf32> to vector<1x16xf32>
        tpu.vector_store %swap3A_125[%swap3A_126, %swap3A_127], %swap3A_130 {strides = array<i32>} : memref<128x128xf32, #tpu.memory_space<vmem>>, vector<1x16xf32>,
      }
      %scan3A_114 = arith.constant 8 : i32
    }
    %scan3A_5 = arith.constant 128 : i32
    %scan3A_6 = arith.constant 0 : i32
    %scan3A_7 = arith.constant 0 : i32
    %scan3A_8 = arith.constant 5 : i32
    %scan3A_9 = arith.addi %scan3A_7, %scan3A_8 : i32
    %scan3A_10 = arith.constant 1 : i32
    scf.for %scan3A_105 = %scan3A_7 to %scan3A_9 step %scan3A_10  : i32 {
      %mul3A_106 = arith.constant 1 : i32
      %mul3A_107 = arith.muli %scan3A_105, %mul3A_106 : i32
      %add3A_108 = arith.constant 0 : i32
      %add3A_109 = arith.addi %add3A_108, %mul3A_107 : i32
      %mul3A_110 = arith.constant 640 : i32
      %mul3A_111 = arith.muli %arg1, %mul3A_110 : i32
      %mul3A_112 = arith.constant 128 : i32
      %mul3A_113 = arith.muli %add3A_109, %mul3A_112 : i32
      %add3A_114 = arith.addi %mul3A_111, %mul3A_113 : i32
      "tpu.region"() ({
        %run_scoped3A = tpu.sem_alloc : memref<!tpu.dma_semaphore, #tpu.memory_space<semaphore_mem>>
        %dma_start3A = arith.constant 0 : i32
        %dma_start3A_115 = arith.constant 0 : i32
        %dma_start3A_116 = tpu.memref_slice %arg9[%scan3A_6, %dma_start3A, %dma_start3A_115] : memref<2x128x128xf32, #tpu.memory_space<vmem>> -> memref<1x128x128xf32, #tpu.memory_space<vmem>>
        %dma_start3A_117 = tpu.memref_squeeze %dma_start3A_116 : memref<1x128x128xf32, #tpu.memory_space<vmem>> -> memref<128x128xf32, #tpu.memory_space<vmem>>
        %dma_start3A_118 = arith.constant 0 : i32
        %dma_start3A_119 = tpu.memref_slice %arg10[%add3A_114, %dma_start3A_118] : memref<10240x128xf32, #tpu.memory_space<vmem_shared>> -> memref<128x128xf32, #tpu.memory_space<vmem_shared>>
        %dma_start3A_120 = arith.constant 0 : i32
        %dma_start3A_121 = tpu.memref_slice %arg10[%add3A_114, %dma_start3A_120] : memref<10240x128xf32, #tpu.memory_space<vmem_shared>> -> memref<128x128xf32, #tpu.memory_space<vmem_shared>>
        %dma_start3A_122 = arith.constant 0 : i32
        %dma_start3A_123 = arith.constant 0 : i32
        %dma_start3A_124 = tpu.memref_slice %arg9[%scan3A_6, %dma_start3A_122, %dma_start3A_123] : memref<2x128x128xf32, #tpu.memory_space<vmem>> -> memref<1x128x128xf32, #tpu.memory_space<vmem>>
        %dma_start3A_125 = tpu.memref_squeeze %dma_start3A_124 : memref<1x128x128xf32, #tpu.memory_space<vmem>> -> memref<128x128xf32, #tpu.memory_space<vmem>>
        tpu.enqueue_dma source(%dma_start3A_125 : memref<128x128xf32, #tpu.memory_space<vmem>>) target(%dma_start3A_121 : memref<128x128xf32, #tpu.memory_space<vmem_shared>>) target_semaphore(%run_scoped3A : memref<!tpu.dma_semaphore, #tpu.memory_space<semaphore_mem>>)
        %dma_wait3A_126 = arith.constant 0 : i32
        %dma_wait3A_127 = arith.constant 0 : i32
        %dma_wait3A_128 = tpu.memref_slice %arg9[%scan3A_6, %dma_wait3A_126, %dma_wait3A_127] : memref<2x128x128xf32, #tpu.memory_space<vmem>> -> memref<1x128x128xf32, #tpu.memory_space<vmem>>
        %dma_wait3A_129 = tpu.memref_squeeze %dma_wait3A_128 : memref<1x128x128xf32, #tpu.memory_space<vmem>> -> memref<128x128xf32, #tpu.memory_space<vmem>>
        %dma_wait3A_130 = arith.constant 0 : i32
        %dma_wait3A_131 = tpu.memref_slice %arg10[%add3A_114, %dma_wait3A_130] : memref<10240x128xf32, #tpu.memory_space<vmem_shared>> -> memref<128x128xf32, #tpu.memory_space<vmem_shared>>
        %dma_wait3A_132 = arith.constant 0 : i32
        %dma_wait3A_133 = tpu.memref_slice %arg10[%add3A_114, %dma_wait3A_132] : memref<10240x128xf32, #tpu.memory_space<vmem_shared>> -> memref<128x128xf32, #tpu.memory_space<vmem_shared>>
        %dma_wait3A_134 = arith.constant 0 : i32
        %dma_wait3A_135 = arith.constant 0 : i32
        %dma_wait3A_136 = tpu.memref_slice %arg9[%scan3A_6, %dma_wait3A_134, %dma_wait3A_135] : memref<2x128x128xf32, #tpu.memory_space<vmem>> -> memref<1x128x128xf32, #tpu.memory_space<vmem>>
        %dma_wait3A_137 = tpu.memref_squeeze %dma_wait3A_136 : memref<1x128x128xf32, #tpu.memory_space<vmem>> -> memref<128x128xf32, #tpu.memory_space<vmem>>
        tpu.wait_dma2 semaphore(%run_scoped3A : memref<!tpu.dma_semaphore, #tpu.memory_space<semaphore_mem>>) src(%dma_wait3A_137 : memref<128x128xf32, #tpu.memory_space<vmem>>) dst(%dma_wait3A_133 : memref<128x128xf32, #tpu.memory_space<vmem_shared>>)
        tpu.yield
      }) : () -> ()
    }
    %scan3A_11 = arith.constant 5 : i32
    %barrier3A = arith.constant 0 : index
    tpu.barrier barrier_id(%barrier3A)
    %mul3A_12 = arith.constant 80 : i32
    %mul3A_13 = arith.muli %add3A, %mul3A_12 : i32
    %add3A_14 = arith.constant 0 : i32
    %add3A_15 = arith.addi %mul3A_13, %add3A_14 : i32
    "tpu.region"() ({
      %run_scoped3A = tpu.sem_alloc : memref<!tpu.dma_semaphore, #tpu.memory_space<semaphore_mem>>
      %dma_start3A = arith.constant 0 : i32
      %dma_start3A_105 = tpu.memref_slice %arg3[%add3A_15, %dma_start3A] : memref<2560x128xi32, #tpu.memory_space<hbm>> -> memref<40x128xi32, #tpu.memory_space<hbm>>
      %dma_start3A_106 = arith.constant 0 : i32
      %dma_start3A_107 = tpu.memref_slice %arg3[%add3A_15, %dma_start3A_106] : memref<2560x128xi32, #tpu.memory_space<hbm>> -> memref<40x128xi32, #tpu.memory_space<hbm>>
      tpu.enqueue_dma source(%dma_start3A_107 : memref<40x128xi32, #tpu.memory_space<hbm>>) target(%arg7 : memref<40x128xi32, #tpu.memory_space<vmem>>) target_semaphore(%run_scoped3A : memref<!tpu.dma_semaphore, #tpu.memory_space<semaphore_mem>>)
      %dma_wait3A_108 = arith.constant 0 : i32
      %dma_wait3A_109 = tpu.memref_slice %arg3[%add3A_15, %dma_wait3A_108] : memref<2560x128xi32, #tpu.memory_space<hbm>> -> memref<40x128xi32, #tpu.memory_space<hbm>>
      %dma_wait3A_110 = arith.constant 0 : i32
      %dma_wait3A_111 = tpu.memref_slice %arg3[%add3A_15, %dma_wait3A_110] : memref<2560x128xi32, #tpu.memory_space<hbm>> -> memref<40x128xi32, #tpu.memory_space<hbm>>
      tpu.wait_dma2 semaphore(%run_scoped3A : memref<!tpu.dma_semaphore, #tpu.memory_space<semaphore_mem>>) src(%dma_wait3A_111 : memref<40x128xi32, #tpu.memory_space<hbm>>) dst(%arg7 : memref<40x128xi32, #tpu.memory_space<vmem>>)
      tpu.yield
    }) : () -> ()
    %mul3A_16 = arith.constant 80 : i32
    %mul3A_17 = arith.muli %add3A, %mul3A_16 : i32
    %add3A_18 = arith.constant 0 : i32
    %add3A_19 = arith.addi %mul3A_17, %add3A_18 : i32
    "tpu.region"() ({
      %run_scoped3A = tpu.sem_alloc : memref<!tpu.dma_semaphore, #tpu.memory_space<semaphore_mem>>
      %dma_start3A = arith.constant 0 : i32
      %dma_start3A_105 = tpu.memref_slice %arg4[%add3A_19, %dma_start3A] : memref<2560x128xi32, #tpu.memory_space<hbm>> -> memref<40x128xi32, #tpu.memory_space<hbm>>
      %dma_start3A_106 = arith.constant 0 : i32
      %dma_start3A_107 = tpu.memref_slice %arg4[%add3A_19, %dma_start3A_106] : memref<2560x128xi32, #tpu.memory_space<hbm>> -> memref<40x128xi32, #tpu.memory_space<hbm>>
      tpu.enqueue_dma source(%dma_start3A_107 : memref<40x128xi32, #tpu.memory_space<hbm>>) target(%arg8 : memref<40x128xi32, #tpu.memory_space<vmem>>) target_semaphore(%run_scoped3A : memref<!tpu.dma_semaphore, #tpu.memory_space<semaphore_mem>>)
      %dma_wait3A_108 = arith.constant 0 : i32
      %dma_wait3A_109 = tpu.memref_slice %arg4[%add3A_19, %dma_wait3A_108] : memref<2560x128xi32, #tpu.memory_space<hbm>> -> memref<40x128xi32, #tpu.memory_space<hbm>>
      %dma_wait3A_110 = arith.constant 0 : i32
      %dma_wait3A_111 = tpu.memref_slice %arg4[%add3A_19, %dma_wait3A_110] : memref<2560x128xi32, #tpu.memory_space<hbm>> -> memref<40x128xi32, #tpu.memory_space<hbm>>
      tpu.wait_dma2 semaphore(%run_scoped3A : memref<!tpu.dma_semaphore, #tpu.memory_space<semaphore_mem>>) src(%dma_wait3A_111 : memref<40x128xi32, #tpu.memory_space<hbm>>) dst(%arg8 : memref<40x128xi32, #tpu.memory_space<vmem>>)
      tpu.yield
    }) : () -> ()
    %scan3A_20 = arith.constant 0 : i32
    %scan3A_21 = arith.constant 20 : i32
    %scan3A_22 = arith.addi %scan3A_20, %scan3A_21 : i32
    %scan3A_23 = arith.constant 1 : i32
    scf.for %scan3A_105 = %scan3A_20 to %scan3A_22 step %scan3A_23  : i32 {
      %mul3A_106 = arith.constant 1 : i32
      %mul3A_107 = arith.muli %scan3A_105, %mul3A_106 : i32
      %add3A_108 = arith.constant 0 : i32
      %add3A_109 = arith.addi %add3A_108, %mul3A_107 : i32
      %mul3A_110 = arith.constant 2 : i32
      %mul3A_111 = arith.muli %add3A_109, %mul3A_110 : i32
      %gt3A = arith.constant 0 : i32
      %gt3A_112 = arith.cmpi sgt, %add3A_109, %gt3A : i32
      %convert_element_type3A_113 = arith.extui %gt3A_112 : i1 to i32
      %cond3A_114 = arith.constant 0 : i32
      %cond3A_115 = arith.cmpi ne, %convert_element_type3A_113, %cond3A_114 : i32
      scf.if %cond3A_115 {
        %add3A_216 = arith.constant 0 : i32
        %add3A_217 = arith.addi %mul3A_111, %add3A_216 : i32
        %dma_wait3A_218 = arith.constant 0 : i32
        %dma_wait3A_219 = arith.constant 0 : i32
        %dma_wait3A_220 = arith.constant 0 : i32
        %dma_wait3A_221 = arith.constant 0 : i32
        %dma_wait3A_222 = tpu.memref_slice %arg9[%dma_wait3A_218, %dma_wait3A_220, %dma_wait3A_221] : memref<2x128x128xf32, #tpu.memory_space<vmem>> -> memref<1x128x128xf32, #tpu.memory_space<vmem>>
        %dma_wait3A_223 = tpu.memref_squeeze %dma_wait3A_222 : memref<1x128x128xf32, #tpu.memory_space<vmem>> -> memref<128x128xf32, #tpu.memory_space<vmem>>
        %dma_wait3A_224 = arith.constant 0 : i32
        %dma_wait3A_225 = tpu.memref_slice %arg8[%add3A_217, %dma_wait3A_224] : memref<40x128xi32, #tpu.memory_space<vmem>> -> memref<1x128xi32, #tpu.memory_space<vmem>>
        %dma_wait3A_226 = tpu.memref_squeeze %dma_wait3A_225 : memref<1x128xi32, #tpu.memory_space<vmem>> -> memref<128xi32, #tpu.memory_space<vmem>>
        %dma_wait3A_227 = arith.constant 0 : i32
        %dma_wait3A_228 = arith.constant 0 : i32
        %dma_wait3A_229 = tpu.memref_slice %arg10[%dma_wait3A_227, %dma_wait3A_228] : memref<10240x128xf32, #tpu.memory_space<vmem_shared>> -> memref<10240x128xf32, #tpu.memory_space<vmem_shared>>
        %dma_wait3A_230 = tpu.memref_slice %arg12[%dma_wait3A_219] : memref<2x!tpu.dma_semaphore, #tpu.memory_space<semaphore_mem>> -> memref<1x!tpu.dma_semaphore, #tpu.memory_space<semaphore_mem>>
        %dma_wait3A_231 = tpu.memref_squeeze %dma_wait3A_230 : memref<1x!tpu.dma_semaphore, #tpu.memory_space<semaphore_mem>> -> memref<!tpu.dma_semaphore, #tpu.memory_space<semaphore_mem>>
        tpu.wait_indirect_dma semaphore(%dma_wait3A_231 : memref<!tpu.dma_semaphore, #tpu.memory_space<semaphore_mem>>) src(%dma_wait3A_223 : memref<128x128xf32, #tpu.memory_space<vmem>>) dst(%dma_wait3A_229 : memref<10240x128xf32, #tpu.memory_space<vmem_shared>>)
      } else {
      }
      %add3A_116 = arith.constant 0 : i32
      %add3A_117 = arith.addi %mul3A_111, %add3A_116 : i32
      %dma_start3A = arith.constant 0 : i32
      %dma_start3A_118 = arith.constant 0 : i32
      %dma_start3A_119 = arith.constant 0 : i32
      %dma_start3A_120 = arith.constant 0 : i32
      %dma_start3A_121 = tpu.memref_slice %arg9[%dma_start3A, %dma_start3A_119, %dma_start3A_120] : memref<2x128x128xf32, #tpu.memory_space<vmem>> -> memref<1x128x128xf32, #tpu.memory_space<vmem>>
      %dma_start3A_122 = tpu.memref_squeeze %dma_start3A_121 : memref<1x128x128xf32, #tpu.memory_space<vmem>> -> memref<128x128xf32, #tpu.memory_space<vmem>>
      %dma_start3A_123 = arith.constant 0 : i32
      %dma_start3A_124 = tpu.memref_slice %arg7[%add3A_117, %dma_start3A_123] : memref<40x128xi32, #tpu.memory_space<vmem>> -> memref<1x128xi32, #tpu.memory_space<vmem>>
      %dma_start3A_125 = tpu.memref_squeeze %dma_start3A_124 : memref<1x128xi32, #tpu.memory_space<vmem>> -> memref<128xi32, #tpu.memory_space<vmem>>
      %dma_start3A_126 = arith.constant 0 : i32
      %dma_start3A_127 = arith.constant 0 : i32
      %dma_start3A_128 = tpu.memref_slice %arg2[%dma_start3A_126, %dma_start3A_127] : memref<10000x128xf32, #tpu.memory_space<hbm>> -> memref<10000x128xf32, #tpu.memory_space<hbm>>
      %dma_start3A_129 = tpu.memref_slice %arg11[%dma_start3A_118] : memref<2x!tpu.dma_semaphore, #tpu.memory_space<semaphore_mem>> -> memref<1x!tpu.dma_semaphore, #tpu.memory_space<semaphore_mem>>
      %dma_start3A_130 = tpu.memref_squeeze %dma_start3A_129 : memref<1x!tpu.dma_semaphore, #tpu.memory_space<semaphore_mem>> -> memref<!tpu.dma_semaphore, #tpu.memory_space<semaphore_mem>>
      tpu.enqueue_indirect_dma source(%dma_start3A_128 : memref<10000x128xf32, #tpu.memory_space<hbm>>) target(%dma_start3A_122 : memref<128x128xf32, #tpu.memory_space<vmem>>) offsets(%dma_start3A_125 : memref<128xi32, #tpu.memory_space<vmem>>) semaphore(%dma_start3A_130 : memref<!tpu.dma_semaphore, #tpu.memory_space<semaphore_mem>>)
      %gt3A_131 = arith.constant 0 : i32
      %gt3A_132 = arith.cmpi sgt, %add3A_109, %gt3A_131 : i32
      %convert_element_type3A_133 = arith.extui %gt3A_132 : i1 to i32
      %cond3A_134 = arith.constant 0 : i32
      %cond3A_135 = arith.cmpi ne, %convert_element_type3A_133, %cond3A_134 : i32
      scf.if %cond3A_135 {
        %add3A_216 = arith.constant 1 : i32
        %add3A_217 = arith.addi %mul3A_111, %add3A_216 : i32
        %dma_wait3A_218 = arith.constant 1 : i32
        %dma_wait3A_219 = arith.constant 1 : i32
        %dma_wait3A_220 = arith.constant 0 : i32
        %dma_wait3A_221 = arith.constant 0 : i32
        %dma_wait3A_222 = tpu.memref_slice %arg9[%dma_wait3A_218, %dma_wait3A_220, %dma_wait3A_221] : memref<2x128x128xf32, #tpu.memory_space<vmem>> -> memref<1x128x128xf32, #tpu.memory_space<vmem>>
        %dma_wait3A_223 = tpu.memref_squeeze %dma_wait3A_222 : memref<1x128x128xf32, #tpu.memory_space<vmem>> -> memref<128x128xf32, #tpu.memory_space<vmem>>
        %dma_wait3A_224 = arith.constant 0 : i32
        %dma_wait3A_225 = tpu.memref_slice %arg8[%add3A_217, %dma_wait3A_224] : memref<40x128xi32, #tpu.memory_space<vmem>> -> memref<1x128xi32, #tpu.memory_space<vmem>>
        %dma_wait3A_226 = tpu.memref_squeeze %dma_wait3A_225 : memref<1x128xi32, #tpu.memory_space<vmem>> -> memref<128xi32, #tpu.memory_space<vmem>>
        %dma_wait3A_227 = arith.constant 0 : i32
        %dma_wait3A_228 = arith.constant 0 : i32
        %dma_wait3A_229 = tpu.memref_slice %arg10[%dma_wait3A_227, %dma_wait3A_228] : memref<10240x128xf32, #tpu.memory_space<vmem_shared>> -> memref<10240x128xf32, #tpu.memory_space<vmem_shared>>
        %dma_wait3A_230 = tpu.memref_slice %arg12[%dma_wait3A_219] : memref<2x!tpu.dma_semaphore, #tpu.memory_space<semaphore_mem>> -> memref<1x!tpu.dma_semaphore, #tpu.memory_space<semaphore_mem>>
        %dma_wait3A_231 = tpu.memref_squeeze %dma_wait3A_230 : memref<1x!tpu.dma_semaphore, #tpu.memory_space<semaphore_mem>> -> memref<!tpu.dma_semaphore, #tpu.memory_space<semaphore_mem>>
        tpu.wait_indirect_dma semaphore(%dma_wait3A_231 : memref<!tpu.dma_semaphore, #tpu.memory_space<semaphore_mem>>) src(%dma_wait3A_223 : memref<128x128xf32, #tpu.memory_space<vmem>>) dst(%dma_wait3A_229 : memref<10240x128xf32, #tpu.memory_space<vmem_shared>>)
      } else {
      }
      %add3A_136 = arith.constant 1 : i32
      %add3A_137 = arith.addi %mul3A_111, %add3A_136 : i32
      %dma_start3A_138 = arith.constant 1 : i32
      %dma_start3A_139 = arith.constant 1 : i32
      %dma_start3A_140 = arith.constant 0 : i32
      %dma_start3A_141 = arith.constant 0 : i32
      %dma_start3A_142 = tpu.memref_slice %arg9[%dma_start3A_138, %dma_start3A_140, %dma_start3A_141] : memref<2x128x128xf32, #tpu.memory_space<vmem>> -> memref<1x128x128xf32, #tpu.memory_space<vmem>>
      %dma_start3A_143 = tpu.memref_squeeze %dma_start3A_142 : memref<1x128x128xf32, #tpu.memory_space<vmem>> -> memref<128x128xf32, #tpu.memory_space<vmem>>
      %dma_start3A_144 = arith.constant 0 : i32
      %dma_start3A_145 = tpu.memref_slice %arg7[%add3A_137, %dma_start3A_144] : memref<40x128xi32, #tpu.memory_space<vmem>> -> memref<1x128xi32, #tpu.memory_space<vmem>>
      %dma_start3A_146 = tpu.memref_squeeze %dma_start3A_145 : memref<1x128xi32, #tpu.memory_space<vmem>> -> memref<128xi32, #tpu.memory_space<vmem>>
      %dma_start3A_147 = arith.constant 0 : i32
      %dma_start3A_148 = arith.constant 0 : i32
      %dma_start3A_149 = tpu.memref_slice %arg2[%dma_start3A_147, %dma_start3A_148] : memref<10000x128xf32, #tpu.memory_space<hbm>> -> memref<10000x128xf32, #tpu.memory_space<hbm>>
      %dma_start3A_150 = tpu.memref_slice %arg11[%dma_start3A_139] : memref<2x!tpu.dma_semaphore, #tpu.memory_space<semaphore_mem>> -> memref<1x!tpu.dma_semaphore, #tpu.memory_space<semaphore_mem>>
      %dma_start3A_151 = tpu.memref_squeeze %dma_start3A_150 : memref<1x!tpu.dma_semaphore, #tpu.memory_space<semaphore_mem>> -> memref<!tpu.dma_semaphore, #tpu.memory_space<semaphore_mem>>
      tpu.enqueue_indirect_dma source(%dma_start3A_149 : memref<10000x128xf32, #tpu.memory_space<hbm>>) target(%dma_start3A_143 : memref<128x128xf32, #tpu.memory_space<vmem>>) offsets(%dma_start3A_146 : memref<128xi32, #tpu.memory_space<vmem>>) semaphore(%dma_start3A_151 : memref<!tpu.dma_semaphore, #tpu.memory_space<semaphore_mem>>)
      %add3A_152 = arith.constant 0 : i32
      %add3A_153 = arith.addi %mul3A_111, %add3A_152 : i32
      %dma_wait3A_154 = arith.constant 0 : i32
      %dma_wait3A_155 = arith.constant 0 : i32
      %dma_wait3A_156 = arith.constant 0 : i32
      %dma_wait3A_157 = arith.constant 0 : i32
      %dma_wait3A_158 = tpu.memref_slice %arg9[%dma_wait3A_154, %dma_wait3A_156, %dma_wait3A_157] : memref<2x128x128xf32, #tpu.memory_space<vmem>> -> memref<1x128x128xf32, #tpu.memory_space<vmem>>
      %dma_wait3A_159 = tpu.memref_squeeze %dma_wait3A_158 : memref<1x128x128xf32, #tpu.memory_space<vmem>> -> memref<128x128xf32, #tpu.memory_space<vmem>>
      %dma_wait3A_160 = arith.constant 0 : i32
      %dma_wait3A_161 = tpu.memref_slice %arg7[%add3A_153, %dma_wait3A_160] : memref<40x128xi32, #tpu.memory_space<vmem>> -> memref<1x128xi32, #tpu.memory_space<vmem>>
      %dma_wait3A_162 = tpu.memref_squeeze %dma_wait3A_161 : memref<1x128xi32, #tpu.memory_space<vmem>> -> memref<128xi32, #tpu.memory_space<vmem>>
      %dma_wait3A_163 = arith.constant 0 : i32
      %dma_wait3A_164 = arith.constant 0 : i32
      %dma_wait3A_165 = tpu.memref_slice %arg2[%dma_wait3A_163, %dma_wait3A_164] : memref<10000x128xf32, #tpu.memory_space<hbm>> -> memref<10000x128xf32, #tpu.memory_space<hbm>>
      %dma_wait3A_166 = tpu.memref_slice %arg11[%dma_wait3A_155] : memref<2x!tpu.dma_semaphore, #tpu.memory_space<semaphore_mem>> -> memref<1x!tpu.dma_semaphore, #tpu.memory_space<semaphore_mem>>
      %dma_wait3A_167 = tpu.memref_squeeze %dma_wait3A_166 : memref<1x!tpu.dma_semaphore, #tpu.memory_space<semaphore_mem>> -> memref<!tpu.dma_semaphore, #tpu.memory_space<semaphore_mem>>
      tpu.wait_indirect_dma semaphore(%dma_wait3A_167 : memref<!tpu.dma_semaphore, #tpu.memory_space<semaphore_mem>>) src(%dma_wait3A_165 : memref<10000x128xf32, #tpu.memory_space<hbm>>) dst(%dma_wait3A_159 : memref<128x128xf32, #tpu.memory_space<vmem>>)
      %add3A_168 = arith.constant 0 : i32
      %add3A_169 = arith.addi %mul3A_111, %add3A_168 : i32
      %dma_start3A_170 = arith.constant 0 : i32
      %dma_start3A_171 = arith.constant 0 : i32
      %dma_start3A_172 = arith.constant 0 : i32
      %dma_start3A_173 = arith.constant 0 : i32
      %dma_start3A_174 = tpu.memref_slice %arg9[%dma_start3A_170, %dma_start3A_172, %dma_start3A_173] : memref<2x128x128xf32, #tpu.memory_space<vmem>> -> memref<1x128x128xf32, #tpu.memory_space<vmem>>
      %dma_start3A_175 = tpu.memref_squeeze %dma_start3A_174 : memref<1x128x128xf32, #tpu.memory_space<vmem>> -> memref<128x128xf32, #tpu.memory_space<vmem>>
      %dma_start3A_176 = arith.constant 0 : i32
      %dma_start3A_177 = tpu.memref_slice %arg8[%add3A_169, %dma_start3A_176] : memref<40x128xi32, #tpu.memory_space<vmem>> -> memref<1x128xi32, #tpu.memory_space<vmem>>
      %dma_start3A_178 = tpu.memref_squeeze %dma_start3A_177 : memref<1x128xi32, #tpu.memory_space<vmem>> -> memref<128xi32, #tpu.memory_space<vmem>>
      %dma_start3A_179 = arith.constant 0 : i32
      %dma_start3A_180 = arith.constant 0 : i32
      %dma_start3A_181 = tpu.memref_slice %arg10[%dma_start3A_179, %dma_start3A_180] : memref<10240x128xf32, #tpu.memory_space<vmem_shared>> -> memref<10240x128xf32, #tpu.memory_space<vmem_shared>>
      %dma_start3A_182 = tpu.memref_slice %arg12[%dma_start3A_171] : memref<2x!tpu.dma_semaphore, #tpu.memory_space<semaphore_mem>> -> memref<1x!tpu.dma_semaphore, #tpu.memory_space<semaphore_mem>>
      %dma_start3A_183 = tpu.memref_squeeze %dma_start3A_182 : memref<1x!tpu.dma_semaphore, #tpu.memory_space<semaphore_mem>> -> memref<!tpu.dma_semaphore, #tpu.memory_space<semaphore_mem>>
      tpu.enqueue_indirect_dma source(%dma_start3A_175 : memref<128x128xf32, #tpu.memory_space<vmem>>) target(%dma_start3A_181 : memref<10240x128xf32, #tpu.memory_space<vmem_shared>>) offsets(%dma_start3A_178 : memref<128xi32, #tpu.memory_space<vmem>>) semaphore(%dma_start3A_183 : memref<!tpu.dma_semaphore, #tpu.memory_space<semaphore_mem>>) {add = true}
      %add3A_184 = arith.constant 1 : i32
      %add3A_185 = arith.addi %mul3A_111, %add3A_184 : i32
      %dma_wait3A_186 = arith.constant 1 : i32
      %dma_wait3A_187 = arith.constant 1 : i32
      %dma_wait3A_188 = arith.constant 0 : i32
      %dma_wait3A_189 = arith.constant 0 : i32
      %dma_wait3A_190 = tpu.memref_slice %arg9[%dma_wait3A_186, %dma_wait3A_188, %dma_wait3A_189] : memref<2x128x128xf32, #tpu.memory_space<vmem>> -> memref<1x128x128xf32, #tpu.memory_space<vmem>>
      %dma_wait3A_191 = tpu.memref_squeeze %dma_wait3A_190 : memref<1x128x128xf32, #tpu.memory_space<vmem>> -> memref<128x128xf32, #tpu.memory_space<vmem>>
      %dma_wait3A_192 = arith.constant 0 : i32
      %dma_wait3A_193 = tpu.memref_slice %arg7[%add3A_185, %dma_wait3A_192] : memref<40x128xi32, #tpu.memory_space<vmem>> -> memref<1x128xi32, #tpu.memory_space<vmem>>
      %dma_wait3A_194 = tpu.memref_squeeze %dma_wait3A_193 : memref<1x128xi32, #tpu.memory_space<vmem>> -> memref<128xi32, #tpu.memory_space<vmem>>
      %dma_wait3A_195 = arith.constant 0 : i32
      %dma_wait3A_196 = arith.constant 0 : i32
      %dma_wait3A_197 = tpu.memref_slice %arg2[%dma_wait3A_195, %dma_wait3A_196] : memref<10000x128xf32, #tpu.memory_space<hbm>> -> memref<10000x128xf32, #tpu.memory_space<hbm>>
      %dma_wait3A_198 = tpu.memref_slice %arg11[%dma_wait3A_187] : memref<2x!tpu.dma_semaphore, #tpu.memory_space<semaphore_mem>> -> memref<1x!tpu.dma_semaphore, #tpu.memory_space<semaphore_mem>>
      %dma_wait3A_199 = tpu.memref_squeeze %dma_wait3A_198 : memref<1x!tpu.dma_semaphore, #tpu.memory_space<semaphore_mem>> -> memref<!tpu.dma_semaphore, #tpu.memory_space<semaphore_mem>>
      tpu.wait_indirect_dma semaphore(%dma_wait3A_199 : memref<!tpu.dma_semaphore, #tpu.memory_space<semaphore_mem>>) src(%dma_wait3A_197 : memref<10000x128xf32, #tpu.memory_space<hbm>>) dst(%dma_wait3A_191 : memref<128x128xf32, #tpu.memory_space<vmem>>)
      %add3A_200 = arith.constant 1 : i32
      %add3A_201 = arith.addi %mul3A_111, %add3A_200 : i32
      %dma_start3A_202 = arith.constant 1 : i32
      %dma_start3A_203 = arith.constant 1 : i32
      %dma_start3A_204 = arith.constant 0 : i32
      %dma_start3A_205 = arith.constant 0 : i32
      %dma_start3A_206 = tpu.memref_slice %arg9[%dma_start3A_202, %dma_start3A_204, %dma_start3A_205] : memref<2x128x128xf32, #tpu.memory_space<vmem>> -> memref<1x128x128xf32, #tpu.memory_space<vmem>>
      %dma_start3A_207 = tpu.memref_squeeze %dma_start3A_206 : memref<1x128x128xf32, #tpu.memory_space<vmem>> -> memref<128x128xf32, #tpu.memory_space<vmem>>
      %dma_start3A_208 = arith.constant 0 : i32
      %dma_start3A_209 = tpu.memref_slice %arg8[%add3A_201, %dma_start3A_208] : memref<40x128xi32, #tpu.memory_space<vmem>> -> memref<1x128xi32, #tpu.memory_space<vmem>>
      %dma_start3A_210 = tpu.memref_squeeze %dma_start3A_209 : memref<1x128xi32, #tpu.memory_space<vmem>> -> memref<128xi32, #tpu.memory_space<vmem>>
      %dma_start3A_211 = arith.constant 0 : i32
      %dma_start3A_212 = arith.constant 0 : i32
      %dma_start3A_213 = tpu.memref_slice %arg10[%dma_start3A_211, %dma_start3A_212] : memref<10240x128xf32, #tpu.memory_space<vmem_shared>> -> memref<10240x128xf32, #tpu.memory_space<vmem_shared>>
      %dma_start3A_214 = tpu.memref_slice %arg12[%dma_start3A_203] : memref<2x!tpu.dma_semaphore, #tpu.memory_space<semaphore_mem>> -> memref<1x!tpu.dma_semaphore, #tpu.memory_space<semaphore_mem>>
      %dma_start3A_215 = tpu.memref_squeeze %dma_start3A_214 : memref<1x!tpu.dma_semaphore, #tpu.memory_space<semaphore_mem>> -> memref<!tpu.dma_semaphore, #tpu.memory_space<semaphore_mem>>
      tpu.enqueue_indirect_dma source(%dma_start3A_207 : memref<128x128xf32, #tpu.memory_space<vmem>>) target(%dma_start3A_213 : memref<10240x128xf32, #tpu.memory_space<vmem_shared>>) offsets(%dma_start3A_210 : memref<128xi32, #tpu.memory_space<vmem>>) semaphore(%dma_start3A_215 : memref<!tpu.dma_semaphore, #tpu.memory_space<semaphore_mem>>) {add = true}
    }
    %scan3A_24 = arith.constant 20 : i32
    %dma_wait3A = arith.constant 0 : i32
    %dma_wait3A_25 = arith.constant 0 : i32
    %dma_wait3A_26 = arith.constant 0 : i32
    %dma_wait3A_27 = arith.constant 0 : i32
    %dma_wait3A_28 = arith.constant 0 : i32
    %dma_wait3A_29 = tpu.memref_slice %arg9[%dma_wait3A, %dma_wait3A_27, %dma_wait3A_28] : memref<2x128x128xf32, #tpu.memory_space<vmem>> -> memref<1x128x128xf32, #tpu.memory_space<vmem>>
    %dma_wait3A_30 = tpu.memref_squeeze %dma_wait3A_29 : memref<1x128x128xf32, #tpu.memory_space<vmem>> -> memref<128x128xf32, #tpu.memory_space<vmem>>
    %dma_wait3A_31 = arith.constant 0 : i32
    %dma_wait3A_32 = tpu.memref_slice %arg8[%dma_wait3A_25, %dma_wait3A_31] : memref<40x128xi32, #tpu.memory_space<vmem>> -> memref<1x128xi32, #tpu.memory_space<vmem>>
    %dma_wait3A_33 = tpu.memref_squeeze %dma_wait3A_32 : memref<1x128xi32, #tpu.memory_space<vmem>> -> memref<128xi32, #tpu.memory_space<vmem>>
    %dma_wait3A_34 = arith.constant 0 : i32
    %dma_wait3A_35 = arith.constant 0 : i32
    %dma_wait3A_36 = tpu.memref_slice %arg10[%dma_wait3A_34, %dma_wait3A_35] : memref<10240x128xf32, #tpu.memory_space<vmem_shared>> -> memref<10240x128xf32, #tpu.memory_space<vmem_shared>>
    %dma_wait3A_37 = tpu.memref_slice %arg12[%dma_wait3A_26] : memref<2x!tpu.dma_semaphore, #tpu.memory_space<semaphore_mem>> -> memref<1x!tpu.dma_semaphore, #tpu.memory_space<semaphore_mem>>
    %dma_wait3A_38 = tpu.memref_squeeze %dma_wait3A_37 : memref<1x!tpu.dma_semaphore, #tpu.memory_space<semaphore_mem>> -> memref<!tpu.dma_semaphore, #tpu.memory_space<semaphore_mem>>
    tpu.wait_indirect_dma semaphore(%dma_wait3A_38 : memref<!tpu.dma_semaphore, #tpu.memory_space<semaphore_mem>>) src(%dma_wait3A_30 : memref<128x128xf32, #tpu.memory_space<vmem>>) dst(%dma_wait3A_36 : memref<10240x128xf32, #tpu.memory_space<vmem_shared>>)
    %dma_wait3A_39 = arith.constant 1 : i32
    %dma_wait3A_40 = arith.constant 1 : i32
    %dma_wait3A_41 = arith.constant 1 : i32
    %dma_wait3A_42 = arith.constant 0 : i32
    %dma_wait3A_43 = arith.constant 0 : i32
    %dma_wait3A_44 = tpu.memref_slice %arg9[%dma_wait3A_39, %dma_wait3A_42, %dma_wait3A_43] : memref<2x128x128xf32, #tpu.memory_space<vmem>> -> memref<1x128x128xf32, #tpu.memory_space<vmem>>
    %dma_wait3A_45 = tpu.memref_squeeze %dma_wait3A_44 : memref<1x128x128xf32, #tpu.memory_space<vmem>> -> memref<128x128xf32, #tpu.memory_space<vmem>>
    %dma_wait3A_46 = arith.constant 0 : i32
    %dma_wait3A_47 = tpu.memref_slice %arg8[%dma_wait3A_40, %dma_wait3A_46] : memref<40x128xi32, #tpu.memory_space<vmem>> -> memref<1x128xi32, #tpu.memory_space<vmem>>
    %dma_wait3A_48 = tpu.memref_squeeze %dma_wait3A_47 : memref<1x128xi32, #tpu.memory_space<vmem>> -> memref<128xi32, #tpu.memory_space<vmem>>
    %dma_wait3A_49 = arith.constant 0 : i32
    %dma_wait3A_50 = arith.constant 0 : i32
    %dma_wait3A_51 = tpu.memref_slice %arg10[%dma_wait3A_49, %dma_wait3A_50] : memref<10240x128xf32, #tpu.memory_space<vmem_shared>> -> memref<10240x128xf32, #tpu.memory_space<vmem_shared>>
    %dma_wait3A_52 = tpu.memref_slice %arg12[%dma_wait3A_41] : memref<2x!tpu.dma_semaphore, #tpu.memory_space<semaphore_mem>> -> memref<1x!tpu.dma_semaphore, #tpu.memory_space<semaphore_mem>>
    %dma_wait3A_53 = tpu.memref_squeeze %dma_wait3A_52 : memref<1x!tpu.dma_semaphore, #tpu.memory_space<semaphore_mem>> -> memref<!tpu.dma_semaphore, #tpu.memory_space<semaphore_mem>>
    tpu.wait_indirect_dma semaphore(%dma_wait3A_53 : memref<!tpu.dma_semaphore, #tpu.memory_space<semaphore_mem>>) src(%dma_wait3A_45 : memref<128x128xf32, #tpu.memory_space<vmem>>) dst(%dma_wait3A_51 : memref<10240x128xf32, #tpu.memory_space<vmem_shared>>)
    %mul3A_54 = arith.constant 80 : i32
    %mul3A_55 = arith.muli %add3A, %mul3A_54 : i32
    %add3A_56 = arith.constant 40 : i32
    %add3A_57 = arith.addi %mul3A_55, %add3A_56 : i32
    "tpu.region"() ({
      %run_scoped3A = tpu.sem_alloc : memref<!tpu.dma_semaphore, #tpu.memory_space<semaphore_mem>>
      %dma_start3A = arith.constant 0 : i32
      %dma_start3A_105 = tpu.memref_slice %arg3[%add3A_57, %dma_start3A] : memref<2560x128xi32, #tpu.memory_space<hbm>> -> memref<40x128xi32, #tpu.memory_space<hbm>>
      %dma_start3A_106 = arith.constant 0 : i32
      %dma_start3A_107 = tpu.memref_slice %arg3[%add3A_57, %dma_start3A_106] : memref<2560x128xi32, #tpu.memory_space<hbm>> -> memref<40x128xi32, #tpu.memory_space<hbm>>
      tpu.enqueue_dma source(%dma_start3A_107 : memref<40x128xi32, #tpu.memory_space<hbm>>) target(%arg7 : memref<40x128xi32, #tpu.memory_space<vmem>>) target_semaphore(%run_scoped3A : memref<!tpu.dma_semaphore, #tpu.memory_space<semaphore_mem>>)
      %dma_wait3A_108 = arith.constant 0 : i32
      %dma_wait3A_109 = tpu.memref_slice %arg3[%add3A_57, %dma_wait3A_108] : memref<2560x128xi32, #tpu.memory_space<hbm>> -> memref<40x128xi32, #tpu.memory_space<hbm>>
      %dma_wait3A_110 = arith.constant 0 : i32
      %dma_wait3A_111 = tpu.memref_slice %arg3[%add3A_57, %dma_wait3A_110] : memref<2560x128xi32, #tpu.memory_space<hbm>> -> memref<40x128xi32, #tpu.memory_space<hbm>>
      tpu.wait_dma2 semaphore(%run_scoped3A : memref<!tpu.dma_semaphore, #tpu.memory_space<semaphore_mem>>) src(%dma_wait3A_111 : memref<40x128xi32, #tpu.memory_space<hbm>>) dst(%arg7 : memref<40x128xi32, #tpu.memory_space<vmem>>)
      tpu.yield
    }) : () -> ()
    %mul3A_58 = arith.constant 80 : i32
    %mul3A_59 = arith.muli %add3A, %mul3A_58 : i32
    %add3A_60 = arith.constant 40 : i32
    %add3A_61 = arith.addi %mul3A_59, %add3A_60 : i32
    "tpu.region"() ({
      %run_scoped3A = tpu.sem_alloc : memref<!tpu.dma_semaphore, #tpu.memory_space<semaphore_mem>>
      %dma_start3A = arith.constant 0 : i32
      %dma_start3A_105 = tpu.memref_slice %arg4[%add3A_61, %dma_start3A] : memref<2560x128xi32, #tpu.memory_space<hbm>> -> memref<40x128xi32, #tpu.memory_space<hbm>>
      %dma_start3A_106 = arith.constant 0 : i32
      %dma_start3A_107 = tpu.memref_slice %arg4[%add3A_61, %dma_start3A_106] : memref<2560x128xi32, #tpu.memory_space<hbm>> -> memref<40x128xi32, #tpu.memory_space<hbm>>
      tpu.enqueue_dma source(%dma_start3A_107 : memref<40x128xi32, #tpu.memory_space<hbm>>) target(%arg8 : memref<40x128xi32, #tpu.memory_space<vmem>>) target_semaphore(%run_scoped3A : memref<!tpu.dma_semaphore, #tpu.memory_space<semaphore_mem>>)
      %dma_wait3A_108 = arith.constant 0 : i32
      %dma_wait3A_109 = tpu.memref_slice %arg4[%add3A_61, %dma_wait3A_108] : memref<2560x128xi32, #tpu.memory_space<hbm>> -> memref<40x128xi32, #tpu.memory_space<hbm>>
      %dma_wait3A_110 = arith.constant 0 : i32
      %dma_wait3A_111 = tpu.memref_slice %arg4[%add3A_61, %dma_wait3A_110] : memref<2560x128xi32, #tpu.memory_space<hbm>> -> memref<40x128xi32, #tpu.memory_space<hbm>>
      tpu.wait_dma2 semaphore(%run_scoped3A : memref<!tpu.dma_semaphore, #tpu.memory_space<semaphore_mem>>) src(%dma_wait3A_111 : memref<40x128xi32, #tpu.memory_space<hbm>>) dst(%arg8 : memref<40x128xi32, #tpu.memory_space<vmem>>)
      tpu.yield
    }) : () -> ()
    %scan3A_62 = arith.constant 0 : i32
    %scan3A_63 = arith.constant 20 : i32
    %scan3A_64 = arith.addi %scan3A_62, %scan3A_63 : i32
    %scan3A_65 = arith.constant 1 : i32
    scf.for %scan3A_105 = %scan3A_62 to %scan3A_64 step %scan3A_65  : i32 {
      %mul3A_106 = arith.constant 1 : i32
      %mul3A_107 = arith.muli %scan3A_105, %mul3A_106 : i32
      %add3A_108 = arith.constant 0 : i32
      %add3A_109 = arith.addi %add3A_108, %mul3A_107 : i32
      %mul3A_110 = arith.constant 2 : i32
      %mul3A_111 = arith.muli %add3A_109, %mul3A_110 : i32
      %gt3A = arith.constant 0 : i32
      %gt3A_112 = arith.cmpi sgt, %add3A_109, %gt3A : i32
      %convert_element_type3A_113 = arith.extui %gt3A_112 : i1 to i32
      %cond3A_114 = arith.constant 0 : i32
      %cond3A_115 = arith.cmpi ne, %convert_element_type3A_113, %cond3A_114 : i32
      scf.if %cond3A_115 {
        %add3A_216 = arith.constant 0 : i32
        %add3A_217 = arith.addi %mul3A_111, %add3A_216 : i32
        %dma_wait3A_218 = arith.constant 0 : i32
        %dma_wait3A_219 = arith.constant 0 : i32
        %dma_wait3A_220 = arith.constant 0 : i32
        %dma_wait3A_221 = arith.constant 0 : i32
        %dma_wait3A_222 = tpu.memref_slice %arg9[%dma_wait3A_218, %dma_wait3A_220, %dma_wait3A_221] : memref<2x128x128xf32, #tpu.memory_space<vmem>> -> memref<1x128x128xf32, #tpu.memory_space<vmem>>
        %dma_wait3A_223 = tpu.memref_squeeze %dma_wait3A_222 : memref<1x128x128xf32, #tpu.memory_space<vmem>> -> memref<128x128xf32, #tpu.memory_space<vmem>>
        %dma_wait3A_224 = arith.constant 0 : i32
        %dma_wait3A_225 = tpu.memref_slice %arg8[%add3A_217, %dma_wait3A_224] : memref<40x128xi32, #tpu.memory_space<vmem>> -> memref<1x128xi32, #tpu.memory_space<vmem>>
        %dma_wait3A_226 = tpu.memref_squeeze %dma_wait3A_225 : memref<1x128xi32, #tpu.memory_space<vmem>> -> memref<128xi32, #tpu.memory_space<vmem>>
        %dma_wait3A_227 = arith.constant 0 : i32
        %dma_wait3A_228 = arith.constant 0 : i32
        %dma_wait3A_229 = tpu.memref_slice %arg10[%dma_wait3A_227, %dma_wait3A_228] : memref<10240x128xf32, #tpu.memory_space<vmem_shared>> -> memref<10240x128xf32, #tpu.memory_space<vmem_shared>>
        %dma_wait3A_230 = tpu.memref_slice %arg12[%dma_wait3A_219] : memref<2x!tpu.dma_semaphore, #tpu.memory_space<semaphore_mem>> -> memref<1x!tpu.dma_semaphore, #tpu.memory_space<semaphore_mem>>
        %dma_wait3A_231 = tpu.memref_squeeze %dma_wait3A_230 : memref<1x!tpu.dma_semaphore, #tpu.memory_space<semaphore_mem>> -> memref<!tpu.dma_semaphore, #tpu.memory_space<semaphore_mem>>
        tpu.wait_indirect_dma semaphore(%dma_wait3A_231 : memref<!tpu.dma_semaphore, #tpu.memory_space<semaphore_mem>>) src(%dma_wait3A_223 : memref<128x128xf32, #tpu.memory_space<vmem>>) dst(%dma_wait3A_229 : memref<10240x128xf32, #tpu.memory_space<vmem_shared>>)
      } else {
      }
      %add3A_116 = arith.constant 0 : i32
      %add3A_117 = arith.addi %mul3A_111, %add3A_116 : i32
      %dma_start3A = arith.constant 0 : i32
      %dma_start3A_118 = arith.constant 0 : i32
      %dma_start3A_119 = arith.constant 0 : i32
      %dma_start3A_120 = arith.constant 0 : i32
      %dma_start3A_121 = tpu.memref_slice %arg9[%dma_start3A, %dma_start3A_119, %dma_start3A_120] : memref<2x128x128xf32, #tpu.memory_space<vmem>> -> memref<1x128x128xf32, #tpu.memory_space<vmem>>
      %dma_start3A_122 = tpu.memref_squeeze %dma_start3A_121 : memref<1x128x128xf32, #tpu.memory_space<vmem>> -> memref<128x128xf32, #tpu.memory_space<vmem>>
      %dma_start3A_123 = arith.constant 0 : i32
      %dma_start3A_124 = tpu.memref_slice %arg7[%add3A_117, %dma_start3A_123] : memref<40x128xi32, #tpu.memory_space<vmem>> -> memref<1x128xi32, #tpu.memory_space<vmem>>
      %dma_start3A_125 = tpu.memref_squeeze %dma_start3A_124 : memref<1x128xi32, #tpu.memory_space<vmem>> -> memref<128xi32, #tpu.memory_space<vmem>>
      %dma_start3A_126 = arith.constant 0 : i32
      %dma_start3A_127 = arith.constant 0 : i32
      %dma_start3A_128 = tpu.memref_slice %arg2[%dma_start3A_126, %dma_start3A_127] : memref<10000x128xf32, #tpu.memory_space<hbm>> -> memref<10000x128xf32, #tpu.memory_space<hbm>>
      %dma_start3A_129 = tpu.memref_slice %arg11[%dma_start3A_118] : memref<2x!tpu.dma_semaphore, #tpu.memory_space<semaphore_mem>> -> memref<1x!tpu.dma_semaphore, #tpu.memory_space<semaphore_mem>>
      %dma_start3A_130 = tpu.memref_squeeze %dma_start3A_129 : memref<1x!tpu.dma_semaphore, #tpu.memory_space<semaphore_mem>> -> memref<!tpu.dma_semaphore, #tpu.memory_space<semaphore_mem>>
      tpu.enqueue_indirect_dma source(%dma_start3A_128 : memref<10000x128xf32, #tpu.memory_space<hbm>>) target(%dma_start3A_122 : memref<128x128xf32, #tpu.memory_space<vmem>>) offsets(%dma_start3A_125 : memref<128xi32, #tpu.memory_space<vmem>>) semaphore(%dma_start3A_130 : memref<!tpu.dma_semaphore, #tpu.memory_space<semaphore_mem>>)
      %gt3A_131 = arith.constant 0 : i32
      %gt3A_132 = arith.cmpi sgt, %add3A_109, %gt3A_131 : i32
      %convert_element_type3A_133 = arith.extui %gt3A_132 : i1 to i32
      %cond3A_134 = arith.constant 0 : i32
      %cond3A_135 = arith.cmpi ne, %convert_element_type3A_133, %cond3A_134 : i32
      scf.if %cond3A_135 {
        %add3A_216 = arith.constant 1 : i32
        %add3A_217 = arith.addi %mul3A_111, %add3A_216 : i32
        %dma_wait3A_218 = arith.constant 1 : i32
        %dma_wait3A_219 = arith.constant 1 : i32
        %dma_wait3A_220 = arith.constant 0 : i32
        %dma_wait3A_221 = arith.constant 0 : i32
        %dma_wait3A_222 = tpu.memref_slice %arg9[%dma_wait3A_218, %dma_wait3A_220, %dma_wait3A_221] : memref<2x128x128xf32, #tpu.memory_space<vmem>> -> memref<1x128x128xf32, #tpu.memory_space<vmem>>
        %dma_wait3A_223 = tpu.memref_squeeze %dma_wait3A_222 : memref<1x128x128xf32, #tpu.memory_space<vmem>> -> memref<128x128xf32, #tpu.memory_space<vmem>>
        %dma_wait3A_224 = arith.constant 0 : i32
        %dma_wait3A_225 = tpu.memref_slice %arg8[%add3A_217, %dma_wait3A_224] : memref<40x128xi32, #tpu.memory_space<vmem>> -> memref<1x128xi32, #tpu.memory_space<vmem>>
        %dma_wait3A_226 = tpu.memref_squeeze %dma_wait3A_225 : memref<1x128xi32, #tpu.memory_space<vmem>> -> memref<128xi32, #tpu.memory_space<vmem>>
        %dma_wait3A_227 = arith.constant 0 : i32
        %dma_wait3A_228 = arith.constant 0 : i32
        %dma_wait3A_229 = tpu.memref_slice %arg10[%dma_wait3A_227, %dma_wait3A_228] : memref<10240x128xf32, #tpu.memory_space<vmem_shared>> -> memref<10240x128xf32, #tpu.memory_space<vmem_shared>>
        %dma_wait3A_230 = tpu.memref_slice %arg12[%dma_wait3A_219] : memref<2x!tpu.dma_semaphore, #tpu.memory_space<semaphore_mem>> -> memref<1x!tpu.dma_semaphore, #tpu.memory_space<semaphore_mem>>
        %dma_wait3A_231 = tpu.memref_squeeze %dma_wait3A_230 : memref<1x!tpu.dma_semaphore, #tpu.memory_space<semaphore_mem>> -> memref<!tpu.dma_semaphore, #tpu.memory_space<semaphore_mem>>
        tpu.wait_indirect_dma semaphore(%dma_wait3A_231 : memref<!tpu.dma_semaphore, #tpu.memory_space<semaphore_mem>>) src(%dma_wait3A_223 : memref<128x128xf32, #tpu.memory_space<vmem>>) dst(%dma_wait3A_229 : memref<10240x128xf32, #tpu.memory_space<vmem_shared>>)
      } else {
      }
      %add3A_136 = arith.constant 1 : i32
      %add3A_137 = arith.addi %mul3A_111, %add3A_136 : i32
      %dma_start3A_138 = arith.constant 1 : i32
      %dma_start3A_139 = arith.constant 1 : i32
      %dma_start3A_140 = arith.constant 0 : i32
      %dma_start3A_141 = arith.constant 0 : i32
      %dma_start3A_142 = tpu.memref_slice %arg9[%dma_start3A_138, %dma_start3A_140, %dma_start3A_141] : memref<2x128x128xf32, #tpu.memory_space<vmem>> -> memref<1x128x128xf32, #tpu.memory_space<vmem>>
      %dma_start3A_143 = tpu.memref_squeeze %dma_start3A_142 : memref<1x128x128xf32, #tpu.memory_space<vmem>> -> memref<128x128xf32, #tpu.memory_space<vmem>>
      %dma_start3A_144 = arith.constant 0 : i32
      %dma_start3A_145 = tpu.memref_slice %arg7[%add3A_137, %dma_start3A_144] : memref<40x128xi32, #tpu.memory_space<vmem>> -> memref<1x128xi32, #tpu.memory_space<vmem>>
      %dma_start3A_146 = tpu.memref_squeeze %dma_start3A_145 : memref<1x128xi32, #tpu.memory_space<vmem>> -> memref<128xi32, #tpu.memory_space<vmem>>
      %dma_start3A_147 = arith.constant 0 : i32
      %dma_start3A_148 = arith.constant 0 : i32
      %dma_start3A_149 = tpu.memref_slice %arg2[%dma_start3A_147, %dma_start3A_148] : memref<10000x128xf32, #tpu.memory_space<hbm>> -> memref<10000x128xf32, #tpu.memory_space<hbm>>
      %dma_start3A_150 = tpu.memref_slice %arg11[%dma_start3A_139] : memref<2x!tpu.dma_semaphore, #tpu.memory_space<semaphore_mem>> -> memref<1x!tpu.dma_semaphore, #tpu.memory_space<semaphore_mem>>
      %dma_start3A_151 = tpu.memref_squeeze %dma_start3A_150 : memref<1x!tpu.dma_semaphore, #tpu.memory_space<semaphore_mem>> -> memref<!tpu.dma_semaphore, #tpu.memory_space<semaphore_mem>>
      tpu.enqueue_indirect_dma source(%dma_start3A_149 : memref<10000x128xf32, #tpu.memory_space<hbm>>) target(%dma_start3A_143 : memref<128x128xf32, #tpu.memory_space<vmem>>) offsets(%dma_start3A_146 : memref<128xi32, #tpu.memory_space<vmem>>) semaphore(%dma_start3A_151 : memref<!tpu.dma_semaphore, #tpu.memory_space<semaphore_mem>>)
      %add3A_152 = arith.constant 0 : i32
      %add3A_153 = arith.addi %mul3A_111, %add3A_152 : i32
      %dma_wait3A_154 = arith.constant 0 : i32
      %dma_wait3A_155 = arith.constant 0 : i32
      %dma_wait3A_156 = arith.constant 0 : i32
      %dma_wait3A_157 = arith.constant 0 : i32
      %dma_wait3A_158 = tpu.memref_slice %arg9[%dma_wait3A_154, %dma_wait3A_156, %dma_wait3A_157] : memref<2x128x128xf32, #tpu.memory_space<vmem>> -> memref<1x128x128xf32, #tpu.memory_space<vmem>>
      %dma_wait3A_159 = tpu.memref_squeeze %dma_wait3A_158 : memref<1x128x128xf32, #tpu.memory_space<vmem>> -> memref<128x128xf32, #tpu.memory_space<vmem>>
      %dma_wait3A_160 = arith.constant 0 : i32
      %dma_wait3A_161 = tpu.memref_slice %arg7[%add3A_153, %dma_wait3A_160] : memref<40x128xi32, #tpu.memory_space<vmem>> -> memref<1x128xi32, #tpu.memory_space<vmem>>
      %dma_wait3A_162 = tpu.memref_squeeze %dma_wait3A_161 : memref<1x128xi32, #tpu.memory_space<vmem>> -> memref<128xi32, #tpu.memory_space<vmem>>
      %dma_wait3A_163 = arith.constant 0 : i32
      %dma_wait3A_164 = arith.constant 0 : i32
      %dma_wait3A_165 = tpu.memref_slice %arg2[%dma_wait3A_163, %dma_wait3A_164] : memref<10000x128xf32, #tpu.memory_space<hbm>> -> memref<10000x128xf32, #tpu.memory_space<hbm>>
      %dma_wait3A_166 = tpu.memref_slice %arg11[%dma_wait3A_155] : memref<2x!tpu.dma_semaphore, #tpu.memory_space<semaphore_mem>> -> memref<1x!tpu.dma_semaphore, #tpu.memory_space<semaphore_mem>>
      %dma_wait3A_167 = tpu.memref_squeeze %dma_wait3A_166 : memref<1x!tpu.dma_semaphore, #tpu.memory_space<semaphore_mem>> -> memref<!tpu.dma_semaphore, #tpu.memory_space<semaphore_mem>>
      tpu.wait_indirect_dma semaphore(%dma_wait3A_167 : memref<!tpu.dma_semaphore, #tpu.memory_space<semaphore_mem>>) src(%dma_wait3A_165 : memref<10000x128xf32, #tpu.memory_space<hbm>>) dst(%dma_wait3A_159 : memref<128x128xf32, #tpu.memory_space<vmem>>)
      %add3A_168 = arith.constant 0 : i32
      %add3A_169 = arith.addi %mul3A_111, %add3A_168 : i32
      %dma_start3A_170 = arith.constant 0 : i32
      %dma_start3A_171 = arith.constant 0 : i32
      %dma_start3A_172 = arith.constant 0 : i32
      %dma_start3A_173 = arith.constant 0 : i32
      %dma_start3A_174 = tpu.memref_slice %arg9[%dma_start3A_170, %dma_start3A_172, %dma_start3A_173] : memref<2x128x128xf32, #tpu.memory_space<vmem>> -> memref<1x128x128xf32, #tpu.memory_space<vmem>>
      %dma_start3A_175 = tpu.memref_squeeze %dma_start3A_174 : memref<1x128x128xf32, #tpu.memory_space<vmem>> -> memref<128x128xf32, #tpu.memory_space<vmem>>
      %dma_start3A_176 = arith.constant 0 : i32
      %dma_start3A_177 = tpu.memref_slice %arg8[%add3A_169, %dma_start3A_176] : memref<40x128xi32, #tpu.memory_space<vmem>> -> memref<1x128xi32, #tpu.memory_space<vmem>>
      %dma_start3A_178 = tpu.memref_squeeze %dma_start3A_177 : memref<1x128xi32, #tpu.memory_space<vmem>> -> memref<128xi32, #tpu.memory_space<vmem>>
      %dma_start3A_179 = arith.constant 0 : i32
      %dma_start3A_180 = arith.constant 0 : i32
      %dma_start3A_181 = tpu.memref_slice %arg10[%dma_start3A_179, %dma_start3A_180] : memref<10240x128xf32, #tpu.memory_space<vmem_shared>> -> memref<10240x128xf32, #tpu.memory_space<vmem_shared>>
      %dma_start3A_182 = tpu.memref_slice %arg12[%dma_start3A_171] : memref<2x!tpu.dma_semaphore, #tpu.memory_space<semaphore_mem>> -> memref<1x!tpu.dma_semaphore, #tpu.memory_space<semaphore_mem>>
      %dma_start3A_183 = tpu.memref_squeeze %dma_start3A_182 : memref<1x!tpu.dma_semaphore, #tpu.memory_space<semaphore_mem>> -> memref<!tpu.dma_semaphore, #tpu.memory_space<semaphore_mem>>
      tpu.enqueue_indirect_dma source(%dma_start3A_175 : memref<128x128xf32, #tpu.memory_space<vmem>>) target(%dma_start3A_181 : memref<10240x128xf32, #tpu.memory_space<vmem_shared>>) offsets(%dma_start3A_178 : memref<128xi32, #tpu.memory_space<vmem>>) semaphore(%dma_start3A_183 : memref<!tpu.dma_semaphore, #tpu.memory_space<semaphore_mem>>) {add = true}
      %add3A_184 = arith.constant 1 : i32
      %add3A_185 = arith.addi %mul3A_111, %add3A_184 : i32
      %dma_wait3A_186 = arith.constant 1 : i32
      %dma_wait3A_187 = arith.constant 1 : i32
      %dma_wait3A_188 = arith.constant 0 : i32
      %dma_wait3A_189 = arith.constant 0 : i32
      %dma_wait3A_190 = tpu.memref_slice %arg9[%dma_wait3A_186, %dma_wait3A_188, %dma_wait3A_189] : memref<2x128x128xf32, #tpu.memory_space<vmem>> -> memref<1x128x128xf32, #tpu.memory_space<vmem>>
      %dma_wait3A_191 = tpu.memref_squeeze %dma_wait3A_190 : memref<1x128x128xf32, #tpu.memory_space<vmem>> -> memref<128x128xf32, #tpu.memory_space<vmem>>
      %dma_wait3A_192 = arith.constant 0 : i32
      %dma_wait3A_193 = tpu.memref_slice %arg7[%add3A_185, %dma_wait3A_192] : memref<40x128xi32, #tpu.memory_space<vmem>> -> memref<1x128xi32, #tpu.memory_space<vmem>>
      %dma_wait3A_194 = tpu.memref_squeeze %dma_wait3A_193 : memref<1x128xi32, #tpu.memory_space<vmem>> -> memref<128xi32, #tpu.memory_space<vmem>>
      %dma_wait3A_195 = arith.constant 0 : i32
      %dma_wait3A_196 = arith.constant 0 : i32
      %dma_wait3A_197 = tpu.memref_slice %arg2[%dma_wait3A_195, %dma_wait3A_196] : memref<10000x128xf32, #tpu.memory_space<hbm>> -> memref<10000x128xf32, #tpu.memory_space<hbm>>
      %dma_wait3A_198 = tpu.memref_slice %arg11[%dma_wait3A_187] : memref<2x!tpu.dma_semaphore, #tpu.memory_space<semaphore_mem>> -> memref<1x!tpu.dma_semaphore, #tpu.memory_space<semaphore_mem>>
      %dma_wait3A_199 = tpu.memref_squeeze %dma_wait3A_198 : memref<1x!tpu.dma_semaphore, #tpu.memory_space<semaphore_mem>> -> memref<!tpu.dma_semaphore, #tpu.memory_space<semaphore_mem>>
      tpu.wait_indirect_dma semaphore(%dma_wait3A_199 : memref<!tpu.dma_semaphore, #tpu.memory_space<semaphore_mem>>) src(%dma_wait3A_197 : memref<10000x128xf32, #tpu.memory_space<hbm>>) dst(%dma_wait3A_191 : memref<128x128xf32, #tpu.memory_space<vmem>>)
      %add3A_200 = arith.constant 1 : i32
      %add3A_201 = arith.addi %mul3A_111, %add3A_200 : i32
      %dma_start3A_202 = arith.constant 1 : i32
      %dma_start3A_203 = arith.constant 1 : i32
      %dma_start3A_204 = arith.constant 0 : i32
      %dma_start3A_205 = arith.constant 0 : i32
      %dma_start3A_206 = tpu.memref_slice %arg9[%dma_start3A_202, %dma_start3A_204, %dma_start3A_205] : memref<2x128x128xf32, #tpu.memory_space<vmem>> -> memref<1x128x128xf32, #tpu.memory_space<vmem>>
      %dma_start3A_207 = tpu.memref_squeeze %dma_start3A_206 : memref<1x128x128xf32, #tpu.memory_space<vmem>> -> memref<128x128xf32, #tpu.memory_space<vmem>>
      %dma_start3A_208 = arith.constant 0 : i32
      %dma_start3A_209 = tpu.memref_slice %arg8[%add3A_201, %dma_start3A_208] : memref<40x128xi32, #tpu.memory_space<vmem>> -> memref<1x128xi32, #tpu.memory_space<vmem>>
      %dma_start3A_210 = tpu.memref_squeeze %dma_start3A_209 : memref<1x128xi32, #tpu.memory_space<vmem>> -> memref<128xi32, #tpu.memory_space<vmem>>
      %dma_start3A_211 = arith.constant 0 : i32
      %dma_start3A_212 = arith.constant 0 : i32
      %dma_start3A_213 = tpu.memref_slice %arg10[%dma_start3A_211, %dma_start3A_212] : memref<10240x128xf32, #tpu.memory_space<vmem_shared>> -> memref<10240x128xf32, #tpu.memory_space<vmem_shared>>
      %dma_start3A_214 = tpu.memref_slice %arg12[%dma_start3A_203] : memref<2x!tpu.dma_semaphore, #tpu.memory_space<semaphore_mem>> -> memref<1x!tpu.dma_semaphore, #tpu.memory_space<semaphore_mem>>
      %dma_start3A_215 = tpu.memref_squeeze %dma_start3A_214 : memref<1x!tpu.dma_semaphore, #tpu.memory_space<semaphore_mem>> -> memref<!tpu.dma_semaphore, #tpu.memory_space<semaphore_mem>>
      tpu.enqueue_indirect_dma source(%dma_start3A_207 : memref<128x128xf32, #tpu.memory_space<vmem>>) target(%dma_start3A_213 : memref<10240x128xf32, #tpu.memory_space<vmem_shared>>) offsets(%dma_start3A_210 : memref<128xi32, #tpu.memory_space<vmem>>) semaphore(%dma_start3A_215 : memref<!tpu.dma_semaphore, #tpu.memory_space<semaphore_mem>>) {add = true}
    }
    %scan3A_66 = arith.constant 20 : i32
    %dma_wait3A_67 = arith.constant 0 : i32
    %dma_wait3A_68 = arith.constant 0 : i32
    %dma_wait3A_69 = arith.constant 0 : i32
    %dma_wait3A_70 = arith.constant 0 : i32
    %dma_wait3A_71 = arith.constant 0 : i32
    %dma_wait3A_72 = tpu.memref_slice %arg9[%dma_wait3A_67, %dma_wait3A_70, %dma_wait3A_71] : memref<2x128x128xf32, #tpu.memory_space<vmem>> -> memref<1x128x128xf32, #tpu.memory_space<vmem>>
    %dma_wait3A_73 = tpu.memref_squeeze %dma_wait3A_72 : memref<1x128x128xf32, #tpu.memory_space<vmem>> -> memref<128x128xf32, #tpu.memory_space<vmem>>
    %dma_wait3A_74 = arith.constant 0 : i32
    %dma_wait3A_75 = tpu.memref_slice %arg8[%dma_wait3A_68, %dma_wait3A_74] : memref<40x128xi32, #tpu.memory_space<vmem>> -> memref<1x128xi32, #tpu.memory_space<vmem>>
    %dma_wait3A_76 = tpu.memref_squeeze %dma_wait3A_75 : memref<1x128xi32, #tpu.memory_space<vmem>> -> memref<128xi32, #tpu.memory_space<vmem>>
    %dma_wait3A_77 = arith.constant 0 : i32
    %dma_wait3A_78 = arith.constant 0 : i32
    %dma_wait3A_79 = tpu.memref_slice %arg10[%dma_wait3A_77, %dma_wait3A_78] : memref<10240x128xf32, #tpu.memory_space<vmem_shared>> -> memref<10240x128xf32, #tpu.memory_space<vmem_shared>>
    %dma_wait3A_80 = tpu.memref_slice %arg12[%dma_wait3A_69] : memref<2x!tpu.dma_semaphore, #tpu.memory_space<semaphore_mem>> -> memref<1x!tpu.dma_semaphore, #tpu.memory_space<semaphore_mem>>
    %dma_wait3A_81 = tpu.memref_squeeze %dma_wait3A_80 : memref<1x!tpu.dma_semaphore, #tpu.memory_space<semaphore_mem>> -> memref<!tpu.dma_semaphore, #tpu.memory_space<semaphore_mem>>
    tpu.wait_indirect_dma semaphore(%dma_wait3A_81 : memref<!tpu.dma_semaphore, #tpu.memory_space<semaphore_mem>>) src(%dma_wait3A_73 : memref<128x128xf32, #tpu.memory_space<vmem>>) dst(%dma_wait3A_79 : memref<10240x128xf32, #tpu.memory_space<vmem_shared>>)
    %dma_wait3A_82 = arith.constant 1 : i32
    %dma_wait3A_83 = arith.constant 1 : i32
    %dma_wait3A_84 = arith.constant 1 : i32
    %dma_wait3A_85 = arith.constant 0 : i32
    %dma_wait3A_86 = arith.constant 0 : i32
    %dma_wait3A_87 = tpu.memref_slice %arg9[%dma_wait3A_82, %dma_wait3A_85, %dma_wait3A_86] : memref<2x128x128xf32, #tpu.memory_space<vmem>> -> memref<1x128x128xf32, #tpu.memory_space<vmem>>
    %dma_wait3A_88 = tpu.memref_squeeze %dma_wait3A_87 : memref<1x128x128xf32, #tpu.memory_space<vmem>> -> memref<128x128xf32, #tpu.memory_space<vmem>>
    %dma_wait3A_89 = arith.constant 0 : i32
    %dma_wait3A_90 = tpu.memref_slice %arg8[%dma_wait3A_83, %dma_wait3A_89] : memref<40x128xi32, #tpu.memory_space<vmem>> -> memref<1x128xi32, #tpu.memory_space<vmem>>
    %dma_wait3A_91 = tpu.memref_squeeze %dma_wait3A_90 : memref<1x128xi32, #tpu.memory_space<vmem>> -> memref<128xi32, #tpu.memory_space<vmem>>
    %dma_wait3A_92 = arith.constant 0 : i32
    %dma_wait3A_93 = arith.constant 0 : i32
    %dma_wait3A_94 = tpu.memref_slice %arg10[%dma_wait3A_92, %dma_wait3A_93] : memref<10240x128xf32, #tpu.memory_space<vmem_shared>> -> memref<10240x128xf32, #tpu.memory_space<vmem_shared>>
    %dma_wait3A_95 = tpu.memref_slice %arg12[%dma_wait3A_84] : memref<2x!tpu.dma_semaphore, #tpu.memory_space<semaphore_mem>> -> memref<1x!tpu.dma_semaphore, #tpu.memory_space<semaphore_mem>>
    %dma_wait3A_96 = tpu.memref_squeeze %dma_wait3A_95 : memref<1x!tpu.dma_semaphore, #tpu.memory_space<semaphore_mem>> -> memref<!tpu.dma_semaphore, #tpu.memory_space<semaphore_mem>>
    tpu.wait_indirect_dma semaphore(%dma_wait3A_96 : memref<!tpu.dma_semaphore, #tpu.memory_space<semaphore_mem>>) src(%dma_wait3A_88 : memref<128x128xf32, #tpu.memory_space<vmem>>) dst(%dma_wait3A_94 : memref<10240x128xf32, #tpu.memory_space<vmem_shared>>)
    %barrier3A_97 = arith.constant 0 : index
    tpu.barrier barrier_id(%barrier3A_97)
    %eq3A = arith.constant 0 : i32
    %eq3A_98 = arith.cmpi eq, %arg0, %eq3A : i32
    %convert_element_type3A = arith.extui %eq3A_98 : i1 to i32
    %cond3A = arith.constant 0 : i32
    %cond3A_99 = arith.cmpi ne, %convert_element_type3A, %cond3A : i32
    scf.if %cond3A_99 {
      %mul3A_105 = arith.constant 640 : i32
      %mul3A_106 = arith.muli %arg1, %mul3A_105 : i32
      %mul3A_107 = arith.constant 640 : i32
      %mul3A_108 = arith.muli %arg1, %mul3A_107 : i32
      "tpu.region"() ({
        %run_scoped3A = tpu.sem_alloc : memref<!tpu.dma_semaphore, #tpu.memory_space<semaphore_mem>>
        %dma_start3A = arith.constant 0 : i32
        %dma_start3A_109 = tpu.memref_slice %arg5[%mul3A_108, %dma_start3A] : memref<10240x128xf32, #tpu.memory_space<hbm>> -> memref<640x128xf32, #tpu.memory_space<hbm>>
        %dma_start3A_110 = arith.constant 0 : i32
        %dma_start3A_111 = tpu.memref_slice %arg10[%mul3A_106, %dma_start3A_110] : memref<10240x128xf32, #tpu.memory_space<vmem_shared>> -> memref<640x128xf32, #tpu.memory_space<vmem_shared>>
        tpu.enqueue_dma source(%dma_start3A_111 : memref<640x128xf32, #tpu.memory_space<vmem_shared>>) target(%dma_start3A_109 : memref<640x128xf32, #tpu.memory_space<hbm>>) target_semaphore(%run_scoped3A : memref<!tpu.dma_semaphore, #tpu.memory_space<semaphore_mem>>)
        %dma_wait3A_112 = arith.constant 0 : i32
        %dma_wait3A_113 = tpu.memref_slice %arg5[%mul3A_108, %dma_wait3A_112] : memref<10240x128xf32, #tpu.memory_space<hbm>> -> memref<640x128xf32, #tpu.memory_space<hbm>>
        %dma_wait3A_114 = arith.constant 0 : i32
        %dma_wait3A_115 = tpu.memref_slice %arg10[%mul3A_106, %dma_wait3A_114] : memref<10240x128xf32, #tpu.memory_space<vmem_shared>> -> memref<640x128xf32, #tpu.memory_space<vmem_shared>>
        tpu.wait_dma2 semaphore(%run_scoped3A : memref<!tpu.dma_semaphore, #tpu.memory_space<semaphore_mem>>) src(%dma_wait3A_115 : memref<640x128xf32, #tpu.memory_space<vmem_shared>>) dst(%dma_wait3A_113 : memref<640x128xf32, #tpu.memory_space<hbm>>)
        tpu.yield
      }) : () -> ()
    } else {
    }
    %eq3A_100 = arith.constant 1 : i32
    %eq3A_101 = arith.cmpi eq, %arg0, %eq3A_100 : i32
    %convert_element_type3A_102 = arith.extui %eq3A_101 : i1 to i32
    %cond3A_103 = arith.constant 0 : i32
    %cond3A_104 = arith.cmpi ne, %convert_element_type3A_102, %cond3A_103 : i32
    scf.if %cond3A_104 {
      %mul3A_105 = arith.constant 640 : i32
      %mul3A_106 = arith.muli %arg1, %mul3A_105 : i32
      %mul3A_107 = arith.constant 640 : i32
      %mul3A_108 = arith.muli %arg1, %mul3A_107 : i32
      "tpu.region"() ({
        %run_scoped3A = tpu.sem_alloc : memref<!tpu.dma_semaphore, #tpu.memory_space<semaphore_mem>>
        %dma_start3A = arith.constant 0 : i32
        %dma_start3A_109 = tpu.memref_slice %arg6[%mul3A_108, %dma_start3A] : memref<10240x128xf32, #tpu.memory_space<hbm>> -> memref<640x128xf32, #tpu.memory_space<hbm>>
        %dma_start3A_110 = arith.constant 0 : i32
        %dma_start3A_111 = tpu.memref_slice %arg10[%mul3A_106, %dma_start3A_110] : memref<10240x128xf32, #tpu.memory_space<vmem_shared>> -> memref<640x128xf32, #tpu.memory_space<vmem_shared>>
        tpu.enqueue_dma source(%dma_start3A_111 : memref<640x128xf32, #tpu.memory_space<vmem_shared>>) target(%dma_start3A_109 : memref<640x128xf32, #tpu.memory_space<hbm>>) target_semaphore(%run_scoped3A : memref<!tpu.dma_semaphore, #tpu.memory_space<semaphore_mem>>)
        %dma_wait3A_112 = arith.constant 0 : i32
        %dma_wait3A_113 = tpu.memref_slice %arg6[%mul3A_108, %dma_wait3A_112] : memref<10240x128xf32, #tpu.memory_space<hbm>> -> memref<640x128xf32, #tpu.memory_space<hbm>>
        %dma_wait3A_114 = arith.constant 0 : i32
        %dma_wait3A_115 = tpu.memref_slice %arg10[%mul3A_106, %dma_wait3A_114] : memref<10240x128xf32, #tpu.memory_space<vmem_shared>> -> memref<640x128xf32, #tpu.memory_space<vmem_shared>>
        tpu.wait_dma2 semaphore(%run_scoped3A : memref<!tpu.dma_semaphore, #tpu.memory_space<semaphore_mem>>) src(%dma_wait3A_115 : memref<640x128xf32, #tpu.memory_space<vmem_shared>>) dst(%dma_wait3A_113 : memref<640x128xf32, #tpu.memory_space<hbm>>)
        tpu.yield
      }) : () -> ()
    } else {
    }
    return
  }
}

#map = affine_map<(d0, d1) -> (0, 0)>
module attributes {stable_mosaic.version = 14 : i64} {
  func.func @k(%arg0: i32, %arg1: i32, %arg2: memref<10000x128xf32, #tpu.memory_space<hbm>>, %arg3: memref<2560x128xi32, #tpu.memory_space<hbm>>, %arg4: memref<2560x128xi32, #tpu.memory_space<hbm>>, %arg5: memref<10240x128xf32, #tpu.memory_space<hbm>>, %arg6: memref<10240x128xf32, #tpu.memory_space<hbm>>, %arg7: memref<40x128xi32, #tpu.memory_space<vmem>>, %arg8: memref<40x128xi32, #tpu.memory_space<vmem>>, %arg9: memref<2x128x128xf32, #tpu.memory_space<vmem>>, %arg10: memref<10240x128xf32, #tpu.memory_space<vmem_shared>>, %arg11: memref<2x!tpu.dma_semaphore, #tpu.memory_space<semaphore_mem>>, %arg12: memref<2x!tpu.dma_semaphore, #tpu.memory_space<semaphore_mem>>) attributes {dimension_semantics = [#tpu.dimension_semantics<core_parallel>, #tpu.dimension_semantics<subcore_parallel>], iteration_bounds = array<i64: 2, 16>, scalar_prefetch = 0 : i64, scratch_operands = 6 : i64, tpu.core_type = #tpu.core_type<sc_vector_subcore>, window_params = [{transform_indices = #map}, {transform_indices = #map}, {transform_indices = #map}, {transform_indices = #map}, {transform_indices = #map}]} {
    %mul3A = arith.constant 16 : i32
    %mul3A_0 = arith.muli %arg0, %mul3A : i32
    %add3A = arith.addi %mul3A_0, %arg1 : i32
    %scan3A = arith.constant 0 : i32
    %scan3A_1 = arith.constant 0 : i32
    %scan3A_2 = arith.constant 128 : i32
    %scan3A_3 = arith.addi %scan3A_1, %scan3A_2 : i32
    %scan3A_4 = arith.constant 1 : i32
    scf.for %scan3A_105 = %scan3A_1 to %scan3A_3 step %scan3A_4  : i32 {
      %mul3A_106 = arith.constant 1 : i32
      %mul3A_107 = arith.muli %scan3A_105, %mul3A_106 : i32
      %add3A_108 = arith.constant 0 : i32
      %add3A_109 = arith.addi %add3A_108, %mul3A_107 : i32
      %scan3A_110 = arith.constant 0 : i32
      %scan3A_111 = arith.constant 8 : i32
      %scan3A_112 = arith.addi %scan3A_110, %scan3A_111 : i32
      %scan3A_113 = arith.constant 1 : i32
      scf.for %scan3A_115 = %scan3A_110 to %scan3A_112 step %scan3A_113  : i32 {
        %mul3A_116 = arith.constant 1 : i32
        %mul3A_117 = arith.muli %scan3A_115, %mul3A_116 : i32
        %add3A_118 = arith.constant 0 : i32
        %add3A_119 = arith.addi %add3A_118, %mul3A_117 : i32
        %broadcast_in_dim3A = arith.constant 0.000000e+00 : f32
        %broadcast_in_dim3A_120 = vector.broadcast %broadcast_in_dim3A : f32 to vector<16xf32>
        %mul3A_121 = arith.constant 16 : i32
        %mul3A_122 = arith.muli %add3A_119, %mul3A_121 : i32
        %swap3A = arith.constant 0 : i32
        %swap3A_123 = arith.constant 0 : i32
        %swap3A_124 = tpu.memref_slice %arg9[%scan3A, %swap3A, %swap3A_123] : memref<2x128x128xf32, #tpu.memory_space<vmem>> -> memref<1x128x128xf32, #tpu.memory_space<vmem>>
        %swap3A_125 = tpu.memref_squeeze %swap3A_124 : memref<1x128x128xf32, #tpu.memory_space<vmem>> -> memref<128x128xf32, #tpu.memory_space<vmem>>
        %swap3A_126 = arith.index_cast %add3A_109 : i32 to index
        %swap3A_127 = arith.index_cast %mul3A_122 : i32 to index
        %swap3A_128 = tpu.vector_load %swap3A_125[%swap3A_126, %swap3A_127] {strides = array<i32>} : memref<128x128xf32, #tpu.memory_space<vmem>>, vector<1x16xf32>,
        %swap3A_129 = vector.shape_cast %swap3A_128 : vector<1x16xf32> to vector<16xf32>
        %swap3A_130 = vector.shape_cast %broadcast_in_dim3A_120 : vector<16xf32> to vector<1x16xf32>
        tpu.vector_store %swap3A_125[%swap3A_126, %swap3A_127], %swap3A_130 {strides = array<i32>} : memref<128x128xf32, #tpu.memory_space<vmem>>, vector<1x16xf32>,
      }
      %scan3A_114 = arith.constant 8 : i32
    }
    %scan3A_5 = arith.constant 128 : i32
    %scan3A_6 = arith.constant 0 : i32
    %scan3A_7 = arith.constant 0 : i32
    %scan3A_8 = arith.constant 5 : i32
    %scan3A_9 = arith.addi %scan3A_7, %scan3A_8 : i32
    %scan3A_10 = arith.constant 1 : i32
    scf.for %scan3A_105 = %scan3A_7 to %scan3A_9 step %scan3A_10  : i32 {
      %mul3A_106 = arith.constant 1 : i32
      %mul3A_107 = arith.muli %scan3A_105, %mul3A_106 : i32
      %add3A_108 = arith.constant 0 : i32
      %add3A_109 = arith.addi %add3A_108, %mul3A_107 : i32
      %mul3A_110 = arith.constant 640 : i32
      %mul3A_111 = arith.muli %arg1, %mul3A_110 : i32
      %mul3A_112 = arith.constant 128 : i32
      %mul3A_113 = arith.muli %add3A_109, %mul3A_112 : i32
      %add3A_114 = arith.addi %mul3A_111, %mul3A_113 : i32
      "tpu.region"() ({
        %run_scoped3A = tpu.sem_alloc : memref<!tpu.dma_semaphore, #tpu.memory_space<semaphore_mem>>
        %dma_start3A = arith.constant 0 : i32
        %dma_start3A_115 = arith.constant 0 : i32
        %dma_start3A_116 = tpu.memref_slice %arg9[%scan3A_6, %dma_start3A, %dma_start3A_115] : memref<2x128x128xf32, #tpu.memory_space<vmem>> -> memref<1x128x128xf32, #tpu.memory_space<vmem>>
        %dma_start3A_117 = tpu.memref_squeeze %dma_start3A_116 : memref<1x128x128xf32, #tpu.memory_space<vmem>> -> memref<128x128xf32, #tpu.memory_space<vmem>>
        %dma_start3A_118 = arith.constant 0 : i32
        %dma_start3A_119 = tpu.memref_slice %arg10[%add3A_114, %dma_start3A_118] : memref<10240x128xf32, #tpu.memory_space<vmem_shared>> -> memref<128x128xf32, #tpu.memory_space<vmem_shared>>
        %dma_start3A_120 = arith.constant 0 : i32
        %dma_start3A_121 = tpu.memref_slice %arg10[%add3A_114, %dma_start3A_120] : memref<10240x128xf32, #tpu.memory_space<vmem_shared>> -> memref<128x128xf32, #tpu.memory_space<vmem_shared>>
        %dma_start3A_122 = arith.constant 0 : i32
        %dma_start3A_123 = arith.constant 0 : i32
        %dma_start3A_124 = tpu.memref_slice %arg9[%scan3A_6, %dma_start3A_122, %dma_start3A_123] : memref<2x128x128xf32, #tpu.memory_space<vmem>> -> memref<1x128x128xf32, #tpu.memory_space<vmem>>
        %dma_start3A_125 = tpu.memref_squeeze %dma_start3A_124 : memref<1x128x128xf32, #tpu.memory_space<vmem>> -> memref<128x128xf32, #tpu.memory_space<vmem>>
        tpu.enqueue_dma source(%dma_start3A_125 : memref<128x128xf32, #tpu.memory_space<vmem>>) target(%dma_start3A_121 : memref<128x128xf32, #tpu.memory_space<vmem_shared>>) target_semaphore(%run_scoped3A : memref<!tpu.dma_semaphore, #tpu.memory_space<semaphore_mem>>)
        %dma_wait3A_126 = arith.constant 0 : i32
        %dma_wait3A_127 = arith.constant 0 : i32
        %dma_wait3A_128 = tpu.memref_slice %arg9[%scan3A_6, %dma_wait3A_126, %dma_wait3A_127] : memref<2x128x128xf32, #tpu.memory_space<vmem>> -> memref<1x128x128xf32, #tpu.memory_space<vmem>>
        %dma_wait3A_129 = tpu.memref_squeeze %dma_wait3A_128 : memref<1x128x128xf32, #tpu.memory_space<vmem>> -> memref<128x128xf32, #tpu.memory_space<vmem>>
        %dma_wait3A_130 = arith.constant 0 : i32
        %dma_wait3A_131 = tpu.memref_slice %arg10[%add3A_114, %dma_wait3A_130] : memref<10240x128xf32, #tpu.memory_space<vmem_shared>> -> memref<128x128xf32, #tpu.memory_space<vmem_shared>>
        %dma_wait3A_132 = arith.constant 0 : i32
        %dma_wait3A_133 = tpu.memref_slice %arg10[%add3A_114, %dma_wait3A_132] : memref<10240x128xf32, #tpu.memory_space<vmem_shared>> -> memref<128x128xf32, #tpu.memory_space<vmem_shared>>
        %dma_wait3A_134 = arith.constant 0 : i32
        %dma_wait3A_135 = arith.constant 0 : i32
        %dma_wait3A_136 = tpu.memref_slice %arg9[%scan3A_6, %dma_wait3A_134, %dma_wait3A_135] : memref<2x128x128xf32, #tpu.memory_space<vmem>> -> memref<1x128x128xf32, #tpu.memory_space<vmem>>
        %dma_wait3A_137 = tpu.memref_squeeze %dma_wait3A_136 : memref<1x128x128xf32, #tpu.memory_space<vmem>> -> memref<128x128xf32, #tpu.memory_space<vmem>>
        tpu.wait_dma2 semaphore(%run_scoped3A : memref<!tpu.dma_semaphore, #tpu.memory_space<semaphore_mem>>) src(%dma_wait3A_137 : memref<128x128xf32, #tpu.memory_space<vmem>>) dst(%dma_wait3A_133 : memref<128x128xf32, #tpu.memory_space<vmem_shared>>)
        tpu.yield
      }) : () -> ()
    }
    %scan3A_11 = arith.constant 5 : i32
    %barrier3A = arith.constant 0 : index
    tpu.barrier barrier_id(%barrier3A)
    %mul3A_12 = arith.constant 80 : i32
    %mul3A_13 = arith.muli %add3A, %mul3A_12 : i32
    %add3A_14 = arith.constant 0 : i32
    %add3A_15 = arith.addi %mul3A_13, %add3A_14 : i32
    "tpu.region"() ({
      %run_scoped3A = tpu.sem_alloc : memref<!tpu.dma_semaphore, #tpu.memory_space<semaphore_mem>>
      %dma_start3A = arith.constant 0 : i32
      %dma_start3A_105 = tpu.memref_slice %arg3[%add3A_15, %dma_start3A] : memref<2560x128xi32, #tpu.memory_space<hbm>> -> memref<40x128xi32, #tpu.memory_space<hbm>>
      %dma_start3A_106 = arith.constant 0 : i32
      %dma_start3A_107 = tpu.memref_slice %arg3[%add3A_15, %dma_start3A_106] : memref<2560x128xi32, #tpu.memory_space<hbm>> -> memref<40x128xi32, #tpu.memory_space<hbm>>
      tpu.enqueue_dma source(%dma_start3A_107 : memref<40x128xi32, #tpu.memory_space<hbm>>) target(%arg7 : memref<40x128xi32, #tpu.memory_space<vmem>>) target_semaphore(%run_scoped3A : memref<!tpu.dma_semaphore, #tpu.memory_space<semaphore_mem>>)
      %dma_wait3A_108 = arith.constant 0 : i32
      %dma_wait3A_109 = tpu.memref_slice %arg3[%add3A_15, %dma_wait3A_108] : memref<2560x128xi32, #tpu.memory_space<hbm>> -> memref<40x128xi32, #tpu.memory_space<hbm>>
      %dma_wait3A_110 = arith.constant 0 : i32
      %dma_wait3A_111 = tpu.memref_slice %arg3[%add3A_15, %dma_wait3A_110] : memref<2560x128xi32, #tpu.memory_space<hbm>> -> memref<40x128xi32, #tpu.memory_space<hbm>>
      tpu.wait_dma2 semaphore(%run_scoped3A : memref<!tpu.dma_semaphore, #tpu.memory_space<semaphore_mem>>) src(%dma_wait3A_111 : memref<40x128xi32, #tpu.memory_space<hbm>>) dst(%arg7 : memref<40x128xi32, #tpu.memory_space<vmem>>)
      tpu.yield
    }) : () -> ()
    %mul3A_16 = arith.constant 80 : i32
    %mul3A_17 = arith.muli %add3A, %mul3A_16 : i32
    %add3A_18 = arith.constant 0 : i32
    %add3A_19 = arith.addi %mul3A_17, %add3A_18 : i32
    "tpu.region"() ({
      %run_scoped3A = tpu.sem_alloc : memref<!tpu.dma_semaphore, #tpu.memory_space<semaphore_mem>>
      %dma_start3A = arith.constant 0 : i32
      %dma_start3A_105 = tpu.memref_slice %arg4[%add3A_19, %dma_start3A] : memref<2560x128xi32, #tpu.memory_space<hbm>> -> memref<40x128xi32, #tpu.memory_space<hbm>>
      %dma_start3A_106 = arith.constant 0 : i32
      %dma_start3A_107 = tpu.memref_slice %arg4[%add3A_19, %dma_start3A_106] : memref<2560x128xi32, #tpu.memory_space<hbm>> -> memref<40x128xi32, #tpu.memory_space<hbm>>
      tpu.enqueue_dma source(%dma_start3A_107 : memref<40x128xi32, #tpu.memory_space<hbm>>) target(%arg8 : memref<40x128xi32, #tpu.memory_space<vmem>>) target_semaphore(%run_scoped3A : memref<!tpu.dma_semaphore, #tpu.memory_space<semaphore_mem>>)
      %dma_wait3A_108 = arith.constant 0 : i32
      %dma_wait3A_109 = tpu.memref_slice %arg4[%add3A_19, %dma_wait3A_108] : memref<2560x128xi32, #tpu.memory_space<hbm>> -> memref<40x128xi32, #tpu.memory_space<hbm>>
      %dma_wait3A_110 = arith.constant 0 : i32
      %dma_wait3A_111 = tpu.memref_slice %arg4[%add3A_19, %dma_wait3A_110] : memref<2560x128xi32, #tpu.memory_space<hbm>> -> memref<40x128xi32, #tpu.memory_space<hbm>>
      tpu.wait_dma2 semaphore(%run_scoped3A : memref<!tpu.dma_semaphore, #tpu.memory_space<semaphore_mem>>) src(%dma_wait3A_111 : memref<40x128xi32, #tpu.memory_space<hbm>>) dst(%arg8 : memref<40x128xi32, #tpu.memory_space<vmem>>)
      tpu.yield
    }) : () -> ()
    %scan3A_20 = arith.constant 0 : i32
    %scan3A_21 = arith.constant 20 : i32
    %scan3A_22 = arith.addi %scan3A_20, %scan3A_21 : i32
    %scan3A_23 = arith.constant 1 : i32
    scf.for %scan3A_105 = %scan3A_20 to %scan3A_22 step %scan3A_23  : i32 {
      %mul3A_106 = arith.constant 1 : i32
      %mul3A_107 = arith.muli %scan3A_105, %mul3A_106 : i32
      %add3A_108 = arith.constant 0 : i32
      %add3A_109 = arith.addi %add3A_108, %mul3A_107 : i32
      %mul3A_110 = arith.constant 2 : i32
      %mul3A_111 = arith.muli %add3A_109, %mul3A_110 : i32
      %gt3A = arith.constant 0 : i32
      %gt3A_112 = arith.cmpi sgt, %add3A_109, %gt3A : i32
      %convert_element_type3A_113 = arith.extui %gt3A_112 : i1 to i32
      %cond3A_114 = arith.constant 0 : i32
      %cond3A_115 = arith.cmpi ne, %convert_element_type3A_113, %cond3A_114 : i32
      scf.if %cond3A_115 {
        %add3A_216 = arith.constant 0 : i32
        %add3A_217 = arith.addi %mul3A_111, %add3A_216 : i32
        %dma_wait3A_218 = arith.constant 0 : i32
        %dma_wait3A_219 = arith.constant 0 : i32
        %dma_wait3A_220 = arith.constant 0 : i32
        %dma_wait3A_221 = arith.constant 0 : i32
        %dma_wait3A_222 = tpu.memref_slice %arg9[%dma_wait3A_218, %dma_wait3A_220, %dma_wait3A_221] : memref<2x128x128xf32, #tpu.memory_space<vmem>> -> memref<1x128x128xf32, #tpu.memory_space<vmem>>
        %dma_wait3A_223 = tpu.memref_squeeze %dma_wait3A_222 : memref<1x128x128xf32, #tpu.memory_space<vmem>> -> memref<128x128xf32, #tpu.memory_space<vmem>>
        %dma_wait3A_224 = arith.constant 0 : i32
        %dma_wait3A_225 = tpu.memref_slice %arg8[%add3A_217, %dma_wait3A_224] : memref<40x128xi32, #tpu.memory_space<vmem>> -> memref<1x128xi32, #tpu.memory_space<vmem>>
        %dma_wait3A_226 = tpu.memref_squeeze %dma_wait3A_225 : memref<1x128xi32, #tpu.memory_space<vmem>> -> memref<128xi32, #tpu.memory_space<vmem>>
        %dma_wait3A_227 = arith.constant 0 : i32
        %dma_wait3A_228 = arith.constant 0 : i32
        %dma_wait3A_229 = tpu.memref_slice %arg10[%dma_wait3A_227, %dma_wait3A_228] : memref<10240x128xf32, #tpu.memory_space<vmem_shared>> -> memref<10240x128xf32, #tpu.memory_space<vmem_shared>>
        %dma_wait3A_230 = tpu.memref_slice %arg12[%dma_wait3A_219] : memref<2x!tpu.dma_semaphore, #tpu.memory_space<semaphore_mem>> -> memref<1x!tpu.dma_semaphore, #tpu.memory_space<semaphore_mem>>
        %dma_wait3A_231 = tpu.memref_squeeze %dma_wait3A_230 : memref<1x!tpu.dma_semaphore, #tpu.memory_space<semaphore_mem>> -> memref<!tpu.dma_semaphore, #tpu.memory_space<semaphore_mem>>
        tpu.wait_indirect_dma semaphore(%dma_wait3A_231 : memref<!tpu.dma_semaphore, #tpu.memory_space<semaphore_mem>>) src(%dma_wait3A_223 : memref<128x128xf32, #tpu.memory_space<vmem>>) dst(%dma_wait3A_229 : memref<10240x128xf32, #tpu.memory_space<vmem_shared>>)
      } else {
      }
      %add3A_116 = arith.constant 0 : i32
      %add3A_117 = arith.addi %mul3A_111, %add3A_116 : i32
      %dma_start3A = arith.constant 0 : i32
      %dma_start3A_118 = arith.constant 0 : i32
      %dma_start3A_119 = arith.constant 0 : i32
      %dma_start3A_120 = arith.constant 0 : i32
      %dma_start3A_121 = tpu.memref_slice %arg9[%dma_start3A, %dma_start3A_119, %dma_start3A_120] : memref<2x128x128xf32, #tpu.memory_space<vmem>> -> memref<1x128x128xf32, #tpu.memory_space<vmem>>
      %dma_start3A_122 = tpu.memref_squeeze %dma_start3A_121 : memref<1x128x128xf32, #tpu.memory_space<vmem>> -> memref<128x128xf32, #tpu.memory_space<vmem>>
      %dma_start3A_123 = arith.constant 0 : i32
      %dma_start3A_124 = tpu.memref_slice %arg7[%add3A_117, %dma_start3A_123] : memref<40x128xi32, #tpu.memory_space<vmem>> -> memref<1x128xi32, #tpu.memory_space<vmem>>
      %dma_start3A_125 = tpu.memref_squeeze %dma_start3A_124 : memref<1x128xi32, #tpu.memory_space<vmem>> -> memref<128xi32, #tpu.memory_space<vmem>>
      %dma_start3A_126 = arith.constant 0 : i32
      %dma_start3A_127 = arith.constant 0 : i32
      %dma_start3A_128 = tpu.memref_slice %arg2[%dma_start3A_126, %dma_start3A_127] : memref<10000x128xf32, #tpu.memory_space<hbm>> -> memref<10000x128xf32, #tpu.memory_space<hbm>>
      %dma_start3A_129 = tpu.memref_slice %arg11[%dma_start3A_118] : memref<2x!tpu.dma_semaphore, #tpu.memory_space<semaphore_mem>> -> memref<1x!tpu.dma_semaphore, #tpu.memory_space<semaphore_mem>>
      %dma_start3A_130 = tpu.memref_squeeze %dma_start3A_129 : memref<1x!tpu.dma_semaphore, #tpu.memory_space<semaphore_mem>> -> memref<!tpu.dma_semaphore, #tpu.memory_space<semaphore_mem>>
      tpu.enqueue_indirect_dma source(%dma_start3A_128 : memref<10000x128xf32, #tpu.memory_space<hbm>>) target(%dma_start3A_122 : memref<128x128xf32, #tpu.memory_space<vmem>>) offsets(%dma_start3A_125 : memref<128xi32, #tpu.memory_space<vmem>>) semaphore(%dma_start3A_130 : memref<!tpu.dma_semaphore, #tpu.memory_space<semaphore_mem>>)
      %gt3A_131 = arith.constant 0 : i32
      %gt3A_132 = arith.cmpi sgt, %add3A_109, %gt3A_131 : i32
      %convert_element_type3A_133 = arith.extui %gt3A_132 : i1 to i32
      %cond3A_134 = arith.constant 0 : i32
      %cond3A_135 = arith.cmpi ne, %convert_element_type3A_133, %cond3A_134 : i32
      scf.if %cond3A_135 {
        %add3A_216 = arith.constant 1 : i32
        %add3A_217 = arith.addi %mul3A_111, %add3A_216 : i32
        %dma_wait3A_218 = arith.constant 1 : i32
        %dma_wait3A_219 = arith.constant 1 : i32
        %dma_wait3A_220 = arith.constant 0 : i32
        %dma_wait3A_221 = arith.constant 0 : i32
        %dma_wait3A_222 = tpu.memref_slice %arg9[%dma_wait3A_218, %dma_wait3A_220, %dma_wait3A_221] : memref<2x128x128xf32, #tpu.memory_space<vmem>> -> memref<1x128x128xf32, #tpu.memory_space<vmem>>
        %dma_wait3A_223 = tpu.memref_squeeze %dma_wait3A_222 : memref<1x128x128xf32, #tpu.memory_space<vmem>> -> memref<128x128xf32, #tpu.memory_space<vmem>>
        %dma_wait3A_224 = arith.constant 0 : i32
        %dma_wait3A_225 = tpu.memref_slice %arg8[%add3A_217, %dma_wait3A_224] : memref<40x128xi32, #tpu.memory_space<vmem>> -> memref<1x128xi32, #tpu.memory_space<vmem>>
        %dma_wait3A_226 = tpu.memref_squeeze %dma_wait3A_225 : memref<1x128xi32, #tpu.memory_space<vmem>> -> memref<128xi32, #tpu.memory_space<vmem>>
        %dma_wait3A_227 = arith.constant 0 : i32
        %dma_wait3A_228 = arith.constant 0 : i32
        %dma_wait3A_229 = tpu.memref_slice %arg10[%dma_wait3A_227, %dma_wait3A_228] : memref<10240x128xf32, #tpu.memory_space<vmem_shared>> -> memref<10240x128xf32, #tpu.memory_space<vmem_shared>>
        %dma_wait3A_230 = tpu.memref_slice %arg12[%dma_wait3A_219] : memref<2x!tpu.dma_semaphore, #tpu.memory_space<semaphore_mem>> -> memref<1x!tpu.dma_semaphore, #tpu.memory_space<semaphore_mem>>
        %dma_wait3A_231 = tpu.memref_squeeze %dma_wait3A_230 : memref<1x!tpu.dma_semaphore, #tpu.memory_space<semaphore_mem>> -> memref<!tpu.dma_semaphore, #tpu.memory_space<semaphore_mem>>
        tpu.wait_indirect_dma semaphore(%dma_wait3A_231 : memref<!tpu.dma_semaphore, #tpu.memory_space<semaphore_mem>>) src(%dma_wait3A_223 : memref<128x128xf32, #tpu.memory_space<vmem>>) dst(%dma_wait3A_229 : memref<10240x128xf32, #tpu.memory_space<vmem_shared>>)
      } else {
      }
      %add3A_136 = arith.constant 1 : i32
      %add3A_137 = arith.addi %mul3A_111, %add3A_136 : i32
      %dma_start3A_138 = arith.constant 1 : i32
      %dma_start3A_139 = arith.constant 1 : i32
      %dma_start3A_140 = arith.constant 0 : i32
      %dma_start3A_141 = arith.constant 0 : i32
      %dma_start3A_142 = tpu.memref_slice %arg9[%dma_start3A_138, %dma_start3A_140, %dma_start3A_141] : memref<2x128x128xf32, #tpu.memory_space<vmem>> -> memref<1x128x128xf32, #tpu.memory_space<vmem>>
      %dma_start3A_143 = tpu.memref_squeeze %dma_start3A_142 : memref<1x128x128xf32, #tpu.memory_space<vmem>> -> memref<128x128xf32, #tpu.memory_space<vmem>>
      %dma_start3A_144 = arith.constant 0 : i32
      %dma_start3A_145 = tpu.memref_slice %arg7[%add3A_137, %dma_start3A_144] : memref<40x128xi32, #tpu.memory_space<vmem>> -> memref<1x128xi32, #tpu.memory_space<vmem>>
      %dma_start3A_146 = tpu.memref_squeeze %dma_start3A_145 : memref<1x128xi32, #tpu.memory_space<vmem>> -> memref<128xi32, #tpu.memory_space<vmem>>
      %dma_start3A_147 = arith.constant 0 : i32
      %dma_start3A_148 = arith.constant 0 : i32
      %dma_start3A_149 = tpu.memref_slice %arg2[%dma_start3A_147, %dma_start3A_148] : memref<10000x128xf32, #tpu.memory_space<hbm>> -> memref<10000x128xf32, #tpu.memory_space<hbm>>
      %dma_start3A_150 = tpu.memref_slice %arg11[%dma_start3A_139] : memref<2x!tpu.dma_semaphore, #tpu.memory_space<semaphore_mem>> -> memref<1x!tpu.dma_semaphore, #tpu.memory_space<semaphore_mem>>
      %dma_start3A_151 = tpu.memref_squeeze %dma_start3A_150 : memref<1x!tpu.dma_semaphore, #tpu.memory_space<semaphore_mem>> -> memref<!tpu.dma_semaphore, #tpu.memory_space<semaphore_mem>>
      tpu.enqueue_indirect_dma source(%dma_start3A_149 : memref<10000x128xf32, #tpu.memory_space<hbm>>) target(%dma_start3A_143 : memref<128x128xf32, #tpu.memory_space<vmem>>) offsets(%dma_start3A_146 : memref<128xi32, #tpu.memory_space<vmem>>) semaphore(%dma_start3A_151 : memref<!tpu.dma_semaphore, #tpu.memory_space<semaphore_mem>>)
      %add3A_152 = arith.constant 0 : i32
      %add3A_153 = arith.addi %mul3A_111, %add3A_152 : i32
      %dma_wait3A_154 = arith.constant 0 : i32
      %dma_wait3A_155 = arith.constant 0 : i32
      %dma_wait3A_156 = arith.constant 0 : i32
      %dma_wait3A_157 = arith.constant 0 : i32
      %dma_wait3A_158 = tpu.memref_slice %arg9[%dma_wait3A_154, %dma_wait3A_156, %dma_wait3A_157] : memref<2x128x128xf32, #tpu.memory_space<vmem>> -> memref<1x128x128xf32, #tpu.memory_space<vmem>>
      %dma_wait3A_159 = tpu.memref_squeeze %dma_wait3A_158 : memref<1x128x128xf32, #tpu.memory_space<vmem>> -> memref<128x128xf32, #tpu.memory_space<vmem>>
      %dma_wait3A_160 = arith.constant 0 : i32
      %dma_wait3A_161 = tpu.memref_slice %arg7[%add3A_153, %dma_wait3A_160] : memref<40x128xi32, #tpu.memory_space<vmem>> -> memref<1x128xi32, #tpu.memory_space<vmem>>
      %dma_wait3A_162 = tpu.memref_squeeze %dma_wait3A_161 : memref<1x128xi32, #tpu.memory_space<vmem>> -> memref<128xi32, #tpu.memory_space<vmem>>
      %dma_wait3A_163 = arith.constant 0 : i32
      %dma_wait3A_164 = arith.constant 0 : i32
      %dma_wait3A_165 = tpu.memref_slice %arg2[%dma_wait3A_163, %dma_wait3A_164] : memref<10000x128xf32, #tpu.memory_space<hbm>> -> memref<10000x128xf32, #tpu.memory_space<hbm>>
      %dma_wait3A_166 = tpu.memref_slice %arg11[%dma_wait3A_155] : memref<2x!tpu.dma_semaphore, #tpu.memory_space<semaphore_mem>> -> memref<1x!tpu.dma_semaphore, #tpu.memory_space<semaphore_mem>>
      %dma_wait3A_167 = tpu.memref_squeeze %dma_wait3A_166 : memref<1x!tpu.dma_semaphore, #tpu.memory_space<semaphore_mem>> -> memref<!tpu.dma_semaphore, #tpu.memory_space<semaphore_mem>>
      tpu.wait_indirect_dma semaphore(%dma_wait3A_167 : memref<!tpu.dma_semaphore, #tpu.memory_space<semaphore_mem>>) src(%dma_wait3A_165 : memref<10000x128xf32, #tpu.memory_space<hbm>>) dst(%dma_wait3A_159 : memref<128x128xf32, #tpu.memory_space<vmem>>)
      %add3A_168 = arith.constant 0 : i32
      %add3A_169 = arith.addi %mul3A_111, %add3A_168 : i32
      %dma_start3A_170 = arith.constant 0 : i32
      %dma_start3A_171 = arith.constant 0 : i32
      %dma_start3A_172 = arith.constant 0 : i32
      %dma_start3A_173 = arith.constant 0 : i32
      %dma_start3A_174 = tpu.memref_slice %arg9[%dma_start3A_170, %dma_start3A_172, %dma_start3A_173] : memref<2x128x128xf32, #tpu.memory_space<vmem>> -> memref<1x128x128xf32, #tpu.memory_space<vmem>>
      %dma_start3A_175 = tpu.memref_squeeze %dma_start3A_174 : memref<1x128x128xf32, #tpu.memory_space<vmem>> -> memref<128x128xf32, #tpu.memory_space<vmem>>
      %dma_start3A_176 = arith.constant 0 : i32
      %dma_start3A_177 = tpu.memref_slice %arg8[%add3A_169, %dma_start3A_176] : memref<40x128xi32, #tpu.memory_space<vmem>> -> memref<1x128xi32, #tpu.memory_space<vmem>>
      %dma_start3A_178 = tpu.memref_squeeze %dma_start3A_177 : memref<1x128xi32, #tpu.memory_space<vmem>> -> memref<128xi32, #tpu.memory_space<vmem>>
      %dma_start3A_179 = arith.constant 0 : i32
      %dma_start3A_180 = arith.constant 0 : i32
      %dma_start3A_181 = tpu.memref_slice %arg10[%dma_start3A_179, %dma_start3A_180] : memref<10240x128xf32, #tpu.memory_space<vmem_shared>> -> memref<10240x128xf32, #tpu.memory_space<vmem_shared>>
      %dma_start3A_182 = tpu.memref_slice %arg12[%dma_start3A_171] : memref<2x!tpu.dma_semaphore, #tpu.memory_space<semaphore_mem>> -> memref<1x!tpu.dma_semaphore, #tpu.memory_space<semaphore_mem>>
      %dma_start3A_183 = tpu.memref_squeeze %dma_start3A_182 : memref<1x!tpu.dma_semaphore, #tpu.memory_space<semaphore_mem>> -> memref<!tpu.dma_semaphore, #tpu.memory_space<semaphore_mem>>
      tpu.enqueue_indirect_dma source(%dma_start3A_175 : memref<128x128xf32, #tpu.memory_space<vmem>>) target(%dma_start3A_181 : memref<10240x128xf32, #tpu.memory_space<vmem_shared>>) offsets(%dma_start3A_178 : memref<128xi32, #tpu.memory_space<vmem>>) semaphore(%dma_start3A_183 : memref<!tpu.dma_semaphore, #tpu.memory_space<semaphore_mem>>) {add = true}
      %add3A_184 = arith.constant 1 : i32
      %add3A_185 = arith.addi %mul3A_111, %add3A_184 : i32
      %dma_wait3A_186 = arith.constant 1 : i32
      %dma_wait3A_187 = arith.constant 1 : i32
      %dma_wait3A_188 = arith.constant 0 : i32
      %dma_wait3A_189 = arith.constant 0 : i32
      %dma_wait3A_190 = tpu.memref_slice %arg9[%dma_wait3A_186, %dma_wait3A_188, %dma_wait3A_189] : memref<2x128x128xf32, #tpu.memory_space<vmem>> -> memref<1x128x128xf32, #tpu.memory_space<vmem>>
      %dma_wait3A_191 = tpu.memref_squeeze %dma_wait3A_190 : memref<1x128x128xf32, #tpu.memory_space<vmem>> -> memref<128x128xf32, #tpu.memory_space<vmem>>
      %dma_wait3A_192 = arith.constant 0 : i32
      %dma_wait3A_193 = tpu.memref_slice %arg7[%add3A_185, %dma_wait3A_192] : memref<40x128xi32, #tpu.memory_space<vmem>> -> memref<1x128xi32, #tpu.memory_space<vmem>>
      %dma_wait3A_194 = tpu.memref_squeeze %dma_wait3A_193 : memref<1x128xi32, #tpu.memory_space<vmem>> -> memref<128xi32, #tpu.memory_space<vmem>>
      %dma_wait3A_195 = arith.constant 0 : i32
      %dma_wait3A_196 = arith.constant 0 : i32
      %dma_wait3A_197 = tpu.memref_slice %arg2[%dma_wait3A_195, %dma_wait3A_196] : memref<10000x128xf32, #tpu.memory_space<hbm>> -> memref<10000x128xf32, #tpu.memory_space<hbm>>
      %dma_wait3A_198 = tpu.memref_slice %arg11[%dma_wait3A_187] : memref<2x!tpu.dma_semaphore, #tpu.memory_space<semaphore_mem>> -> memref<1x!tpu.dma_semaphore, #tpu.memory_space<semaphore_mem>>
      %dma_wait3A_199 = tpu.memref_squeeze %dma_wait3A_198 : memref<1x!tpu.dma_semaphore, #tpu.memory_space<semaphore_mem>> -> memref<!tpu.dma_semaphore, #tpu.memory_space<semaphore_mem>>
      tpu.wait_indirect_dma semaphore(%dma_wait3A_199 : memref<!tpu.dma_semaphore, #tpu.memory_space<semaphore_mem>>) src(%dma_wait3A_197 : memref<10000x128xf32, #tpu.memory_space<hbm>>) dst(%dma_wait3A_191 : memref<128x128xf32, #tpu.memory_space<vmem>>)
      %add3A_200 = arith.constant 1 : i32
      %add3A_201 = arith.addi %mul3A_111, %add3A_200 : i32
      %dma_start3A_202 = arith.constant 1 : i32
      %dma_start3A_203 = arith.constant 1 : i32
      %dma_start3A_204 = arith.constant 0 : i32
      %dma_start3A_205 = arith.constant 0 : i32
      %dma_start3A_206 = tpu.memref_slice %arg9[%dma_start3A_202, %dma_start3A_204, %dma_start3A_205] : memref<2x128x128xf32, #tpu.memory_space<vmem>> -> memref<1x128x128xf32, #tpu.memory_space<vmem>>
      %dma_start3A_207 = tpu.memref_squeeze %dma_start3A_206 : memref<1x128x128xf32, #tpu.memory_space<vmem>> -> memref<128x128xf32, #tpu.memory_space<vmem>>
      %dma_start3A_208 = arith.constant 0 : i32
      %dma_start3A_209 = tpu.memref_slice %arg8[%add3A_201, %dma_start3A_208] : memref<40x128xi32, #tpu.memory_space<vmem>> -> memref<1x128xi32, #tpu.memory_space<vmem>>
      %dma_start3A_210 = tpu.memref_squeeze %dma_start3A_209 : memref<1x128xi32, #tpu.memory_space<vmem>> -> memref<128xi32, #tpu.memory_space<vmem>>
      %dma_start3A_211 = arith.constant 0 : i32
      %dma_start3A_212 = arith.constant 0 : i32
      %dma_start3A_213 = tpu.memref_slice %arg10[%dma_start3A_211, %dma_start3A_212] : memref<10240x128xf32, #tpu.memory_space<vmem_shared>> -> memref<10240x128xf32, #tpu.memory_space<vmem_shared>>
      %dma_start3A_214 = tpu.memref_slice %arg12[%dma_start3A_203] : memref<2x!tpu.dma_semaphore, #tpu.memory_space<semaphore_mem>> -> memref<1x!tpu.dma_semaphore, #tpu.memory_space<semaphore_mem>>
      %dma_start3A_215 = tpu.memref_squeeze %dma_start3A_214 : memref<1x!tpu.dma_semaphore, #tpu.memory_space<semaphore_mem>> -> memref<!tpu.dma_semaphore, #tpu.memory_space<semaphore_mem>>
      tpu.enqueue_indirect_dma source(%dma_start3A_207 : memref<128x128xf32, #tpu.memory_space<vmem>>) target(%dma_start3A_213 : memref<10240x128xf32, #tpu.memory_space<vmem_shared>>) offsets(%dma_start3A_210 : memref<128xi32, #tpu.memory_space<vmem>>) semaphore(%dma_start3A_215 : memref<!tpu.dma_semaphore, #tpu.memory_space<semaphore_mem>>) {add = true}
    }
    %scan3A_24 = arith.constant 20 : i32
    %dma_wait3A = arith.constant 0 : i32
    %dma_wait3A_25 = arith.constant 0 : i32
    %dma_wait3A_26 = arith.constant 0 : i32
    %dma_wait3A_27 = arith.constant 0 : i32
    %dma_wait3A_28 = arith.constant 0 : i32
    %dma_wait3A_29 = tpu.memref_slice %arg9[%dma_wait3A, %dma_wait3A_27, %dma_wait3A_28] : memref<2x128x128xf32, #tpu.memory_space<vmem>> -> memref<1x128x128xf32, #tpu.memory_space<vmem>>
    %dma_wait3A_30 = tpu.memref_squeeze %dma_wait3A_29 : memref<1x128x128xf32, #tpu.memory_space<vmem>> -> memref<128x128xf32, #tpu.memory_space<vmem>>
    %dma_wait3A_31 = arith.constant 0 : i32
    %dma_wait3A_32 = tpu.memref_slice %arg8[%dma_wait3A_25, %dma_wait3A_31] : memref<40x128xi32, #tpu.memory_space<vmem>> -> memref<1x128xi32, #tpu.memory_space<vmem>>
    %dma_wait3A_33 = tpu.memref_squeeze %dma_wait3A_32 : memref<1x128xi32, #tpu.memory_space<vmem>> -> memref<128xi32, #tpu.memory_space<vmem>>
    %dma_wait3A_34 = arith.constant 0 : i32
    %dma_wait3A_35 = arith.constant 0 : i32
    %dma_wait3A_36 = tpu.memref_slice %arg10[%dma_wait3A_34, %dma_wait3A_35] : memref<10240x128xf32, #tpu.memory_space<vmem_shared>> -> memref<10240x128xf32, #tpu.memory_space<vmem_shared>>
    %dma_wait3A_37 = tpu.memref_slice %arg12[%dma_wait3A_26] : memref<2x!tpu.dma_semaphore, #tpu.memory_space<semaphore_mem>> -> memref<1x!tpu.dma_semaphore, #tpu.memory_space<semaphore_mem>>
    %dma_wait3A_38 = tpu.memref_squeeze %dma_wait3A_37 : memref<1x!tpu.dma_semaphore, #tpu.memory_space<semaphore_mem>> -> memref<!tpu.dma_semaphore, #tpu.memory_space<semaphore_mem>>
    tpu.wait_indirect_dma semaphore(%dma_wait3A_38 : memref<!tpu.dma_semaphore, #tpu.memory_space<semaphore_mem>>) src(%dma_wait3A_30 : memref<128x128xf32, #tpu.memory_space<vmem>>) dst(%dma_wait3A_36 : memref<10240x128xf32, #tpu.memory_space<vmem_shared>>)
    %dma_wait3A_39 = arith.constant 1 : i32
    %dma_wait3A_40 = arith.constant 1 : i32
    %dma_wait3A_41 = arith.constant 1 : i32
    %dma_wait3A_42 = arith.constant 0 : i32
    %dma_wait3A_43 = arith.constant 0 : i32
    %dma_wait3A_44 = tpu.memref_slice %arg9[%dma_wait3A_39, %dma_wait3A_42, %dma_wait3A_43] : memref<2x128x128xf32, #tpu.memory_space<vmem>> -> memref<1x128x128xf32, #tpu.memory_space<vmem>>
    %dma_wait3A_45 = tpu.memref_squeeze %dma_wait3A_44 : memref<1x128x128xf32, #tpu.memory_space<vmem>> -> memref<128x128xf32, #tpu.memory_space<vmem>>
    %dma_wait3A_46 = arith.constant 0 : i32
    %dma_wait3A_47 = tpu.memref_slice %arg8[%dma_wait3A_40, %dma_wait3A_46] : memref<40x128xi32, #tpu.memory_space<vmem>> -> memref<1x128xi32, #tpu.memory_space<vmem>>
    %dma_wait3A_48 = tpu.memref_squeeze %dma_wait3A_47 : memref<1x128xi32, #tpu.memory_space<vmem>> -> memref<128xi32, #tpu.memory_space<vmem>>
    %dma_wait3A_49 = arith.constant 0 : i32
    %dma_wait3A_50 = arith.constant 0 : i32
    %dma_wait3A_51 = tpu.memref_slice %arg10[%dma_wait3A_49, %dma_wait3A_50] : memref<10240x128xf32, #tpu.memory_space<vmem_shared>> -> memref<10240x128xf32, #tpu.memory_space<vmem_shared>>
    %dma_wait3A_52 = tpu.memref_slice %arg12[%dma_wait3A_41] : memref<2x!tpu.dma_semaphore, #tpu.memory_space<semaphore_mem>> -> memref<1x!tpu.dma_semaphore, #tpu.memory_space<semaphore_mem>>
    %dma_wait3A_53 = tpu.memref_squeeze %dma_wait3A_52 : memref<1x!tpu.dma_semaphore, #tpu.memory_space<semaphore_mem>> -> memref<!tpu.dma_semaphore, #tpu.memory_space<semaphore_mem>>
    tpu.wait_indirect_dma semaphore(%dma_wait3A_53 : memref<!tpu.dma_semaphore, #tpu.memory_space<semaphore_mem>>) src(%dma_wait3A_45 : memref<128x128xf32, #tpu.memory_space<vmem>>) dst(%dma_wait3A_51 : memref<10240x128xf32, #tpu.memory_space<vmem_shared>>)
    %mul3A_54 = arith.constant 80 : i32
    %mul3A_55 = arith.muli %add3A, %mul3A_54 : i32
    %add3A_56 = arith.constant 40 : i32
    %add3A_57 = arith.addi %mul3A_55, %add3A_56 : i32
    "tpu.region"() ({
      %run_scoped3A = tpu.sem_alloc : memref<!tpu.dma_semaphore, #tpu.memory_space<semaphore_mem>>
      %dma_start3A = arith.constant 0 : i32
      %dma_start3A_105 = tpu.memref_slice %arg3[%add3A_57, %dma_start3A] : memref<2560x128xi32, #tpu.memory_space<hbm>> -> memref<40x128xi32, #tpu.memory_space<hbm>>
      %dma_start3A_106 = arith.constant 0 : i32
      %dma_start3A_107 = tpu.memref_slice %arg3[%add3A_57, %dma_start3A_106] : memref<2560x128xi32, #tpu.memory_space<hbm>> -> memref<40x128xi32, #tpu.memory_space<hbm>>
      tpu.enqueue_dma source(%dma_start3A_107 : memref<40x128xi32, #tpu.memory_space<hbm>>) target(%arg7 : memref<40x128xi32, #tpu.memory_space<vmem>>) target_semaphore(%run_scoped3A : memref<!tpu.dma_semaphore, #tpu.memory_space<semaphore_mem>>)
      %dma_wait3A_108 = arith.constant 0 : i32
      %dma_wait3A_109 = tpu.memref_slice %arg3[%add3A_57, %dma_wait3A_108] : memref<2560x128xi32, #tpu.memory_space<hbm>> -> memref<40x128xi32, #tpu.memory_space<hbm>>
      %dma_wait3A_110 = arith.constant 0 : i32
      %dma_wait3A_111 = tpu.memref_slice %arg3[%add3A_57, %dma_wait3A_110] : memref<2560x128xi32, #tpu.memory_space<hbm>> -> memref<40x128xi32, #tpu.memory_space<hbm>>
      tpu.wait_dma2 semaphore(%run_scoped3A : memref<!tpu.dma_semaphore, #tpu.memory_space<semaphore_mem>>) src(%dma_wait3A_111 : memref<40x128xi32, #tpu.memory_space<hbm>>) dst(%arg7 : memref<40x128xi32, #tpu.memory_space<vmem>>)
      tpu.yield
    }) : () -> ()
    %mul3A_58 = arith.constant 80 : i32
    %mul3A_59 = arith.muli %add3A, %mul3A_58 : i32
    %add3A_60 = arith.constant 40 : i32
    %add3A_61 = arith.addi %mul3A_59, %add3A_60 : i32
    "tpu.region"() ({
      %run_scoped3A = tpu.sem_alloc : memref<!tpu.dma_semaphore, #tpu.memory_space<semaphore_mem>>
      %dma_start3A = arith.constant 0 : i32
      %dma_start3A_105 = tpu.memref_slice %arg4[%add3A_61, %dma_start3A] : memref<2560x128xi32, #tpu.memory_space<hbm>> -> memref<40x128xi32, #tpu.memory_space<hbm>>
      %dma_start3A_106 = arith.constant 0 : i32
      %dma_start3A_107 = tpu.memref_slice %arg4[%add3A_61, %dma_start3A_106] : memref<2560x128xi32, #tpu.memory_space<hbm>> -> memref<40x128xi32, #tpu.memory_space<hbm>>
      tpu.enqueue_dma source(%dma_start3A_107 : memref<40x128xi32, #tpu.memory_space<hbm>>) target(%arg8 : memref<40x128xi32, #tpu.memory_space<vmem>>) target_semaphore(%run_scoped3A : memref<!tpu.dma_semaphore, #tpu.memory_space<semaphore_mem>>)
      %dma_wait3A_108 = arith.constant 0 : i32
      %dma_wait3A_109 = tpu.memref_slice %arg4[%add3A_61, %dma_wait3A_108] : memref<2560x128xi32, #tpu.memory_space<hbm>> -> memref<40x128xi32, #tpu.memory_space<hbm>>
      %dma_wait3A_110 = arith.constant 0 : i32
      %dma_wait3A_111 = tpu.memref_slice %arg4[%add3A_61, %dma_wait3A_110] : memref<2560x128xi32, #tpu.memory_space<hbm>> -> memref<40x128xi32, #tpu.memory_space<hbm>>
      tpu.wait_dma2 semaphore(%run_scoped3A : memref<!tpu.dma_semaphore, #tpu.memory_space<semaphore_mem>>) src(%dma_wait3A_111 : memref<40x128xi32, #tpu.memory_space<hbm>>) dst(%arg8 : memref<40x128xi32, #tpu.memory_space<vmem>>)
      tpu.yield
    }) : () -> ()
    %scan3A_62 = arith.constant 0 : i32
    %scan3A_63 = arith.constant 20 : i32
    %scan3A_64 = arith.addi %scan3A_62, %scan3A_63 : i32
    %scan3A_65 = arith.constant 1 : i32
    scf.for %scan3A_105 = %scan3A_62 to %scan3A_64 step %scan3A_65  : i32 {
      %mul3A_106 = arith.constant 1 : i32
      %mul3A_107 = arith.muli %scan3A_105, %mul3A_106 : i32
      %add3A_108 = arith.constant 0 : i32
      %add3A_109 = arith.addi %add3A_108, %mul3A_107 : i32
      %mul3A_110 = arith.constant 2 : i32
      %mul3A_111 = arith.muli %add3A_109, %mul3A_110 : i32
      %gt3A = arith.constant 0 : i32
      %gt3A_112 = arith.cmpi sgt, %add3A_109, %gt3A : i32
      %convert_element_type3A_113 = arith.extui %gt3A_112 : i1 to i32
      %cond3A_114 = arith.constant 0 : i32
      %cond3A_115 = arith.cmpi ne, %convert_element_type3A_113, %cond3A_114 : i32
      scf.if %cond3A_115 {
        %add3A_216 = arith.constant 0 : i32
        %add3A_217 = arith.addi %mul3A_111, %add3A_216 : i32
        %dma_wait3A_218 = arith.constant 0 : i32
        %dma_wait3A_219 = arith.constant 0 : i32
        %dma_wait3A_220 = arith.constant 0 : i32
        %dma_wait3A_221 = arith.constant 0 : i32
        %dma_wait3A_222 = tpu.memref_slice %arg9[%dma_wait3A_218, %dma_wait3A_220, %dma_wait3A_221] : memref<2x128x128xf32, #tpu.memory_space<vmem>> -> memref<1x128x128xf32, #tpu.memory_space<vmem>>
        %dma_wait3A_223 = tpu.memref_squeeze %dma_wait3A_222 : memref<1x128x128xf32, #tpu.memory_space<vmem>> -> memref<128x128xf32, #tpu.memory_space<vmem>>
        %dma_wait3A_224 = arith.constant 0 : i32
        %dma_wait3A_225 = tpu.memref_slice %arg8[%add3A_217, %dma_wait3A_224] : memref<40x128xi32, #tpu.memory_space<vmem>> -> memref<1x128xi32, #tpu.memory_space<vmem>>
        %dma_wait3A_226 = tpu.memref_squeeze %dma_wait3A_225 : memref<1x128xi32, #tpu.memory_space<vmem>> -> memref<128xi32, #tpu.memory_space<vmem>>
        %dma_wait3A_227 = arith.constant 0 : i32
        %dma_wait3A_228 = arith.constant 0 : i32
        %dma_wait3A_229 = tpu.memref_slice %arg10[%dma_wait3A_227, %dma_wait3A_228] : memref<10240x128xf32, #tpu.memory_space<vmem_shared>> -> memref<10240x128xf32, #tpu.memory_space<vmem_shared>>
        %dma_wait3A_230 = tpu.memref_slice %arg12[%dma_wait3A_219] : memref<2x!tpu.dma_semaphore, #tpu.memory_space<semaphore_mem>> -> memref<1x!tpu.dma_semaphore, #tpu.memory_space<semaphore_mem>>
        %dma_wait3A_231 = tpu.memref_squeeze %dma_wait3A_230 : memref<1x!tpu.dma_semaphore, #tpu.memory_space<semaphore_mem>> -> memref<!tpu.dma_semaphore, #tpu.memory_space<semaphore_mem>>
        tpu.wait_indirect_dma semaphore(%dma_wait3A_231 : memref<!tpu.dma_semaphore, #tpu.memory_space<semaphore_mem>>) src(%dma_wait3A_223 : memref<128x128xf32, #tpu.memory_space<vmem>>) dst(%dma_wait3A_229 : memref<10240x128xf32, #tpu.memory_space<vmem_shared>>)
      } else {
      }
      %add3A_116 = arith.constant 0 : i32
      %add3A_117 = arith.addi %mul3A_111, %add3A_116 : i32
      %dma_start3A = arith.constant 0 : i32
      %dma_start3A_118 = arith.constant 0 : i32
      %dma_start3A_119 = arith.constant 0 : i32
      %dma_start3A_120 = arith.constant 0 : i32
      %dma_start3A_121 = tpu.memref_slice %arg9[%dma_start3A, %dma_start3A_119, %dma_start3A_120] : memref<2x128x128xf32, #tpu.memory_space<vmem>> -> memref<1x128x128xf32, #tpu.memory_space<vmem>>
      %dma_start3A_122 = tpu.memref_squeeze %dma_start3A_121 : memref<1x128x128xf32, #tpu.memory_space<vmem>> -> memref<128x128xf32, #tpu.memory_space<vmem>>
      %dma_start3A_123 = arith.constant 0 : i32
      %dma_start3A_124 = tpu.memref_slice %arg7[%add3A_117, %dma_start3A_123] : memref<40x128xi32, #tpu.memory_space<vmem>> -> memref<1x128xi32, #tpu.memory_space<vmem>>
      %dma_start3A_125 = tpu.memref_squeeze %dma_start3A_124 : memref<1x128xi32, #tpu.memory_space<vmem>> -> memref<128xi32, #tpu.memory_space<vmem>>
      %dma_start3A_126 = arith.constant 0 : i32
      %dma_start3A_127 = arith.constant 0 : i32
      %dma_start3A_128 = tpu.memref_slice %arg2[%dma_start3A_126, %dma_start3A_127] : memref<10000x128xf32, #tpu.memory_space<hbm>> -> memref<10000x128xf32, #tpu.memory_space<hbm>>
      %dma_start3A_129 = tpu.memref_slice %arg11[%dma_start3A_118] : memref<2x!tpu.dma_semaphore, #tpu.memory_space<semaphore_mem>> -> memref<1x!tpu.dma_semaphore, #tpu.memory_space<semaphore_mem>>
      %dma_start3A_130 = tpu.memref_squeeze %dma_start3A_129 : memref<1x!tpu.dma_semaphore, #tpu.memory_space<semaphore_mem>> -> memref<!tpu.dma_semaphore, #tpu.memory_space<semaphore_mem>>
      tpu.enqueue_indirect_dma source(%dma_start3A_128 : memref<10000x128xf32, #tpu.memory_space<hbm>>) target(%dma_start3A_122 : memref<128x128xf32, #tpu.memory_space<vmem>>) offsets(%dma_start3A_125 : memref<128xi32, #tpu.memory_space<vmem>>) semaphore(%dma_start3A_130 : memref<!tpu.dma_semaphore, #tpu.memory_space<semaphore_mem>>)
      %gt3A_131 = arith.constant 0 : i32
      %gt3A_132 = arith.cmpi sgt, %add3A_109, %gt3A_131 : i32
      %convert_element_type3A_133 = arith.extui %gt3A_132 : i1 to i32
      %cond3A_134 = arith.constant 0 : i32
      %cond3A_135 = arith.cmpi ne, %convert_element_type3A_133, %cond3A_134 : i32
      scf.if %cond3A_135 {
        %add3A_216 = arith.constant 1 : i32
        %add3A_217 = arith.addi %mul3A_111, %add3A_216 : i32
        %dma_wait3A_218 = arith.constant 1 : i32
        %dma_wait3A_219 = arith.constant 1 : i32
        %dma_wait3A_220 = arith.constant 0 : i32
        %dma_wait3A_221 = arith.constant 0 : i32
        %dma_wait3A_222 = tpu.memref_slice %arg9[%dma_wait3A_218, %dma_wait3A_220, %dma_wait3A_221] : memref<2x128x128xf32, #tpu.memory_space<vmem>> -> memref<1x128x128xf32, #tpu.memory_space<vmem>>
        %dma_wait3A_223 = tpu.memref_squeeze %dma_wait3A_222 : memref<1x128x128xf32, #tpu.memory_space<vmem>> -> memref<128x128xf32, #tpu.memory_space<vmem>>
        %dma_wait3A_224 = arith.constant 0 : i32
        %dma_wait3A_225 = tpu.memref_slice %arg8[%add3A_217, %dma_wait3A_224] : memref<40x128xi32, #tpu.memory_space<vmem>> -> memref<1x128xi32, #tpu.memory_space<vmem>>
        %dma_wait3A_226 = tpu.memref_squeeze %dma_wait3A_225 : memref<1x128xi32, #tpu.memory_space<vmem>> -> memref<128xi32, #tpu.memory_space<vmem>>
        %dma_wait3A_227 = arith.constant 0 : i32
        %dma_wait3A_228 = arith.constant 0 : i32
        %dma_wait3A_229 = tpu.memref_slice %arg10[%dma_wait3A_227, %dma_wait3A_228] : memref<10240x128xf32, #tpu.memory_space<vmem_shared>> -> memref<10240x128xf32, #tpu.memory_space<vmem_shared>>
        %dma_wait3A_230 = tpu.memref_slice %arg12[%dma_wait3A_219] : memref<2x!tpu.dma_semaphore, #tpu.memory_space<semaphore_mem>> -> memref<1x!tpu.dma_semaphore, #tpu.memory_space<semaphore_mem>>
        %dma_wait3A_231 = tpu.memref_squeeze %dma_wait3A_230 : memref<1x!tpu.dma_semaphore, #tpu.memory_space<semaphore_mem>> -> memref<!tpu.dma_semaphore, #tpu.memory_space<semaphore_mem>>
        tpu.wait_indirect_dma semaphore(%dma_wait3A_231 : memref<!tpu.dma_semaphore, #tpu.memory_space<semaphore_mem>>) src(%dma_wait3A_223 : memref<128x128xf32, #tpu.memory_space<vmem>>) dst(%dma_wait3A_229 : memref<10240x128xf32, #tpu.memory_space<vmem_shared>>)
      } else {
      }
      %add3A_136 = arith.constant 1 : i32
      %add3A_137 = arith.addi %mul3A_111, %add3A_136 : i32
      %dma_start3A_138 = arith.constant 1 : i32
      %dma_start3A_139 = arith.constant 1 : i32
      %dma_start3A_140 = arith.constant 0 : i32
      %dma_start3A_141 = arith.constant 0 : i32
      %dma_start3A_142 = tpu.memref_slice %arg9[%dma_start3A_138, %dma_start3A_140, %dma_start3A_141] : memref<2x128x128xf32, #tpu.memory_space<vmem>> -> memref<1x128x128xf32, #tpu.memory_space<vmem>>
      %dma_start3A_143 = tpu.memref_squeeze %dma_start3A_142 : memref<1x128x128xf32, #tpu.memory_space<vmem>> -> memref<128x128xf32, #tpu.memory_space<vmem>>
      %dma_start3A_144 = arith.constant 0 : i32
      %dma_start3A_145 = tpu.memref_slice %arg7[%add3A_137, %dma_start3A_144] : memref<40x128xi32, #tpu.memory_space<vmem>> -> memref<1x128xi32, #tpu.memory_space<vmem>>
      %dma_start3A_146 = tpu.memref_squeeze %dma_start3A_145 : memref<1x128xi32, #tpu.memory_space<vmem>> -> memref<128xi32, #tpu.memory_space<vmem>>
      %dma_start3A_147 = arith.constant 0 : i32
      %dma_start3A_148 = arith.constant 0 : i32
      %dma_start3A_149 = tpu.memref_slice %arg2[%dma_start3A_147, %dma_start3A_148] : memref<10000x128xf32, #tpu.memory_space<hbm>> -> memref<10000x128xf32, #tpu.memory_space<hbm>>
      %dma_start3A_150 = tpu.memref_slice %arg11[%dma_start3A_139] : memref<2x!tpu.dma_semaphore, #tpu.memory_space<semaphore_mem>> -> memref<1x!tpu.dma_semaphore, #tpu.memory_space<semaphore_mem>>
      %dma_start3A_151 = tpu.memref_squeeze %dma_start3A_150 : memref<1x!tpu.dma_semaphore, #tpu.memory_space<semaphore_mem>> -> memref<!tpu.dma_semaphore, #tpu.memory_space<semaphore_mem>>
      tpu.enqueue_indirect_dma source(%dma_start3A_149 : memref<10000x128xf32, #tpu.memory_space<hbm>>) target(%dma_start3A_143 : memref<128x128xf32, #tpu.memory_space<vmem>>) offsets(%dma_start3A_146 : memref<128xi32, #tpu.memory_space<vmem>>) semaphore(%dma_start3A_151 : memref<!tpu.dma_semaphore, #tpu.memory_space<semaphore_mem>>)
      %add3A_152 = arith.constant 0 : i32
      %add3A_153 = arith.addi %mul3A_111, %add3A_152 : i32
      %dma_wait3A_154 = arith.constant 0 : i32
      %dma_wait3A_155 = arith.constant 0 : i32
      %dma_wait3A_156 = arith.constant 0 : i32
      %dma_wait3A_157 = arith.constant 0 : i32
      %dma_wait3A_158 = tpu.memref_slice %arg9[%dma_wait3A_154, %dma_wait3A_156, %dma_wait3A_157] : memref<2x128x128xf32, #tpu.memory_space<vmem>> -> memref<1x128x128xf32, #tpu.memory_space<vmem>>
      %dma_wait3A_159 = tpu.memref_squeeze %dma_wait3A_158 : memref<1x128x128xf32, #tpu.memory_space<vmem>> -> memref<128x128xf32, #tpu.memory_space<vmem>>
      %dma_wait3A_160 = arith.constant 0 : i32
      %dma_wait3A_161 = tpu.memref_slice %arg7[%add3A_153, %dma_wait3A_160] : memref<40x128xi32, #tpu.memory_space<vmem>> -> memref<1x128xi32, #tpu.memory_space<vmem>>
      %dma_wait3A_162 = tpu.memref_squeeze %dma_wait3A_161 : memref<1x128xi32, #tpu.memory_space<vmem>> -> memref<128xi32, #tpu.memory_space<vmem>>
      %dma_wait3A_163 = arith.constant 0 : i32
      %dma_wait3A_164 = arith.constant 0 : i32
      %dma_wait3A_165 = tpu.memref_slice %arg2[%dma_wait3A_163, %dma_wait3A_164] : memref<10000x128xf32, #tpu.memory_space<hbm>> -> memref<10000x128xf32, #tpu.memory_space<hbm>>
      %dma_wait3A_166 = tpu.memref_slice %arg11[%dma_wait3A_155] : memref<2x!tpu.dma_semaphore, #tpu.memory_space<semaphore_mem>> -> memref<1x!tpu.dma_semaphore, #tpu.memory_space<semaphore_mem>>
      %dma_wait3A_167 = tpu.memref_squeeze %dma_wait3A_166 : memref<1x!tpu.dma_semaphore, #tpu.memory_space<semaphore_mem>> -> memref<!tpu.dma_semaphore, #tpu.memory_space<semaphore_mem>>
      tpu.wait_indirect_dma semaphore(%dma_wait3A_167 : memref<!tpu.dma_semaphore, #tpu.memory_space<semaphore_mem>>) src(%dma_wait3A_165 : memref<10000x128xf32, #tpu.memory_space<hbm>>) dst(%dma_wait3A_159 : memref<128x128xf32, #tpu.memory_space<vmem>>)
      %add3A_168 = arith.constant 0 : i32
      %add3A_169 = arith.addi %mul3A_111, %add3A_168 : i32
      %dma_start3A_170 = arith.constant 0 : i32
      %dma_start3A_171 = arith.constant 0 : i32
      %dma_start3A_172 = arith.constant 0 : i32
      %dma_start3A_173 = arith.constant 0 : i32
      %dma_start3A_174 = tpu.memref_slice %arg9[%dma_start3A_170, %dma_start3A_172, %dma_start3A_173] : memref<2x128x128xf32, #tpu.memory_space<vmem>> -> memref<1x128x128xf32, #tpu.memory_space<vmem>>
      %dma_start3A_175 = tpu.memref_squeeze %dma_start3A_174 : memref<1x128x128xf32, #tpu.memory_space<vmem>> -> memref<128x128xf32, #tpu.memory_space<vmem>>
      %dma_start3A_176 = arith.constant 0 : i32
      %dma_start3A_177 = tpu.memref_slice %arg8[%add3A_169, %dma_start3A_176] : memref<40x128xi32, #tpu.memory_space<vmem>> -> memref<1x128xi32, #tpu.memory_space<vmem>>
      %dma_start3A_178 = tpu.memref_squeeze %dma_start3A_177 : memref<1x128xi32, #tpu.memory_space<vmem>> -> memref<128xi32, #tpu.memory_space<vmem>>
      %dma_start3A_179 = arith.constant 0 : i32
      %dma_start3A_180 = arith.constant 0 : i32
      %dma_start3A_181 = tpu.memref_slice %arg10[%dma_start3A_179, %dma_start3A_180] : memref<10240x128xf32, #tpu.memory_space<vmem_shared>> -> memref<10240x128xf32, #tpu.memory_space<vmem_shared>>
      %dma_start3A_182 = tpu.memref_slice %arg12[%dma_start3A_171] : memref<2x!tpu.dma_semaphore, #tpu.memory_space<semaphore_mem>> -> memref<1x!tpu.dma_semaphore, #tpu.memory_space<semaphore_mem>>
      %dma_start3A_183 = tpu.memref_squeeze %dma_start3A_182 : memref<1x!tpu.dma_semaphore, #tpu.memory_space<semaphore_mem>> -> memref<!tpu.dma_semaphore, #tpu.memory_space<semaphore_mem>>
      tpu.enqueue_indirect_dma source(%dma_start3A_175 : memref<128x128xf32, #tpu.memory_space<vmem>>) target(%dma_start3A_181 : memref<10240x128xf32, #tpu.memory_space<vmem_shared>>) offsets(%dma_start3A_178 : memref<128xi32, #tpu.memory_space<vmem>>) semaphore(%dma_start3A_183 : memref<!tpu.dma_semaphore, #tpu.memory_space<semaphore_mem>>) {add = true}
      %add3A_184 = arith.constant 1 : i32
      %add3A_185 = arith.addi %mul3A_111, %add3A_184 : i32
      %dma_wait3A_186 = arith.constant 1 : i32
      %dma_wait3A_187 = arith.constant 1 : i32
      %dma_wait3A_188 = arith.constant 0 : i32
      %dma_wait3A_189 = arith.constant 0 : i32
      %dma_wait3A_190 = tpu.memref_slice %arg9[%dma_wait3A_186, %dma_wait3A_188, %dma_wait3A_189] : memref<2x128x128xf32, #tpu.memory_space<vmem>> -> memref<1x128x128xf32, #tpu.memory_space<vmem>>
      %dma_wait3A_191 = tpu.memref_squeeze %dma_wait3A_190 : memref<1x128x128xf32, #tpu.memory_space<vmem>> -> memref<128x128xf32, #tpu.memory_space<vmem>>
      %dma_wait3A_192 = arith.constant 0 : i32
      %dma_wait3A_193 = tpu.memref_slice %arg7[%add3A_185, %dma_wait3A_192] : memref<40x128xi32, #tpu.memory_space<vmem>> -> memref<1x128xi32, #tpu.memory_space<vmem>>
      %dma_wait3A_194 = tpu.memref_squeeze %dma_wait3A_193 : memref<1x128xi32, #tpu.memory_space<vmem>> -> memref<128xi32, #tpu.memory_space<vmem>>
      %dma_wait3A_195 = arith.constant 0 : i32
      %dma_wait3A_196 = arith.constant 0 : i32
      %dma_wait3A_197 = tpu.memref_slice %arg2[%dma_wait3A_195, %dma_wait3A_196] : memref<10000x128xf32, #tpu.memory_space<hbm>> -> memref<10000x128xf32, #tpu.memory_space<hbm>>
      %dma_wait3A_198 = tpu.memref_slice %arg11[%dma_wait3A_187] : memref<2x!tpu.dma_semaphore, #tpu.memory_space<semaphore_mem>> -> memref<1x!tpu.dma_semaphore, #tpu.memory_space<semaphore_mem>>
      %dma_wait3A_199 = tpu.memref_squeeze %dma_wait3A_198 : memref<1x!tpu.dma_semaphore, #tpu.memory_space<semaphore_mem>> -> memref<!tpu.dma_semaphore, #tpu.memory_space<semaphore_mem>>
      tpu.wait_indirect_dma semaphore(%dma_wait3A_199 : memref<!tpu.dma_semaphore, #tpu.memory_space<semaphore_mem>>) src(%dma_wait3A_197 : memref<10000x128xf32, #tpu.memory_space<hbm>>) dst(%dma_wait3A_191 : memref<128x128xf32, #tpu.memory_space<vmem>>)
      %add3A_200 = arith.constant 1 : i32
      %add3A_201 = arith.addi %mul3A_111, %add3A_200 : i32
      %dma_start3A_202 = arith.constant 1 : i32
      %dma_start3A_203 = arith.constant 1 : i32
      %dma_start3A_204 = arith.constant 0 : i32
      %dma_start3A_205 = arith.constant 0 : i32
      %dma_start3A_206 = tpu.memref_slice %arg9[%dma_start3A_202, %dma_start3A_204, %dma_start3A_205] : memref<2x128x128xf32, #tpu.memory_space<vmem>> -> memref<1x128x128xf32, #tpu.memory_space<vmem>>
      %dma_start3A_207 = tpu.memref_squeeze %dma_start3A_206 : memref<1x128x128xf32, #tpu.memory_space<vmem>> -> memref<128x128xf32, #tpu.memory_space<vmem>>
      %dma_start3A_208 = arith.constant 0 : i32
      %dma_start3A_209 = tpu.memref_slice %arg8[%add3A_201, %dma_start3A_208] : memref<40x128xi32, #tpu.memory_space<vmem>> -> memref<1x128xi32, #tpu.memory_space<vmem>>
      %dma_start3A_210 = tpu.memref_squeeze %dma_start3A_209 : memref<1x128xi32, #tpu.memory_space<vmem>> -> memref<128xi32, #tpu.memory_space<vmem>>
      %dma_start3A_211 = arith.constant 0 : i32
      %dma_start3A_212 = arith.constant 0 : i32
      %dma_start3A_213 = tpu.memref_slice %arg10[%dma_start3A_211, %dma_start3A_212] : memref<10240x128xf32, #tpu.memory_space<vmem_shared>> -> memref<10240x128xf32, #tpu.memory_space<vmem_shared>>
      %dma_start3A_214 = tpu.memref_slice %arg12[%dma_start3A_203] : memref<2x!tpu.dma_semaphore, #tpu.memory_space<semaphore_mem>> -> memref<1x!tpu.dma_semaphore, #tpu.memory_space<semaphore_mem>>
      %dma_start3A_215 = tpu.memref_squeeze %dma_start3A_214 : memref<1x!tpu.dma_semaphore, #tpu.memory_space<semaphore_mem>> -> memref<!tpu.dma_semaphore, #tpu.memory_space<semaphore_mem>>
      tpu.enqueue_indirect_dma source(%dma_start3A_207 : memref<128x128xf32, #tpu.memory_space<vmem>>) target(%dma_start3A_213 : memref<10240x128xf32, #tpu.memory_space<vmem_shared>>) offsets(%dma_start3A_210 : memref<128xi32, #tpu.memory_space<vmem>>) semaphore(%dma_start3A_215 : memref<!tpu.dma_semaphore, #tpu.memory_space<semaphore_mem>>) {add = true}
    }
    %scan3A_66 = arith.constant 20 : i32
    %dma_wait3A_67 = arith.constant 0 : i32
    %dma_wait3A_68 = arith.constant 0 : i32
    %dma_wait3A_69 = arith.constant 0 : i32
    %dma_wait3A_70 = arith.constant 0 : i32
    %dma_wait3A_71 = arith.constant 0 : i32
    %dma_wait3A_72 = tpu.memref_slice %arg9[%dma_wait3A_67, %dma_wait3A_70, %dma_wait3A_71] : memref<2x128x128xf32, #tpu.memory_space<vmem>> -> memref<1x128x128xf32, #tpu.memory_space<vmem>>
    %dma_wait3A_73 = tpu.memref_squeeze %dma_wait3A_72 : memref<1x128x128xf32, #tpu.memory_space<vmem>> -> memref<128x128xf32, #tpu.memory_space<vmem>>
    %dma_wait3A_74 = arith.constant 0 : i32
    %dma_wait3A_75 = tpu.memref_slice %arg8[%dma_wait3A_68, %dma_wait3A_74] : memref<40x128xi32, #tpu.memory_space<vmem>> -> memref<1x128xi32, #tpu.memory_space<vmem>>
    %dma_wait3A_76 = tpu.memref_squeeze %dma_wait3A_75 : memref<1x128xi32, #tpu.memory_space<vmem>> -> memref<128xi32, #tpu.memory_space<vmem>>
    %dma_wait3A_77 = arith.constant 0 : i32
    %dma_wait3A_78 = arith.constant 0 : i32
    %dma_wait3A_79 = tpu.memref_slice %arg10[%dma_wait3A_77, %dma_wait3A_78] : memref<10240x128xf32, #tpu.memory_space<vmem_shared>> -> memref<10240x128xf32, #tpu.memory_space<vmem_shared>>
    %dma_wait3A_80 = tpu.memref_slice %arg12[%dma_wait3A_69] : memref<2x!tpu.dma_semaphore, #tpu.memory_space<semaphore_mem>> -> memref<1x!tpu.dma_semaphore, #tpu.memory_space<semaphore_mem>>
    %dma_wait3A_81 = tpu.memref_squeeze %dma_wait3A_80 : memref<1x!tpu.dma_semaphore, #tpu.memory_space<semaphore_mem>> -> memref<!tpu.dma_semaphore, #tpu.memory_space<semaphore_mem>>
    tpu.wait_indirect_dma semaphore(%dma_wait3A_81 : memref<!tpu.dma_semaphore, #tpu.memory_space<semaphore_mem>>) src(%dma_wait3A_73 : memref<128x128xf32, #tpu.memory_space<vmem>>) dst(%dma_wait3A_79 : memref<10240x128xf32, #tpu.memory_space<vmem_shared>>)
    %dma_wait3A_82 = arith.constant 1 : i32
    %dma_wait3A_83 = arith.constant 1 : i32
    %dma_wait3A_84 = arith.constant 1 : i32
    %dma_wait3A_85 = arith.constant 0 : i32
    %dma_wait3A_86 = arith.constant 0 : i32
    %dma_wait3A_87 = tpu.memref_slice %arg9[%dma_wait3A_82, %dma_wait3A_85, %dma_wait3A_86] : memref<2x128x128xf32, #tpu.memory_space<vmem>> -> memref<1x128x128xf32, #tpu.memory_space<vmem>>
    %dma_wait3A_88 = tpu.memref_squeeze %dma_wait3A_87 : memref<1x128x128xf32, #tpu.memory_space<vmem>> -> memref<128x128xf32, #tpu.memory_space<vmem>>
    %dma_wait3A_89 = arith.constant 0 : i32
    %dma_wait3A_90 = tpu.memref_slice %arg8[%dma_wait3A_83, %dma_wait3A_89] : memref<40x128xi32, #tpu.memory_space<vmem>> -> memref<1x128xi32, #tpu.memory_space<vmem>>
    %dma_wait3A_91 = tpu.memref_squeeze %dma_wait3A_90 : memref<1x128xi32, #tpu.memory_space<vmem>> -> memref<128xi32, #tpu.memory_space<vmem>>
    %dma_wait3A_92 = arith.constant 0 : i32
    %dma_wait3A_93 = arith.constant 0 : i32
    %dma_wait3A_94 = tpu.memref_slice %arg10[%dma_wait3A_92, %dma_wait3A_93] : memref<10240x128xf32, #tpu.memory_space<vmem_shared>> -> memref<10240x128xf32, #tpu.memory_space<vmem_shared>>
    %dma_wait3A_95 = tpu.memref_slice %arg12[%dma_wait3A_84] : memref<2x!tpu.dma_semaphore, #tpu.memory_space<semaphore_mem>> -> memref<1x!tpu.dma_semaphore, #tpu.memory_space<semaphore_mem>>
    %dma_wait3A_96 = tpu.memref_squeeze %dma_wait3A_95 : memref<1x!tpu.dma_semaphore, #tpu.memory_space<semaphore_mem>> -> memref<!tpu.dma_semaphore, #tpu.memory_space<semaphore_mem>>
    tpu.wait_indirect_dma semaphore(%dma_wait3A_96 : memref<!tpu.dma_semaphore, #tpu.memory_space<semaphore_mem>>) src(%dma_wait3A_88 : memref<128x128xf32, #tpu.memory_space<vmem>>) dst(%dma_wait3A_94 : memref<10240x128xf32, #tpu.memory_space<vmem_shared>>)
    %barrier3A_97 = arith.constant 0 : index
    tpu.barrier barrier_id(%barrier3A_97)
    %eq3A = arith.constant 0 : i32
    %eq3A_98 = arith.cmpi eq, %arg0, %eq3A : i32
    %convert_element_type3A = arith.extui %eq3A_98 : i1 to i32
    %cond3A = arith.constant 0 : i32
    %cond3A_99 = arith.cmpi ne, %convert_element_type3A, %cond3A : i32
    scf.if %cond3A_99 {
      %mul3A_105 = arith.constant 640 : i32
      %mul3A_106 = arith.muli %arg1, %mul3A_105 : i32
      %mul3A_107 = arith.constant 640 : i32
      %mul3A_108 = arith.muli %arg1, %mul3A_107 : i32
      "tpu.region"() ({
        %run_scoped3A = tpu.sem_alloc : memref<!tpu.dma_semaphore, #tpu.memory_space<semaphore_mem>>
        %dma_start3A = arith.constant 0 : i32
        %dma_start3A_109 = tpu.memref_slice %arg5[%mul3A_108, %dma_start3A] : memref<10240x128xf32, #tpu.memory_space<hbm>> -> memref<640x128xf32, #tpu.memory_space<hbm>>
        %dma_start3A_110 = arith.constant 0 : i32
        %dma_start3A_111 = tpu.memref_slice %arg10[%mul3A_106, %dma_start3A_110] : memref<10240x128xf32, #tpu.memory_space<vmem_shared>> -> memref<640x128xf32, #tpu.memory_space<vmem_shared>>
        tpu.enqueue_dma source(%dma_start3A_111 : memref<640x128xf32, #tpu.memory_space<vmem_shared>>) target(%dma_start3A_109 : memref<640x128xf32, #tpu.memory_space<hbm>>) target_semaphore(%run_scoped3A : memref<!tpu.dma_semaphore, #tpu.memory_space<semaphore_mem>>)
        %dma_wait3A_112 = arith.constant 0 : i32
        %dma_wait3A_113 = tpu.memref_slice %arg5[%mul3A_108, %dma_wait3A_112] : memref<10240x128xf32, #tpu.memory_space<hbm>> -> memref<640x128xf32, #tpu.memory_space<hbm>>
        %dma_wait3A_114 = arith.constant 0 : i32
        %dma_wait3A_115 = tpu.memref_slice %arg10[%mul3A_106, %dma_wait3A_114] : memref<10240x128xf32, #tpu.memory_space<vmem_shared>> -> memref<640x128xf32, #tpu.memory_space<vmem_shared>>
        tpu.wait_dma2 semaphore(%run_scoped3A : memref<!tpu.dma_semaphore, #tpu.memory_space<semaphore_mem>>) src(%dma_wait3A_115 : memref<640x128xf32, #tpu.memory_space<vmem_shared>>) dst(%dma_wait3A_113 : memref<640x128xf32, #tpu.memory_space<hbm>>)
        tpu.yield
      }) : () -> ()
    } else {
    }
    %eq3A_100 = arith.constant 1 : i32
    %eq3A_101 = arith.cmpi eq, %arg0, %eq3A_100 : i32
    %convert_element_type3A_102 = arith.extui %eq3A_101 : i1 to i32
    %cond3A_103 = arith.constant 0 : i32
    %cond3A_104 = arith.cmpi ne, %convert_element_type3A_102, %cond3A_103 : i32
    scf.if %cond3A_104 {
      %mul3A_105 = arith.constant 640 : i32
      %mul3A_106 = arith.muli %arg1, %mul3A_105 : i32
      %mul3A_107 = arith.constant 640 : i32
      %mul3A_108 = arith.muli %arg1, %mul3A_107 : i32
      "tpu.region"() ({
        %run_scoped3A = tpu.sem_alloc : memref<!tpu.dma_semaphore, #tpu.memory_space<semaphore_mem>>
        %dma_start3A = arith.constant 0 : i32
        %dma_start3A_109 = tpu.memref_slice %arg6[%mul3A_108, %dma_start3A] : memref<10240x128xf32, #tpu.memory_space<hbm>> -> memref<640x128xf32, #tpu.memory_space<hbm>>
        %dma_start3A_110 = arith.constant 0 : i32
        %dma_start3A_111 = tpu.memref_slice %arg10[%mul3A_106, %dma_start3A_110] : memref<10240x128xf32, #tpu.memory_space<vmem_shared>> -> memref<640x128xf32, #tpu.memory_space<vmem_shared>>
        tpu.enqueue_dma source(%dma_start3A_111 : memref<640x128xf32, #tpu.memory_space<vmem_shared>>) target(%dma_start3A_109 : memref<640x128xf32, #tpu.memory_space<hbm>>) target_semaphore(%run_scoped3A : memref<!tpu.dma_semaphore, #tpu.memory_space<semaphore_mem>>)
        %dma_wait3A_112 = arith.constant 0 : i32
        %dma_wait3A_113 = tpu.memref_slice %arg6[%mul3A_108, %dma_wait3A_112] : memref<10240x128xf32, #tpu.memory_space<hbm>> -> memref<640x128xf32, #tpu.memory_space<hbm>>
        %dma_wait3A_114 = arith.constant 0 : i32
        %dma_wait3A_115 = tpu.memref_slice %arg10[%mul3A_106, %dma_wait3A_114] : memref<10240x128xf32, #tpu.memory_space<vmem_shared>> -> memref<640x128xf32, #tpu.memory_space<vmem_shared>>
        tpu.wait_dma2 semaphore(%run_scoped3A : memref<!tpu.dma_semaphore, #tpu.memory_space<semaphore_mem>>) src(%dma_wait3A_115 : memref<640x128xf32, #tpu.memory_space<vmem_shared>>) dst(%dma_wait3A_113 : memref<640x128xf32, #tpu.memory_space<hbm>>)
        tpu.yield
      }) : () -> ()
    } else {
    }
    return
  }
}

#map = affine_map<(d0, d1) -> (0, 0)>
module attributes {stable_mosaic.version = 14 : i64} {
  func.func @k(%arg0: i32, %arg1: i32, %arg2: memref<2560x128xi32, #tpu.memory_space<hbm>>, %arg3: memref<10240x128xf32, #tpu.memory_space<hbm>>, %arg4: memref<10240x128xf32, #tpu.memory_space<hbm>>, %arg5: memref<80x128xi32, #tpu.memory_space<vmem>>, %arg6: memref<128x128xf32, #tpu.memory_space<vmem>>, %arg7: memref<10240x128xf32, #tpu.memory_space<vmem_shared>>, %arg8: memref<!tpu.dma_semaphore, #tpu.memory_space<semaphore_mem>>) attributes {dimension_semantics = [#tpu.dimension_semantics<core_parallel>, #tpu.dimension_semantics<subcore_parallel>], iteration_bounds = array<i64: 2, 16>, scalar_prefetch = 0 : i64, scratch_operands = 4 : i64, tpu.core_type = #tpu.core_type<sc_vector_subcore>, window_params = [{transform_indices = #map}, {transform_indices = #map}, {transform_indices = #map}]} {
    %mul3A = arith.constant 16 : i32
    %mul3A_0 = arith.muli %arg0, %mul3A : i32
    %add3A = arith.addi %mul3A_0, %arg1 : i32
    %scan3A = arith.constant 0 : i32
    %scan3A_1 = arith.constant 128 : i32
    %scan3A_2 = arith.addi %scan3A, %scan3A_1 : i32
    %scan3A_3 = arith.constant 1 : i32
    scf.for %scan3A_40 = %scan3A to %scan3A_2 step %scan3A_3  : i32 {
      %mul3A_41 = arith.constant 1 : i32
      %mul3A_42 = arith.muli %scan3A_40, %mul3A_41 : i32
      %add3A_43 = arith.constant 0 : i32
      %add3A_44 = arith.addi %add3A_43, %mul3A_42 : i32
      %scan3A_45 = arith.constant 0 : i32
      %scan3A_46 = arith.constant 8 : i32
      %scan3A_47 = arith.addi %scan3A_45, %scan3A_46 : i32
      %scan3A_48 = arith.constant 1 : i32
      scf.for %scan3A_50 = %scan3A_45 to %scan3A_47 step %scan3A_48  : i32 {
        %mul3A_51 = arith.constant 1 : i32
        %mul3A_52 = arith.muli %scan3A_50, %mul3A_51 : i32
        %add3A_53 = arith.constant 0 : i32
        %add3A_54 = arith.addi %add3A_53, %mul3A_52 : i32
        %broadcast_in_dim3A = arith.constant 0.000000e+00 : f32
        %broadcast_in_dim3A_55 = vector.broadcast %broadcast_in_dim3A : f32 to vector<16xf32>
        %mul3A_56 = arith.constant 16 : i32
        %mul3A_57 = arith.muli %add3A_54, %mul3A_56 : i32
        %swap3A = arith.index_cast %add3A_44 : i32 to index
        %swap3A_58 = arith.index_cast %mul3A_57 : i32 to index
        %swap3A_59 = tpu.vector_load %arg6[%swap3A, %swap3A_58] {strides = array<i32>} : memref<128x128xf32, #tpu.memory_space<vmem>>, vector<1x16xf32>,
        %swap3A_60 = vector.shape_cast %swap3A_59 : vector<1x16xf32> to vector<16xf32>
        %swap3A_61 = vector.shape_cast %broadcast_in_dim3A_55 : vector<16xf32> to vector<1x16xf32>
        tpu.vector_store %arg6[%swap3A, %swap3A_58], %swap3A_61 {strides = array<i32>} : memref<128x128xf32, #tpu.memory_space<vmem>>, vector<1x16xf32>,
      }
      %scan3A_49 = arith.constant 8 : i32
    }
    %scan3A_4 = arith.constant 128 : i32
    %scan3A_5 = arith.constant 0 : i32
    %scan3A_6 = arith.constant 5 : i32
    %scan3A_7 = arith.addi %scan3A_5, %scan3A_6 : i32
    %scan3A_8 = arith.constant 1 : i32
    scf.for %scan3A_40 = %scan3A_5 to %scan3A_7 step %scan3A_8  : i32 {
      %mul3A_41 = arith.constant 1 : i32
      %mul3A_42 = arith.muli %scan3A_40, %mul3A_41 : i32
      %add3A_43 = arith.constant 0 : i32
      %add3A_44 = arith.addi %add3A_43, %mul3A_42 : i32
      %mul3A_45 = arith.constant 640 : i32
      %mul3A_46 = arith.muli %arg1, %mul3A_45 : i32
      %mul3A_47 = arith.constant 128 : i32
      %mul3A_48 = arith.muli %add3A_44, %mul3A_47 : i32
      %add3A_49 = arith.addi %mul3A_46, %mul3A_48 : i32
      "tpu.region"() ({
        %run_scoped3A = tpu.sem_alloc : memref<!tpu.dma_semaphore, #tpu.memory_space<semaphore_mem>>
        %dma_start3A = arith.constant 0 : i32
        %dma_start3A_50 = tpu.memref_slice %arg7[%add3A_49, %dma_start3A] : memref<10240x128xf32, #tpu.memory_space<vmem_shared>> -> memref<128x128xf32, #tpu.memory_space<vmem_shared>>
        %dma_start3A_51 = arith.constant 0 : i32
        %dma_start3A_52 = tpu.memref_slice %arg7[%add3A_49, %dma_start3A_51] : memref<10240x128xf32, #tpu.memory_space<vmem_shared>> -> memref<128x128xf32, #tpu.memory_space<vmem_shared>>
        tpu.enqueue_dma source(%arg6 : memref<128x128xf32, #tpu.memory_space<vmem>>) target(%dma_start3A_52 : memref<128x128xf32, #tpu.memory_space<vmem_shared>>) target_semaphore(%run_scoped3A : memref<!tpu.dma_semaphore, #tpu.memory_space<semaphore_mem>>)
        %dma_wait3A = arith.constant 0 : i32
        %dma_wait3A_53 = tpu.memref_slice %arg7[%add3A_49, %dma_wait3A] : memref<10240x128xf32, #tpu.memory_space<vmem_shared>> -> memref<128x128xf32, #tpu.memory_space<vmem_shared>>
        %dma_wait3A_54 = arith.constant 0 : i32
        %dma_wait3A_55 = tpu.memref_slice %arg7[%add3A_49, %dma_wait3A_54] : memref<10240x128xf32, #tpu.memory_space<vmem_shared>> -> memref<128x128xf32, #tpu.memory_space<vmem_shared>>
        tpu.wait_dma2 semaphore(%run_scoped3A : memref<!tpu.dma_semaphore, #tpu.memory_space<semaphore_mem>>) src(%arg6 : memref<128x128xf32, #tpu.memory_space<vmem>>) dst(%dma_wait3A_55 : memref<128x128xf32, #tpu.memory_space<vmem_shared>>)
        tpu.yield
      }) : () -> ()
    }
    %scan3A_9 = arith.constant 5 : i32
    %scan3A_10 = arith.constant 0 : i32
    %scan3A_11 = arith.constant 128 : i32
    %scan3A_12 = arith.addi %scan3A_10, %scan3A_11 : i32
    %scan3A_13 = arith.constant 1 : i32
    scf.for %scan3A_40 = %scan3A_10 to %scan3A_12 step %scan3A_13  : i32 {
      %mul3A_41 = arith.constant 1 : i32
      %mul3A_42 = arith.muli %scan3A_40, %mul3A_41 : i32
      %add3A_43 = arith.constant 0 : i32
      %add3A_44 = arith.addi %add3A_43, %mul3A_42 : i32
      %scan3A_45 = arith.constant 0 : i32
      %scan3A_46 = arith.constant 8 : i32
      %scan3A_47 = arith.addi %scan3A_45, %scan3A_46 : i32
      %scan3A_48 = arith.constant 1 : i32
      scf.for %scan3A_50 = %scan3A_45 to %scan3A_47 step %scan3A_48  : i32 {
        %mul3A_51 = arith.constant 1 : i32
        %mul3A_52 = arith.muli %scan3A_50, %mul3A_51 : i32
        %add3A_53 = arith.constant 0 : i32
        %add3A_54 = arith.addi %add3A_53, %mul3A_52 : i32
        %broadcast_in_dim3A = arith.constant 1.000000e+00 : f32
        %broadcast_in_dim3A_55 = vector.broadcast %broadcast_in_dim3A : f32 to vector<16xf32>
        %mul3A_56 = arith.constant 16 : i32
        %mul3A_57 = arith.muli %add3A_54, %mul3A_56 : i32
        %swap3A = arith.index_cast %add3A_44 : i32 to index
        %swap3A_58 = arith.index_cast %mul3A_57 : i32 to index
        %swap3A_59 = tpu.vector_load %arg6[%swap3A, %swap3A_58] {strides = array<i32>} : memref<128x128xf32, #tpu.memory_space<vmem>>, vector<1x16xf32>,
        %swap3A_60 = vector.shape_cast %swap3A_59 : vector<1x16xf32> to vector<16xf32>
        %swap3A_61 = vector.shape_cast %broadcast_in_dim3A_55 : vector<16xf32> to vector<1x16xf32>
        tpu.vector_store %arg6[%swap3A, %swap3A_58], %swap3A_61 {strides = array<i32>} : memref<128x128xf32, #tpu.memory_space<vmem>>, vector<1x16xf32>,
      }
      %scan3A_49 = arith.constant 8 : i32
    }
    %scan3A_14 = arith.constant 128 : i32
    %mul3A_15 = arith.constant 80 : i32
    %mul3A_16 = arith.muli %add3A, %mul3A_15 : i32
    "tpu.region"() ({
      %run_scoped3A = tpu.sem_alloc : memref<!tpu.dma_semaphore, #tpu.memory_space<semaphore_mem>>
      %dma_start3A = arith.constant 0 : i32
      %dma_start3A_40 = tpu.memref_slice %arg2[%mul3A_16, %dma_start3A] : memref<2560x128xi32, #tpu.memory_space<hbm>> -> memref<80x128xi32, #tpu.memory_space<hbm>>
      %dma_start3A_41 = arith.constant 0 : i32
      %dma_start3A_42 = tpu.memref_slice %arg2[%mul3A_16, %dma_start3A_41] : memref<2560x128xi32, #tpu.memory_space<hbm>> -> memref<80x128xi32, #tpu.memory_space<hbm>>
      tpu.enqueue_dma source(%dma_start3A_42 : memref<80x128xi32, #tpu.memory_space<hbm>>) target(%arg5 : memref<80x128xi32, #tpu.memory_space<vmem>>) target_semaphore(%run_scoped3A : memref<!tpu.dma_semaphore, #tpu.memory_space<semaphore_mem>>)
      %dma_wait3A = arith.constant 0 : i32
      %dma_wait3A_43 = tpu.memref_slice %arg2[%mul3A_16, %dma_wait3A] : memref<2560x128xi32, #tpu.memory_space<hbm>> -> memref<80x128xi32, #tpu.memory_space<hbm>>
      %dma_wait3A_44 = arith.constant 0 : i32
      %dma_wait3A_45 = tpu.memref_slice %arg2[%mul3A_16, %dma_wait3A_44] : memref<2560x128xi32, #tpu.memory_space<hbm>> -> memref<80x128xi32, #tpu.memory_space<hbm>>
      tpu.wait_dma2 semaphore(%run_scoped3A : memref<!tpu.dma_semaphore, #tpu.memory_space<semaphore_mem>>) src(%dma_wait3A_45 : memref<80x128xi32, #tpu.memory_space<hbm>>) dst(%arg5 : memref<80x128xi32, #tpu.memory_space<vmem>>)
      tpu.yield
    }) : () -> ()
    %barrier3A = arith.constant 0 : index
    tpu.barrier barrier_id(%barrier3A)
    %scan3A_17 = arith.constant 0 : i32
    %scan3A_18 = arith.constant 8 : i32
    %scan3A_19 = arith.addi %scan3A_17, %scan3A_18 : i32
    %scan3A_20 = arith.constant 1 : i32
    scf.for %scan3A_40 = %scan3A_17 to %scan3A_19 step %scan3A_20  : i32 {
      %mul3A_41 = arith.constant 1 : i32
      %mul3A_42 = arith.muli %scan3A_40, %mul3A_41 : i32
      %add3A_43 = arith.constant 0 : i32
      %add3A_44 = arith.addi %add3A_43, %mul3A_42 : i32
      %dma_start3A = arith.constant 0 : i32
      %dma_start3A_45 = tpu.memref_slice %arg5[%add3A_44, %dma_start3A] : memref<80x128xi32, #tpu.memory_space<vmem>> -> memref<1x128xi32, #tpu.memory_space<vmem>>
      %dma_start3A_46 = tpu.memref_squeeze %dma_start3A_45 : memref<1x128xi32, #tpu.memory_space<vmem>> -> memref<128xi32, #tpu.memory_space<vmem>>
      %dma_start3A_47 = arith.constant 0 : i32
      %dma_start3A_48 = arith.constant 0 : i32
      %dma_start3A_49 = tpu.memref_slice %arg7[%dma_start3A_47, %dma_start3A_48] : memref<10240x128xf32, #tpu.memory_space<vmem_shared>> -> memref<10240x128xf32, #tpu.memory_space<vmem_shared>>
      tpu.enqueue_indirect_dma source(%arg6 : memref<128x128xf32, #tpu.memory_space<vmem>>) target(%dma_start3A_49 : memref<10240x128xf32, #tpu.memory_space<vmem_shared>>) offsets(%dma_start3A_46 : memref<128xi32, #tpu.memory_space<vmem>>) semaphore(%arg8 : memref<!tpu.dma_semaphore, #tpu.memory_space<semaphore_mem>>) {add = true}
    }
    %scan3A_21 = arith.constant 8 : i32
    %scan3A_22 = arith.constant 0 : i32
    %scan3A_23 = arith.constant 72 : i32
    %scan3A_24 = arith.addi %scan3A_22, %scan3A_23 : i32
    %scan3A_25 = arith.constant 1 : i32
    scf.for %scan3A_40 = %scan3A_22 to %scan3A_24 step %scan3A_25  : i32 {
      %mul3A_41 = arith.constant 1 : i32
      %mul3A_42 = arith.muli %scan3A_40, %mul3A_41 : i32
      %add3A_43 = arith.constant 8 : i32
      %add3A_44 = arith.addi %add3A_43, %mul3A_42 : i32
      %dma_wait3A = arith.constant 0 : i32
      %dma_wait3A_45 = tpu.memref_slice %arg5[%add3A_44, %dma_wait3A] : memref<80x128xi32, #tpu.memory_space<vmem>> -> memref<1x128xi32, #tpu.memory_space<vmem>>
      %dma_wait3A_46 = tpu.memref_squeeze %dma_wait3A_45 : memref<1x128xi32, #tpu.memory_space<vmem>> -> memref<128xi32, #tpu.memory_space<vmem>>
      %dma_wait3A_47 = arith.constant 0 : i32
      %dma_wait3A_48 = arith.constant 0 : i32
      %dma_wait3A_49 = tpu.memref_slice %arg7[%dma_wait3A_47, %dma_wait3A_48] : memref<10240x128xf32, #tpu.memory_space<vmem_shared>> -> memref<10240x128xf32, #tpu.memory_space<vmem_shared>>
      tpu.wait_indirect_dma semaphore(%arg8 : memref<!tpu.dma_semaphore, #tpu.memory_space<semaphore_mem>>) src(%arg6 : memref<128x128xf32, #tpu.memory_space<vmem>>) dst(%dma_wait3A_49 : memref<10240x128xf32, #tpu.memory_space<vmem_shared>>)
      %dma_start3A = arith.constant 0 : i32
      %dma_start3A_50 = tpu.memref_slice %arg5[%add3A_44, %dma_start3A] : memref<80x128xi32, #tpu.memory_space<vmem>> -> memref<1x128xi32, #tpu.memory_space<vmem>>
      %dma_start3A_51 = tpu.memref_squeeze %dma_start3A_50 : memref<1x128xi32, #tpu.memory_space<vmem>> -> memref<128xi32, #tpu.memory_space<vmem>>
      %dma_start3A_52 = arith.constant 0 : i32
      %dma_start3A_53 = arith.constant 0 : i32
      %dma_start3A_54 = tpu.memref_slice %arg7[%dma_start3A_52, %dma_start3A_53] : memref<10240x128xf32, #tpu.memory_space<vmem_shared>> -> memref<10240x128xf32, #tpu.memory_space<vmem_shared>>
      tpu.enqueue_indirect_dma source(%arg6 : memref<128x128xf32, #tpu.memory_space<vmem>>) target(%dma_start3A_54 : memref<10240x128xf32, #tpu.memory_space<vmem_shared>>) offsets(%dma_start3A_51 : memref<128xi32, #tpu.memory_space<vmem>>) semaphore(%arg8 : memref<!tpu.dma_semaphore, #tpu.memory_space<semaphore_mem>>) {add = true}
    }
    %scan3A_26 = arith.constant 72 : i32
    %scan3A_27 = arith.constant 0 : i32
    %scan3A_28 = arith.constant 8 : i32
    %scan3A_29 = arith.addi %scan3A_27, %scan3A_28 : i32
    %scan3A_30 = arith.constant 1 : i32
    scf.for %scan3A_40 = %scan3A_27 to %scan3A_29 step %scan3A_30  : i32 {
      %mul3A_41 = arith.constant 1 : i32
      %mul3A_42 = arith.muli %scan3A_40, %mul3A_41 : i32
      %add3A_43 = arith.constant 0 : i32
      %add3A_44 = arith.addi %add3A_43, %mul3A_42 : i32
      %dma_wait3A = arith.constant 0 : i32
      %dma_wait3A_45 = tpu.memref_slice %arg5[%add3A_44, %dma_wait3A] : memref<80x128xi32, #tpu.memory_space<vmem>> -> memref<1x128xi32, #tpu.memory_space<vmem>>
      %dma_wait3A_46 = tpu.memref_squeeze %dma_wait3A_45 : memref<1x128xi32, #tpu.memory_space<vmem>> -> memref<128xi32, #tpu.memory_space<vmem>>
      %dma_wait3A_47 = arith.constant 0 : i32
      %dma_wait3A_48 = arith.constant 0 : i32
      %dma_wait3A_49 = tpu.memref_slice %arg7[%dma_wait3A_47, %dma_wait3A_48] : memref<10240x128xf32, #tpu.memory_space<vmem_shared>> -> memref<10240x128xf32, #tpu.memory_space<vmem_shared>>
      tpu.wait_indirect_dma semaphore(%arg8 : memref<!tpu.dma_semaphore, #tpu.memory_space<semaphore_mem>>) src(%arg6 : memref<128x128xf32, #tpu.memory_space<vmem>>) dst(%dma_wait3A_49 : memref<10240x128xf32, #tpu.memory_space<vmem_shared>>)
    }
    %scan3A_31 = arith.constant 8 : i32
    %barrier3A_32 = arith.constant 0 : index
    tpu.barrier barrier_id(%barrier3A_32)
    %eq3A = arith.constant 0 : i32
    %eq3A_33 = arith.cmpi eq, %arg0, %eq3A : i32
    %convert_element_type3A = arith.extui %eq3A_33 : i1 to i32
    %cond3A = arith.constant 0 : i32
    %cond3A_34 = arith.cmpi ne, %convert_element_type3A, %cond3A : i32
    scf.if %cond3A_34 {
      %mul3A_40 = arith.constant 640 : i32
      %mul3A_41 = arith.muli %arg1, %mul3A_40 : i32
      %mul3A_42 = arith.constant 640 : i32
      %mul3A_43 = arith.muli %arg1, %mul3A_42 : i32
      "tpu.region"() ({
        %run_scoped3A = tpu.sem_alloc : memref<!tpu.dma_semaphore, #tpu.memory_space<semaphore_mem>>
        %dma_start3A = arith.constant 0 : i32
        %dma_start3A_44 = tpu.memref_slice %arg3[%mul3A_43, %dma_start3A] : memref<10240x128xf32, #tpu.memory_space<hbm>> -> memref<640x128xf32, #tpu.memory_space<hbm>>
        %dma_start3A_45 = arith.constant 0 : i32
        %dma_start3A_46 = tpu.memref_slice %arg7[%mul3A_41, %dma_start3A_45] : memref<10240x128xf32, #tpu.memory_space<vmem_shared>> -> memref<640x128xf32, #tpu.memory_space<vmem_shared>>
        tpu.enqueue_dma source(%dma_start3A_46 : memref<640x128xf32, #tpu.memory_space<vmem_shared>>) target(%dma_start3A_44 : memref<640x128xf32, #tpu.memory_space<hbm>>) target_semaphore(%run_scoped3A : memref<!tpu.dma_semaphore, #tpu.memory_space<semaphore_mem>>)
        %dma_wait3A = arith.constant 0 : i32
        %dma_wait3A_47 = tpu.memref_slice %arg3[%mul3A_43, %dma_wait3A] : memref<10240x128xf32, #tpu.memory_space<hbm>> -> memref<640x128xf32, #tpu.memory_space<hbm>>
        %dma_wait3A_48 = arith.constant 0 : i32
        %dma_wait3A_49 = tpu.memref_slice %arg7[%mul3A_41, %dma_wait3A_48] : memref<10240x128xf32, #tpu.memory_space<vmem_shared>> -> memref<640x128xf32, #tpu.memory_space<vmem_shared>>
        tpu.wait_dma2 semaphore(%run_scoped3A : memref<!tpu.dma_semaphore, #tpu.memory_space<semaphore_mem>>) src(%dma_wait3A_49 : memref<640x128xf32, #tpu.memory_space<vmem_shared>>) dst(%dma_wait3A_47 : memref<640x128xf32, #tpu.memory_space<hbm>>)
        tpu.yield
      }) : () -> ()
    } else {
    }
    %eq3A_35 = arith.constant 1 : i32
    %eq3A_36 = arith.cmpi eq, %arg0, %eq3A_35 : i32
    %convert_element_type3A_37 = arith.extui %eq3A_36 : i1 to i32
    %cond3A_38 = arith.constant 0 : i32
    %cond3A_39 = arith.cmpi ne, %convert_element_type3A_37, %cond3A_38 : i32
    scf.if %cond3A_39 {
      %mul3A_40 = arith.constant 640 : i32
      %mul3A_41 = arith.muli %arg1, %mul3A_40 : i32
      %mul3A_42 = arith.constant 640 : i32
      %mul3A_43 = arith.muli %arg1, %mul3A_42 : i32
      "tpu.region"() ({
        %run_scoped3A = tpu.sem_alloc : memref<!tpu.dma_semaphore, #tpu.memory_space<semaphore_mem>>
        %dma_start3A = arith.constant 0 : i32
        %dma_start3A_44 = tpu.memref_slice %arg4[%mul3A_43, %dma_start3A] : memref<10240x128xf32, #tpu.memory_space<hbm>> -> memref<640x128xf32, #tpu.memory_space<hbm>>
        %dma_start3A_45 = arith.constant 0 : i32
        %dma_start3A_46 = tpu.memref_slice %arg7[%mul3A_41, %dma_start3A_45] : memref<10240x128xf32, #tpu.memory_space<vmem_shared>> -> memref<640x128xf32, #tpu.memory_space<vmem_shared>>
        tpu.enqueue_dma source(%dma_start3A_46 : memref<640x128xf32, #tpu.memory_space<vmem_shared>>) target(%dma_start3A_44 : memref<640x128xf32, #tpu.memory_space<hbm>>) target_semaphore(%run_scoped3A : memref<!tpu.dma_semaphore, #tpu.memory_space<semaphore_mem>>)
        %dma_wait3A = arith.constant 0 : i32
        %dma_wait3A_47 = tpu.memref_slice %arg4[%mul3A_43, %dma_wait3A] : memref<10240x128xf32, #tpu.memory_space<hbm>> -> memref<640x128xf32, #tpu.memory_space<hbm>>
        %dma_wait3A_48 = arith.constant 0 : i32
        %dma_wait3A_49 = tpu.memref_slice %arg7[%mul3A_41, %dma_wait3A_48] : memref<10240x128xf32, #tpu.memory_space<vmem_shared>> -> memref<640x128xf32, #tpu.memory_space<vmem_shared>>
        tpu.wait_dma2 semaphore(%run_scoped3A : memref<!tpu.dma_semaphore, #tpu.memory_space<semaphore_mem>>) src(%dma_wait3A_49 : memref<640x128xf32, #tpu.memory_space<vmem_shared>>) dst(%dma_wait3A_47 : memref<640x128xf32, #tpu.memory_space<hbm>>)
        tpu.yield
      }) : () -> ()
    } else {
    }
    return
  }
}

module attributes {stable_mosaic.version = 14 : i64} {
  func.func @body(%arg0: i32, %arg1: memref<1000x128xf32, #tpu.memory_space<vmem>>, %arg2: memref<128x128xf32, #tpu.memory_space<vmem>>, %arg3: memref<1000x128xf32, #tpu.memory_space<vmem>>, %arg4: memref<1000x128xf32, #tpu.memory_space<vmem>>, %arg5: memref<1000x128xf32, #tpu.memory_space<vmem>>, %arg6: memref<1000x16xf32, #tpu.memory_space<vmem>>) attributes {dimension_semantics = [#tpu.dimension_semantics<arbitrary>], iteration_bounds = array<i64: 10>, scalar_prefetch = 0 : i64, scratch_operands = 0 : i64, tpu.core_type = #tpu.core_type<tc>, window_params = [{transform_indices = @transform_0, window_bounds = array<i64: 1000, 128>}, {pipeline_mode = #tpu.pipeline_mode<synchronous>, transform_indices = @transform_1, window_bounds = array<i64: 128, 128>}, {transform_indices = @transform_2, window_bounds = array<i64: 1000, 128>}, {transform_indices = @transform_3, window_bounds = array<i64: 1000, 128>}, {transform_indices = @transform_4, window_bounds = array<i64: 1000, 128>}, {transform_indices = @transform_5, window_bounds = array<i64: 1000, 16>}]} {
    %get3A = arith.constant 0 : index
    %get3A_0 = arith.constant 0 : index
    %get3A_1 = vector.load %arg3[%get3A, %get3A_0] : memref<1000x128xf32, #tpu.memory_space<vmem>>, vector<1000x1xf32>
    %get3A_2 = arith.constant 0 : index
    %get3A_3 = arith.constant 0 : index
    %get3A_4 = vector.load %arg4[%get3A_2, %get3A_3] : memref<1000x128xf32, #tpu.memory_space<vmem>>, vector<1000x1xf32>
    %add3A = arith.addf %get3A_1, %get3A_4 : vector<1000x1xf32>
    %add3A_5 = arith.constant 1.000000e+00 : f32
    %add3A_6 = vector.broadcast %add3A_5 : f32 to vector<1000x1xf32>
    %add3A_7 = arith.addf %add3A, %add3A_6 : vector<1000x1xf32>
    %rsqrt3A = math.rsqrt %add3A_7 : vector<1000x1xf32>
    %broadcast_in_dim3A = vector.shape_cast %rsqrt3A : vector<1000x1xf32> to vector<1000x1xf32>
    %broadcast_in_dim3A_8 = vector.broadcast %broadcast_in_dim3A : vector<1000x1xf32> to vector<1000x16xf32>
    %swap3A = arith.constant 0 : index
    %swap3A_9 = arith.constant 0 : index
    %swap3A_10 = vector.load %arg6[%swap3A, %swap3A_9] : memref<1000x16xf32, #tpu.memory_space<vmem>>, vector<1000x16xf32>
    tpu.vector_store %arg6[%swap3A, %swap3A_9], %broadcast_in_dim3A_8 {strides = array<i32>} : memref<1000x16xf32, #tpu.memory_space<vmem>>, vector<1000x16xf32>,
    %get3A_11 = arith.constant 0 : index
    %get3A_12 = arith.constant 0 : index
    %get3A_13 = vector.load %arg1[%get3A_11, %get3A_12] : memref<1000x128xf32, #tpu.memory_space<vmem>>, vector<1000x128xf32>
    %get3A_14 = arith.constant 0 : index
    %get3A_15 = arith.constant 0 : index
    %get3A_16 = vector.load %arg2[%get3A_14, %get3A_15] : memref<128x128xf32, #tpu.memory_space<vmem>>, vector<128x128xf32>
    %dot_general3A = arith.constant dense<0.000000e+00> : vector<1000x128xf32>
    %dot_general3A_17 = tpu.matmul %get3A_13, %get3A_16, %dot_general3A {dimension_numbers = #tpu.dot_dimension_numbers<[1], [0], [0], [1], [0, 0, 1, 1], [], []>, transpose_lhs_hint = false} : vector<1000x128xf32>, vector<128x128xf32>, vector<1000x128xf32> -> vector<1000x128xf32>
    %mul3A = vector.broadcast %rsqrt3A : vector<1000x1xf32> to vector<1000x128xf32>
    %mul3A_18 = arith.mulf %mul3A, %dot_general3A_17 : vector<1000x128xf32>
    %swap3A_19 = arith.constant 0 : index
    %swap3A_20 = arith.constant 0 : index
    %swap3A_21 = vector.load %arg5[%swap3A_19, %swap3A_20] : memref<1000x128xf32, #tpu.memory_space<vmem>>, vector<1000x128xf32>
    tpu.vector_store %arg5[%swap3A_19, %swap3A_20], %mul3A_18 {strides = array<i32>} : memref<1000x128xf32, #tpu.memory_space<vmem>>, vector<1000x128xf32>,
    return
  }
  func.func @transform_0(%arg0: i32) -> (i32, i32) {
    %c0_i32 = arith.constant 0 : i32
    %c0_i32_0 = arith.constant 0 : i32
    return %arg0, %c0_i32 : i32, i32
  }
  func.func @transform_1(%arg0: i32) -> (i32, i32) {
    %c0_i32 = arith.constant 0 : i32
    %c0_i32_0 = arith.constant 0 : i32
    %c0_i32_1 = arith.constant 0 : i32
    return %c0_i32, %c0_i32_0 : i32, i32
  }
  func.func @transform_2(%arg0: i32) -> (i32, i32) {
    %c0_i32 = arith.constant 0 : i32
    %c0_i32_0 = arith.constant 0 : i32
    return %arg0, %c0_i32 : i32, i32
  }
  func.func @transform_3(%arg0: i32) -> (i32, i32) {
    %c0_i32 = arith.constant 0 : i32
    %c0_i32_0 = arith.constant 0 : i32
    return %arg0, %c0_i32 : i32, i32
  }
  func.func @transform_4(%arg0: i32) -> (i32, i32) {
    %c0_i32 = arith.constant 0 : i32
    %c0_i32_0 = arith.constant 0 : i32
    return %arg0, %c0_i32 : i32, i32
  }
  func.func @transform_5(%arg0: i32) -> (i32, i32) {
    %c0_i32 = arith.constant 0 : i32
    %c0_i32_0 = arith.constant 0 : i32
    return %arg0, %c0_i32 : i32, i32
  }
}

module attributes {stable_mosaic.version = 14 : i64} {
  func.func @body(%arg0: i32, %arg1: memref<1000x128xf32, #tpu.memory_space<vmem>>, %arg2: memref<1000x128xf32, #tpu.memory_space<vmem>>, %arg3: memref<1000x128xf32, #tpu.memory_space<vmem>>, %arg4: memref<1000x16xf32, #tpu.memory_space<vmem>>, %arg5: memref<1x128xf32, #tpu.memory_space<vmem>>, %arg6: memref<128x128xf32, #tpu.memory_space<vmem>>, %arg7: memref<1000x128xf32, #tpu.memory_space<vmem>>, %arg8: memref<1000x128xf32, #tpu.memory_space<vmem>>) attributes {dimension_semantics = [#tpu.dimension_semantics<arbitrary>], iteration_bounds = array<i64: 10>, scalar_prefetch = 0 : i64, scratch_operands = 0 : i64, tpu.core_type = #tpu.core_type<tc>, window_params = [{transform_indices = @transform_0, window_bounds = array<i64: 1000, 128>}, {transform_indices = @transform_1, window_bounds = array<i64: 1000, 128>}, {transform_indices = @transform_2, window_bounds = array<i64: 1000, 128>}, {transform_indices = @transform_3, window_bounds = array<i64: 1000, 16>}, {pipeline_mode = #tpu.pipeline_mode<synchronous>, transform_indices = @transform_4, window_bounds = array<i64: 1, 128>}, {pipeline_mode = #tpu.pipeline_mode<synchronous>, transform_indices = @transform_5, window_bounds = array<i64: 128, 128>}, {transform_indices = @transform_6, window_bounds = array<i64: 1000, 128>}, {transform_indices = @transform_7, window_bounds = array<i64: 1000, 128>}]} {
    %get3A = arith.constant 0 : index
    %get3A_0 = arith.constant 0 : index
    %get3A_1 = vector.load %arg4[%get3A, %get3A_0] : memref<1000x16xf32, #tpu.memory_space<vmem>>, vector<1000x1xf32>
    %get3A_2 = arith.constant 0 : index
    %get3A_3 = arith.constant 0 : index
    %get3A_4 = vector.load %arg1[%get3A_2, %get3A_3] : memref<1000x128xf32, #tpu.memory_space<vmem>>, vector<1000x128xf32>
    %get3A_5 = arith.constant 0 : index
    %get3A_6 = arith.constant 0 : index
    %get3A_7 = vector.load %arg2[%get3A_5, %get3A_6] : memref<1000x128xf32, #tpu.memory_space<vmem>>, vector<1000x128xf32>
    %add3A = arith.addf %get3A_4, %get3A_7 : vector<1000x128xf32>
    %get3A_8 = arith.constant 0 : index
    %get3A_9 = arith.constant 0 : index
    %get3A_10 = vector.load %arg3[%get3A_8, %get3A_9] : memref<1000x128xf32, #tpu.memory_space<vmem>>, vector<1000x128xf32>
    %add3A_11 = arith.addf %add3A, %get3A_10 : vector<1000x128xf32>
    %mul3A = vector.broadcast %get3A_1 : vector<1000x1xf32> to vector<1000x128xf32>
    %mul3A_12 = arith.mulf %mul3A, %add3A_11 : vector<1000x128xf32>
    %get3A_13 = arith.constant 0 : index
    %get3A_14 = arith.constant 0 : index
    %get3A_15 = vector.load %arg5[%get3A_13, %get3A_14] : memref<1x128xf32, #tpu.memory_space<vmem>>, vector<1x128xf32>
    %add3A_16 = vector.broadcast %get3A_15 : vector<1x128xf32> to vector<1000x128xf32>
    %add3A_17 = arith.addf %mul3A_12, %add3A_16 : vector<1000x128xf32>
    %tanh3A = math.tanh %add3A_17 : vector<1000x128xf32>
    %get3A_18 = arith.constant 0 : index
    %get3A_19 = arith.constant 0 : index
    %get3A_20 = vector.load %arg7[%get3A_18, %get3A_19] : memref<1000x128xf32, #tpu.memory_space<vmem>>, vector<1000x128xf32>
    %mul3A_21 = arith.mulf %tanh3A, %get3A_20 : vector<1000x128xf32>
    %get3A_22 = arith.constant 0 : index
    %get3A_23 = arith.constant 0 : index
    %get3A_24 = vector.load %arg6[%get3A_22, %get3A_23] : memref<128x128xf32, #tpu.memory_space<vmem>>, vector<128x128xf32>
    %dot_general3A = arith.constant dense<0.000000e+00> : vector<1000x128xf32>
    %dot_general3A_25 = tpu.matmul %mul3A_21, %get3A_24, %dot_general3A {dimension_numbers = #tpu.dot_dimension_numbers<[1], [0], [0], [1], [0, 0, 1, 1], [], []>, transpose_lhs_hint = false} : vector<1000x128xf32>, vector<128x128xf32>, vector<1000x128xf32> -> vector<1000x128xf32>
    %mul3A_26 = vector.broadcast %get3A_1 : vector<1000x1xf32> to vector<1000x128xf32>
    %mul3A_27 = arith.mulf %mul3A_26, %dot_general3A_25 : vector<1000x128xf32>
    %swap3A = arith.constant 0 : index
    %swap3A_28 = arith.constant 0 : index
    %swap3A_29 = vector.load %arg8[%swap3A, %swap3A_28] : memref<1000x128xf32, #tpu.memory_space<vmem>>, vector<1000x128xf32>
    tpu.vector_store %arg8[%swap3A, %swap3A_28], %mul3A_27 {strides = array<i32>} : memref<1000x128xf32, #tpu.memory_space<vmem>>, vector<1000x128xf32>,
    return
  }
  func.func @transform_0(%arg0: i32) -> (i32, i32) {
    %c0_i32 = arith.constant 0 : i32
    %c0_i32_0 = arith.constant 0 : i32
    return %arg0, %c0_i32 : i32, i32
  }
  func.func @transform_1(%arg0: i32) -> (i32, i32) {
    %c0_i32 = arith.constant 0 : i32
    %c0_i32_0 = arith.constant 0 : i32
    return %arg0, %c0_i32 : i32, i32
  }
  func.func @transform_2(%arg0: i32) -> (i32, i32) {
    %c0_i32 = arith.constant 0 : i32
    %c0_i32_0 = arith.constant 0 : i32
    return %arg0, %c0_i32 : i32, i32
  }
  func.func @transform_3(%arg0: i32) -> (i32, i32) {
    %c0_i32 = arith.constant 0 : i32
    %c0_i32_0 = arith.constant 0 : i32
    return %arg0, %c0_i32 : i32, i32
  }
  func.func @transform_4(%arg0: i32) -> (i32, i32) {
    %c0_i32 = arith.constant 0 : i32
    %c0_i32_0 = arith.constant 0 : i32
    %c0_i32_1 = arith.constant 0 : i32
    return %c0_i32, %c0_i32_0 : i32, i32
  }
  func.func @transform_5(%arg0: i32) -> (i32, i32) {
    %c0_i32 = arith.constant 0 : i32
    %c0_i32_0 = arith.constant 0 : i32
    %c0_i32_1 = arith.constant 0 : i32
    return %c0_i32, %c0_i32_0 : i32, i32
  }
  func.func @transform_6(%arg0: i32) -> (i32, i32) {
    %c0_i32 = arith.constant 0 : i32
    %c0_i32_0 = arith.constant 0 : i32
    return %arg0, %c0_i32 : i32, i32
  }
  func.func @transform_7(%arg0: i32) -> (i32, i32) {
    %c0_i32 = arith.constant 0 : i32
    %c0_i32_0 = arith.constant 0 : i32
    return %arg0, %c0_i32 : i32, i32
  }
}

module attributes {stable_mosaic.version = 14 : i64} {
  func.func @body(%arg0: i32, %arg1: memref<1000x128xf32, #tpu.memory_space<vmem>>, %arg2: memref<1000x128xf32, #tpu.memory_space<vmem>>, %arg3: memref<1000x128xf32, #tpu.memory_space<vmem>>, %arg4: memref<1000x16xf32, #tpu.memory_space<vmem>>, %arg5: memref<1x128xf32, #tpu.memory_space<vmem>>, %arg6: memref<128x128xf32, #tpu.memory_space<vmem>>, %arg7: memref<1000x128xf32, #tpu.memory_space<vmem>>) attributes {dimension_semantics = [#tpu.dimension_semantics<arbitrary>], iteration_bounds = array<i64: 10>, scalar_prefetch = 0 : i64, scratch_operands = 0 : i64, tpu.core_type = #tpu.core_type<tc>, window_params = [{transform_indices = @transform_0, window_bounds = array<i64: 1000, 128>}, {transform_indices = @transform_1, window_bounds = array<i64: 1000, 128>}, {transform_indices = @transform_2, window_bounds = array<i64: 1000, 128>}, {transform_indices = @transform_3, window_bounds = array<i64: 1000, 16>}, {pipeline_mode = #tpu.pipeline_mode<synchronous>, transform_indices = @transform_4, window_bounds = array<i64: 1, 128>}, {pipeline_mode = #tpu.pipeline_mode<synchronous>, transform_indices = @transform_5, window_bounds = array<i64: 128, 128>}, {transform_indices = @transform_6, window_bounds = array<i64: 1000, 128>}]} {
    %get3A = arith.constant 0 : index
    %get3A_0 = arith.constant 0 : index
    %get3A_1 = vector.load %arg4[%get3A, %get3A_0] : memref<1000x16xf32, #tpu.memory_space<vmem>>, vector<1000x1xf32>
    %get3A_2 = arith.constant 0 : index
    %get3A_3 = arith.constant 0 : index
    %get3A_4 = vector.load %arg1[%get3A_2, %get3A_3] : memref<1000x128xf32, #tpu.memory_space<vmem>>, vector<1000x128xf32>
    %get3A_5 = arith.constant 0 : index
    %get3A_6 = arith.constant 0 : index
    %get3A_7 = vector.load %arg2[%get3A_5, %get3A_6] : memref<1000x128xf32, #tpu.memory_space<vmem>>, vector<1000x128xf32>
    %add3A = arith.addf %get3A_4, %get3A_7 : vector<1000x128xf32>
    %get3A_8 = arith.constant 0 : index
    %get3A_9 = arith.constant 0 : index
    %get3A_10 = vector.load %arg3[%get3A_8, %get3A_9] : memref<1000x128xf32, #tpu.memory_space<vmem>>, vector<1000x128xf32>
    %add3A_11 = arith.addf %add3A, %get3A_10 : vector<1000x128xf32>
    %mul3A = vector.broadcast %get3A_1 : vector<1000x1xf32> to vector<1000x128xf32>
    %mul3A_12 = arith.mulf %mul3A, %add3A_11 : vector<1000x128xf32>
    %get3A_13 = arith.constant 0 : index
    %get3A_14 = arith.constant 0 : index
    %get3A_15 = vector.load %arg5[%get3A_13, %get3A_14] : memref<1x128xf32, #tpu.memory_space<vmem>>, vector<1x128xf32>
    %add3A_16 = vector.broadcast %get3A_15 : vector<1x128xf32> to vector<1000x128xf32>
    %add3A_17 = arith.addf %mul3A_12, %add3A_16 : vector<1000x128xf32>
    %tanh3A = math.tanh %add3A_17 : vector<1000x128xf32>
    %get3A_18 = arith.constant 0 : index
    %get3A_19 = arith.constant 0 : index
    %get3A_20 = vector.load %arg6[%get3A_18, %get3A_19] : memref<128x128xf32, #tpu.memory_space<vmem>>, vector<128x128xf32>
    %dot_general3A = arith.constant dense<0.000000e+00> : vector<1000x128xf32>
    %dot_general3A_21 = tpu.matmul %tanh3A, %get3A_20, %dot_general3A {dimension_numbers = #tpu.dot_dimension_numbers<[1], [0], [0], [1], [0, 0, 1, 1], [], []>, transpose_lhs_hint = false} : vector<1000x128xf32>, vector<128x128xf32>, vector<1000x128xf32> -> vector<1000x128xf32>
    %mul3A_22 = vector.broadcast %get3A_1 : vector<1000x1xf32> to vector<1000x128xf32>
    %mul3A_23 = arith.mulf %mul3A_22, %dot_general3A_21 : vector<1000x128xf32>
    %swap3A = arith.constant 0 : index
    %swap3A_24 = arith.constant 0 : index
    %swap3A_25 = vector.load %arg7[%swap3A, %swap3A_24] : memref<1000x128xf32, #tpu.memory_space<vmem>>, vector<1000x128xf32>
    tpu.vector_store %arg7[%swap3A, %swap3A_24], %mul3A_23 {strides = array<i32>} : memref<1000x128xf32, #tpu.memory_space<vmem>>, vector<1000x128xf32>,
    return
  }
  func.func @transform_0(%arg0: i32) -> (i32, i32) {
    %c0_i32 = arith.constant 0 : i32
    %c0_i32_0 = arith.constant 0 : i32
    return %arg0, %c0_i32 : i32, i32
  }
  func.func @transform_1(%arg0: i32) -> (i32, i32) {
    %c0_i32 = arith.constant 0 : i32
    %c0_i32_0 = arith.constant 0 : i32
    return %arg0, %c0_i32 : i32, i32
  }
  func.func @transform_2(%arg0: i32) -> (i32, i32) {
    %c0_i32 = arith.constant 0 : i32
    %c0_i32_0 = arith.constant 0 : i32
    return %arg0, %c0_i32 : i32, i32
  }
  func.func @transform_3(%arg0: i32) -> (i32, i32) {
    %c0_i32 = arith.constant 0 : i32
    %c0_i32_0 = arith.constant 0 : i32
    return %arg0, %c0_i32 : i32, i32
  }
  func.func @transform_4(%arg0: i32) -> (i32, i32) {
    %c0_i32 = arith.constant 0 : i32
    %c0_i32_0 = arith.constant 0 : i32
    %c0_i32_1 = arith.constant 0 : i32
    return %c0_i32, %c0_i32_0 : i32, i32
  }
  func.func @transform_5(%arg0: i32) -> (i32, i32) {
    %c0_i32 = arith.constant 0 : i32
    %c0_i32_0 = arith.constant 0 : i32
    %c0_i32_1 = arith.constant 0 : i32
    return %c0_i32, %c0_i32_0 : i32, i32
  }
  func.func @transform_6(%arg0: i32) -> (i32, i32) {
    %c0_i32 = arith.constant 0 : i32
    %c0_i32_0 = arith.constant 0 : i32
    return %arg0, %c0_i32 : i32, i32
  }
}

module attributes {stable_mosaic.version = 14 : i64} {
  func.func @body(%arg0: i32, %arg1: memref<1000x128xf32, #tpu.memory_space<vmem>>, %arg2: memref<1000x128xf32, #tpu.memory_space<vmem>>, %arg3: memref<1000x128xf32, #tpu.memory_space<vmem>>, %arg4: memref<1000x16xf32, #tpu.memory_space<vmem>>, %arg5: memref<1x128xf32, #tpu.memory_space<vmem>>, %arg6: memref<128x16xf32, #tpu.memory_space<vmem>>, %arg7: memref<1x16xf32, #tpu.memory_space<vmem>>, %arg8: memref<1000x128xf32, #tpu.memory_space<vmem>>, %arg9: memref<1000x16xf32, #tpu.memory_space<vmem>>) attributes {dimension_semantics = [#tpu.dimension_semantics<arbitrary>], iteration_bounds = array<i64: 10>, scalar_prefetch = 0 : i64, scratch_operands = 0 : i64, tpu.core_type = #tpu.core_type<tc>, window_params = [{transform_indices = @transform_0, window_bounds = array<i64: 1000, 128>}, {transform_indices = @transform_1, window_bounds = array<i64: 1000, 128>}, {transform_indices = @transform_2, window_bounds = array<i64: 1000, 128>}, {transform_indices = @transform_3, window_bounds = array<i64: 1000, 16>}, {pipeline_mode = #tpu.pipeline_mode<synchronous>, transform_indices = @transform_4, window_bounds = array<i64: 1, 128>}, {pipeline_mode = #tpu.pipeline_mode<synchronous>, transform_indices = @transform_5, window_bounds = array<i64: 128, 16>}, {pipeline_mode = #tpu.pipeline_mode<synchronous>, transform_indices = @transform_6, window_bounds = array<i64: 1, 16>}, {transform_indices = @transform_7, window_bounds = array<i64: 1000, 128>}, {transform_indices = @transform_8, window_bounds = array<i64: 1000, 16>}]} {
    %get3A = arith.constant 0 : index
    %get3A_0 = arith.constant 0 : index
    %get3A_1 = vector.load %arg4[%get3A, %get3A_0] : memref<1000x16xf32, #tpu.memory_space<vmem>>, vector<1000x1xf32>
    %get3A_2 = arith.constant 0 : index
    %get3A_3 = arith.constant 0 : index
    %get3A_4 = vector.load %arg1[%get3A_2, %get3A_3] : memref<1000x128xf32, #tpu.memory_space<vmem>>, vector<1000x128xf32>
    %get3A_5 = arith.constant 0 : index
    %get3A_6 = arith.constant 0 : index
    %get3A_7 = vector.load %arg2[%get3A_5, %get3A_6] : memref<1000x128xf32, #tpu.memory_space<vmem>>, vector<1000x128xf32>
    %add3A = arith.addf %get3A_4, %get3A_7 : vector<1000x128xf32>
    %get3A_8 = arith.constant 0 : index
    %get3A_9 = arith.constant 0 : index
    %get3A_10 = vector.load %arg3[%get3A_8, %get3A_9] : memref<1000x128xf32, #tpu.memory_space<vmem>>, vector<1000x128xf32>
    %add3A_11 = arith.addf %add3A, %get3A_10 : vector<1000x128xf32>
    %mul3A = vector.broadcast %get3A_1 : vector<1000x1xf32> to vector<1000x128xf32>
    %mul3A_12 = arith.mulf %mul3A, %add3A_11 : vector<1000x128xf32>
    %get3A_13 = arith.constant 0 : index
    %get3A_14 = arith.constant 0 : index
    %get3A_15 = vector.load %arg5[%get3A_13, %get3A_14] : memref<1x128xf32, #tpu.memory_space<vmem>>, vector<1x128xf32>
    %add3A_16 = vector.broadcast %get3A_15 : vector<1x128xf32> to vector<1000x128xf32>
    %add3A_17 = arith.addf %mul3A_12, %add3A_16 : vector<1000x128xf32>
    %tanh3A = math.tanh %add3A_17 : vector<1000x128xf32>
    %swap3A = arith.constant 0 : index
    %swap3A_18 = arith.constant 0 : index
    %swap3A_19 = vector.load %arg8[%swap3A, %swap3A_18] : memref<1000x128xf32, #tpu.memory_space<vmem>>, vector<1000x128xf32>
    tpu.vector_store %arg8[%swap3A, %swap3A_18], %tanh3A {strides = array<i32>} : memref<1000x128xf32, #tpu.memory_space<vmem>>, vector<1000x128xf32>,
    %get3A_20 = arith.constant 0 : index
    %get3A_21 = arith.constant 0 : index
    %get3A_22 = vector.load %arg6[%get3A_20, %get3A_21] : memref<128x16xf32, #tpu.memory_space<vmem>>, vector<128x16xf32>
    %dot_general3A = arith.constant dense<0.000000e+00> : vector<1000x16xf32>
    %dot_general3A_23 = tpu.matmul %tanh3A, %get3A_22, %dot_general3A {dimension_numbers = #tpu.dot_dimension_numbers<[1], [0], [0], [1], [0, 0, 1, 1], [], []>, transpose_lhs_hint = false} : vector<1000x128xf32>, vector<128x16xf32>, vector<1000x16xf32> -> vector<1000x16xf32>
    %get3A_24 = arith.constant 0 : index
    %get3A_25 = arith.constant 0 : index
    %get3A_26 = vector.load %arg7[%get3A_24, %get3A_25] : memref<1x16xf32, #tpu.memory_space<vmem>>, vector<1x16xf32>
    %add3A_27 = vector.broadcast %get3A_26 : vector<1x16xf32> to vector<1000x16xf32>
    %add3A_28 = arith.addf %dot_general3A_23, %add3A_27 : vector<1000x16xf32>
    %swap3A_29 = arith.constant 0 : index
    %swap3A_30 = arith.constant 0 : index
    %swap3A_31 = vector.load %arg9[%swap3A_29, %swap3A_30] : memref<1000x16xf32, #tpu.memory_space<vmem>>, vector<1000x16xf32>
    tpu.vector_store %arg9[%swap3A_29, %swap3A_30], %add3A_28 {strides = array<i32>} : memref<1000x16xf32, #tpu.memory_space<vmem>>, vector<1000x16xf32>,
    return
  }
  func.func @transform_0(%arg0: i32) -> (i32, i32) {
    %c0_i32 = arith.constant 0 : i32
    %c0_i32_0 = arith.constant 0 : i32
    return %arg0, %c0_i32 : i32, i32
  }
  func.func @transform_1(%arg0: i32) -> (i32, i32) {
    %c0_i32 = arith.constant 0 : i32
    %c0_i32_0 = arith.constant 0 : i32
    return %arg0, %c0_i32 : i32, i32
  }
  func.func @transform_2(%arg0: i32) -> (i32, i32) {
    %c0_i32 = arith.constant 0 : i32
    %c0_i32_0 = arith.constant 0 : i32
    return %arg0, %c0_i32 : i32, i32
  }
  func.func @transform_3(%arg0: i32) -> (i32, i32) {
    %c0_i32 = arith.constant 0 : i32
    %c0_i32_0 = arith.constant 0 : i32
    return %arg0, %c0_i32 : i32, i32
  }
  func.func @transform_4(%arg0: i32) -> (i32, i32) {
    %c0_i32 = arith.constant 0 : i32
    %c0_i32_0 = arith.constant 0 : i32
    %c0_i32_1 = arith.constant 0 : i32
    return %c0_i32, %c0_i32_0 : i32, i32
  }
  func.func @transform_5(%arg0: i32) -> (i32, i32) {
    %c0_i32 = arith.constant 0 : i32
    %c0_i32_0 = arith.constant 0 : i32
    %c0_i32_1 = arith.constant 0 : i32
    return %c0_i32, %c0_i32_0 : i32, i32
  }
  func.func @transform_6(%arg0: i32) -> (i32, i32) {
    %c0_i32 = arith.constant 0 : i32
    %c0_i32_0 = arith.constant 0 : i32
    %c0_i32_1 = arith.constant 0 : i32
    return %c0_i32, %c0_i32_0 : i32, i32
  }
  func.func @transform_7(%arg0: i32) -> (i32, i32) {
    %c0_i32 = arith.constant 0 : i32
    %c0_i32_0 = arith.constant 0 : i32
    return %arg0, %c0_i32 : i32, i32
  }
  func.func @transform_8(%arg0: i32) -> (i32, i32) {
    %c0_i32 = arith.constant 0 : i32
    %c0_i32_0 = arith.constant 0 : i32
    return %arg0, %c0_i32 : i32, i32
  }
}

</mosaic_0001>

<sc_bundles>
// kernel: kernel.10.cloned.1.call-start
scs
__scs_entry_jumppad:
0x0: {  	(pc) =	sbr.rel $0x88, $3  }
0x1: {  	(tag) =	ssettag $0x0;
	lr =	simm.s32 $0x1  }
0x2: {  	[smem:$0x3F97] =	sst lr;
	_ =	strace $0xD0000000  }
0x3: {  	_ = 	snop  }
0x4: {  	_ = 	snop  }
0x5: {  	_ = 	snop  }
0x6: {  	_ = 	snop  }
0x7: {  	_ = 	snop  }
__scs_overlays_trampoline_lowered:
0x8: {  	[smem:$0x3FA6] =	sst s0  }
0x9: {  	[smem:$0x3FA7] =	sst s1  }
0xa: {  	[smem:$0x3FA8] =	sst s2  }
0xb: {  	[smem:$0x3FA9] =	sst s3  }
0xc: {  	[smem:$0x3FAA] =	sst s4  }
0xd: {  	[smem:$0x3FAB] =	sst s5  }
0xe: {  	[smem:$0x3FAC] =	sst s6  }
0xf: {  	[smem:$0x3FAD] =	sst s7  }
0x10: {  	[smem:$0x3FAE] =	sst s8  }
0x11: {  	[smem:$0x3FAF] =	sst s9;
	s0 =	simm.s32 @!p0 $0x0  }
0x12: {  	s1 =	sld [smem:$0x3F95];
	s0 =	simm.s32 @p0 $0x1  }
0x13: {  	[smem:$0x3FB0] =	sst s0;
	s0 =	simm.s32 @!p1 $0x0  }
0x14: {  	s2 =	sld [smem:$0x3F94];
	s0 =	simm.s32 @p1 $0x1  }
0x15: {  	[smem:$0x3FB1] =	sst s0;
	s0 =	simm.s32 @!p2 $0x0  }
0x16: {  	s3 =	sld [smem:$0x3FDB];
	s0 =	simm.s32 @p2 $0x1  }
0x17: {  	s4 =	simm.s32 $0x1BF5;
	[smem:$0x3FB3] =	sst s0  }
0x18: {  	s0 =	sld [smem:$0x3F96];
	_ =	swait.ge [sflag:s4], $0x0  }
0x19: {  	s7 =	sld [smem:$0x3F97]  }
0x1a: {  	s8 =	sadd.s32 $0xFFFFE003, lr  }
0x1b: {  	s9 =	sadd.s32 $0xFFFFFEF7, lr;
	s5 =	simm.s32 $0xFFFFFFFF;
	p2 =	slt.u32 s8, $0xFFFFF086  }
0x1c: {  	p1 =	slt.u32 s9, $0xF7A;
	s5 =	simm.s32 @!p2 $0x0  }
0x1d: {  	s5 =	simm.s32 @p1 $0x1;
	p0 =	seq.s32 s7, s2  }
0x1e: {  	s7 =	smul.u32 @!p0 $0xF7A, s2;
	p2 =	seq.s32 @!p0 s5, $0x0  }
0x1f: {  	s9 =	smul.u32 $0xF7A, s1;
	s8 =	simm.s32 @!p0 $0x1BF5;
	p2 =	por !p2, p0  }
0x20: {  	[sflag:s8] =	ssyncset.s32 @!p0 $0xFFFFF086;
	s6 =	sadd.s32 @!p0 s3, s7;
	s7 =	simm.s32 @!p0 $0x108  }
0x21: {  	s3 =	sadd.s32 s3, s9;
	s6 =	sadd.s32 @!p0 $0x88, s6;
	s7 =	simm.s32 @p2 $0x1082  }
0x22: {  	[simem:s7], [sflag:s8] =	dma.local @!p0 [hbm:s6], $0xF7A  }
0x23: {  	s9 =	sor.u32 $0xD0000000, s2;
	s6 =	simm.s32 $0x108;
	_ =	swait.ge @!p0 [sflag:s8], $0x0  }
0x24: {  	s3 =	sadd.s32 $0x88, s3;
	s6 =	simm.s32 @!p1 $0x1082;
	[sflag:s4] =	ssyncset.s32 $0xFFFFF086  }
0x25: {  	[simem:s6], [sflag:s4] =	dma.local [hbm:s3], $0xF7A  }
0x26: {  	[smem:$0x3F97] =	sst s1;
	(tag) =	ssettag s2;
	_ =	strace s9  }
0x27: {  	s1 =	sld [smem:$0x3FA7]  }
0x28: {  	s2 =	sld [smem:$0x3FA8]  }
0x29: {  	s4 =	sld [smem:$0x3FAA]  }
0x2a: {  	p0 =	seq.s32 s5, $0x0;
	s5 =	sld [smem:$0x3FAB]  }
0x2b: {  	s6 =	sld [smem:$0x3FAC]  }
0x2c: {  	s7 =	sld [smem:$0x3FAD]  }
0x2d: {  	s3 =	simm.s32 $0x108;
	s8 =	sld [smem:$0x3FAE]  }
0x2e: {  	s3 =	simm.s32 @!p0 $0x1082;
	s9 =	sld [smem:$0x3FAF]  }
0x2f: {  	lr =	sadd.s32 s0, s3;
	s0 =	sld [smem:$0x3FA6]  }
0x30: {  	s3 =	sld [smem:$0x3FA9]  }
0x31: {  	[smem:$0x3FB2] =	sst s10  }
0x32: {  	s10 =	sld [smem:$0x3FB0];
	_ =	sdelay $0x3  }
0x33: {  	p0 =	seq.s32 s10, $0x1;
	s10 =	sld [smem:$0x3FB2];
	_ =	sdelay $0x3  }
0x34: {  	[smem:$0x3FB2] =	sst s10  }
0x35: {  	s10 =	sld [smem:$0x3FB1];
	_ =	sdelay $0x3  }
0x36: {  	p1 =	seq.s32 s10, $0x1;
	s10 =	sld [smem:$0x3FB2];
	_ =	sdelay $0x3  }
0x37: {  	[smem:$0x3FB2] =	sst s10  }
0x38: {  	s10 =	sld [smem:$0x3FB3]  }
0x39: {  	_ = 	snop;
	(pc) =	sbr.ind lr, $3  }
0x3a: {  	_ = 	snop  }
0x3b: {  	_ = 	snop  }
0x3c: {  	p2 =	seq.s32 s10, $0x1;
	s10 =	sld [smem:$0x3FB2]  }
0x3d: {  	_ =	shalt  }
0x3e: {  	_ =	shalt  }
0x3f: {  	_ =	shalt  }
0x40: {  	_ =	shalt  }
0x41: {  	_ =	shalt  }
0x42: {  	_ =	shalt  }
0x43: {  	_ =	shalt  }
0x44: {  	_ =	shalt  }
0x45: {  	_ =	shalt  }
0x46: {  	_ =	shalt  }
0x47: {  	_ =	shalt  }
0x48: {  	_ =	shalt  }
0x49: {  	_ =	shalt  }
0x4a: {  	_ =	shalt  }
0x4b: {  	_ =	shalt  }
0x4c: {  	_ =	shalt  }
0x4d: {  	_ =	shalt  }
0x4e: {  	_ =	shalt  }
0x4f: {  	_ =	shalt  }
0x50: {  	_ =	shalt  }
0x51: {  	_ =	shalt  }
0x52: {  	_ =	shalt  }
0x53: {  	_ =	shalt  }
0x54: {  	_ =	shalt  }
0x55: {  	_ =	shalt  }
0x56: {  	_ =	shalt  }
0x57: {  	_ =	shalt  }
0x58: {  	_ =	shalt  }
0x59: {  	_ =	shalt  }
0x5a: {  	_ =	shalt  }
0x5b: {  	_ =	shalt  }
0x5c: {  	_ =	shalt  }
0x5d: {  	_ =	shalt  }
0x5e: {  	_ =	shalt  }
0x5f: {  	_ =	shalt  }
0x60: {  	_ =	shalt  }
0x61: {  	_ =	shalt  }
0x62: {  	_ =	shalt  }
0x63: {  	_ =	shalt  }
0x64: {  	_ =	shalt  }
0x65: {  	_ =	shalt  }
0x66: {  	_ =	shalt  }
0x67: {  	_ =	shalt  }
0x68: {  	_ =	shalt  }
0x69: {  	_ =	shalt  }
0x6a: {  	_ =	shalt  }
0x6b: {  	_ =	shalt  }
0x6c: {  	_ =	shalt  }
0x6d: {  	_ =	shalt  }
0x6e: {  	_ =	shalt  }
0x6f: {  	_ =	shalt  }
0x70: {  	_ =	shalt  }
0x71: {  	_ =	shalt  }
0x72: {  	_ =	shalt  }
0x73: {  	_ =	shalt  }
0x74: {  	_ =	shalt  }
0x75: {  	_ =	shalt  }
0x76: {  	_ =	shalt  }
0x77: {  	_ =	shalt  }
0x78: {  	_ =	shalt  }
0x79: {  	_ =	shalt  }
0x7a: {  	_ =	shalt  }
0x7b: {  	_ =	shalt  }
0x7c: {  	_ =	shalt  }
0x7d: {  	_ =	shalt  }
0x7e: {  	_ =	shalt  }
0x7f: {  	_ =	shalt  }
0x80: {  	_ =	shalt  }
0x81: {  	_ =	shalt  }
0x82: {  	_ =	shalt  }
0x83: {  	_ =	shalt  }
0x84: {  	_ =	shalt  }
0x85: {  	_ =	shalt  }
0x86: {  	_ =	shalt  }
0x87: {  	_ =	shalt  }
.Lfunc_end0:
.L_simem_size_0:
called_computation_lowered:
.L_overlay_start_0:
0x88: {  	s2 =	sld [smem:$0x3FD9]  }
0x89: {  	s3 =	sld [smem:$0x3FFE];
	_ =	sdelay $0x1  }
0x8a: {  	s1 =	srdreg.scid  }
0x8b: {  	s0 =	sand.u32 $0x1, s1  }
0x8c: {  	s16 =	sshll.u32 s0, $0xA;
	s2 =	sadd.s32 s3, s2  }
0x8d: {  	s2 =	sadd.s32 s2, s16  }
0x8e: {  	[smem:$0x3FBE] =	sst s2  }
0x8f: {  	_ = 	snop  }
0x90: {  	(tm) =	ssettm $0x1  }
0x91: {  	s17 =	sld [smem:$0x3FFB];
	_ =	sdelay $0x3  }
0x92: {  	_ =	strace s17  }
0x93: {  	s2 =	sld [smem:$0x3FFC];
	_ =	sdelay $0x3  }
0x94: {  	_ =	strace s2  }
0x95: {  	s2 =	sld [smem:$0x3FFD];
	_ =	sdelay $0x3  }
0x96: {  	_ =	strace s2  }
0x97: {  	_ =	strace $0x8FFFFFFF  }
0x98: {  	s18 =	sld [smem:$0x3FDB];
	_ =	sdelay $0x1  }
0x99: {  	s19 =	simm.s32 $_scs_section_size  }
0x9a: {  	s4 =	simm.s32 $_size__tile_overlayer_lowered;
	s5 =	simm.s32 $_tile_overlayer_lowered  }
0x9b: {  	s22 =	simm.s32 $0x1BFF;
	s21 =	sshll.u32 s5, $0x1;
	s2 =	sadd.s32 s19, s18  }
0x9c: {  	s6 =	simm.s32 $0x0;
	s20 =	sshll.u32 s4, $0x1;
	s4 =	sadd.s32 s21, s2  }
0x9d: {  	[timem:s6], [sflag:s22] =	dma.local [hbm:s4], s20  }
0x9e: {  	_ =	swait.ge [sflag:s22], s20  }
0x9f: {  	s3 =	ssub.s32 $0x0, s20;
	[sflag:s22] =	ssyncset.done $0x0  }
0xa0: {  	[sflag:s22] =	ssyncadd.s32 s3;
	_ =	sdelay $0x1  }
0xa1: {  	s23 =	simm.s32 $0x1B8B  }
0xa2: {  	_ =	swait.ge [sflag:s23], $0x1  }
0xa3: {  	[sflag:s23] =	ssyncset.done $0x0  }
0xa4: {  	s25 =	simm.s32 $0x1B8E;
	s24 =	sld [smem:$0x3FFE];
	[sflag:s23] =	ssyncadd.s32 $0xFFFFFFFF  }
0xa5: {  	s26 =	simm.s32 $execute0_lowered;
	[smem:$0x3FD2] =	sst s25  }
0xa6: {  	s4 =	sshll.u32 s26, $0x1;
	_ =	strace $0x80000046;
	[dreg:$0x1] =	wrdreg $0xFFFFFFFF  }
0xa7: {  	s28 =	simm.s32 $_size_execute0_lowered;
	s2 =	sadd.s32 s2, s4;
	[dreg:$0x0] =	wrdreg $0x0  }
0xa8: {  	s4 =	sshll.u32 s28, $0x1;
	[dreg:$0x2] =	wrdreg s2  }
0xa9: {  	[dreg:$0x3] =	wrdreg s4  }
0xaa: {  	[dreg:$0x4] =	wrdreg $0xC0  }
0xab: {  	_ =	task [dreg:s6], $0x5FFFF  }
0xac: {  	[dreg:$0x1] =	wrdreg $0xFFFFFFFF  }
0xad: {  	[dreg:$0x0] =	wrdreg $0x60  }
0xae: {  	[dreg:$0x2] =	wrdreg s24  }
0xaf: {  	[dreg:$0x3] =	wrdreg $0x68000  }
0xb0: {  	[dreg:$0x4] =	wrdreg $0x9  }
0xb1: {  	_ =	task.clear_ibuf [dreg:s6], $0x5FFFF;
	_ =	strace $0x90000046  }
0xb2: {  	s29 =	simm.s32 $0x9;
	_ =	strace $0x80000048  }
0xb3: {  	_ =	swait.ge [sflag:s29], $0x1  }
0xb4: {  	[sflag:s29] =	ssyncadd.s32 $0xFFFFFFFF  }
0xb5: {  	_ =	strace $0x90000048  }
0xb6: {  	_ =	sfence  }
0xb7: {  	s30 =	sld [smem:$0x0];
	_ =	sdelay $0x2  }
0xb8: {  	s31 =	sshll.u32 s1, $0xD;
	s1 =	sshrl.u32 s1, $0x2  }
0xb9: {  	s3 =	sand.u32 $0x4000, s31;
	s1 =	sadd.s32 s1, s30  }
0xba: {  	s0 =	sor.u32 s3, s0;
	s1 =	sshll.u32 s1, $0x11  }
0xbb: {  	s0 =	sor.u32 s1, s0  }
0xbc: {  	s0 =	sadd.s32 $0x8F2B, s0  }
0xbd: {  	[sflag:s0] =	ssyncadd.remote.s32 $0x1  }
0xbe: {  	_ =	sfence.sel $0xFFFF  }
0xbf: {  	[dreg:$0x0] =	wrdreg $0xFFFFFFFF;
	(pc) =	sbr.abs _section_cstart, $3  }
0xc0: {  	[dreg:$0x1] =	wrdreg $0xFFFFFFFF  }
0xc1: {  	_ =	task.clear_ibuf [dreg:s6], $0x2FFFF;
	_ =	strace $0x9FFFFFFF  }
0xc2: {  	(tm) =	ssettm $0x7FFFFFFF  }
0xc3: {  	_ =	shalt  }
tec
execute0_lowered:
.L_overlay_start_1:
0x0: {  	(tag) =	ssettag $0x1  }
0x1: {  	s11 =	rddreg [dreg:$0x0]  }
0x2: {  	s0 =	srdreg.scid;
	s2 =	rddreg [dreg:$0x1]  }
0x3: {  	s3 =	simm.s32 $0x0;
	s13 =	simm.s32 $0x41000;
	s14 =	simm.s32 $0x80  }
0x4: {  	s15 =	simm.s32 $0x100;
	s16 =	simm.s32 $0x180;
	s17 =	simm.s32 $0x200  }
0x5: {  	s18 =	simm.s32 $0x280;
	s19 =	simm.s32 $0x300;
	s20 =	simm.s32 $0x380  }
0x6: {  	s21 =	simm.s32 $0x1;
	s22 =	simm.s32 $0x0;
	s6 =	sand.u32 $0x1, s0  }
0x7: {  	s0 =	stileid.u32;
	[smem:$0x7FF] =	sst s3;
	s1 =	sshll.u32 s6, $0x4  }
0x8: {  	s5 =	ssub.s32 $0x2, s6;
	s7 =	smul.u32 $0x50000, s0;
	p0 =	seq.s32 s6, $0x1  }
0x9: {  	s12 =	smul.u32 $0x2800, s0;
	s4 =	sor.u32 s0, s1;
	s1 =	rddreg [dreg:$0x2]  }
0xa: {  	_ =	strace $0x80000047;
	s8 =	sshrl.u32 s5, $0x1;
	s4 =	smul.u32 $0x500, s4  }
0xb: {  	s13 =	simm.s32 @!p0 $0x19000;
	s8 =	ssub.s32 s5, s8;
	s31 =	sshrl.u32 s7, $0x2  }
0xc: {  	s6 =	smax.u32 s8, $0x1;
	s9 =	sadd.s32 s4, s11;
	s4 =	sadd.s32 s31, s2  }
0xd: {  	s11 =	sadd.s32 s13, s11;
	s13 =	simm.s32 $0x2;
	s5 =	sadd.s32 $0x5000, s9  }
0xe: {  	s7 =	sadd.s32 $0x4000, s4;
	s8 =	sadd.s32 $0x8000, s4;
	s9 =	sadd.s32 $0xC000, s4  }
0xf: {  	v0 =	vimm.f32 $0.0e+00;
	v1 =	vimm.f32 $1.000000000e+00;
	s10 =	sadd.s32 $0x10000, s4;
	s11 =	sadd.s32 s11, s12;
	s12 =	simm.s32 $0x2800  }
.LBB2_1:
0x10: {  	s23 =	simm.s32 $0x0;
	s24 =	simm.s32 $0x200  }
.LBB2_2:
0x11: {  	p0 =	sne.s32 s24, $0xFE00;
	[tilespmem:s23+$0x2870] =	vst v0  }
0x12: {  	[tilespmem:s23+$0x2800] =	vst v0  }
0x13: {  	[tilespmem:s23+$0x2810] =	vst v0  }
.Ltmp0:
0x14: {  	[tilespmem:s23+$0x2820] =	vst v0;
	(pc) =	sbr.rel @p0 .LBB2_2-.Ltmp0, $4  }
0x15: {  	[tilespmem:s23+$0x2830] =	vst v0  }
0x16: {  	[tilespmem:s23+$0x2840] =	vst v0  }
0x17: {  	[tilespmem:s23+$0x2850] =	vst v0  }
0x18: {  	[tilespmem:s23+$0x2860] =	vst v0;
	s23 =	sshra.s32 s24, $0x2;
	s24 =	sadd.s32 $0x200, s24  }
0x19: {  	[tilespmem:s23+$0x2870] =	vst v0  }
0x1a: {  	[tilespmem:s23+$0x2800] =	vst v0  }
0x1b: {  	[tilespmem:s23+$0x2810] =	vst v0  }
0x1c: {  	[tilespmem:s23+$0x2820] =	vst v0  }
0x1d: {  	[tilespmem:s23+$0x2830] =	vst v0  }
0x1e: {  	[tilespmem:s23+$0x2840] =	vst v0  }
0x1f: {  	[tilespmem:s23+$0x2850] =	vst v0  }
0x20: {  	[tilespmem:s23+$0x2860] =	vst v0  }
0x21: {  	[spmem:s4] =	stream.linear.scatter [tilespmem:s12], [sflag:$0x2], $0x4000, $0x38;
	[tilespmem:$0x1A800] =	vst v63  }
0x22: {  	_ =	swait.ge [sflag:s13], $0x4000  }
0x23: {  	[sflag:s13] =	ssyncset.done $0x0  }
0x24: {  	[sflag:s13] =	ssyncadd.s32 $0xFFFFC000  }
0x25: {  	[spmem:s7] =	stream.linear.scatter [tilespmem:s12], [sflag:$0x2], $0x4000, $0x38;
	[tilespmem:$0x1A800] =	vst v63  }
0x26: {  	_ =	swait.ge [sflag:s13], $0x4000  }
0x27: {  	[sflag:s13] =	ssyncset.done $0x0  }
0x28: {  	[sflag:s13] =	ssyncadd.s32 $0xFFFFC000  }
0x29: {  	[spmem:s8] =	stream.linear.scatter [tilespmem:s12], [sflag:$0x2], $0x4000, $0x38;
	[tilespmem:$0x1A800] =	vst v63  }
0x2a: {  	_ =	swait.ge [sflag:s13], $0x4000  }
0x2b: {  	[sflag:s13] =	ssyncset.done $0x0  }
0x2c: {  	[sflag:s13] =	ssyncadd.s32 $0xFFFFC000  }
0x2d: {  	[spmem:s9] =	stream.linear.scatter [tilespmem:s12], [sflag:$0x2], $0x4000, $0x38;
	[tilespmem:$0x1A800] =	vst v63  }
0x2e: {  	_ =	swait.ge [sflag:s13], $0x4000  }
0x2f: {  	[sflag:s13] =	ssyncset.done $0x0  }
0x30: {  	[sflag:s13] =	ssyncadd.s32 $0xFFFFC000  }
0x31: {  	[spmem:s10] =	stream.linear.scatter [tilespmem:s12], [sflag:$0x2], $0x4000, $0x38;
	[tilespmem:$0x1A800] =	vst v63  }
0x32: {  	_ =	swait.ge [sflag:s13], $0x4000  }
0x33: {  	[sflag:s13] =	ssyncset.done $0x0  }
0x34: {  	s23 =	simm.s32 $0x0;
	s24 =	simm.s32 $0x200;
	[sflag:s13] =	ssyncadd.s32 $0xFFFFC000  }
.LBB2_4:
0x35: {  	p0 =	sne.s32 s24, $0xFE00;
	[tilespmem:s23+$0x2870] =	vst v1  }
0x36: {  	[tilespmem:s23+$0x2800] =	vst v1  }
0x37: {  	[tilespmem:s23+$0x2810] =	vst v1  }
.Ltmp1:
0x38: {  	[tilespmem:s23+$0x2820] =	vst v1;
	(pc) =	sbr.rel @p0 .LBB2_4-.Ltmp1, $4  }
0x39: {  	[tilespmem:s23+$0x2830] =	vst v1  }
0x3a: {  	[tilespmem:s23+$0x2840] =	vst v1  }
0x3b: {  	[tilespmem:s23+$0x2850] =	vst v1  }
0x3c: {  	[tilespmem:s23+$0x2860] =	vst v1;
	s23 =	sshra.s32 s24, $0x2;
	s24 =	sadd.s32 $0x200, s24  }
0x3d: {  	[tilespmem:s23+$0x2870] =	vst v1  }
0x3e: {  	[tilespmem:s23+$0x2800] =	vst v1  }
0x3f: {  	[tilespmem:s23+$0x2810] =	vst v1  }
0x40: {  	[tilespmem:s23+$0x2820] =	vst v1  }
0x41: {  	[tilespmem:s23+$0x2830] =	vst v1  }
0x42: {  	[tilespmem:s23+$0x2840] =	vst v1  }
0x43: {  	[tilespmem:s23+$0x2850] =	vst v1  }
0x44: {  	[tilespmem:s23+$0x2860] =	vst v1  }
0x45: {  	[tilespmem:s3], [sflag:$0x2] =	stream.linear.gather [hbm4b:s5+s3], $0x2800, $0x38;
	[tilespmem:$0x1A800] =	vst v63  }
0x46: {  	_ =	swait.ge [sflag:s13], $0x2800  }
0x47: {  	[sflag:s13] =	ssyncset.done $0x0  }
0x48: {  	[sflag:s13] =	ssyncadd.s32 $0xFFFFD800  }
0x49: {  	[bflag:$0x0] =	sbarrier.arrive $0xFFFF  }
0x4a: {  	[spmem:s2] =	stream.indirect.scatter.add.f32 [tilespmem:s12], [sflag:$0x1], $0x80, s3, s14, $0xb8;
	[tilespmem:$0x1A800] =	vst v63  }
0x4b: {  	_ = 	snop  }
0x4c: {  	[spmem:s2] =	stream.indirect.scatter.add.f32 [tilespmem:s12], [sflag:$0x1], $0x80, s14, s14, $0xb8;
	[tilespmem:$0x1A800] =	vst v63  }
0x4d: {  	_ = 	snop  }
0x4e: {  	[spmem:s2] =	stream.indirect.scatter.add.f32 [tilespmem:s12], [sflag:$0x1], $0x80, s15, s14, $0xb8;
	[tilespmem:$0x1A800] =	vst v63  }
0x4f: {  	_ = 	snop  }
0x50: {  	[spmem:s2] =	stream.indirect.scatter.add.f32 [tilespmem:s12], [sflag:$0x1], $0x80, s16, s14, $0xb8;
	[tilespmem:$0x1A800] =	vst v63  }
0x51: {  	_ = 	snop  }
0x52: {  	[spmem:s2] =	stream.indirect.scatter.add.f32 [tilespmem:s12], [sflag:$0x1], $0x80, s17, s14, $0xb8;
	[tilespmem:$0x1A800] =	vst v63  }
0x53: {  	_ = 	snop  }
0x54: {  	[spmem:s2] =	stream.indirect.scatter.add.f32 [tilespmem:s12], [sflag:$0x1], $0x80, s18, s14, $0xb8;
	[tilespmem:$0x1A800] =	vst v63  }
0x55: {  	_ = 	snop  }
0x56: {  	[spmem:s2] =	stream.indirect.scatter.add.f32 [tilespmem:s12], [sflag:$0x1], $0x80, s19, s14, $0xb8;
	[tilespmem:$0x1A800] =	vst v63  }
0x57: {  	_ = 	snop  }
0x58: {  	[spmem:s2] =	stream.indirect.scatter.add.f32 [tilespmem:s12], [sflag:$0x1], $0x80, s20, s14, $0xb8;
	[tilespmem:$0x1A800] =	vst v63  }
0x59: {  	_ =	swait.ge [sflag:s21], $0x4000  }
0x5a: {  	[sflag:s21] =	ssyncset.done $0x0  }
0x5b: {  	s23 =	simm.s32 $0x1200;
	s24 =	simm.s32 $0x400;
	[sflag:s21] =	ssyncadd.s32 $0xFFFFC000  }
.LBB2_6:
0x5c: {  	[spmem:s2] =	stream.indirect.scatter.add.f32 [tilespmem:s12], [sflag:$0x1], $0x80, s24, s14, $0xb8;
	[tilespmem:$0x1A800] =	vst v63  }
0x5d: {  	s24 =	smov.u32 s23;
	p0 =	sne.s32 s23, $0x9E00  }
.Ltmp2:
0x5e: {  	s23 =	sadd.s32 $0x200, s23;
	(pc) =	sbr.rel @p0 .LBB2_6-.Ltmp2, $4  }
0x5f: {  	_ = 	snop  }
0x60: {  	_ =	swait.ge [sflag:s21], $0x4000  }
0x61: {  	[sflag:s21] =	ssyncset.done $0x0  }
0x62: {  	s24 =	sshra.s32 s24, $0x2;
	[sflag:s21] =	ssyncadd.s32 $0xFFFFC000  }
0x63: {  	[spmem:s2] =	stream.indirect.scatter.add.f32 [tilespmem:s12], [sflag:$0x1], $0x80, s24, s14, $0xb8;
	[tilespmem:$0x1A800] =	vst v63  }
0x64: {  	_ =	swait.ge [sflag:s21], $0x4000  }
0x65: {  	[sflag:s21] =	ssyncset.done $0x0  }
0x66: {  	[sflag:s21] =	ssyncadd.s32 $0xFFFFC000  }
0x67: {  	_ =	swait.ge [sflag:s21], $0x4000  }
0x68: {  	[sflag:s21] =	ssyncset.done $0x0  }
0x69: {  	[sflag:s21] =	ssyncadd.s32 $0xFFFFC000  }
0x6a: {  	_ =	swait.ge [sflag:s21], $0x4000  }
0x6b: {  	[sflag:s21] =	ssyncset.done $0x0  }
0x6c: {  	[sflag:s21] =	ssyncadd.s32 $0xFFFFC000  }
0x6d: {  	_ =	swait.ge [sflag:s21], $0x4000  }
0x6e: {  	[sflag:s21] =	ssyncset.done $0x0  }
0x6f: {  	[sflag:s21] =	ssyncadd.s32 $0xFFFFC000  }
0x70: {  	_ =	swait.ge [sflag:s21], $0x4000  }
0x71: {  	[sflag:s21] =	ssyncset.done $0x0  }
0x72: {  	[sflag:s21] =	ssyncadd.s32 $0xFFFFC000  }
0x73: {  	_ =	swait.ge [sflag:s21], $0x4000  }
0x74: {  	[sflag:s21] =	ssyncset.done $0x0  }
0x75: {  	[sflag:s21] =	ssyncadd.s32 $0xFFFFC000  }
0x76: {  	_ =	swait.ge [sflag:s21], $0x4000  }
0x77: {  	[sflag:s21] =	ssyncset.done $0x0  }
0x78: {  	[sflag:s21] =	ssyncadd.s32 $0xFFFFC000  }
0x79: {  	_ =	swait.ge [sflag:s21], $0x4000  }
0x7a: {  	s23 =	sshll.u32 s0, $0x6;
	s22 =	sadd.s32 $0x1, s22;
	[sflag:s21] =	ssyncset.done $0x0  }
0x7b: {  	s31 =	sshrl.u32 s4, $0x3;
	p0 =	sne.s32 s22, s6;
	[sflag:s21] =	ssyncadd.s32 $0xFFFFC000  }
.Ltmp3:
0x7c: {  	s23 =	sor.u32 $0x1C02, s23;
	[bflag:$0x0] =	sbarrier.arrive $0xFFFF;
	(pc) =	sbr.rel @p0 .LBB2_1-.Ltmp3, $4  }
0x7d: {  	[hbm:s11], [sflag:s23] =	dma.local [spmem:s31], $0x2800  }
0x7e: {  	_ =	swait.ge [sflag:s13], $0x2800  }
0x7f: {  	[sflag:s13] =	ssyncset.done $0x0  }
0x80: {  	[sflag:s13] =	ssyncadd.s32 $0xFFFFD800  }
0x81: {  	_ =	sfence.sel $0x180000  }
0x82: {  	[bflag:$0x0] =	sbarrier.arrive $0xFFFF  }
0x83: {  	p0 =	sne.s32 s0, $0x0;
	_ =	strace $0x90000047  }
0x84: {  	s0 =	sadd.s32 @!p0 $0x100000, s1;
	[bflag:$0x2] =	sbarrier.arrive $0xFFFF  }
0x85: {  	[sflag:s0] =	ssyncadd.tile.s32 @!p0 $0x1;
	_ =	shalt  }
.Lfunc_end2:
_tile_overlayer_lowered:
.L_overlay_start_2:
0x86: {  	(tag) =	ssettag $0x2  }
0x87: {  	s0 =	rddreg [dreg:$0x0];
	s2 =	stileid.u32  }
0x88: {  	s1 =	rddreg [dreg:$0x1];
	p0 =	sne.s32 s2, $0x0  }
0x89: {  	s3 =	rddreg [dreg:$0x2];
	[bflag:$0x3] =	sbarrier.arrive $0xFFFF;
	s2 =	simm.s32 @!p0 $0x1C02  }
0x8a: {  	[timem:s3], [sflag:s2] =	dma.local @!p0 [hbm:s0], s1  }
0x8b: {  	s0 =	simm.s32 @!p0 $0x2  }
0x8c: {  	_ =	swait.ge @!p0 [sflag:s0], s1  }
0x8d: {  	s1 =	ssub.s32 @!p0 $0x0, s1;
	[sflag:s0] =	ssyncset.done @!p0 $0x0  }
0x8e: {  	[sflag:s0] =	ssyncadd.s32 @!p0 s1  }
0x8f: {  	[bflag:$0x3] =	sbarrier.arrive $0xFFFF  }
0x90: {  	_ =	shalt  }

// kernel: kernel.13.cloned.1.call-start
scs
__scs_entry_jumppad:
0x0: {  	(pc) =	sbr.rel $0x88, $3  }
0x1: {  	(tag) =	ssettag $0x0;
	lr =	simm.s32 $0x1  }
0x2: {  	[smem:$0x3F97] =	sst lr;
	_ =	strace $0xD0000000  }
0x3: {  	_ = 	snop  }
0x4: {  	_ = 	snop  }
0x5: {  	_ = 	snop  }
0x6: {  	_ = 	snop  }
0x7: {  	_ = 	snop  }
__scs_overlays_trampoline_lowered:
0x8: {  	[smem:$0x3FA6] =	sst s0  }
0x9: {  	[smem:$0x3FA7] =	sst s1  }
0xa: {  	[smem:$0x3FA8] =	sst s2  }
0xb: {  	[smem:$0x3FA9] =	sst s3  }
0xc: {  	[smem:$0x3FAA] =	sst s4  }
0xd: {  	[smem:$0x3FAB] =	sst s5  }
0xe: {  	[smem:$0x3FAC] =	sst s6  }
0xf: {  	[smem:$0x3FAD] =	sst s7  }
0x10: {  	[smem:$0x3FAE] =	sst s8  }
0x11: {  	[smem:$0x3FAF] =	sst s9;
	s0 =	simm.s32 @!p0 $0x0  }
0x12: {  	s1 =	sld [smem:$0x3F95];
	s0 =	simm.s32 @p0 $0x1  }
0x13: {  	[smem:$0x3FB0] =	sst s0;
	s0 =	simm.s32 @!p1 $0x0  }
0x14: {  	s2 =	sld [smem:$0x3F94];
	s0 =	simm.s32 @p1 $0x1  }
0x15: {  	[smem:$0x3FB1] =	sst s0;
	s0 =	simm.s32 @!p2 $0x0  }
0x16: {  	s3 =	sld [smem:$0x3FDB];
	s0 =	simm.s32 @p2 $0x1  }
0x17: {  	s4 =	simm.s32 $0x1BF5;
	[smem:$0x3FB3] =	sst s0  }
0x18: {  	s0 =	sld [smem:$0x3F96];
	_ =	swait.ge [sflag:s4], $0x0  }
0x19: {  	s7 =	sld [smem:$0x3F97]  }
0x1a: {  	s8 =	sadd.s32 $0xFFFFE003, lr  }
0x1b: {  	s9 =	sadd.s32 $0xFFFFFEF7, lr;
	s5 =	simm.s32 $0xFFFFFFFF;
	p2 =	slt.u32 s8, $0xFFFFF086  }
0x1c: {  	p1 =	slt.u32 s9, $0xF7A;
	s5 =	simm.s32 @!p2 $0x0  }
0x1d: {  	s5 =	simm.s32 @p1 $0x1;
	p0 =	seq.s32 s7, s2  }
0x1e: {  	s7 =	smul.u32 @!p0 $0xF7A, s2;
	p2 =	seq.s32 @!p0 s5, $0x0  }
0x1f: {  	s9 =	smul.u32 $0xF7A, s1;
	s8 =	simm.s32 @!p0 $0x1BF5;
	p2 =	por !p2, p0  }
0x20: {  	[sflag:s8] =	ssyncset.s32 @!p0 $0xFFFFF086;
	s6 =	sadd.s32 @!p0 s3, s7;
	s7 =	simm.s32 @!p0 $0x108  }
0x21: {  	s3 =	sadd.s32 s3, s9;
	s6 =	sadd.s32 @!p0 $0x88, s6;
	s7 =	simm.s32 @p2 $0x1082  }
0x22: {  	[simem:s7], [sflag:s8] =	dma.local @!p0 [hbm:s6], $0xF7A  }
0x23: {  	s9 =	sor.u32 $0xD0000000, s2;
	s6 =	simm.s32 $0x108;
	_ =	swait.ge @!p0 [sflag:s8], $0x0  }
0x24: {  	s3 =	sadd.s32 $0x88, s3;
	s6 =	simm.s32 @!p1 $0x1082;
	[sflag:s4] =	ssyncset.s32 $0xFFFFF086  }
0x25: {  	[simem:s6], [sflag:s4] =	dma.local [hbm:s3], $0xF7A  }
0x26: {  	[smem:$0x3F97] =	sst s1;
	(tag) =	ssettag s2;
	_ =	strace s9  }
0x27: {  	s1 =	sld [smem:$0x3FA7]  }
0x28: {  	s2 =	sld [smem:$0x3FA8]  }
0x29: {  	s4 =	sld [smem:$0x3FAA]  }
0x2a: {  	p0 =	seq.s32 s5, $0x0;
	s5 =	sld [smem:$0x3FAB]  }
0x2b: {  	s6 =	sld [smem:$0x3FAC]  }
0x2c: {  	s7 =	sld [smem:$0x3FAD]  }
0x2d: {  	s3 =	simm.s32 $0x108;
	s8 =	sld [smem:$0x3FAE]  }
0x2e: {  	s3 =	simm.s32 @!p0 $0x1082;
	s9 =	sld [smem:$0x3FAF]  }
0x2f: {  	lr =	sadd.s32 s0, s3;
	s0 =	sld [smem:$0x3FA6]  }
0x30: {  	s3 =	sld [smem:$0x3FA9]  }
0x31: {  	[smem:$0x3FB2] =	sst s10  }
0x32: {  	s10 =	sld [smem:$0x3FB0];
	_ =	sdelay $0x3  }
0x33: {  	p0 =	seq.s32 s10, $0x1;
	s10 =	sld [smem:$0x3FB2];
	_ =	sdelay $0x3  }
0x34: {  	[smem:$0x3FB2] =	sst s10  }
0x35: {  	s10 =	sld [smem:$0x3FB1];
	_ =	sdelay $0x3  }
0x36: {  	p1 =	seq.s32 s10, $0x1;
	s10 =	sld [smem:$0x3FB2];
	_ =	sdelay $0x3  }
0x37: {  	[smem:$0x3FB2] =	sst s10  }
0x38: {  	s10 =	sld [smem:$0x3FB3]  }
0x39: {  	_ = 	snop;
	(pc) =	sbr.ind lr, $3  }
0x3a: {  	_ = 	snop  }
0x3b: {  	_ = 	snop  }
0x3c: {  	p2 =	seq.s32 s10, $0x1;
	s10 =	sld [smem:$0x3FB2]  }
0x3d: {  	_ =	shalt  }
0x3e: {  	_ =	shalt  }
0x3f: {  	_ =	shalt  }
0x40: {  	_ =	shalt  }
0x41: {  	_ =	shalt  }
0x42: {  	_ =	shalt  }
0x43: {  	_ =	shalt  }
0x44: {  	_ =	shalt  }
0x45: {  	_ =	shalt  }
0x46: {  	_ =	shalt  }
0x47: {  	_ =	shalt  }
0x48: {  	_ =	shalt  }
0x49: {  	_ =	shalt  }
0x4a: {  	_ =	shalt  }
0x4b: {  	_ =	shalt  }
0x4c: {  	_ =	shalt  }
0x4d: {  	_ =	shalt  }
0x4e: {  	_ =	shalt  }
0x4f: {  	_ =	shalt  }
0x50: {  	_ =	shalt  }
0x51: {  	_ =	shalt  }
0x52: {  	_ =	shalt  }
0x53: {  	_ =	shalt  }
0x54: {  	_ =	shalt  }
0x55: {  	_ =	shalt  }
0x56: {  	_ =	shalt  }
0x57: {  	_ =	shalt  }
0x58: {  	_ =	shalt  }
0x59: {  	_ =	shalt  }
0x5a: {  	_ =	shalt  }
0x5b: {  	_ =	shalt  }
0x5c: {  	_ =	shalt  }
0x5d: {  	_ =	shalt  }
0x5e: {  	_ =	shalt  }
0x5f: {  	_ =	shalt  }
0x60: {  	_ =	shalt  }
0x61: {  	_ =	shalt  }
0x62: {  	_ =	shalt  }
0x63: {  	_ =	shalt  }
0x64: {  	_ =	shalt  }
0x65: {  	_ =	shalt  }
0x66: {  	_ =	shalt  }
0x67: {  	_ =	shalt  }
0x68: {  	_ =	shalt  }
0x69: {  	_ =	shalt  }
0x6a: {  	_ =	shalt  }
0x6b: {  	_ =	shalt  }
0x6c: {  	_ =	shalt  }
0x6d: {  	_ =	shalt  }
0x6e: {  	_ =	shalt  }
0x6f: {  	_ =	shalt  }
0x70: {  	_ =	shalt  }
0x71: {  	_ =	shalt  }
0x72: {  	_ =	shalt  }
0x73: {  	_ =	shalt  }
0x74: {  	_ =	shalt  }
0x75: {  	_ =	shalt  }
0x76: {  	_ =	shalt  }
0x77: {  	_ =	shalt  }
0x78: {  	_ =	shalt  }
0x79: {  	_ =	shalt  }
0x7a: {  	_ =	shalt  }
0x7b: {  	_ =	shalt  }
0x7c: {  	_ =	shalt  }
0x7d: {  	_ =	shalt  }
0x7e: {  	_ =	shalt  }
0x7f: {  	_ =	shalt  }
0x80: {  	_ =	shalt  }
0x81: {  	_ =	shalt  }
0x82: {  	_ =	shalt  }
0x83: {  	_ =	shalt  }
0x84: {  	_ =	shalt  }
0x85: {  	_ =	shalt  }
0x86: {  	_ =	shalt  }
0x87: {  	_ =	shalt  }
.Lfunc_end0:
.L_simem_size_0:
called_computation.1_lowered:
.L_overlay_start_0:
0x88: {  	s2 =	sld [smem:$0x3FD9]  }
0x89: {  	s3 =	sld [smem:$0x3FFE];
	_ =	sdelay $0x1  }
0x8a: {  	s1 =	srdreg.scid  }
0x8b: {  	s0 =	sand.u32 $0x1, s1  }
0x8c: {  	s14 =	sshll.u32 s0, $0xA;
	s2 =	sadd.s32 s3, s2  }
0x8d: {  	s2 =	sadd.s32 s2, s14  }
0x8e: {  	[smem:$0x3FBE] =	sst s2  }
0x8f: {  	_ = 	snop  }
0x90: {  	s2 =	sld [smem:$0x3FD0];
	_ =	sdelay $0x2  }
0x91: {  	s15 =	simm.s32 $0xA;
	s4 =	simm.s32 $0x10  }
0x92: {  	[smem:s4], [sflag:s15] =	dma.local [hbm:s2], $0x1  }
0x93: {  	_ =	swait.eq [sflag:s15], $0x1  }
0x94: {  	[sflag:s15] =	ssyncset.done $0x0  }
0x95: {  	[sflag:s15] =	ssyncadd.s32 $0xFFFFFFFF  }
0x96: {  	s16 =	sld [smem:$0x11];
	(tm) =	ssettm $0x1  }
0x97: {  	s17 =	sld [smem:$0x3FFB];
	_ =	sdelay $0x3  }
0x98: {  	_ =	strace s17  }
0x99: {  	s3 =	sld [smem:$0x3FFC];
	_ =	sdelay $0x3  }
0x9a: {  	_ =	strace s3  }
0x9b: {  	s3 =	sld [smem:$0x3FFD];
	_ =	sdelay $0x3  }
0x9c: {  	_ =	strace s3  }
0x9d: {  	_ =	strace $0x8FFFFFFF  }
0x9e: {  	s18 =	sld [smem:$0x3FDB];
	_ =	sdelay $0x1  }
0x9f: {  	s19 =	simm.s32 $_scs_section_size  }
0xa0: {  	s5 =	simm.s32 $_size__tile_overlayer_lowered;
	s6 =	simm.s32 $_tile_overlayer_lowered  }
0xa1: {  	s22 =	simm.s32 $0x1BFF;
	s21 =	sshll.u32 s6, $0x1;
	s3 =	sadd.s32 s19, s18  }
0xa2: {  	s7 =	simm.s32 $0x0;
	s20 =	sshll.u32 s5, $0x1;
	s5 =	sadd.s32 s21, s3  }
0xa3: {  	[timem:s7], [sflag:s22] =	dma.local [hbm:s5], s20  }
0xa4: {  	_ =	swait.ge [sflag:s22], s20  }
0xa5: {  	s4 =	ssub.s32 $0x0, s20;
	[sflag:s22] =	ssyncset.done $0x0  }
0xa6: {  	[sflag:s22] =	ssyncadd.s32 s4;
	_ =	sdelay $0x1  }
0xa7: {  	s23 =	simm.s32 $0x1B8B  }
0xa8: {  	_ =	swait.ge [sflag:s23], $0x1  }
0xa9: {  	[sflag:s23] =	ssyncset.done $0x0  }
0xaa: {  	s25 =	simm.s32 $0x1B8E;
	s24 =	sld [smem:$0x3FFE];
	[sflag:s23] =	ssyncadd.s32 $0xFFFFFFFF  }
0xab: {  	s26 =	simm.s32 $execute0_lowered;
	[smem:$0x3FD2] =	sst s25  }
0xac: {  	s5 =	sshll.u32 s26, $0x1;
	_ =	strace $0x80000049;
	[dreg:$0x1] =	wrdreg $0xFFFFFFFF  }
0xad: {  	s28 =	simm.s32 $_size_execute0_lowered;
	s3 =	sadd.s32 s3, s5;
	[dreg:$0x0] =	wrdreg $0x0  }
0xae: {  	s5 =	sshll.u32 s28, $0x1;
	[dreg:$0x2] =	wrdreg s3  }
0xaf: {  	[dreg:$0x3] =	wrdreg s5  }
0xb0: {  	[dreg:$0x4] =	wrdreg $0xC0  }
0xb1: {  	_ =	task [dreg:s7], $0x5FFFF  }
0xb2: {  	[dreg:$0x1] =	wrdreg $0xFFFFFFFF  }
0xb3: {  	[dreg:$0x0] =	wrdreg $0x60  }
0xb4: {  	[dreg:$0x2] =	wrdreg s16  }
0xb5: {  	[dreg:$0x3] =	wrdreg s24  }
0xb6: {  	[dreg:$0x4] =	wrdreg $0xA8000  }
0xb7: {  	[dreg:$0x5] =	wrdreg $0x9  }
0xb8: {  	_ =	task.clear_ibuf [dreg:s7], $0x6FFFF;
	_ =	strace $0x90000049  }
0xb9: {  	s29 =	simm.s32 $0x9;
	_ =	strace $0x8000004B  }
0xba: {  	_ =	swait.ge [sflag:s29], $0x1  }
0xbb: {  	[sflag:s29] =	ssyncadd.s32 $0xFFFFFFFF  }
0xbc: {  	_ =	strace $0x9000004B  }
0xbd: {  	_ =	sfence  }
0xbe: {  	s30 =	sld [smem:$0x0];
	_ =	sdelay $0x2  }
0xbf: {  	s31 =	sshll.u32 s1, $0xD;
	s1 =	sshrl.u32 s1, $0x2  }
0xc0: {  	s3 =	sand.u32 $0x4000, s31;
	s1 =	sadd.s32 s1, s30  }
0xc1: {  	s0 =	sor.u32 s3, s0;
	s1 =	sshll.u32 s1, $0x11  }
0xc2: {  	s0 =	sor.u32 s1, s0  }
0xc3: {  	s0 =	sadd.s32 $0x8F2B, s0  }
0xc4: {  	[sflag:s0] =	ssyncadd.remote.s32 $0x1  }
0xc5: {  	_ =	sfence.sel $0xFFFF  }
0xc6: {  	[dreg:$0x0] =	wrdreg $0xFFFFFFFF;
	(pc) =	sbr.abs _section_cstart, $3  }
0xc7: {  	[dreg:$0x1] =	wrdreg $0xFFFFFFFF  }
0xc8: {  	_ =	task.clear_ibuf [dreg:s7], $0x2FFFF;
	_ =	strace $0x9FFFFFFF  }
0xc9: {  	(tm) =	ssettm $0x7FFFFFFF  }
tec
execute0_lowered:
.L_overlay_start_1:
0x0: {  	(tag) =	ssettag $0x1  }
0x1: {  	s1 =	rddreg [dreg:$0x0]  }
0x2: {  	s15 =	rddreg [dreg:$0x1]  }
0x3: {  	s2 =	rddreg [dreg:$0x2]  }
0x4: {  	s0 =	rddreg [dreg:$0x3];
	s3 =	simm.s32 $0x0  }
0x5: {  	s4 =	srdreg.scid;
	s17 =	simm.s32 $0x41000;
	s18 =	simm.s32 $0x1400  }
0x6: {  	s19 =	simm.s32 $0x80;
	s20 =	simm.s32 $0x6800;
	s21 =	simm.s32 $0x1  }
0x7: {  	s22 =	simm.s32 $0x2;
	s23 =	simm.s32 $0x1480;
	s24 =	simm.s32 $0x3  }
0x8: {  	s25 =	simm.s32 $0x4;
	s26 =	simm.s32 $0x0;
	[smem:$0x7FF] =	sst s3  }
0x9: {  	s10 =	sand.u32 $0x1, s4;
	s4 =	stileid.u32;
	s8 =	sadd.s32 $0xF000, s15  }
0xa: {  	s9 =	sadd.s32 $0x5000, s15;
	_ =	strace $0x8000004A;
	s5 =	sshll.u32 s10, $0x4  }
0xb: {  	s6 =	smul.u32 $0x50000, s4;
	s7 =	ssub.s32 $0x2, s10;
	p0 =	seq.s32 s10, $0x1  }
0xc: {  	s16 =	smul.u32 $0x2800, s4;
	s5 =	sor.u32 s4, s5;
	s12 =	sshrl.u32 s7, $0x1  }
0xd: {  	s17 =	simm.s32 @!p0 $0x19000;
	s11 =	smul.u32 $0x2800, s5;
	s6 =	sshrl.u32 s6, $0x2  }
0xe: {  	s13 =	smul.u32 $0x500, s5;
	s12 =	ssub.s32 s7, s12;
	s15 =	sadd.s32 s17, s15  }
0xf: {  	s17 =	simm.s32 $0x5;
	s5 =	sadd.s32 s6, s2;
	s10 =	smax.u32 s12, $0x1  }
0x10: {  	s15 =	sadd.s32 s15, s16;
	s16 =	simm.s32 $0x2800;
	s11 =	sshrl.u32 s11, $0x3  }
0x11: {  	s6 =	sadd.s32 s8, s13;
	s7 =	sadd.s32 s9, s13;
	s12 =	sadd.s32 $0x8000, s5  }
0x12: {  	s13 =	sadd.s32 $0xC000, s5;
	s14 =	sadd.s32 $0x10000, s5;
	s11 =	sadd.s32 $0x280, s11  }
0x13: {  	v0 =	vimm.f32 $0.0e+00;
	s8 =	sadd.s32 s8, s11;
	s9 =	sadd.s32 s9, s11;
	s11 =	sadd.s32 $0x4000, s5  }
.LBB2_1:
0x14: {  	s28 =	simm.s32 $0x0;
	s29 =	simm.s32 $0x200  }
.LBB2_2:
0x15: {  	p0 =	sne.s32 s29, $0xFE00;
	[tilespmem:s28+$0x2870] =	vst v0  }
0x16: {  	[tilespmem:s28+$0x2800] =	vst v0  }
0x17: {  	[tilespmem:s28+$0x2810] =	vst v0  }
.Ltmp0:
0x18: {  	[tilespmem:s28+$0x2820] =	vst v0;
	(pc) =	sbr.rel @p0 .LBB2_2-.Ltmp0, $4  }
0x19: {  	[tilespmem:s28+$0x2830] =	vst v0  }
0x1a: {  	[tilespmem:s28+$0x2840] =	vst v0  }
0x1b: {  	[tilespmem:s28+$0x2850] =	vst v0  }
0x1c: {  	[tilespmem:s28+$0x2860] =	vst v0;
	s28 =	sshra.s32 s29, $0x2;
	s29 =	sadd.s32 $0x200, s29  }
0x1d: {  	[tilespmem:s28+$0x2870] =	vst v0  }
0x1e: {  	[tilespmem:s28+$0x2800] =	vst v0  }
0x1f: {  	[tilespmem:s28+$0x2810] =	vst v0  }
0x20: {  	[tilespmem:s28+$0x2820] =	vst v0  }
0x21: {  	[tilespmem:s28+$0x2830] =	vst v0  }
0x22: {  	[tilespmem:s28+$0x2840] =	vst v0  }
0x23: {  	[tilespmem:s28+$0x2850] =	vst v0  }
0x24: {  	[tilespmem:s28+$0x2860] =	vst v0  }
0x25: {  	[spmem:s5] =	stream.linear.scatter [tilespmem:s16], [sflag:$0x5], $0x4000, $0x38;
	[tilespmem:$0x1E800] =	vst v63  }
0x26: {  	_ =	swait.ge [sflag:s17], $0x4000  }
0x27: {  	[sflag:s17] =	ssyncset.done $0x0  }
0x28: {  	[sflag:s17] =	ssyncadd.s32 $0xFFFFC000  }
0x29: {  	[spmem:s11] =	stream.linear.scatter [tilespmem:s16], [sflag:$0x5], $0x4000, $0x38;
	[tilespmem:$0x1E800] =	vst v63  }
0x2a: {  	_ =	swait.ge [sflag:s17], $0x4000  }
0x2b: {  	[sflag:s17] =	ssyncset.done $0x0  }
0x2c: {  	[sflag:s17] =	ssyncadd.s32 $0xFFFFC000  }
0x2d: {  	[spmem:s12] =	stream.linear.scatter [tilespmem:s16], [sflag:$0x5], $0x4000, $0x38;
	[tilespmem:$0x1E800] =	vst v63  }
0x2e: {  	_ =	swait.ge [sflag:s17], $0x4000  }
0x2f: {  	[sflag:s17] =	ssyncset.done $0x0  }
0x30: {  	[sflag:s17] =	ssyncadd.s32 $0xFFFFC000  }
0x31: {  	[spmem:s13] =	stream.linear.scatter [tilespmem:s16], [sflag:$0x5], $0x4000, $0x38;
	[tilespmem:$0x1E800] =	vst v63  }
0x32: {  	_ =	swait.ge [sflag:s17], $0x4000  }
0x33: {  	[sflag:s17] =	ssyncset.done $0x0  }
0x34: {  	[sflag:s17] =	ssyncadd.s32 $0xFFFFC000  }
0x35: {  	[spmem:s14] =	stream.linear.scatter [tilespmem:s16], [sflag:$0x5], $0x4000, $0x38;
	[tilespmem:$0x1E800] =	vst v63  }
0x36: {  	_ =	swait.ge [sflag:s17], $0x4000  }
0x37: {  	[sflag:s17] =	ssyncset.done $0x0  }
0x38: {  	[sflag:s17] =	ssyncadd.s32 $0xFFFFC000  }
0x39: {  	[bflag:$0x0] =	sbarrier.arrive $0xFFFF  }
0x3a: {  	[tilespmem:s3], [sflag:$0x5] =	stream.linear.gather [hbm4b:s6+s3], $0x1400, $0x38;
	[tilespmem:$0x1E800] =	vst v63  }
0x3b: {  	_ =	swait.ge [sflag:s17], $0x1400  }
0x3c: {  	[sflag:s17] =	ssyncset.done $0x0  }
0x3d: {  	[sflag:s17] =	ssyncadd.s32 $0xFFFFEC00  }
0x3e: {  	[tilespmem:s18], [sflag:$0x5] =	stream.linear.gather [hbm4b:s7+s3], $0x1400, $0x38;
	[tilespmem:$0x1E800] =	vst v63  }
0x3f: {  	_ =	swait.ge [sflag:s17], $0x1400  }
0x40: {  	[sflag:s17] =	ssyncset.done $0x0  }
0x41: {  	[sflag:s17] =	ssyncadd.s32 $0xFFFFEC00  }
0x42: {  	[tilespmem:s16], [sflag:$0x1] =	stream.indirect.gather [hbm4b:s1+s19], $0x80, s3, s19, $0xb8;
	[tilespmem:$0x1E800] =	vst v63  }
0x43: {  	_ = 	snop  }
0x44: {  	[tilespmem:s20], [sflag:$0x2] =	stream.indirect.gather [hbm4b:s1+s19], $0x80, s19, s19, $0xb8;
	[tilespmem:$0x1E800] =	vst v63  }
0x45: {  	_ =	swait.ge [sflag:s21], $0x4000  }
0x46: {  	[sflag:s21] =	ssyncset.done $0x0  }
0x47: {  	[sflag:s21] =	ssyncadd.s32 $0xFFFFC000  }
0x48: {  	[spmem:s2] =	stream.indirect.scatter.add.f32 [tilespmem:s16], [sflag:$0x3], $0x80, s18, s19, $0xb8;
	[tilespmem:$0x1E800] =	vst v63  }
0x49: {  	_ =	swait.ge [sflag:s22], $0x4000  }
0x4a: {  	[sflag:s22] =	ssyncset.done $0x0  }
0x4b: {  	[sflag:s22] =	ssyncadd.s32 $0xFFFFC000  }
0x4c: {  	[spmem:s2] =	stream.indirect.scatter.add.f32 [tilespmem:s20], [sflag:$0x4], $0x80, s23, s19, $0xb8;
	[tilespmem:$0x1E800] =	vst v63  }
0x4d: {  	_ =	swait.ge [sflag:s24], $0x4000  }
0x4e: {  	[sflag:s24] =	ssyncset.done $0x0  }
0x4f: {  	s28 =	simm.s32 $0x100;
	[sflag:s24] =	ssyncadd.s32 $0xFFFFC000  }
0x50: {  	[tilespmem:s16], [sflag:$0x1] =	stream.indirect.gather [hbm4b:s1+s19], $0x80, s28, s19, $0xb8;
	[tilespmem:$0x1E800] =	vst v63  }
0x51: {  	_ =	swait.ge [sflag:s25], $0x4000  }
0x52: {  	[sflag:s25] =	ssyncset.done $0x0  }
0x53: {  	s28 =	simm.s32 $0x180;
	[sflag:s25] =	ssyncadd.s32 $0xFFFFC000  }
0x54: {  	[tilespmem:s20], [sflag:$0x2] =	stream.indirect.gather [hbm4b:s1+s19], $0x80, s28, s19, $0xb8;
	[tilespmem:$0x1E800] =	vst v63  }
0x55: {  	_ =	swait.ge [sflag:s21], $0x4000  }
0x56: {  	[sflag:s21] =	ssyncset.done $0x0  }
0x57: {  	s28 =	simm.s32 $0x1500;
	[sflag:s21] =	ssyncadd.s32 $0xFFFFC000  }
0x58: {  	[spmem:s2] =	stream.indirect.scatter.add.f32 [tilespmem:s16], [sflag:$0x3], $0x80, s28, s19, $0xb8;
	[tilespmem:$0x1E800] =	vst v63  }
0x59: {  	_ =	swait.ge [sflag:s22], $0x4000  }
0x5a: {  	[sflag:s22] =	ssyncset.done $0x0  }
0x5b: {  	s29 =	simm.s32 $0x1580;
	s28 =	simm.s32 $0xFFFFB800;
	[sflag:s22] =	ssyncadd.s32 $0xFFFFC000  }
.LBB2_4:
0x5c: {  	[spmem:s2] =	stream.indirect.scatter.add.f32 [tilespmem:s20], [sflag:$0x4], $0x80, s29, s19, $0xb8;
	[tilespmem:$0x1E800] =	vst v63  }
0x5d: {  	s29 =	smov.u32 s28  }
0x5e: {  	p0 =	sne.s32 s28, $0xFFFFFC00;
	s28 =	sadd.s32 $0x400, s28;
	_ =	swait.ge [sflag:s24], $0x4000  }
0x5f: {  	s29 =	sshra.s32 s29, $0x2;
	[sflag:s24] =	ssyncset.done $0x0  }
0x60: {  	s30 =	sadd.s32 $0x1400, s29;
	[sflag:s24] =	ssyncadd.s32 $0xFFFFC000  }
0x61: {  	[tilespmem:s16], [sflag:$0x1] =	stream.indirect.gather [hbm4b:s1+s19], $0x80, s30, s19, $0xb8;
	[tilespmem:$0x1E800] =	vst v63  }
0x62: {  	_ =	swait.ge [sflag:s25], $0x4000  }
0x63: {  	[sflag:s25] =	ssyncset.done $0x0  }
0x64: {  	s30 =	sadd.s32 $0x1480, s29;
	[sflag:s25] =	ssyncadd.s32 $0xFFFFC000  }
0x65: {  	[tilespmem:s20], [sflag:$0x2] =	stream.indirect.gather [hbm4b:s1+s19], $0x80, s30, s19, $0xb8;
	[tilespmem:$0x1E800] =	vst v63  }
0x66: {  	_ =	swait.ge [sflag:s21], $0x4000  }
0x67: {  	[sflag:s21] =	ssyncset.done $0x0  }
.Ltmp1:
0x68: {  	s30 =	sadd.s32 $0x2800, s29;
	[sflag:s21] =	ssyncadd.s32 $0xFFFFC000;
	(pc) =	sbr.rel @p0 .LBB2_4-.Ltmp1, $4  }
0x69: {  	[spmem:s2] =	stream.indirect.scatter.add.f32 [tilespmem:s16], [sflag:$0x3], $0x80, s30, s19, $0xb8;
	[tilespmem:$0x1E800] =	vst v63  }
0x6a: {  	_ =	swait.ge [sflag:s22], $0x4000  }
0x6b: {  	[sflag:s22] =	ssyncset.done $0x0  }
0x6c: {  	s29 =	sadd.s32 $0x2880, s29;
	[sflag:s22] =	ssyncadd.s32 $0xFFFFC000  }
0x6d: {  	[spmem:s2] =	stream.indirect.scatter.add.f32 [tilespmem:s20], [sflag:$0x4], $0x80, s29, s19, $0xb8;
	[tilespmem:$0x1E800] =	vst v63  }
0x6e: {  	_ =	swait.ge [sflag:s24], $0x4000  }
0x6f: {  	[sflag:s24] =	ssyncset.done $0x0  }
0x70: {  	[sflag:s24] =	ssyncadd.s32 $0xFFFFC000  }
0x71: {  	_ =	swait.ge [sflag:s25], $0x4000  }
0x72: {  	[sflag:s25] =	ssyncset.done $0x0  }
0x73: {  	[sflag:s25] =	ssyncadd.s32 $0xFFFFC000  }
0x74: {  	[tilespmem:s3], [sflag:$0x5] =	stream.linear.gather [hbm4b:s8+s3], $0x1400, $0x38;
	[tilespmem:$0x1E800] =	vst v63  }
0x75: {  	_ =	swait.ge [sflag:s17], $0x1400  }
0x76: {  	[sflag:s17] =	ssyncset.done $0x0  }
0x77: {  	[sflag:s17] =	ssyncadd.s32 $0xFFFFEC00  }
0x78: {  	[tilespmem:s18], [sflag:$0x5] =	stream.linear.gather [hbm4b:s9+s3], $0x1400, $0x38;
	[tilespmem:$0x1E800] =	vst v63  }
0x79: {  	_ =	swait.ge [sflag:s17], $0x1400  }
0x7a: {  	[sflag:s17] =	ssyncset.done $0x0  }
0x7b: {  	[sflag:s17] =	ssyncadd.s32 $0xFFFFEC00  }
0x7c: {  	[tilespmem:s16], [sflag:$0x1] =	stream.indirect.gather [hbm4b:s1+s19], $0x80, s3, s19, $0xb8;
	[tilespmem:$0x1E800] =	vst v63  }
0x7d: {  	_ = 	snop  }
0x7e: {  	[tilespmem:s20], [sflag:$0x2] =	stream.indirect.gather [hbm4b:s1+s19], $0x80, s19, s19, $0xb8;
	[tilespmem:$0x1E800] =	vst v63  }
0x7f: {  	_ =	swait.ge [sflag:s21], $0x4000  }
0x80: {  	[sflag:s21] =	ssyncset.done $0x0  }
0x81: {  	[sflag:s21] =	ssyncadd.s32 $0xFFFFC000  }
0x82: {  	[spmem:s2] =	stream.indirect.scatter.add.f32 [tilespmem:s16], [sflag:$0x3], $0x80, s18, s19, $0xb8;
	[tilespmem:$0x1E800] =	vst v63  }
0x83: {  	_ =	swait.ge [sflag:s22], $0x4000  }
0x84: {  	[sflag:s22] =	ssyncset.done $0x0  }
0x85: {  	[sflag:s22] =	ssyncadd.s32 $0xFFFFC000  }
0x86: {  	[spmem:s2] =	stream.indirect.scatter.add.f32 [tilespmem:s20], [sflag:$0x4], $0x80, s23, s19, $0xb8;
	[tilespmem:$0x1E800] =	vst v63  }
0x87: {  	_ =	swait.ge [sflag:s24], $0x4000  }
0x88: {  	[sflag:s24] =	ssyncset.done $0x0  }
0x89: {  	s28 =	simm.s32 $0x100;
	[sflag:s24] =	ssyncadd.s32 $0xFFFFC000  }
0x8a: {  	[tilespmem:s16], [sflag:$0x1] =	stream.indirect.gather [hbm4b:s1+s19], $0x80, s28, s19, $0xb8;
	[tilespmem:$0x1E800] =	vst v63  }
0x8b: {  	_ =	swait.ge [sflag:s25], $0x4000  }
0x8c: {  	[sflag:s25] =	ssyncset.done $0x0  }
0x8d: {  	s28 =	simm.s32 $0x180;
	[sflag:s25] =	ssyncadd.s32 $0xFFFFC000  }
0x8e: {  	[tilespmem:s20], [sflag:$0x2] =	stream.indirect.gather [hbm4b:s1+s19], $0x80, s28, s19, $0xb8;
	[tilespmem:$0x1E800] =	vst v63  }
0x8f: {  	_ =	swait.ge [sflag:s21], $0x4000  }
0x90: {  	[sflag:s21] =	ssyncset.done $0x0  }
0x91: {  	s28 =	simm.s32 $0x1500;
	[sflag:s21] =	ssyncadd.s32 $0xFFFFC000  }
0x92: {  	[spmem:s2] =	stream.indirect.scatter.add.f32 [tilespmem:s16], [sflag:$0x3], $0x80, s28, s19, $0xb8;
	[tilespmem:$0x1E800] =	vst v63  }
0x93: {  	_ =	swait.ge [sflag:s22], $0x4000  }
0x94: {  	[sflag:s22] =	ssyncset.done $0x0  }
0x95: {  	s29 =	simm.s32 $0x1580;
	s28 =	simm.s32 $0xFFFFB800;
	[sflag:s22] =	ssyncadd.s32 $0xFFFFC000  }
.LBB2_6:
0x96: {  	[spmem:s2] =	stream.indirect.scatter.add.f32 [tilespmem:s20], [sflag:$0x4], $0x80, s29, s19, $0xb8;
	[tilespmem:$0x1E800] =	vst v63  }
0x97: {  	s29 =	smov.u32 s28  }
0x98: {  	p0 =	sne.s32 s28, $0xFFFFFC00;
	s28 =	sadd.s32 $0x400, s28;
	_ =	swait.ge [sflag:s24], $0x4000  }
0x99: {  	s29 =	sshra.s32 s29, $0x2;
	[sflag:s24] =	ssyncset.done $0x0  }
0x9a: {  	s30 =	sadd.s32 $0x1400, s29;
	[sflag:s24] =	ssyncadd.s32 $0xFFFFC000  }
0x9b: {  	[tilespmem:s16], [sflag:$0x1] =	stream.indirect.gather [hbm4b:s1+s19], $0x80, s30, s19, $0xb8;
	[tilespmem:$0x1E800] =	vst v63  }
0x9c: {  	_ =	swait.ge [sflag:s25], $0x4000  }
0x9d: {  	[sflag:s25] =	ssyncset.done $0x0  }
0x9e: {  	s30 =	sadd.s32 $0x1480, s29;
	[sflag:s25] =	ssyncadd.s32 $0xFFFFC000  }
0x9f: {  	[tilespmem:s20], [sflag:$0x2] =	stream.indirect.gather [hbm4b:s1+s19], $0x80, s30, s19, $0xb8;
	[tilespmem:$0x1E800] =	vst v63  }
0xa0: {  	_ =	swait.ge [sflag:s21], $0x4000  }
0xa1: {  	[sflag:s21] =	ssyncset.done $0x0  }
.Ltmp2:
0xa2: {  	s30 =	sadd.s32 $0x2800, s29;
	[sflag:s21] =	ssyncadd.s32 $0xFFFFC000;
	(pc) =	sbr.rel @p0 .LBB2_6-.Ltmp2, $4  }
0xa3: {  	[spmem:s2] =	stream.indirect.scatter.add.f32 [tilespmem:s16], [sflag:$0x3], $0x80, s30, s19, $0xb8;
	[tilespmem:$0x1E800] =	vst v63  }
0xa4: {  	_ =	swait.ge [sflag:s22], $0x4000  }
0xa5: {  	[sflag:s22] =	ssyncset.done $0x0  }
0xa6: {  	s29 =	sadd.s32 $0x2880, s29;
	[sflag:s22] =	ssyncadd.s32 $0xFFFFC000  }
0xa7: {  	[spmem:s2] =	stream.indirect.scatter.add.f32 [tilespmem:s20], [sflag:$0x4], $0x80, s29, s19, $0xb8;
	[tilespmem:$0x1E800] =	vst v63  }
0xa8: {  	_ =	swait.ge [sflag:s24], $0x4000  }
0xa9: {  	[sflag:s24] =	ssyncset.done $0x0  }
0xaa: {  	[sflag:s24] =	ssyncadd.s32 $0xFFFFC000  }
0xab: {  	_ =	swait.ge [sflag:s25], $0x4000  }
0xac: {  	s28 =	sshll.u32 s4, $0x6;
	s26 =	sadd.s32 $0x1, s26;
	[sflag:s25] =	ssyncset.done $0x0  }
0xad: {  	s31 =	sshrl.u32 s5, $0x3;
	p0 =	sne.s32 s26, s10;
	[sflag:s25] =	ssyncadd.s32 $0xFFFFC000  }
.Ltmp3:
0xae: {  	s28 =	sor.u32 $0x1C05, s28;
	[bflag:$0x0] =	sbarrier.arrive $0xFFFF;
	(pc) =	sbr.rel @p0 .LBB2_1-.Ltmp3, $4  }
0xaf: {  	[hbm:s15], [sflag:s28] =	dma.local [spmem:s31], $0x2800  }
0xb0: {  	_ =	swait.ge [sflag:s17], $0x2800  }
0xb1: {  	[sflag:s17] =	ssyncset.done $0x0  }
0xb2: {  	[sflag:s17] =	ssyncadd.s32 $0xFFFFD800  }
0xb3: {  	_ =	sfence.sel $0x180000  }
0xb4: {  	[bflag:$0x0] =	sbarrier.arrive $0xFFFF  }
0xb5: {  	p0 =	sne.s32 s4, $0x0;
	_ =	strace $0x9000004A  }
0xb6: {  	s0 =	sadd.s32 @!p0 $0x100000, s0;
	[bflag:$0x2] =	sbarrier.arrive $0xFFFF  }
0xb7: {  	[sflag:s0] =	ssyncadd.tile.s32 @!p0 $0x1;
	_ =	shalt  }
.Lfunc_end2:
_tile_overlayer_lowered:
.L_overlay_start_2:
0xb8: {  	(tag) =	ssettag $0x2  }
0xb9: {  	s0 =	rddreg [dreg:$0x0];
	s2 =	stileid.u32  }
0xba: {  	s1 =	rddreg [dreg:$0x1];
	p0 =	sne.s32 s2, $0x0  }
0xbb: {  	s3 =	rddreg [dreg:$0x2];
	[bflag:$0x3] =	sbarrier.arrive $0xFFFF;
	s2 =	simm.s32 @!p0 $0x1C05  }
0xbc: {  	[timem:s3], [sflag:s2] =	dma.local @!p0 [hbm:s0], s1  }
0xbd: {  	s0 =	simm.s32 @!p0 $0x5  }
0xbe: {  	_ =	swait.ge @!p0 [sflag:s0], s1  }
0xbf: {  	s1 =	ssub.s32 @!p0 $0x0, s1;
	[sflag:s0] =	ssyncset.done @!p0 $0x0  }
0xc0: {  	[sflag:s0] =	ssyncadd.s32 @!p0 s1  }
0xc1: {  	[bflag:$0x3] =	sbarrier.arrive $0xFFFF  }
0xc2: {  	_ =	shalt  }

// kernel: kernel.16.cloned.1.call-start
scs
__scs_entry_jumppad:
0x0: {  	(pc) =	sbr.rel $0x88, $3  }
0x1: {  	(tag) =	ssettag $0x0;
	lr =	simm.s32 $0x1  }
0x2: {  	[smem:$0x3F97] =	sst lr;
	_ =	strace $0xD0000000  }
0x3: {  	_ = 	snop  }
0x4: {  	_ = 	snop  }
0x5: {  	_ = 	snop  }
0x6: {  	_ = 	snop  }
0x7: {  	_ = 	snop  }
__scs_overlays_trampoline_lowered:
0x8: {  	[smem:$0x3FA6] =	sst s0  }
0x9: {  	[smem:$0x3FA7] =	sst s1  }
0xa: {  	[smem:$0x3FA8] =	sst s2  }
0xb: {  	[smem:$0x3FA9] =	sst s3  }
0xc: {  	[smem:$0x3FAA] =	sst s4  }
0xd: {  	[smem:$0x3FAB] =	sst s5  }
0xe: {  	[smem:$0x3FAC] =	sst s6  }
0xf: {  	[smem:$0x3FAD] =	sst s7  }
0x10: {  	[smem:$0x3FAE] =	sst s8  }
0x11: {  	[smem:$0x3FAF] =	sst s9;
	s0 =	simm.s32 @!p0 $0x0  }
0x12: {  	s1 =	sld [smem:$0x3F95];
	s0 =	simm.s32 @p0 $0x1  }
0x13: {  	[smem:$0x3FB0] =	sst s0;
	s0 =	simm.s32 @!p1 $0x0  }
0x14: {  	s2 =	sld [smem:$0x3F94];
	s0 =	simm.s32 @p1 $0x1  }
0x15: {  	[smem:$0x3FB1] =	sst s0;
	s0 =	simm.s32 @!p2 $0x0  }
0x16: {  	s3 =	sld [smem:$0x3FDB];
	s0 =	simm.s32 @p2 $0x1  }
0x17: {  	s4 =	simm.s32 $0x1BF5;
	[smem:$0x3FB3] =	sst s0  }
0x18: {  	s0 =	sld [smem:$0x3F96];
	_ =	swait.ge [sflag:s4], $0x0  }
0x19: {  	s7 =	sld [smem:$0x3F97]  }
0x1a: {  	s8 =	sadd.s32 $0xFFFFE003, lr  }
0x1b: {  	s9 =	sadd.s32 $0xFFFFFEF7, lr;
	s5 =	simm.s32 $0xFFFFFFFF;
	p2 =	slt.u32 s8, $0xFFFFF086  }
0x1c: {  	p1 =	slt.u32 s9, $0xF7A;
	s5 =	simm.s32 @!p2 $0x0  }
0x1d: {  	s5 =	simm.s32 @p1 $0x1;
	p0 =	seq.s32 s7, s2  }
0x1e: {  	s7 =	smul.u32 @!p0 $0xF7A, s2;
	p2 =	seq.s32 @!p0 s5, $0x0  }
0x1f: {  	s9 =	smul.u32 $0xF7A, s1;
	s8 =	simm.s32 @!p0 $0x1BF5;
	p2 =	por !p2, p0  }
0x20: {  	[sflag:s8] =	ssyncset.s32 @!p0 $0xFFFFF086;
	s6 =	sadd.s32 @!p0 s3, s7;
	s7 =	simm.s32 @!p0 $0x108  }
0x21: {  	s3 =	sadd.s32 s3, s9;
	s6 =	sadd.s32 @!p0 $0x88, s6;
	s7 =	simm.s32 @p2 $0x1082  }
0x22: {  	[simem:s7], [sflag:s8] =	dma.local @!p0 [hbm:s6], $0xF7A  }
0x23: {  	s9 =	sor.u32 $0xD0000000, s2;
	s6 =	simm.s32 $0x108;
	_ =	swait.ge @!p0 [sflag:s8], $0x0  }
0x24: {  	s3 =	sadd.s32 $0x88, s3;
	s6 =	simm.s32 @!p1 $0x1082;
	[sflag:s4] =	ssyncset.s32 $0xFFFFF086  }
0x25: {  	[simem:s6], [sflag:s4] =	dma.local [hbm:s3], $0xF7A  }
0x26: {  	[smem:$0x3F97] =	sst s1;
	(tag) =	ssettag s2;
	_ =	strace s9  }
0x27: {  	s1 =	sld [smem:$0x3FA7]  }
0x28: {  	s2 =	sld [smem:$0x3FA8]  }
0x29: {  	s4 =	sld [smem:$0x3FAA]  }
0x2a: {  	p0 =	seq.s32 s5, $0x0;
	s5 =	sld [smem:$0x3FAB]  }
0x2b: {  	s6 =	sld [smem:$0x3FAC]  }
0x2c: {  	s7 =	sld [smem:$0x3FAD]  }
0x2d: {  	s3 =	simm.s32 $0x108;
	s8 =	sld [smem:$0x3FAE]  }
0x2e: {  	s3 =	simm.s32 @!p0 $0x1082;
	s9 =	sld [smem:$0x3FAF]  }
0x2f: {  	lr =	sadd.s32 s0, s3;
	s0 =	sld [smem:$0x3FA6]  }
0x30: {  	s3 =	sld [smem:$0x3FA9]  }
0x31: {  	[smem:$0x3FB2] =	sst s10  }
0x32: {  	s10 =	sld [smem:$0x3FB0];
	_ =	sdelay $0x3  }
0x33: {  	p0 =	seq.s32 s10, $0x1;
	s10 =	sld [smem:$0x3FB2];
	_ =	sdelay $0x3  }
0x34: {  	[smem:$0x3FB2] =	sst s10  }
0x35: {  	s10 =	sld [smem:$0x3FB1];
	_ =	sdelay $0x3  }
0x36: {  	p1 =	seq.s32 s10, $0x1;
	s10 =	sld [smem:$0x3FB2];
	_ =	sdelay $0x3  }
0x37: {  	[smem:$0x3FB2] =	sst s10  }
0x38: {  	s10 =	sld [smem:$0x3FB3]  }
0x39: {  	_ = 	snop;
	(pc) =	sbr.ind lr, $3  }
0x3a: {  	_ = 	snop  }
0x3b: {  	_ = 	snop  }
0x3c: {  	p2 =	seq.s32 s10, $0x1;
	s10 =	sld [smem:$0x3FB2]  }
0x3d: {  	_ =	shalt  }
0x3e: {  	_ =	shalt  }
0x3f: {  	_ =	shalt  }
0x40: {  	_ =	shalt  }
0x41: {  	_ =	shalt  }
0x42: {  	_ =	shalt  }
0x43: {  	_ =	shalt  }
0x44: {  	_ =	shalt  }
0x45: {  	_ =	shalt  }
0x46: {  	_ =	shalt  }
0x47: {  	_ =	shalt  }
0x48: {  	_ =	shalt  }
0x49: {  	_ =	shalt  }
0x4a: {  	_ =	shalt  }
0x4b: {  	_ =	shalt  }
0x4c: {  	_ =	shalt  }
0x4d: {  	_ =	shalt  }
0x4e: {  	_ =	shalt  }
0x4f: {  	_ =	shalt  }
0x50: {  	_ =	shalt  }
0x51: {  	_ =	shalt  }
0x52: {  	_ =	shalt  }
0x53: {  	_ =	shalt  }
0x54: {  	_ =	shalt  }
0x55: {  	_ =	shalt  }
0x56: {  	_ =	shalt  }
0x57: {  	_ =	shalt  }
0x58: {  	_ =	shalt  }
0x59: {  	_ =	shalt  }
0x5a: {  	_ =	shalt  }
0x5b: {  	_ =	shalt  }
0x5c: {  	_ =	shalt  }
0x5d: {  	_ =	shalt  }
0x5e: {  	_ =	shalt  }
0x5f: {  	_ =	shalt  }
0x60: {  	_ =	shalt  }
0x61: {  	_ =	shalt  }
0x62: {  	_ =	shalt  }
0x63: {  	_ =	shalt  }
0x64: {  	_ =	shalt  }
0x65: {  	_ =	shalt  }
0x66: {  	_ =	shalt  }
0x67: {  	_ =	shalt  }
0x68: {  	_ =	shalt  }
0x69: {  	_ =	shalt  }
0x6a: {  	_ =	shalt  }
0x6b: {  	_ =	shalt  }
0x6c: {  	_ =	shalt  }
0x6d: {  	_ =	shalt  }
0x6e: {  	_ =	shalt  }
0x6f: {  	_ =	shalt  }
0x70: {  	_ =	shalt  }
0x71: {  	_ =	shalt  }
0x72: {  	_ =	shalt  }
0x73: {  	_ =	shalt  }
0x74: {  	_ =	shalt  }
0x75: {  	_ =	shalt  }
0x76: {  	_ =	shalt  }
0x77: {  	_ =	shalt  }
0x78: {  	_ =	shalt  }
0x79: {  	_ =	shalt  }
0x7a: {  	_ =	shalt  }
0x7b: {  	_ =	shalt  }
0x7c: {  	_ =	shalt  }
0x7d: {  	_ =	shalt  }
0x7e: {  	_ =	shalt  }
0x7f: {  	_ =	shalt  }
0x80: {  	_ =	shalt  }
0x81: {  	_ =	shalt  }
0x82: {  	_ =	shalt  }
0x83: {  	_ =	shalt  }
0x84: {  	_ =	shalt  }
0x85: {  	_ =	shalt  }
0x86: {  	_ =	shalt  }
0x87: {  	_ =	shalt  }
.Lfunc_end0:
.L_simem_size_0:
called_computation.2_lowered:
.L_overlay_start_0:
0x88: {  	s2 =	sld [smem:$0x3FD9]  }
0x89: {  	s3 =	sld [smem:$0x3FFE];
	_ =	sdelay $0x1  }
0x8a: {  	s1 =	srdreg.scid  }
0x8b: {  	s0 =	sand.u32 $0x1, s1  }
0x8c: {  	s14 =	sshll.u32 s0, $0xA;
	s2 =	sadd.s32 s3, s2  }
0x8d: {  	s2 =	sadd.s32 s2, s14  }
0x8e: {  	[smem:$0x3FBE] =	sst s2  }
0x8f: {  	_ = 	snop  }
0x90: {  	s2 =	sld [smem:$0x3FD0];
	_ =	sdelay $0x2  }
0x91: {  	s15 =	simm.s32 $0xA;
	s4 =	simm.s32 $0x10  }
0x92: {  	[smem:s4], [sflag:s15] =	dma.local [hbm:s2], $0x1  }
0x93: {  	_ =	swait.eq [sflag:s15], $0x1  }
0x94: {  	[sflag:s15] =	ssyncset.done $0x0  }
0x95: {  	[sflag:s15] =	ssyncadd.s32 $0xFFFFFFFF  }
0x96: {  	s16 =	sld [smem:$0x11];
	(tm) =	ssettm $0x1  }
0x97: {  	s17 =	sld [smem:$0x3FFB];
	_ =	sdelay $0x3  }
0x98: {  	_ =	strace s17  }
0x99: {  	s3 =	sld [smem:$0x3FFC];
	_ =	sdelay $0x3  }
0x9a: {  	_ =	strace s3  }
0x9b: {  	s3 =	sld [smem:$0x3FFD];
	_ =	sdelay $0x3  }
0x9c: {  	_ =	strace s3  }
0x9d: {  	_ =	strace $0x8FFFFFFF  }
0x9e: {  	s18 =	sld [smem:$0x3FDB];
	_ =	sdelay $0x1  }
0x9f: {  	s19 =	simm.s32 $_scs_section_size  }
0xa0: {  	s5 =	simm.s32 $_size__tile_overlayer_lowered;
	s6 =	simm.s32 $_tile_overlayer_lowered  }
0xa1: {  	s22 =	simm.s32 $0x1BFF;
	s21 =	sshll.u32 s6, $0x1;
	s3 =	sadd.s32 s19, s18  }
0xa2: {  	s7 =	simm.s32 $0x0;
	s20 =	sshll.u32 s5, $0x1;
	s5 =	sadd.s32 s21, s3  }
0xa3: {  	[timem:s7], [sflag:s22] =	dma.local [hbm:s5], s20  }
0xa4: {  	_ =	swait.ge [sflag:s22], s20  }
0xa5: {  	s4 =	ssub.s32 $0x0, s20;
	[sflag:s22] =	ssyncset.done $0x0  }
0xa6: {  	[sflag:s22] =	ssyncadd.s32 s4;
	_ =	sdelay $0x1  }
0xa7: {  	s23 =	simm.s32 $0x1B8B  }
0xa8: {  	_ =	swait.ge [sflag:s23], $0x1  }
0xa9: {  	[sflag:s23] =	ssyncset.done $0x0  }
0xaa: {  	s25 =	simm.s32 $0x1B8E;
	s24 =	sld [smem:$0x3FFE];
	[sflag:s23] =	ssyncadd.s32 $0xFFFFFFFF  }
0xab: {  	s26 =	simm.s32 $execute0_lowered;
	[smem:$0x3FD2] =	sst s25  }
0xac: {  	s5 =	sshll.u32 s26, $0x1;
	_ =	strace $0x8000004C;
	[dreg:$0x1] =	wrdreg $0xFFFFFFFF  }
0xad: {  	s28 =	simm.s32 $_size_execute0_lowered;
	s3 =	sadd.s32 s3, s5;
	[dreg:$0x0] =	wrdreg $0x0  }
0xae: {  	s5 =	sshll.u32 s28, $0x1;
	[dreg:$0x2] =	wrdreg s3  }
0xaf: {  	[dreg:$0x3] =	wrdreg s5  }
0xb0: {  	[dreg:$0x4] =	wrdreg $0xC0  }
0xb1: {  	_ =	task [dreg:s7], $0x5FFFF  }
0xb2: {  	[dreg:$0x1] =	wrdreg $0xFFFFFFFF  }
0xb3: {  	[dreg:$0x0] =	wrdreg $0x60  }
0xb4: {  	[dreg:$0x2] =	wrdreg s16  }
0xb5: {  	[dreg:$0x3] =	wrdreg s24  }
0xb6: {  	[dreg:$0x4] =	wrdreg $0xA8000  }
0xb7: {  	[dreg:$0x5] =	wrdreg $0x9  }
0xb8: {  	_ =	task.clear_ibuf [dreg:s7], $0x6FFFF;
	_ =	strace $0x9000004C  }
0xb9: {  	s29 =	simm.s32 $0x9;
	_ =	strace $0x8000004E  }
0xba: {  	_ =	swait.ge [sflag:s29], $0x1  }
0xbb: {  	[sflag:s29] =	ssyncadd.s32 $0xFFFFFFFF  }
0xbc: {  	_ =	strace $0x9000004E  }
0xbd: {  	_ =	sfence  }
0xbe: {  	s30 =	sld [smem:$0x0];
	_ =	sdelay $0x2  }
0xbf: {  	s31 =	sshll.u32 s1, $0xD;
	s1 =	sshrl.u32 s1, $0x2  }
0xc0: {  	s3 =	sand.u32 $0x4000, s31;
	s1 =	sadd.s32 s1, s30  }
0xc1: {  	s0 =	sor.u32 s3, s0;
	s1 =	sshll.u32 s1, $0x11  }
0xc2: {  	s0 =	sor.u32 s1, s0  }
0xc3: {  	s0 =	sadd.s32 $0x8F2B, s0  }
0xc4: {  	[sflag:s0] =	ssyncadd.remote.s32 $0x1  }
0xc5: {  	_ =	sfence.sel $0xFFFF  }
0xc6: {  	[dreg:$0x0] =	wrdreg $0xFFFFFFFF;
	(pc) =	sbr.abs _section_cstart, $3  }
0xc7: {  	[dreg:$0x1] =	wrdreg $0xFFFFFFFF  }
0xc8: {  	_ =	task.clear_ibuf [dreg:s7], $0x2FFFF;
	_ =	strace $0x9FFFFFFF  }
0xc9: {  	(tm) =	ssettm $0x7FFFFFFF  }
tec
execute0_lowered:
.L_overlay_start_1:
0x0: {  	(tag) =	ssettag $0x1  }
0x1: {  	s1 =	rddreg [dreg:$0x0]  }
0x2: {  	s15 =	rddreg [dreg:$0x1]  }
0x3: {  	s2 =	rddreg [dreg:$0x2]  }
0x4: {  	s0 =	rddreg [dreg:$0x3];
	s3 =	simm.s32 $0x0  }
0x5: {  	s4 =	srdreg.scid;
	s17 =	simm.s32 $0x41000;
	s18 =	simm.s32 $0x1400  }
0x6: {  	s19 =	simm.s32 $0x80;
	s20 =	simm.s32 $0x6800;
	s21 =	simm.s32 $0x1  }
0x7: {  	s22 =	simm.s32 $0x2;
	s23 =	simm.s32 $0x1480;
	s24 =	simm.s32 $0x3  }
0x8: {  	s25 =	simm.s32 $0x4;
	s26 =	simm.s32 $0x0;
	[smem:$0x7FF] =	sst s3  }
0x9: {  	s10 =	sand.u32 $0x1, s4;
	s4 =	stileid.u32;
	s8 =	sadd.s32 $0xF000, s15  }
0xa: {  	s9 =	sadd.s32 $0x5000, s15;
	_ =	strace $0x8000004D;
	s5 =	sshll.u32 s10, $0x4  }
0xb: {  	s6 =	smul.u32 $0x50000, s4;
	s7 =	ssub.s32 $0x2, s10;
	p0 =	seq.s32 s10, $0x1  }
0xc: {  	s16 =	smul.u32 $0x2800, s4;
	s5 =	sor.u32 s4, s5;
	s12 =	sshrl.u32 s7, $0x1  }
0xd: {  	s17 =	simm.s32 @!p0 $0x19000;
	s11 =	smul.u32 $0x2800, s5;
	s6 =	sshrl.u32 s6, $0x2  }
0xe: {  	s13 =	smul.u32 $0x500, s5;
	s12 =	ssub.s32 s7, s12;
	s15 =	sadd.s32 s17, s15  }
0xf: {  	s17 =	simm.s32 $0x5;
	s5 =	sadd.s32 s6, s2;
	s10 =	smax.u32 s12, $0x1  }
0x10: {  	s15 =	sadd.s32 s15, s16;
	s16 =	simm.s32 $0x2800;
	s11 =	sshrl.u32 s11, $0x3  }
0x11: {  	s6 =	sadd.s32 s8, s13;
	s7 =	sadd.s32 s9, s13;
	s12 =	sadd.s32 $0x8000, s5  }
0x12: {  	s13 =	sadd.s32 $0xC000, s5;
	s14 =	sadd.s32 $0x10000, s5;
	s11 =	sadd.s32 $0x280, s11  }
0x13: {  	v0 =	vimm.f32 $0.0e+00;
	s8 =	sadd.s32 s8, s11;
	s9 =	sadd.s32 s9, s11;
	s11 =	sadd.s32 $0x4000, s5  }
.LBB2_1:
0x14: {  	s28 =	simm.s32 $0x0;
	s29 =	simm.s32 $0x200  }
.LBB2_2:
0x15: {  	p0 =	sne.s32 s29, $0xFE00;
	[tilespmem:s28+$0x2870] =	vst v0  }
0x16: {  	[tilespmem:s28+$0x2800] =	vst v0  }
0x17: {  	[tilespmem:s28+$0x2810] =	vst v0  }
.Ltmp0:
0x18: {  	[tilespmem:s28+$0x2820] =	vst v0;
	(pc) =	sbr.rel @p0 .LBB2_2-.Ltmp0, $4  }
0x19: {  	[tilespmem:s28+$0x2830] =	vst v0  }
0x1a: {  	[tilespmem:s28+$0x2840] =	vst v0  }
0x1b: {  	[tilespmem:s28+$0x2850] =	vst v0  }
0x1c: {  	[tilespmem:s28+$0x2860] =	vst v0;
	s28 =	sshra.s32 s29, $0x2;
	s29 =	sadd.s32 $0x200, s29  }
0x1d: {  	[tilespmem:s28+$0x2870] =	vst v0  }
0x1e: {  	[tilespmem:s28+$0x2800] =	vst v0  }
0x1f: {  	[tilespmem:s28+$0x2810] =	vst v0  }
0x20: {  	[tilespmem:s28+$0x2820] =	vst v0  }
0x21: {  	[tilespmem:s28+$0x2830] =	vst v0  }
0x22: {  	[tilespmem:s28+$0x2840] =	vst v0  }
0x23: {  	[tilespmem:s28+$0x2850] =	vst v0  }
0x24: {  	[tilespmem:s28+$0x2860] =	vst v0  }
0x25: {  	[spmem:s5] =	stream.linear.scatter [tilespmem:s16], [sflag:$0x5], $0x4000, $0x38;
	[tilespmem:$0x1E800] =	vst v63  }
0x26: {  	_ =	swait.ge [sflag:s17], $0x4000  }
0x27: {  	[sflag:s17] =	ssyncset.done $0x0  }
0x28: {  	[sflag:s17] =	ssyncadd.s32 $0xFFFFC000  }
0x29: {  	[spmem:s11] =	stream.linear.scatter [tilespmem:s16], [sflag:$0x5], $0x4000, $0x38;
	[tilespmem:$0x1E800] =	vst v63  }
0x2a: {  	_ =	swait.ge [sflag:s17], $0x4000  }
0x2b: {  	[sflag:s17] =	ssyncset.done $0x0  }
0x2c: {  	[sflag:s17] =	ssyncadd.s32 $0xFFFFC000  }
0x2d: {  	[spmem:s12] =	stream.linear.scatter [tilespmem:s16], [sflag:$0x5], $0x4000, $0x38;
	[tilespmem:$0x1E800] =	vst v63  }
0x2e: {  	_ =	swait.ge [sflag:s17], $0x4000  }
0x2f: {  	[sflag:s17] =	ssyncset.done $0x0  }
0x30: {  	[sflag:s17] =	ssyncadd.s32 $0xFFFFC000  }
0x31: {  	[spmem:s13] =	stream.linear.scatter [tilespmem:s16], [sflag:$0x5], $0x4000, $0x38;
	[tilespmem:$0x1E800] =	vst v63  }
0x32: {  	_ =	swait.ge [sflag:s17], $0x4000  }
0x33: {  	[sflag:s17] =	ssyncset.done $0x0  }
0x34: {  	[sflag:s17] =	ssyncadd.s32 $0xFFFFC000  }
0x35: {  	[spmem:s14] =	stream.linear.scatter [tilespmem:s16], [sflag:$0x5], $0x4000, $0x38;
	[tilespmem:$0x1E800] =	vst v63  }
0x36: {  	_ =	swait.ge [sflag:s17], $0x4000  }
0x37: {  	[sflag:s17] =	ssyncset.done $0x0  }
0x38: {  	[sflag:s17] =	ssyncadd.s32 $0xFFFFC000  }
0x39: {  	[bflag:$0x0] =	sbarrier.arrive $0xFFFF  }
0x3a: {  	[tilespmem:s3], [sflag:$0x5] =	stream.linear.gather [hbm4b:s6+s3], $0x1400, $0x38;
	[tilespmem:$0x1E800] =	vst v63  }
0x3b: {  	_ =	swait.ge [sflag:s17], $0x1400  }
0x3c: {  	[sflag:s17] =	ssyncset.done $0x0  }
0x3d: {  	[sflag:s17] =	ssyncadd.s32 $0xFFFFEC00  }
0x3e: {  	[tilespmem:s18], [sflag:$0x5] =	stream.linear.gather [hbm4b:s7+s3], $0x1400, $0x38;
	[tilespmem:$0x1E800] =	vst v63  }
0x3f: {  	_ =	swait.ge [sflag:s17], $0x1400  }
0x40: {  	[sflag:s17] =	ssyncset.done $0x0  }
0x41: {  	[sflag:s17] =	ssyncadd.s32 $0xFFFFEC00  }
0x42: {  	[tilespmem:s16], [sflag:$0x1] =	stream.indirect.gather [hbm4b:s1+s19], $0x80, s3, s19, $0xb8;
	[tilespmem:$0x1E800] =	vst v63  }
0x43: {  	_ = 	snop  }
0x44: {  	[tilespmem:s20], [sflag:$0x2] =	stream.indirect.gather [hbm4b:s1+s19], $0x80, s19, s19, $0xb8;
	[tilespmem:$0x1E800] =	vst v63  }
0x45: {  	_ =	swait.ge [sflag:s21], $0x4000  }
0x46: {  	[sflag:s21] =	ssyncset.done $0x0  }
0x47: {  	[sflag:s21] =	ssyncadd.s32 $0xFFFFC000  }
0x48: {  	[spmem:s2] =	stream.indirect.scatter.add.f32 [tilespmem:s16], [sflag:$0x3], $0x80, s18, s19, $0xb8;
	[tilespmem:$0x1E800] =	vst v63  }
0x49: {  	_ =	swait.ge [sflag:s22], $0x4000  }
0x4a: {  	[sflag:s22] =	ssyncset.done $0x0  }
0x4b: {  	[sflag:s22] =	ssyncadd.s32 $0xFFFFC000  }
0x4c: {  	[spmem:s2] =	stream.indirect.scatter.add.f32 [tilespmem:s20], [sflag:$0x4], $0x80, s23, s19, $0xb8;
	[tilespmem:$0x1E800] =	vst v63  }
0x4d: {  	_ =	swait.ge [sflag:s24], $0x4000  }
0x4e: {  	[sflag:s24] =	ssyncset.done $0x0  }
0x4f: {  	s28 =	simm.s32 $0x100;
	[sflag:s24] =	ssyncadd.s32 $0xFFFFC000  }
0x50: {  	[tilespmem:s16], [sflag:$0x1] =	stream.indirect.gather [hbm4b:s1+s19], $0x80, s28, s19, $0xb8;
	[tilespmem:$0x1E800] =	vst v63  }
0x51: {  	_ =	swait.ge [sflag:s25], $0x4000  }
0x52: {  	[sflag:s25] =	ssyncset.done $0x0  }
0x53: {  	s28 =	simm.s32 $0x180;
	[sflag:s25] =	ssyncadd.s32 $0xFFFFC000  }
0x54: {  	[tilespmem:s20], [sflag:$0x2] =	stream.indirect.gather [hbm4b:s1+s19], $0x80, s28, s19, $0xb8;
	[tilespmem:$0x1E800] =	vst v63  }
0x55: {  	_ =	swait.ge [sflag:s21], $0x4000  }
0x56: {  	[sflag:s21] =	ssyncset.done $0x0  }
0x57: {  	s28 =	simm.s32 $0x1500;
	[sflag:s21] =	ssyncadd.s32 $0xFFFFC000  }
0x58: {  	[spmem:s2] =	stream.indirect.scatter.add.f32 [tilespmem:s16], [sflag:$0x3], $0x80, s28, s19, $0xb8;
	[tilespmem:$0x1E800] =	vst v63  }
0x59: {  	_ =	swait.ge [sflag:s22], $0x4000  }
0x5a: {  	[sflag:s22] =	ssyncset.done $0x0  }
0x5b: {  	s29 =	simm.s32 $0x1580;
	s28 =	simm.s32 $0xFFFFB800;
	[sflag:s22] =	ssyncadd.s32 $0xFFFFC000  }
.LBB2_4:
0x5c: {  	[spmem:s2] =	stream.indirect.scatter.add.f32 [tilespmem:s20], [sflag:$0x4], $0x80, s29, s19, $0xb8;
	[tilespmem:$0x1E800] =	vst v63  }
0x5d: {  	s29 =	smov.u32 s28  }
0x5e: {  	p0 =	sne.s32 s28, $0xFFFFFC00;
	s28 =	sadd.s32 $0x400, s28;
	_ =	swait.ge [sflag:s24], $0x4000  }
0x5f: {  	s29 =	sshra.s32 s29, $0x2;
	[sflag:s24] =	ssyncset.done $0x0  }
0x60: {  	s30 =	sadd.s32 $0x1400, s29;
	[sflag:s24] =	ssyncadd.s32 $0xFFFFC000  }
0x61: {  	[tilespmem:s16], [sflag:$0x1] =	stream.indirect.gather [hbm4b:s1+s19], $0x80, s30, s19, $0xb8;
	[tilespmem:$0x1E800] =	vst v63  }
0x62: {  	_ =	swait.ge [sflag:s25], $0x4000  }
0x63: {  	[sflag:s25] =	ssyncset.done $0x0  }
0x64: {  	s30 =	sadd.s32 $0x1480, s29;
	[sflag:s25] =	ssyncadd.s32 $0xFFFFC000  }
0x65: {  	[tilespmem:s20], [sflag:$0x2] =	stream.indirect.gather [hbm4b:s1+s19], $0x80, s30, s19, $0xb8;
	[tilespmem:$0x1E800] =	vst v63  }
0x66: {  	_ =	swait.ge [sflag:s21], $0x4000  }
0x67: {  	[sflag:s21] =	ssyncset.done $0x0  }
.Ltmp1:
0x68: {  	s30 =	sadd.s32 $0x2800, s29;
	[sflag:s21] =	ssyncadd.s32 $0xFFFFC000;
	(pc) =	sbr.rel @p0 .LBB2_4-.Ltmp1, $4  }
0x69: {  	[spmem:s2] =	stream.indirect.scatter.add.f32 [tilespmem:s16], [sflag:$0x3], $0x80, s30, s19, $0xb8;
	[tilespmem:$0x1E800] =	vst v63  }
0x6a: {  	_ =	swait.ge [sflag:s22], $0x4000  }
0x6b: {  	[sflag:s22] =	ssyncset.done $0x0  }
0x6c: {  	s29 =	sadd.s32 $0x2880, s29;
	[sflag:s22] =	ssyncadd.s32 $0xFFFFC000  }
0x6d: {  	[spmem:s2] =	stream.indirect.scatter.add.f32 [tilespmem:s20], [sflag:$0x4], $0x80, s29, s19, $0xb8;
	[tilespmem:$0x1E800] =	vst v63  }
0x6e: {  	_ =	swait.ge [sflag:s24], $0x4000  }
0x6f: {  	[sflag:s24] =	ssyncset.done $0x0  }
0x70: {  	[sflag:s24] =	ssyncadd.s32 $0xFFFFC000  }
0x71: {  	_ =	swait.ge [sflag:s25], $0x4000  }
0x72: {  	[sflag:s25] =	ssyncset.done $0x0  }
0x73: {  	[sflag:s25] =	ssyncadd.s32 $0xFFFFC000  }
0x74: {  	[tilespmem:s3], [sflag:$0x5] =	stream.linear.gather [hbm4b:s8+s3], $0x1400, $0x38;
	[tilespmem:$0x1E800] =	vst v63  }
0x75: {  	_ =	swait.ge [sflag:s17], $0x1400  }
0x76: {  	[sflag:s17] =	ssyncset.done $0x0  }
0x77: {  	[sflag:s17] =	ssyncadd.s32 $0xFFFFEC00  }
0x78: {  	[tilespmem:s18], [sflag:$0x5] =	stream.linear.gather [hbm4b:s9+s3], $0x1400, $0x38;
	[tilespmem:$0x1E800] =	vst v63  }
0x79: {  	_ =	swait.ge [sflag:s17], $0x1400  }
0x7a: {  	[sflag:s17] =	ssyncset.done $0x0  }
0x7b: {  	[sflag:s17] =	ssyncadd.s32 $0xFFFFEC00  }
0x7c: {  	[tilespmem:s16], [sflag:$0x1] =	stream.indirect.gather [hbm4b:s1+s19], $0x80, s3, s19, $0xb8;
	[tilespmem:$0x1E800] =	vst v63  }
0x7d: {  	_ = 	snop  }
0x7e: {  	[tilespmem:s20], [sflag:$0x2] =	stream.indirect.gather [hbm4b:s1+s19], $0x80, s19, s19, $0xb8;
	[tilespmem:$0x1E800] =	vst v63  }
0x7f: {  	_ =	swait.ge [sflag:s21], $0x4000  }
0x80: {  	[sflag:s21] =	ssyncset.done $0x0  }
0x81: {  	[sflag:s21] =	ssyncadd.s32 $0xFFFFC000  }
0x82: {  	[spmem:s2] =	stream.indirect.scatter.add.f32 [tilespmem:s16], [sflag:$0x3], $0x80, s18, s19, $0xb8;
	[tilespmem:$0x1E800] =	vst v63  }
0x83: {  	_ =	swait.ge [sflag:s22], $0x4000  }
0x84: {  	[sflag:s22] =	ssyncset.done $0x0  }
0x85: {  	[sflag:s22] =	ssyncadd.s32 $0xFFFFC000  }
0x86: {  	[spmem:s2] =	stream.indirect.scatter.add.f32 [tilespmem:s20], [sflag:$0x4], $0x80, s23, s19, $0xb8;
	[tilespmem:$0x1E800] =	vst v63  }
0x87: {  	_ =	swait.ge [sflag:s24], $0x4000  }
0x88: {  	[sflag:s24] =	ssyncset.done $0x0  }
0x89: {  	s28 =	simm.s32 $0x100;
	[sflag:s24] =	ssyncadd.s32 $0xFFFFC000  }
0x8a: {  	[tilespmem:s16], [sflag:$0x1] =	stream.indirect.gather [hbm4b:s1+s19], $0x80, s28, s19, $0xb8;
	[tilespmem:$0x1E800] =	vst v63  }
0x8b: {  	_ =	swait.ge [sflag:s25], $0x4000  }
0x8c: {  	[sflag:s25] =	ssyncset.done $0x0  }
0x8d: {  	s28 =	simm.s32 $0x180;
	[sflag:s25] =	ssyncadd.s32 $0xFFFFC000  }
0x8e: {  	[tilespmem:s20], [sflag:$0x2] =	stream.indirect.gather [hbm4b:s1+s19], $0x80, s28, s19, $0xb8;
	[tilespmem:$0x1E800] =	vst v63  }
0x8f: {  	_ =	swait.ge [sflag:s21], $0x4000  }
0x90: {  	[sflag:s21] =	ssyncset.done $0x0  }
0x91: {  	s28 =	simm.s32 $0x1500;
	[sflag:s21] =	ssyncadd.s32 $0xFFFFC000  }
0x92: {  	[spmem:s2] =	stream.indirect.scatter.add.f32 [tilespmem:s16], [sflag:$0x3], $0x80, s28, s19, $0xb8;
	[tilespmem:$0x1E800] =	vst v63  }
0x93: {  	_ =	swait.ge [sflag:s22], $0x4000  }
0x94: {  	[sflag:s22] =	ssyncset.done $0x0  }
0x95: {  	s29 =	simm.s32 $0x1580;
	s28 =	simm.s32 $0xFFFFB800;
	[sflag:s22] =	ssyncadd.s32 $0xFFFFC000  }
.LBB2_6:
0x96: {  	[spmem:s2] =	stream.indirect.scatter.add.f32 [tilespmem:s20], [sflag:$0x4], $0x80, s29, s19, $0xb8;
	[tilespmem:$0x1E800] =	vst v63  }
0x97: {  	s29 =	smov.u32 s28  }
0x98: {  	p0 =	sne.s32 s28, $0xFFFFFC00;
	s28 =	sadd.s32 $0x400, s28;
	_ =	swait.ge [sflag:s24], $0x4000  }
0x99: {  	s29 =	sshra.s32 s29, $0x2;
	[sflag:s24] =	ssyncset.done $0x0  }
0x9a: {  	s30 =	sadd.s32 $0x1400, s29;
	[sflag:s24] =	ssyncadd.s32 $0xFFFFC000  }
0x9b: {  	[tilespmem:s16], [sflag:$0x1] =	stream.indirect.gather [hbm4b:s1+s19], $0x80, s30, s19, $0xb8;
	[tilespmem:$0x1E800] =	vst v63  }
0x9c: {  	_ =	swait.ge [sflag:s25], $0x4000  }
0x9d: {  	[sflag:s25] =	ssyncset.done $0x0  }
0x9e: {  	s30 =	sadd.s32 $0x1480, s29;
	[sflag:s25] =	ssyncadd.s32 $0xFFFFC000  }
0x9f: {  	[tilespmem:s20], [sflag:$0x2] =	stream.indirect.gather [hbm4b:s1+s19], $0x80, s30, s19, $0xb8;
	[tilespmem:$0x1E800] =	vst v63  }
0xa0: {  	_ =	swait.ge [sflag:s21], $0x4000  }
0xa1: {  	[sflag:s21] =	ssyncset.done $0x0  }
.Ltmp2:
0xa2: {  	s30 =	sadd.s32 $0x2800, s29;
	[sflag:s21] =	ssyncadd.s32 $0xFFFFC000;
	(pc) =	sbr.rel @p0 .LBB2_6-.Ltmp2, $4  }
0xa3: {  	[spmem:s2] =	stream.indirect.scatter.add.f32 [tilespmem:s16], [sflag:$0x3], $0x80, s30, s19, $0xb8;
	[tilespmem:$0x1E800] =	vst v63  }
0xa4: {  	_ =	swait.ge [sflag:s22], $0x4000  }
0xa5: {  	[sflag:s22] =	ssyncset.done $0x0  }
0xa6: {  	s29 =	sadd.s32 $0x2880, s29;
	[sflag:s22] =	ssyncadd.s32 $0xFFFFC000  }
0xa7: {  	[spmem:s2] =	stream.indirect.scatter.add.f32 [tilespmem:s20], [sflag:$0x4], $0x80, s29, s19, $0xb8;
	[tilespmem:$0x1E800] =	vst v63  }
0xa8: {  	_ =	swait.ge [sflag:s24], $0x4000  }
0xa9: {  	[sflag:s24] =	ssyncset.done $0x0  }
0xaa: {  	[sflag:s24] =	ssyncadd.s32 $0xFFFFC000  }
0xab: {  	_ =	swait.ge [sflag:s25], $0x4000  }
0xac: {  	s28 =	sshll.u32 s4, $0x6;
	s26 =	sadd.s32 $0x1, s26;
	[sflag:s25] =	ssyncset.done $0x0  }
0xad: {  	s31 =	sshrl.u32 s5, $0x3;
	p0 =	sne.s32 s26, s10;
	[sflag:s25] =	ssyncadd.s32 $0xFFFFC000  }
.Ltmp3:
0xae: {  	s28 =	sor.u32 $0x1C05, s28;
	[bflag:$0x0] =	sbarrier.arrive $0xFFFF;
	(pc) =	sbr.rel @p0 .LBB2_1-.Ltmp3, $4  }
0xaf: {  	[hbm:s15], [sflag:s28] =	dma.local [spmem:s31], $0x2800  }
0xb0: {  	_ =	swait.ge [sflag:s17], $0x2800  }
0xb1: {  	[sflag:s17] =	ssyncset.done $0x0  }
0xb2: {  	[sflag:s17] =	ssyncadd.s32 $0xFFFFD800  }
0xb3: {  	_ =	sfence.sel $0x180000  }
0xb4: {  	[bflag:$0x0] =	sbarrier.arrive $0xFFFF  }
0xb5: {  	p0 =	sne.s32 s4, $0x0;
	_ =	strace $0x9000004D  }
0xb6: {  	s0 =	sadd.s32 @!p0 $0x100000, s0;
	[bflag:$0x2] =	sbarrier.arrive $0xFFFF  }
0xb7: {  	[sflag:s0] =	ssyncadd.tile.s32 @!p0 $0x1;
	_ =	shalt  }
.Lfunc_end2:
_tile_overlayer_lowered:
.L_overlay_start_2:
0xb8: {  	(tag) =	ssettag $0x2  }
0xb9: {  	s0 =	rddreg [dreg:$0x0];
	s2 =	stileid.u32  }
0xba: {  	s1 =	rddreg [dreg:$0x1];
	p0 =	sne.s32 s2, $0x0  }
0xbb: {  	s3 =	rddreg [dreg:$0x2];
	[bflag:$0x3] =	sbarrier.arrive $0xFFFF;
	s2 =	simm.s32 @!p0 $0x1C05  }
0xbc: {  	[timem:s3], [sflag:s2] =	dma.local @!p0 [hbm:s0], s1  }
0xbd: {  	s0 =	simm.s32 @!p0 $0x5  }
0xbe: {  	_ =	swait.ge @!p0 [sflag:s0], s1  }
0xbf: {  	s1 =	ssub.s32 @!p0 $0x0, s1;
	[sflag:s0] =	ssyncset.done @!p0 $0x0  }
0xc0: {  	[sflag:s0] =	ssyncadd.s32 @!p0 s1  }
0xc1: {  	[bflag:$0x3] =	sbarrier.arrive $0xFFFF  }
0xc2: {  	_ =	shalt  }

// kernel: kernel.19.cloned.1.call-start
scs
__scs_entry_jumppad:
0x0: {  	(pc) =	sbr.rel $0x88, $3  }
0x1: {  	(tag) =	ssettag $0x0;
	lr =	simm.s32 $0x1  }
0x2: {  	[smem:$0x3F97] =	sst lr;
	_ =	strace $0xD0000000  }
0x3: {  	_ = 	snop  }
0x4: {  	_ = 	snop  }
0x5: {  	_ = 	snop  }
0x6: {  	_ = 	snop  }
0x7: {  	_ = 	snop  }
__scs_overlays_trampoline_lowered:
0x8: {  	[smem:$0x3FA6] =	sst s0  }
0x9: {  	[smem:$0x3FA7] =	sst s1  }
0xa: {  	[smem:$0x3FA8] =	sst s2  }
0xb: {  	[smem:$0x3FA9] =	sst s3  }
0xc: {  	[smem:$0x3FAA] =	sst s4  }
0xd: {  	[smem:$0x3FAB] =	sst s5  }
0xe: {  	[smem:$0x3FAC] =	sst s6  }
0xf: {  	[smem:$0x3FAD] =	sst s7  }
0x10: {  	[smem:$0x3FAE] =	sst s8  }
0x11: {  	[smem:$0x3FAF] =	sst s9;
	s0 =	simm.s32 @!p0 $0x0  }
0x12: {  	s1 =	sld [smem:$0x3F95];
	s0 =	simm.s32 @p0 $0x1  }
0x13: {  	[smem:$0x3FB0] =	sst s0;
	s0 =	simm.s32 @!p1 $0x0  }
0x14: {  	s2 =	sld [smem:$0x3F94];
	s0 =	simm.s32 @p1 $0x1  }
0x15: {  	[smem:$0x3FB1] =	sst s0;
	s0 =	simm.s32 @!p2 $0x0  }
0x16: {  	s3 =	sld [smem:$0x3FDB];
	s0 =	simm.s32 @p2 $0x1  }
0x17: {  	s4 =	simm.s32 $0x1BF5;
	[smem:$0x3FB3] =	sst s0  }
0x18: {  	s0 =	sld [smem:$0x3F96];
	_ =	swait.ge [sflag:s4], $0x0  }
0x19: {  	s7 =	sld [smem:$0x3F97]  }
0x1a: {  	s8 =	sadd.s32 $0xFFFFE003, lr  }
0x1b: {  	s9 =	sadd.s32 $0xFFFFFEF7, lr;
	s5 =	simm.s32 $0xFFFFFFFF;
	p2 =	slt.u32 s8, $0xFFFFF086  }
0x1c: {  	p1 =	slt.u32 s9, $0xF7A;
	s5 =	simm.s32 @!p2 $0x0  }
0x1d: {  	s5 =	simm.s32 @p1 $0x1;
	p0 =	seq.s32 s7, s2  }
0x1e: {  	s7 =	smul.u32 @!p0 $0xF7A, s2;
	p2 =	seq.s32 @!p0 s5, $0x0  }
0x1f: {  	s9 =	smul.u32 $0xF7A, s1;
	s8 =	simm.s32 @!p0 $0x1BF5;
	p2 =	por !p2, p0  }
0x20: {  	[sflag:s8] =	ssyncset.s32 @!p0 $0xFFFFF086;
	s6 =	sadd.s32 @!p0 s3, s7;
	s7 =	simm.s32 @!p0 $0x108  }
0x21: {  	s3 =	sadd.s32 s3, s9;
	s6 =	sadd.s32 @!p0 $0x88, s6;
	s7 =	simm.s32 @p2 $0x1082  }
0x22: {  	[simem:s7], [sflag:s8] =	dma.local @!p0 [hbm:s6], $0xF7A  }
0x23: {  	s9 =	sor.u32 $0xD0000000, s2;
	s6 =	simm.s32 $0x108;
	_ =	swait.ge @!p0 [sflag:s8], $0x0  }
0x24: {  	s3 =	sadd.s32 $0x88, s3;
	s6 =	simm.s32 @!p1 $0x1082;
	[sflag:s4] =	ssyncset.s32 $0xFFFFF086  }
0x25: {  	[simem:s6], [sflag:s4] =	dma.local [hbm:s3], $0xF7A  }
0x26: {  	[smem:$0x3F97] =	sst s1;
	(tag) =	ssettag s2;
	_ =	strace s9  }
0x27: {  	s1 =	sld [smem:$0x3FA7]  }
0x28: {  	s2 =	sld [smem:$0x3FA8]  }
0x29: {  	s4 =	sld [smem:$0x3FAA]  }
0x2a: {  	p0 =	seq.s32 s5, $0x0;
	s5 =	sld [smem:$0x3FAB]  }
0x2b: {  	s6 =	sld [smem:$0x3FAC]  }
0x2c: {  	s7 =	sld [smem:$0x3FAD]  }
0x2d: {  	s3 =	simm.s32 $0x108;
	s8 =	sld [smem:$0x3FAE]  }
0x2e: {  	s3 =	simm.s32 @!p0 $0x1082;
	s9 =	sld [smem:$0x3FAF]  }
0x2f: {  	lr =	sadd.s32 s0, s3;
	s0 =	sld [smem:$0x3FA6]  }
0x30: {  	s3 =	sld [smem:$0x3FA9]  }
0x31: {  	[smem:$0x3FB2] =	sst s10  }
0x32: {  	s10 =	sld [smem:$0x3FB0];
	_ =	sdelay $0x3  }
0x33: {  	p0 =	seq.s32 s10, $0x1;
	s10 =	sld [smem:$0x3FB2];
	_ =	sdelay $0x3  }
0x34: {  	[smem:$0x3FB2] =	sst s10  }
0x35: {  	s10 =	sld [smem:$0x3FB1];
	_ =	sdelay $0x3  }
0x36: {  	p1 =	seq.s32 s10, $0x1;
	s10 =	sld [smem:$0x3FB2];
	_ =	sdelay $0x3  }
0x37: {  	[smem:$0x3FB2] =	sst s10  }
0x38: {  	s10 =	sld [smem:$0x3FB3]  }
0x39: {  	_ = 	snop;
	(pc) =	sbr.ind lr, $3  }
0x3a: {  	_ = 	snop  }
0x3b: {  	_ = 	snop  }
0x3c: {  	p2 =	seq.s32 s10, $0x1;
	s10 =	sld [smem:$0x3FB2]  }
0x3d: {  	_ =	shalt  }
0x3e: {  	_ =	shalt  }
0x3f: {  	_ =	shalt  }
0x40: {  	_ =	shalt  }
0x41: {  	_ =	shalt  }
0x42: {  	_ =	shalt  }
0x43: {  	_ =	shalt  }
0x44: {  	_ =	shalt  }
0x45: {  	_ =	shalt  }
0x46: {  	_ =	shalt  }
0x47: {  	_ =	shalt  }
0x48: {  	_ =	shalt  }
0x49: {  	_ =	shalt  }
0x4a: {  	_ =	shalt  }
0x4b: {  	_ =	shalt  }
0x4c: {  	_ =	shalt  }
0x4d: {  	_ =	shalt  }
0x4e: {  	_ =	shalt  }
0x4f: {  	_ =	shalt  }
0x50: {  	_ =	shalt  }
0x51: {  	_ =	shalt  }
0x52: {  	_ =	shalt  }
0x53: {  	_ =	shalt  }
0x54: {  	_ =	shalt  }
0x55: {  	_ =	shalt  }
0x56: {  	_ =	shalt  }
0x57: {  	_ =	shalt  }
0x58: {  	_ =	shalt  }
0x59: {  	_ =	shalt  }
0x5a: {  	_ =	shalt  }
0x5b: {  	_ =	shalt  }
0x5c: {  	_ =	shalt  }
0x5d: {  	_ =	shalt  }
0x5e: {  	_ =	shalt  }
0x5f: {  	_ =	shalt  }
0x60: {  	_ =	shalt  }
0x61: {  	_ =	shalt  }
0x62: {  	_ =	shalt  }
0x63: {  	_ =	shalt  }
0x64: {  	_ =	shalt  }
0x65: {  	_ =	shalt  }
0x66: {  	_ =	shalt  }
0x67: {  	_ =	shalt  }
0x68: {  	_ =	shalt  }
0x69: {  	_ =	shalt  }
0x6a: {  	_ =	shalt  }
0x6b: {  	_ =	shalt  }
0x6c: {  	_ =	shalt  }
0x6d: {  	_ =	shalt  }
0x6e: {  	_ =	shalt  }
0x6f: {  	_ =	shalt  }
0x70: {  	_ =	shalt  }
0x71: {  	_ =	shalt  }
0x72: {  	_ =	shalt  }
0x73: {  	_ =	shalt  }
0x74: {  	_ =	shalt  }
0x75: {  	_ =	shalt  }
0x76: {  	_ =	shalt  }
0x77: {  	_ =	shalt  }
0x78: {  	_ =	shalt  }
0x79: {  	_ =	shalt  }
0x7a: {  	_ =	shalt  }
0x7b: {  	_ =	shalt  }
0x7c: {  	_ =	shalt  }
0x7d: {  	_ =	shalt  }
0x7e: {  	_ =	shalt  }
0x7f: {  	_ =	shalt  }
0x80: {  	_ =	shalt  }
0x81: {  	_ =	shalt  }
0x82: {  	_ =	shalt  }
0x83: {  	_ =	shalt  }
0x84: {  	_ =	shalt  }
0x85: {  	_ =	shalt  }
0x86: {  	_ =	shalt  }
0x87: {  	_ =	shalt  }
.Lfunc_end0:
.L_simem_size_0:
called_computation.3_lowered:
.L_overlay_start_0:
0x88: {  	s2 =	sld [smem:$0x3FD9]  }
0x89: {  	s3 =	sld [smem:$0x3FFE];
	_ =	sdelay $0x1  }
0x8a: {  	s1 =	srdreg.scid  }
0x8b: {  	s0 =	sand.u32 $0x1, s1  }
0x8c: {  	s14 =	sshll.u32 s0, $0xA;
	s2 =	sadd.s32 s3, s2  }
0x8d: {  	s2 =	sadd.s32 s2, s14  }
0x8e: {  	[smem:$0x3FBE] =	sst s2  }
0x8f: {  	_ = 	snop  }
0x90: {  	s2 =	sld [smem:$0x3FD0];
	_ =	sdelay $0x2  }
0x91: {  	s15 =	simm.s32 $0xA;
	s4 =	simm.s32 $0x10  }
0x92: {  	[smem:s4], [sflag:s15] =	dma.local [hbm:s2], $0x1  }
0x93: {  	_ =	swait.eq [sflag:s15], $0x1  }
0x94: {  	[sflag:s15] =	ssyncset.done $0x0  }
0x95: {  	[sflag:s15] =	ssyncadd.s32 $0xFFFFFFFF  }
0x96: {  	s16 =	sld [smem:$0x11];
	(tm) =	ssettm $0x1  }
0x97: {  	s17 =	sld [smem:$0x3FFB];
	_ =	sdelay $0x3  }
0x98: {  	_ =	strace s17  }
0x99: {  	s3 =	sld [smem:$0x3FFC];
	_ =	sdelay $0x3  }
0x9a: {  	_ =	strace s3  }
0x9b: {  	s3 =	sld [smem:$0x3FFD];
	_ =	sdelay $0x3  }
0x9c: {  	_ =	strace s3  }
0x9d: {  	_ =	strace $0x8FFFFFFF  }
0x9e: {  	s18 =	sld [smem:$0x3FDB];
	_ =	sdelay $0x1  }
0x9f: {  	s19 =	simm.s32 $_scs_section_size  }
0xa0: {  	s5 =	simm.s32 $_size__tile_overlayer_lowered;
	s6 =	simm.s32 $_tile_overlayer_lowered  }
0xa1: {  	s22 =	simm.s32 $0x1BFF;
	s21 =	sshll.u32 s6, $0x1;
	s3 =	sadd.s32 s19, s18  }
0xa2: {  	s7 =	simm.s32 $0x0;
	s20 =	sshll.u32 s5, $0x1;
	s5 =	sadd.s32 s21, s3  }
0xa3: {  	[timem:s7], [sflag:s22] =	dma.local [hbm:s5], s20  }
0xa4: {  	_ =	swait.ge [sflag:s22], s20  }
0xa5: {  	s4 =	ssub.s32 $0x0, s20;
	[sflag:s22] =	ssyncset.done $0x0  }
0xa6: {  	[sflag:s22] =	ssyncadd.s32 s4;
	_ =	sdelay $0x1  }
0xa7: {  	s23 =	simm.s32 $0x1B8B  }
0xa8: {  	_ =	swait.ge [sflag:s23], $0x1  }
0xa9: {  	[sflag:s23] =	ssyncset.done $0x0  }
0xaa: {  	s25 =	simm.s32 $0x1B8E;
	s24 =	sld [smem:$0x3FFE];
	[sflag:s23] =	ssyncadd.s32 $0xFFFFFFFF  }
0xab: {  	s26 =	simm.s32 $execute0_lowered;
	[smem:$0x3FD2] =	sst s25  }
0xac: {  	s5 =	sshll.u32 s26, $0x1;
	_ =	strace $0x8000004F;
	[dreg:$0x1] =	wrdreg $0xFFFFFFFF  }
0xad: {  	s28 =	simm.s32 $_size_execute0_lowered;
	s3 =	sadd.s32 s3, s5;
	[dreg:$0x0] =	wrdreg $0x0  }
0xae: {  	s5 =	sshll.u32 s28, $0x1;
	[dreg:$0x2] =	wrdreg s3  }
0xaf: {  	[dreg:$0x3] =	wrdreg s5  }
0xb0: {  	[dreg:$0x4] =	wrdreg $0xC0  }
0xb1: {  	_ =	task [dreg:s7], $0x5FFFF  }
0xb2: {  	[dreg:$0x1] =	wrdreg $0xFFFFFFFF  }
0xb3: {  	[dreg:$0x0] =	wrdreg $0x60  }
0xb4: {  	[dreg:$0x2] =	wrdreg s16  }
0xb5: {  	[dreg:$0x3] =	wrdreg s24  }
0xb6: {  	[dreg:$0x4] =	wrdreg $0xA8000  }
0xb7: {  	[dreg:$0x5] =	wrdreg $0x9  }
0xb8: {  	_ =	task.clear_ibuf [dreg:s7], $0x6FFFF;
	_ =	strace $0x9000004F  }
0xb9: {  	s29 =	simm.s32 $0x9;
	_ =	strace $0x80000051  }
0xba: {  	_ =	swait.ge [sflag:s29], $0x1  }
0xbb: {  	[sflag:s29] =	ssyncadd.s32 $0xFFFFFFFF  }
0xbc: {  	_ =	strace $0x90000051  }
0xbd: {  	_ =	sfence  }
0xbe: {  	s30 =	sld [smem:$0x0];
	_ =	sdelay $0x2  }
0xbf: {  	s31 =	sshll.u32 s1, $0xD;
	s1 =	sshrl.u32 s1, $0x2  }
0xc0: {  	s3 =	sand.u32 $0x4000, s31;
	s1 =	sadd.s32 s1, s30  }
0xc1: {  	s0 =	sor.u32 s3, s0;
	s1 =	sshll.u32 s1, $0x11  }
0xc2: {  	s0 =	sor.u32 s1, s0  }
0xc3: {  	s0 =	sadd.s32 $0x8F2B, s0  }
0xc4: {  	[sflag:s0] =	ssyncadd.remote.s32 $0x1  }
0xc5: {  	_ =	sfence.sel $0xFFFF  }
0xc6: {  	[dreg:$0x0] =	wrdreg $0xFFFFFFFF;
	(pc) =	sbr.abs _section_cstart, $3  }
0xc7: {  	[dreg:$0x1] =	wrdreg $0xFFFFFFFF  }
0xc8: {  	_ =	task.clear_ibuf [dreg:s7], $0x2FFFF;
	_ =	strace $0x9FFFFFFF  }
0xc9: {  	(tm) =	ssettm $0x7FFFFFFF  }
tec
execute0_lowered:
.L_overlay_start_1:
0x0: {  	(tag) =	ssettag $0x1  }
0x1: {  	s1 =	rddreg [dreg:$0x0]  }
0x2: {  	s15 =	rddreg [dreg:$0x1]  }
0x3: {  	s2 =	rddreg [dreg:$0x2]  }
0x4: {  	s0 =	rddreg [dreg:$0x3];
	s3 =	simm.s32 $0x0  }
0x5: {  	s4 =	srdreg.scid;
	s17 =	simm.s32 $0x41000;
	s18 =	simm.s32 $0x1400  }
0x6: {  	s19 =	simm.s32 $0x80;
	s20 =	simm.s32 $0x6800;
	s21 =	simm.s32 $0x1  }
0x7: {  	s22 =	simm.s32 $0x2;
	s23 =	simm.s32 $0x1480;
	s24 =	simm.s32 $0x3  }
0x8: {  	s25 =	simm.s32 $0x4;
	s26 =	simm.s32 $0x0;
	[smem:$0x7FF] =	sst s3  }
0x9: {  	s10 =	sand.u32 $0x1, s4;
	s4 =	stileid.u32;
	s8 =	sadd.s32 $0xF000, s15  }
0xa: {  	s9 =	sadd.s32 $0x5000, s15;
	_ =	strace $0x80000050;
	s5 =	sshll.u32 s10, $0x4  }
0xb: {  	s6 =	smul.u32 $0x50000, s4;
	s7 =	ssub.s32 $0x2, s10;
	p0 =	seq.s32 s10, $0x1  }
0xc: {  	s16 =	smul.u32 $0x2800, s4;
	s5 =	sor.u32 s4, s5;
	s12 =	sshrl.u32 s7, $0x1  }
0xd: {  	s17 =	simm.s32 @!p0 $0x19000;
	s11 =	smul.u32 $0x2800, s5;
	s6 =	sshrl.u32 s6, $0x2  }
0xe: {  	s13 =	smul.u32 $0x500, s5;
	s12 =	ssub.s32 s7, s12;
	s15 =	sadd.s32 s17, s15  }
0xf: {  	s17 =	simm.s32 $0x5;
	s5 =	sadd.s32 s6, s2;
	s10 =	smax.u32 s12, $0x1  }
0x10: {  	s15 =	sadd.s32 s15, s16;
	s16 =	simm.s32 $0x2800;
	s11 =	sshrl.u32 s11, $0x3  }
0x11: {  	s6 =	sadd.s32 s8, s13;
	s7 =	sadd.s32 s9, s13;
	s12 =	sadd.s32 $0x8000, s5  }
0x12: {  	s13 =	sadd.s32 $0xC000, s5;
	s14 =	sadd.s32 $0x10000, s5;
	s11 =	sadd.s32 $0x280, s11  }
0x13: {  	v0 =	vimm.f32 $0.0e+00;
	s8 =	sadd.s32 s8, s11;
	s9 =	sadd.s32 s9, s11;
	s11 =	sadd.s32 $0x4000, s5  }
.LBB2_1:
0x14: {  	s28 =	simm.s32 $0x0;
	s29 =	simm.s32 $0x200  }
.LBB2_2:
0x15: {  	p0 =	sne.s32 s29, $0xFE00;
	[tilespmem:s28+$0x2870] =	vst v0  }
0x16: {  	[tilespmem:s28+$0x2800] =	vst v0  }
0x17: {  	[tilespmem:s28+$0x2810] =	vst v0  }
.Ltmp0:
0x18: {  	[tilespmem:s28+$0x2820] =	vst v0;
	(pc) =	sbr.rel @p0 .LBB2_2-.Ltmp0, $4  }
0x19: {  	[tilespmem:s28+$0x2830] =	vst v0  }
0x1a: {  	[tilespmem:s28+$0x2840] =	vst v0  }
0x1b: {  	[tilespmem:s28+$0x2850] =	vst v0  }
0x1c: {  	[tilespmem:s28+$0x2860] =	vst v0;
	s28 =	sshra.s32 s29, $0x2;
	s29 =	sadd.s32 $0x200, s29  }
0x1d: {  	[tilespmem:s28+$0x2870] =	vst v0  }
0x1e: {  	[tilespmem:s28+$0x2800] =	vst v0  }
0x1f: {  	[tilespmem:s28+$0x2810] =	vst v0  }
0x20: {  	[tilespmem:s28+$0x2820] =	vst v0  }
0x21: {  	[tilespmem:s28+$0x2830] =	vst v0  }
0x22: {  	[tilespmem:s28+$0x2840] =	vst v0  }
0x23: {  	[tilespmem:s28+$0x2850] =	vst v0  }
0x24: {  	[tilespmem:s28+$0x2860] =	vst v0  }
0x25: {  	[spmem:s5] =	stream.linear.scatter [tilespmem:s16], [sflag:$0x5], $0x4000, $0x38;
	[tilespmem:$0x1E800] =	vst v63  }
0x26: {  	_ =	swait.ge [sflag:s17], $0x4000  }
0x27: {  	[sflag:s17] =	ssyncset.done $0x0  }
0x28: {  	[sflag:s17] =	ssyncadd.s32 $0xFFFFC000  }
0x29: {  	[spmem:s11] =	stream.linear.scatter [tilespmem:s16], [sflag:$0x5], $0x4000, $0x38;
	[tilespmem:$0x1E800] =	vst v63  }
0x2a: {  	_ =	swait.ge [sflag:s17], $0x4000  }
0x2b: {  	[sflag:s17] =	ssyncset.done $0x0  }
0x2c: {  	[sflag:s17] =	ssyncadd.s32 $0xFFFFC000  }
0x2d: {  	[spmem:s12] =	stream.linear.scatter [tilespmem:s16], [sflag:$0x5], $0x4000, $0x38;
	[tilespmem:$0x1E800] =	vst v63  }
0x2e: {  	_ =	swait.ge [sflag:s17], $0x4000  }
0x2f: {  	[sflag:s17] =	ssyncset.done $0x0  }
0x30: {  	[sflag:s17] =	ssyncadd.s32 $0xFFFFC000  }
0x31: {  	[spmem:s13] =	stream.linear.scatter [tilespmem:s16], [sflag:$0x5], $0x4000, $0x38;
	[tilespmem:$0x1E800] =	vst v63  }
0x32: {  	_ =	swait.ge [sflag:s17], $0x4000  }
0x33: {  	[sflag:s17] =	ssyncset.done $0x0  }
0x34: {  	[sflag:s17] =	ssyncadd.s32 $0xFFFFC000  }
0x35: {  	[spmem:s14] =	stream.linear.scatter [tilespmem:s16], [sflag:$0x5], $0x4000, $0x38;
	[tilespmem:$0x1E800] =	vst v63  }
0x36: {  	_ =	swait.ge [sflag:s17], $0x4000  }
0x37: {  	[sflag:s17] =	ssyncset.done $0x0  }
0x38: {  	[sflag:s17] =	ssyncadd.s32 $0xFFFFC000  }
0x39: {  	[bflag:$0x0] =	sbarrier.arrive $0xFFFF  }
0x3a: {  	[tilespmem:s3], [sflag:$0x5] =	stream.linear.gather [hbm4b:s6+s3], $0x1400, $0x38;
	[tilespmem:$0x1E800] =	vst v63  }
0x3b: {  	_ =	swait.ge [sflag:s17], $0x1400  }
0x3c: {  	[sflag:s17] =	ssyncset.done $0x0  }
0x3d: {  	[sflag:s17] =	ssyncadd.s32 $0xFFFFEC00  }
0x3e: {  	[tilespmem:s18], [sflag:$0x5] =	stream.linear.gather [hbm4b:s7+s3], $0x1400, $0x38;
	[tilespmem:$0x1E800] =	vst v63  }
0x3f: {  	_ =	swait.ge [sflag:s17], $0x1400  }
0x40: {  	[sflag:s17] =	ssyncset.done $0x0  }
0x41: {  	[sflag:s17] =	ssyncadd.s32 $0xFFFFEC00  }
0x42: {  	[tilespmem:s16], [sflag:$0x1] =	stream.indirect.gather [hbm4b:s1+s19], $0x80, s3, s19, $0xb8;
	[tilespmem:$0x1E800] =	vst v63  }
0x43: {  	_ = 	snop  }
0x44: {  	[tilespmem:s20], [sflag:$0x2] =	stream.indirect.gather [hbm4b:s1+s19], $0x80, s19, s19, $0xb8;
	[tilespmem:$0x1E800] =	vst v63  }
0x45: {  	_ =	swait.ge [sflag:s21], $0x4000  }
0x46: {  	[sflag:s21] =	ssyncset.done $0x0  }
0x47: {  	[sflag:s21] =	ssyncadd.s32 $0xFFFFC000  }
0x48: {  	[spmem:s2] =	stream.indirect.scatter.add.f32 [tilespmem:s16], [sflag:$0x3], $0x80, s18, s19, $0xb8;
	[tilespmem:$0x1E800] =	vst v63  }
0x49: {  	_ =	swait.ge [sflag:s22], $0x4000  }
0x4a: {  	[sflag:s22] =	ssyncset.done $0x0  }
0x4b: {  	[sflag:s22] =	ssyncadd.s32 $0xFFFFC000  }
0x4c: {  	[spmem:s2] =	stream.indirect.scatter.add.f32 [tilespmem:s20], [sflag:$0x4], $0x80, s23, s19, $0xb8;
	[tilespmem:$0x1E800] =	vst v63  }
0x4d: {  	_ =	swait.ge [sflag:s24], $0x4000  }
0x4e: {  	[sflag:s24] =	ssyncset.done $0x0  }
0x4f: {  	s28 =	simm.s32 $0x100;
	[sflag:s24] =	ssyncadd.s32 $0xFFFFC000  }
0x50: {  	[tilespmem:s16], [sflag:$0x1] =	stream.indirect.gather [hbm4b:s1+s19], $0x80, s28, s19, $0xb8;
	[tilespmem:$0x1E800] =	vst v63  }
0x51: {  	_ =	swait.ge [sflag:s25], $0x4000  }
0x52: {  	[sflag:s25] =	ssyncset.done $0x0  }
0x53: {  	s28 =	simm.s32 $0x180;
	[sflag:s25] =	ssyncadd.s32 $0xFFFFC000  }
0x54: {  	[tilespmem:s20], [sflag:$0x2] =	stream.indirect.gather [hbm4b:s1+s19], $0x80, s28, s19, $0xb8;
	[tilespmem:$0x1E800] =	vst v63  }
0x55: {  	_ =	swait.ge [sflag:s21], $0x4000  }
0x56: {  	[sflag:s21] =	ssyncset.done $0x0  }
0x57: {  	s28 =	simm.s32 $0x1500;
	[sflag:s21] =	ssyncadd.s32 $0xFFFFC000  }
0x58: {  	[spmem:s2] =	stream.indirect.scatter.add.f32 [tilespmem:s16], [sflag:$0x3], $0x80, s28, s19, $0xb8;
	[tilespmem:$0x1E800] =	vst v63  }
0x59: {  	_ =	swait.ge [sflag:s22], $0x4000  }
0x5a: {  	[sflag:s22] =	ssyncset.done $0x0  }
0x5b: {  	s29 =	simm.s32 $0x1580;
	s28 =	simm.s32 $0xFFFFB800;
	[sflag:s22] =	ssyncadd.s32 $0xFFFFC000  }
.LBB2_4:
0x5c: {  	[spmem:s2] =	stream.indirect.scatter.add.f32 [tilespmem:s20], [sflag:$0x4], $0x80, s29, s19, $0xb8;
	[tilespmem:$0x1E800] =	vst v63  }
0x5d: {  	s29 =	smov.u32 s28  }
0x5e: {  	p0 =	sne.s32 s28, $0xFFFFFC00;
	s28 =	sadd.s32 $0x400, s28;
	_ =	swait.ge [sflag:s24], $0x4000  }
0x5f: {  	s29 =	sshra.s32 s29, $0x2;
	[sflag:s24] =	ssyncset.done $0x0  }
0x60: {  	s30 =	sadd.s32 $0x1400, s29;
	[sflag:s24] =	ssyncadd.s32 $0xFFFFC000  }
0x61: {  	[tilespmem:s16], [sflag:$0x1] =	stream.indirect.gather [hbm4b:s1+s19], $0x80, s30, s19, $0xb8;
	[tilespmem:$0x1E800] =	vst v63  }
0x62: {  	_ =	swait.ge [sflag:s25], $0x4000  }
0x63: {  	[sflag:s25] =	ssyncset.done $0x0  }
0x64: {  	s30 =	sadd.s32 $0x1480, s29;
	[sflag:s25] =	ssyncadd.s32 $0xFFFFC000  }
0x65: {  	[tilespmem:s20], [sflag:$0x2] =	stream.indirect.gather [hbm4b:s1+s19], $0x80, s30, s19, $0xb8;
	[tilespmem:$0x1E800] =	vst v63  }
0x66: {  	_ =	swait.ge [sflag:s21], $0x4000  }
0x67: {  	[sflag:s21] =	ssyncset.done $0x0  }
.Ltmp1:
0x68: {  	s30 =	sadd.s32 $0x2800, s29;
	[sflag:s21] =	ssyncadd.s32 $0xFFFFC000;
	(pc) =	sbr.rel @p0 .LBB2_4-.Ltmp1, $4  }
0x69: {  	[spmem:s2] =	stream.indirect.scatter.add.f32 [tilespmem:s16], [sflag:$0x3], $0x80, s30, s19, $0xb8;
	[tilespmem:$0x1E800] =	vst v63  }
0x6a: {  	_ =	swait.ge [sflag:s22], $0x4000  }
0x6b: {  	[sflag:s22] =	ssyncset.done $0x0  }
0x6c: {  	s29 =	sadd.s32 $0x2880, s29;
	[sflag:s22] =	ssyncadd.s32 $0xFFFFC000  }
0x6d: {  	[spmem:s2] =	stream.indirect.scatter.add.f32 [tilespmem:s20], [sflag:$0x4], $0x80, s29, s19, $0xb8;
	[tilespmem:$0x1E800] =	vst v63  }
0x6e: {  	_ =	swait.ge [sflag:s24], $0x4000  }
0x6f: {  	[sflag:s24] =	ssyncset.done $0x0  }
0x70: {  	[sflag:s24] =	ssyncadd.s32 $0xFFFFC000  }
0x71: {  	_ =	swait.ge [sflag:s25], $0x4000  }
0x72: {  	[sflag:s25] =	ssyncset.done $0x0  }
0x73: {  	[sflag:s25] =	ssyncadd.s32 $0xFFFFC000  }
0x74: {  	[tilespmem:s3], [sflag:$0x5] =	stream.linear.gather [hbm4b:s8+s3], $0x1400, $0x38;
	[tilespmem:$0x1E800] =	vst v63  }
0x75: {  	_ =	swait.ge [sflag:s17], $0x1400  }
0x76: {  	[sflag:s17] =	ssyncset.done $0x0  }
0x77: {  	[sflag:s17] =	ssyncadd.s32 $0xFFFFEC00  }
0x78: {  	[tilespmem:s18], [sflag:$0x5] =	stream.linear.gather [hbm4b:s9+s3], $0x1400, $0x38;
	[tilespmem:$0x1E800] =	vst v63  }
0x79: {  	_ =	swait.ge [sflag:s17], $0x1400  }
0x7a: {  	[sflag:s17] =	ssyncset.done $0x0  }
0x7b: {  	[sflag:s17] =	ssyncadd.s32 $0xFFFFEC00  }
0x7c: {  	[tilespmem:s16], [sflag:$0x1] =	stream.indirect.gather [hbm4b:s1+s19], $0x80, s3, s19, $0xb8;
	[tilespmem:$0x1E800] =	vst v63  }
0x7d: {  	_ = 	snop  }
0x7e: {  	[tilespmem:s20], [sflag:$0x2] =	stream.indirect.gather [hbm4b:s1+s19], $0x80, s19, s19, $0xb8;
	[tilespmem:$0x1E800] =	vst v63  }
0x7f: {  	_ =	swait.ge [sflag:s21], $0x4000  }
0x80: {  	[sflag:s21] =	ssyncset.done $0x0  }
0x81: {  	[sflag:s21] =	ssyncadd.s32 $0xFFFFC000  }
0x82: {  	[spmem:s2] =	stream.indirect.scatter.add.f32 [tilespmem:s16], [sflag:$0x3], $0x80, s18, s19, $0xb8;
	[tilespmem:$0x1E800] =	vst v63  }
0x83: {  	_ =	swait.ge [sflag:s22], $0x4000  }
0x84: {  	[sflag:s22] =	ssyncset.done $0x0  }
0x85: {  	[sflag:s22] =	ssyncadd.s32 $0xFFFFC000  }
0x86: {  	[spmem:s2] =	stream.indirect.scatter.add.f32 [tilespmem:s20], [sflag:$0x4], $0x80, s23, s19, $0xb8;
	[tilespmem:$0x1E800] =	vst v63  }
0x87: {  	_ =	swait.ge [sflag:s24], $0x4000  }
0x88: {  	[sflag:s24] =	ssyncset.done $0x0  }
0x89: {  	s28 =	simm.s32 $0x100;
	[sflag:s24] =	ssyncadd.s32 $0xFFFFC000  }
0x8a: {  	[tilespmem:s16], [sflag:$0x1] =	stream.indirect.gather [hbm4b:s1+s19], $0x80, s28, s19, $0xb8;
	[tilespmem:$0x1E800] =	vst v63  }
0x8b: {  	_ =	swait.ge [sflag:s25], $0x4000  }
0x8c: {  	[sflag:s25] =	ssyncset.done $0x0  }
0x8d: {  	s28 =	simm.s32 $0x180;
	[sflag:s25] =	ssyncadd.s32 $0xFFFFC000  }
0x8e: {  	[tilespmem:s20], [sflag:$0x2] =	stream.indirect.gather [hbm4b:s1+s19], $0x80, s28, s19, $0xb8;
	[tilespmem:$0x1E800] =	vst v63  }
0x8f: {  	_ =	swait.ge [sflag:s21], $0x4000  }
0x90: {  	[sflag:s21] =	ssyncset.done $0x0  }
0x91: {  	s28 =	simm.s32 $0x1500;
	[sflag:s21] =	ssyncadd.s32 $0xFFFFC000  }
0x92: {  	[spmem:s2] =	stream.indirect.scatter.add.f32 [tilespmem:s16], [sflag:$0x3], $0x80, s28, s19, $0xb8;
	[tilespmem:$0x1E800] =	vst v63  }
0x93: {  	_ =	swait.ge [sflag:s22], $0x4000  }
0x94: {  	[sflag:s22] =	ssyncset.done $0x0  }
0x95: {  	s29 =	simm.s32 $0x1580;
	s28 =	simm.s32 $0xFFFFB800;
	[sflag:s22] =	ssyncadd.s32 $0xFFFFC000  }
.LBB2_6:
0x96: {  	[spmem:s2] =	stream.indirect.scatter.add.f32 [tilespmem:s20], [sflag:$0x4], $0x80, s29, s19, $0xb8;
	[tilespmem:$0x1E800] =	vst v63  }
0x97: {  	s29 =	smov.u32 s28  }
0x98: {  	p0 =	sne.s32 s28, $0xFFFFFC00;
	s28 =	sadd.s32 $0x400, s28;
	_ =	swait.ge [sflag:s24], $0x4000  }
0x99: {  	s29 =	sshra.s32 s29, $0x2;
	[sflag:s24] =	ssyncset.done $0x0  }
0x9a: {  	s30 =	sadd.s32 $0x1400, s29;
	[sflag:s24] =	ssyncadd.s32 $0xFFFFC000  }
0x9b: {  	[tilespmem:s16], [sflag:$0x1] =	stream.indirect.gather [hbm4b:s1+s19], $0x80, s30, s19, $0xb8;
	[tilespmem:$0x1E800] =	vst v63  }
0x9c: {  	_ =	swait.ge [sflag:s25], $0x4000  }
0x9d: {  	[sflag:s25] =	ssyncset.done $0x0  }
0x9e: {  	s30 =	sadd.s32 $0x1480, s29;
	[sflag:s25] =	ssyncadd.s32 $0xFFFFC000  }
0x9f: {  	[tilespmem:s20], [sflag:$0x2] =	stream.indirect.gather [hbm4b:s1+s19], $0x80, s30, s19, $0xb8;
	[tilespmem:$0x1E800] =	vst v63  }
0xa0: {  	_ =	swait.ge [sflag:s21], $0x4000  }
0xa1: {  	[sflag:s21] =	ssyncset.done $0x0  }
.Ltmp2:
0xa2: {  	s30 =	sadd.s32 $0x2800, s29;
	[sflag:s21] =	ssyncadd.s32 $0xFFFFC000;
	(pc) =	sbr.rel @p0 .LBB2_6-.Ltmp2, $4  }
0xa3: {  	[spmem:s2] =	stream.indirect.scatter.add.f32 [tilespmem:s16], [sflag:$0x3], $0x80, s30, s19, $0xb8;
	[tilespmem:$0x1E800] =	vst v63  }
0xa4: {  	_ =	swait.ge [sflag:s22], $0x4000  }
0xa5: {  	[sflag:s22] =	ssyncset.done $0x0  }
0xa6: {  	s29 =	sadd.s32 $0x2880, s29;
	[sflag:s22] =	ssyncadd.s32 $0xFFFFC000  }
0xa7: {  	[spmem:s2] =	stream.indirect.scatter.add.f32 [tilespmem:s20], [sflag:$0x4], $0x80, s29, s19, $0xb8;
	[tilespmem:$0x1E800] =	vst v63  }
0xa8: {  	_ =	swait.ge [sflag:s24], $0x4000  }
0xa9: {  	[sflag:s24] =	ssyncset.done $0x0  }
0xaa: {  	[sflag:s24] =	ssyncadd.s32 $0xFFFFC000  }
0xab: {  	_ =	swait.ge [sflag:s25], $0x4000  }
0xac: {  	s28 =	sshll.u32 s4, $0x6;
	s26 =	sadd.s32 $0x1, s26;
	[sflag:s25] =	ssyncset.done $0x0  }
0xad: {  	s31 =	sshrl.u32 s5, $0x3;
	p0 =	sne.s32 s26, s10;
	[sflag:s25] =	ssyncadd.s32 $0xFFFFC000  }
.Ltmp3:
0xae: {  	s28 =	sor.u32 $0x1C05, s28;
	[bflag:$0x0] =	sbarrier.arrive $0xFFFF;
	(pc) =	sbr.rel @p0 .LBB2_1-.Ltmp3, $4  }
0xaf: {  	[hbm:s15], [sflag:s28] =	dma.local [spmem:s31], $0x2800  }
0xb0: {  	_ =	swait.ge [sflag:s17], $0x2800  }
0xb1: {  	[sflag:s17] =	ssyncset.done $0x0  }
0xb2: {  	[sflag:s17] =	ssyncadd.s32 $0xFFFFD800  }
0xb3: {  	_ =	sfence.sel $0x180000  }
0xb4: {  	[bflag:$0x0] =	sbarrier.arrive $0xFFFF  }
0xb5: {  	p0 =	sne.s32 s4, $0x0;
	_ =	strace $0x90000050  }
0xb6: {  	s0 =	sadd.s32 @!p0 $0x100000, s0;
	[bflag:$0x2] =	sbarrier.arrive $0xFFFF  }
0xb7: {  	[sflag:s0] =	ssyncadd.tile.s32 @!p0 $0x1;
	_ =	shalt  }
.Lfunc_end2:
_tile_overlayer_lowered:
.L_overlay_start_2:
0xb8: {  	(tag) =	ssettag $0x2  }
0xb9: {  	s0 =	rddreg [dreg:$0x0];
	s2 =	stileid.u32  }
0xba: {  	s1 =	rddreg [dreg:$0x1];
	p0 =	sne.s32 s2, $0x0  }
0xbb: {  	s3 =	rddreg [dreg:$0x2];
	[bflag:$0x3] =	sbarrier.arrive $0xFFFF;
	s2 =	simm.s32 @!p0 $0x1C05  }
0xbc: {  	[timem:s3], [sflag:s2] =	dma.local @!p0 [hbm:s0], s1  }
0xbd: {  	s0 =	simm.s32 @!p0 $0x5  }
0xbe: {  	_ =	swait.ge @!p0 [sflag:s0], s1  }
0xbf: {  	s1 =	ssub.s32 @!p0 $0x0, s1;
	[sflag:s0] =	ssyncset.done @!p0 $0x0  }
0xc0: {  	[sflag:s0] =	ssyncadd.s32 @!p0 s1  }
0xc1: {  	[bflag:$0x3] =	sbarrier.arrive $0xFFFF  }
0xc2: {  	_ =	shalt  }

</sc_bundles>
